<compile_context>
chip_gen: v7x
topology: tpu7x:2x2x1
jax: 0.10.2.dev20260603
libtpu: 0.0.44.dev20260713+nightly
codegen_flags: <defaults>
</compile_context>

<pallas_src>
import functools

import numpy as np
import jax
import jax.numpy as jnp
from jax import lax
from jax.experimental import pallas as pl
from jax.experimental.pallas import tpu as pltpu
from jax.experimental.pallas import tpu_sc as plsc

BS = 7
NPTS = BS * BS * BS
N_LR = 50000
N_HR = 100000
NUM_BLOCKS = 2048
H1, H2, H3 = 1024, 512, 256
NW = 32

A_TOT = NUM_BLOCKS * NPTS
A_PER = A_TOT // NW
A_SUB = A_PER // 2
B_TOT = 802816
B_PER = B_TOT // NW
B_SUB = B_PER // 2
P_PAD = 50176
P_PER = P_PAD // NW
D_SUB = 56


def _cube_indices(n, bs=BS):
    out = []
    for i in range(n):
        for j in range(n):
            for k in range(n):
                out.append(i * bs * bs + j * bs + k)
    return np.array(out, dtype=np.int64)


_I1 = _cube_indices(4)
_I2 = _cube_indices(3)
_FULL = np.arange(NPTS)
_R1 = _FULL[~np.isin(_FULL, _I1)]
_R2 = _FULL[~np.isin(_FULL, _I2)]
_HF_POS = np.concatenate([
    0 * NPTS + _I1[50:],
    0 * NPTS + _R1,
    1 * NPTS + _I2[10:],
    1 * NPTS + _R2,
    2 * NPTS + _I2[10:],
    2 * NPTS + _R2,
]).astype(np.int32)

_YUV = 255.0 * np.array(
    [[0.299, 0.587, 0.114],
     [-0.14713, -0.28886, 0.436],
     [0.615, -0.51499, -0.10001]], dtype=np.float64)


def _gather_sweep(tab, ibuf, obuf, n):
    @plsc.parallel_loop(0, n, step=16, unroll=8)
    def body(i):
        iv = ibuf[pl.ds(i, 16)]
        obuf[pl.ds(i, 16)] = plsc.load_gather(tab, [iv])


def _sc_gather_grid(lr_i32_flat, nn_idx):
    mesh = plsc.VectorSubcoreMesh(core_axis_name="c", subcore_axis_name="s")

    @functools.partial(
        pl.kernel,
        out_type=jax.ShapeDtypeStruct((3 * A_TOT,), jnp.int32),
        mesh=mesh,
        scratch_types=[
            pltpu.VMEM((N_LR,), jnp.int32),
            pltpu.VMEM((A_PER,), jnp.int32),
            pltpu.VMEM((A_PER,), jnp.int32),
        ],
        compiler_params=pltpu.CompilerParams(needs_layout_passes=False),
    )
    def k(lr_ref, nn_ref, g_out, tab, ibuf, obuf):
        wid = lax.axis_index("s") * 2 + lax.axis_index("c")
        base_a = wid * A_PER
        pltpu.sync_copy(nn_ref.at[pl.ds(base_a, A_PER)], ibuf)
        for c in range(3):
            pltpu.sync_copy(lr_ref.at[pl.ds(c * N_LR, N_LR)], tab)
            _gather_sweep(tab, ibuf, obuf, A_PER)
            pltpu.sync_copy(obuf, g_out.at[pl.ds(c * A_TOT + base_a, A_PER)])

    return k(lr_i32_flat, nn_idx)


def _sc_gather_colors(lr_i32_flat, knn_pad, l2h):
    mesh = plsc.VectorSubcoreMesh(core_axis_name="c", subcore_axis_name="s")

    @functools.partial(
        pl.kernel,
        out_type=[
            jax.ShapeDtypeStruct((B_TOT,), jnp.int32),
            jax.ShapeDtypeStruct((3 * B_TOT,), jnp.int32),
        ],
        mesh=mesh,
        scratch_types=[
            pltpu.VMEM((N_HR,), jnp.int32),
            pltpu.VMEM((B_SUB,), jnp.int32),
            pltpu.VMEM((B_SUB,), jnp.int32),
        ],
        compiler_params=pltpu.CompilerParams(needs_layout_passes=False),
    )
    def k(lr_ref, knn_ref, l2h_ref, idx2_out, cnb_out, tab, ibuf, obuf):
        wid = lax.axis_index("s") * 2 + lax.axis_index("c")
        base_b = wid * B_PER

        pltpu.sync_copy(l2h_ref, tab)
        for s in range(2):
            off = base_b + s * B_SUB
            pltpu.sync_copy(knn_ref.at[pl.ds(off, B_SUB)], ibuf)
            _gather_sweep(tab, ibuf, obuf, B_SUB)
            pltpu.sync_copy(obuf, idx2_out.at[pl.ds(off, B_SUB)])

        for c in range(3):
            pltpu.sync_copy(lr_ref.at[pl.ds(c * N_LR, N_LR)],
                            tab.at[pl.ds(0, N_LR)])
            for s in range(2):
                off = base_b + s * B_SUB
                pltpu.sync_copy(idx2_out.at[pl.ds(off, B_SUB)], ibuf)
                _gather_sweep(tab, ibuf, obuf, B_SUB)
                pltpu.sync_copy(obuf, cnb_out.at[pl.ds(c * B_TOT + off, B_SUB)])

    return k(lr_i32_flat, knn_pad, l2h)


def _tc_blocks(g, XT, w1p, b1r):
    Bt = 128

    def body(g_ref, xt_ref, w_ref, b_ref, o_ref):
        xt = xt_ref[...]
        r = g_ref[0]
        gg = g_ref[1]
        b = g_ref[2]
        acc = b_ref[0:1, :]
        for c in range(3):
            ch = _YUV[c, 0] * r + _YUV[c, 1] * gg + _YUV[c, 2] * b
            d = jnp.abs(jnp.dot(ch, xt, preferred_element_type=jnp.float32))
            d = d / (jnp.sum(d, axis=1, keepdims=True) + 1e-8)
            acc = acc + jnp.dot(d, w_ref[c], preferred_element_type=jnp.float32)
        lo = lax.bitcast_convert_type(
            acc[:, :H1 // 2].astype(jnp.bfloat16), jnp.uint16).astype(jnp.uint32)
        hi = lax.bitcast_convert_type(
            acc[:, H1 // 2:].astype(jnp.bfloat16), jnp.uint16).astype(jnp.uint32)
        o_ref[...] = lax.bitcast_convert_type(lo | (hi << 16), jnp.int32)

    return pl.pallas_call(
        body,
        grid=(NUM_BLOCKS // Bt,),
        in_specs=[
            pl.BlockSpec((3, Bt, NPTS), lambda i: (0, i, 0)),
            pl.BlockSpec((NPTS, NPTS), lambda i: (0, 0)),
            pl.BlockSpec((3, NPTS, H1), lambda i: (0, 0, 0)),
            pl.BlockSpec((8, H1), lambda i: (0, 0)),
        ],
        out_specs=pl.BlockSpec((Bt, H1 // 2), lambda i: (i, 0)),
        out_shape=jax.ShapeDtypeStruct((NUM_BLOCKS, H1 // 2), jnp.int32),
    )(g, XT, w1p, b1r)


def _sc_rowgather(bp3, ptb_part):
    npts = ptb_part.shape[0]
    per = npts // NW
    mesh = plsc.VectorSubcoreMesh(core_axis_name="c", subcore_axis_name="s")

    @functools.partial(
        pl.kernel,
        out_type=jax.ShapeDtypeStruct((npts, H1 // 2), jnp.int32),
        mesh=mesh,
        scratch_types=[
            pltpu.VMEM((per,), jnp.int32),
            pltpu.VMEM((D_SUB, H1 // 2), jnp.int32),
            pltpu.VMEM((D_SUB, H1 // 2), jnp.int32),
            pltpu.VMEM((D_SUB, H1 // 2), jnp.int32),
            pltpu.VMEM((D_SUB, H1 // 2), jnp.int32),
            pltpu.SemaphoreType.DMA,
            pltpu.SemaphoreType.DMA,
            pltpu.SemaphoreType.DMA,
            pltpu.SemaphoreType.DMA,
            pltpu.SemaphoreType.DMA,
            pltpu.SemaphoreType.DMA,
            pltpu.SemaphoreType.DMA,
            pltpu.SemaphoreType.DMA,
        ],
        compiler_params=pltpu.CompilerParams(needs_layout_passes=False),
    )
    def k(bp_ref, ptb_ref, out_ref, idx_v,
          r0, r1, r2, r3, g0, g1, g2, g3, s0, s1, s2, s3):
        wid = lax.axis_index("s") * 2 + lax.axis_index("c")
        base = wid * per
        pltpu.sync_copy(ptb_ref.at[pl.ds(base, per)], idx_v)
        NB = per // D_SUB
        rows = (r0, r1, r2, r3)
        gsem = (g0, g1, g2, g3)
        ssem = (s0, s1, s2, s3)

        def gather(j):
            return pltpu.make_async_copy(
                bp_ref.at[idx_v.at[pl.ds(j * D_SUB, D_SUB)]],
                rows[j % 4], gsem[j % 4])

        def scatter(j):
            return pltpu.make_async_copy(
                rows[j % 4], out_ref.at[pl.ds(base + j * D_SUB, D_SUB)],
                ssem[j % 4])

        gather(0).start()
        gather(1).start()
        gather(2).start()
        for j in range(NB):
            gather(j).wait()
            scatter(j).start()
            if j + 3 < NB:
                if j >= 1:
                    scatter(j - 1).wait()
                gather(j + 3).start()
        scatter(NB - 4).wait()
        scatter(NB - 3).wait()
        scatter(NB - 2).wait()
        scatter(NB - 1).wait()

    return k(bp3, ptb_part)


def _tc_mlp(hfb, cnb3, w1b, W2, b2r, W3, b3r, out_rows):
    Pt = 1024
    n_in = hfb.shape[0]

    def body(h_ref, c_ref, w1_ref, w2_ref, b2_ref, w3_ref, b3_ref, o_ref):
        hu = lax.bitcast_convert_type(h_ref[...], jnp.uint32)
        pre_lo = lax.bitcast_convert_type(
            (hu & 0xFFFF).astype(jnp.uint16), jnp.bfloat16).astype(jnp.float32)
        pre_hi = lax.bitcast_convert_type(
            (hu >> 16).astype(jnp.uint16), jnp.bfloat16).astype(jnp.float32)
        cn = jnp.concatenate([c_ref[0], c_ref[1], c_ref[2]], axis=1)
        w1c = w1_ref[...]
        pre_lo = pre_lo + jnp.dot(cn, w1c[:, :H1 // 2],
                                  preferred_element_type=jnp.float32)
        pre_hi = pre_hi + jnp.dot(cn, w1c[:, H1 // 2:],
                                  preferred_element_type=jnp.float32)
        h1_lo = jnp.maximum(pre_lo, 0.0).astype(jnp.bfloat16)
        h1_hi = jnp.maximum(pre_hi, 0.0).astype(jnp.bfloat16)
        w2 = w2_ref[...]
        h2 = jnp.maximum(
            jnp.dot(h1_lo, w2[:H1 // 2], preferred_element_type=jnp.float32)
            + jnp.dot(h1_hi, w2[H1 // 2:], preferred_element_type=jnp.float32)
            + b2_ref[0:1, :], 0.0).astype(jnp.bfloat16)
        h3 = jnp.maximum(
            jnp.dot(h2, w3_ref[...], preferred_element_type=jnp.float32)
            + b3_ref[0:1, :], 0.0)
        o_ref[...] = h3

    return pl.pallas_call(
        body,
        grid=(n_in // Pt,),
        in_specs=[
            pl.BlockSpec((Pt, H1 // 2), lambda i: (i, 0)),
            pl.BlockSpec((3, Pt, 16), lambda i: (0, i, 0)),
            pl.BlockSpec((48, H1), lambda i: (0, 0)),
            pl.BlockSpec((H1, H2), lambda i: (0, 0)),
            pl.BlockSpec((8, H2), lambda i: (0, 0)),
            pl.BlockSpec((H2, H3), lambda i: (0, 0)),
            pl.BlockSpec((8, H3), lambda i: (0, 0)),
        ],
        out_specs=pl.BlockSpec((Pt, H3), lambda i: (i, 0)),
        out_shape=jax.ShapeDtypeStruct((out_rows, H3), jnp.float32),
    )(hfb, cnb3, w1b, W2, b2r, W3, b3r)


def kernel(sparse_lr_feats, idx_lr2hr, nn_indices, point_to_block_idx, knn_idx,
           X, W1, b1, W2, b2, W3, b3):
    lr_i32 = lax.bitcast_convert_type(
        sparse_lr_feats.T.reshape(-1), jnp.int32)
    nn = nn_indices.astype(jnp.int32)
    knn_flat = knn_idx.reshape(-1).astype(jnp.int32)
    knn_pad = jnp.concatenate(
        [knn_flat, jnp.zeros((B_TOT - N_LR * 16,), jnp.int32)])
    l2h = idx_lr2hr.astype(jnp.int32)
    ptb_pad = jnp.concatenate(
        [point_to_block_idx.astype(jnp.int32),
         jnp.zeros((P_PAD - N_LR,), jnp.int32)])

    g_i32 = _sc_gather_grid(lr_i32, nn)
    _idx2, cnb_i32 = _sc_gather_colors(lr_i32, knn_pad, l2h)
    g = lax.bitcast_convert_type(g_i32, jnp.float32).reshape(3, NUM_BLOCKS, NPTS)
    cnb3 = lax.bitcast_convert_type(cnb_i32, jnp.float32).reshape(3, P_PAD, 16)

    XT = X.T
    w1p = (jnp.zeros((3 * NPTS, H1), jnp.float32)
           .at[jnp.asarray(_HF_POS)].set(W1[:959])
           .reshape(3, NPTS, H1))
    b1r = jnp.broadcast_to(b1.reshape(1, H1), (8, H1))
    bp = _tc_blocks(g, XT, w1p, b1r)

    hfb = _sc_rowgather(bp, ptb_pad)

    w1b = W1[959:].reshape(16, 3, H1).transpose(1, 0, 2).reshape(48, H1)
    b2r = jnp.broadcast_to(b2.reshape(1, H2), (8, H2))
    b3r = jnp.broadcast_to(b3.reshape(1, H3), (8, H3))
    return _tc_mlp(hfb, cnb3, w1b, W2.astype(jnp.bfloat16), b2r,
                   W3.astype(jnp.bfloat16), b3r, N_LR)

# --- scband reference (transcript-rebuilt; emitter-appended) ---
"""Pipeline reference for scband-fdscu-87282325389634 (READ-ONLY COPY).

The authoritative reference and input builder live on the scoring server;
editing this copy changes nothing except your own understanding.
"""

import jax, jax.numpy as jnp
import numpy as np

RGB_to_YUV = jnp.array([[0.299, 0.587, 0.114], [-0.14713, -0.28886, 0.436], [0.615, -0.51499, -0.10001]], dtype=jnp.float32)
BS = 7  # block_size, 7**3 = 343 grid points per block


def dct1d_matrix(N):
    n = np.arange(N)
    k = np.arange(N)[:, None]
    M = np.cos(np.pi * (2 * n + 1) * k / (2.0 * N))
    M[0, :] *= np.sqrt(1.0 / N)
    M[1:, :] *= np.sqrt(2.0 / N)
    return M.astype(np.float32)


def get_indices(n, bs=BS):
    idx = []
    for i in range(n):
        for j in range(n):
            for kk in range(n):
                idx.append(i * bs * bs + j * bs + kk)
    return np.array(idx, dtype=np.int64)


def setup_inputs(seed: int = 0):
    key = jax.random.key(seed)
    ks = jax.random.split(key, 12)
    N_lr = 50000
    N_hr = 100000
    num_blocks = 2048
    num_channel = 32
    sparse_lr_feats = jax.random.uniform(ks[0], (N_lr, 3), dtype=jnp.float32)
    idx_lr2hr = jax.random.randint(ks[1], (N_hr,), 0, N_lr)
    nn_indices = jax.random.randint(ks[2], (num_blocks * 343,), 0, N_lr)
    point_to_block_idx = jax.random.randint(ks[3], (N_lr,), 0, num_blocks)
    knn_idx = jax.random.randint(ks[4], (N_lr, 16), 0, N_hr)
    X1 = dct1d_matrix(BS)
    X = jnp.asarray(np.kron(X1, np.kron(X1, X1)))
    d_in = 959 + 48
    h1 = num_channel * 32
    h2 = num_channel * 16
    h3 = num_channel * 8
    W1 = jax.random.normal(ks[5], (d_in, h1), dtype=jnp.float32) * 0.02
    b1 = jnp.zeros((h1,), dtype=jnp.float32)
    W2 = jax.random.normal(ks[6], (h1, h2), dtype=jnp.float32) * 0.02
    b2 = jnp.zeros((h2,), dtype=jnp.float32)
    W3 = jax.random.normal(ks[7], (h2, h3), dtype=jnp.float32) * 0.02
    b3 = jnp.zeros((h3,), dtype=jnp.float32)
    return {
        'sparse_lr_feats': sparse_lr_feats,
        'idx_lr2hr': idx_lr2hr,
        'nn_indices': nn_indices,
        'point_to_block_idx': point_to_block_idx,
        'knn_idx': knn_idx,
        'X': X,
        'W1': W1, 'b1': b1, 'W2': W2, 'b2': b2, 'W3': W3, 'b3': b3,
    }


def reference(sparse_lr_feats, idx_lr2hr, nn_indices, point_to_block_idx, knn_idx, X, W1, b1, W2, b2, W3, b3):
    num_blocks = nn_indices.shape[0] // 343
    N_lr = sparse_lr_feats.shape[0]
    # gather LR features to HR resolution (idx_lr2hr gather from the torch code)
    sparse_hr_feats = jnp.take(sparse_lr_feats, idx_lr2hr, axis=0)
    # RGB -> YUV on LR colors
    lrcolor = (sparse_lr_feats * 255.0) @ RGB_to_YUV.T
    # gather nearest-neighbor colors onto the regular per-block grid
    gathered_colors = jnp.take(lrcolor, nn_indices, axis=0)
    dct_input = gathered_colors.reshape(num_blocks, 343, 3).transpose(0, 2, 1)
    feat_dct = jnp.abs(jnp.matmul(dct_input, X.T))
    row_sum = feat_dct.sum(axis=2, keepdims=True)
    feat_dct = feat_dct / (row_sum + 1e-08)
    Y = feat_dct[:, 0, :]
    U = feat_dct[:, 1, :]
    V = feat_dct[:, 2, :]
    indice1 = get_indices(4)
    indice2 = get_indices(3)
    full_idx = np.arange(343)
    mask1 = np.ones(343, dtype=bool); mask1[indice1] = False
    remain1 = full_idx[mask1]
    mask2 = np.ones(343, dtype=bool); mask2[indice2] = False
    remain2 = full_idx[mask2]
    Y_lf = Y[:, indice1]; U_lf = U[:, indice2]; V_lf = V[:, indice2]
    Y_hf = Y[:, remain1]; U_hf = U[:, remain2]; V_hf = V[:, remain2]
    LF_blocks = jnp.concatenate([Y_lf[:, 0:50], U_lf[:, 0:10], V_lf[:, 0:10]], axis=1)
    HF_blocks = jnp.concatenate([Y_lf[:, 50:], Y_hf, U_lf[:, 10:], U_hf, V_lf[:, 10:], V_hf], axis=1)
    # scatter block features back to points
    HF_batch = jnp.take(HF_blocks, point_to_block_idx, axis=0)
    # k=16 neighbor colors gathered from HR features (48 = 16*3 features)
    color_nb = jnp.take(sparse_hr_feats, knn_idx.reshape(-1), axis=0).reshape(N_lr, 48)
    edge_feat = jnp.concatenate([HF_batch, color_nb], axis=1)  # [N_lr, 959+48]
    h = jax.nn.relu(edge_feat @ W1 + b1)
    h = jax.nn.relu(h @ W2 + b2)
    h = jax.nn.relu(h @ W3 + b3)
    return h

if __name__ == "__main__":
    import jax
    _d = setup_inputs()
    print(jax.jit(kernel)(*tuple(_d.values())))

</pallas_src>

<mosaic_0001>
#map = affine_map<(d0, d1) -> (0, 0)>
#map1 = affine_map<(d0, d1) -> (0)>
module attributes {stable_mosaic.version = 14 : i64} {
  func.func @k(%arg0: i32, %arg1: i32, %arg2: memref<2048x512xi32, #tpu.memory_space<hbm>>, %arg3: memref<50176xi32, #tpu.memory_space<hbm>>, %arg4: memref<50176x512xi32, #tpu.memory_space<hbm>>, %arg5: memref<1568xi32, #tpu.memory_space<vmem>>, %arg6: memref<56x512xi32, #tpu.memory_space<vmem>>, %arg7: memref<56x512xi32, #tpu.memory_space<vmem>>, %arg8: memref<56x512xi32, #tpu.memory_space<vmem>>, %arg9: memref<56x512xi32, #tpu.memory_space<vmem>>, %arg10: memref<!tpu.dma_semaphore, #tpu.memory_space<semaphore_mem>>, %arg11: memref<!tpu.dma_semaphore, #tpu.memory_space<semaphore_mem>>, %arg12: memref<!tpu.dma_semaphore, #tpu.memory_space<semaphore_mem>>, %arg13: memref<!tpu.dma_semaphore, #tpu.memory_space<semaphore_mem>>, %arg14: memref<!tpu.dma_semaphore, #tpu.memory_space<semaphore_mem>>, %arg15: memref<!tpu.dma_semaphore, #tpu.memory_space<semaphore_mem>>, %arg16: memref<!tpu.dma_semaphore, #tpu.memory_space<semaphore_mem>>, %arg17: memref<!tpu.dma_semaphore, #tpu.memory_space<semaphore_mem>>) attributes {dimension_semantics = [#tpu.dimension_semantics<core_parallel>, #tpu.dimension_semantics<subcore_parallel>], iteration_bounds = array<i64: 2, 16>, scalar_prefetch = 0 : i64, scratch_operands = 13 : i64, tpu.core_type = #tpu.core_type<sc_vector_subcore>, window_params = [{transform_indices = #map}, {transform_indices = #map1}, {transform_indices = #map}]} {
    %mul3A = arith.constant 2 : i32
    %mul3A_0 = arith.muli %arg1, %mul3A : i32
    %add3A = arith.addi %mul3A_0, %arg0 : i32
    %mul3A_1 = arith.constant 1568 : i32
    %mul3A_2 = arith.muli %add3A, %mul3A_1 : i32
    "tpu.region"() ({
      %run_scoped3A = tpu.sem_alloc : memref<!tpu.dma_semaphore, #tpu.memory_space<semaphore_mem>>
      %dma_start3A_617 = tpu.memref_slice %arg3[%mul3A_2] : memref<50176xi32, #tpu.memory_space<hbm>> -> memref<1568xi32, #tpu.memory_space<hbm>>
      %dma_start3A_618 = tpu.memref_slice %arg3[%mul3A_2] : memref<50176xi32, #tpu.memory_space<hbm>> -> memref<1568xi32, #tpu.memory_space<hbm>>
      tpu.enqueue_dma source(%dma_start3A_618 : memref<1568xi32, #tpu.memory_space<hbm>>) target(%arg5 : memref<1568xi32, #tpu.memory_space<vmem>>) target_semaphore(%run_scoped3A : memref<!tpu.dma_semaphore, #tpu.memory_space<semaphore_mem>>)
      %dma_wait3A_619 = tpu.memref_slice %arg3[%mul3A_2] : memref<50176xi32, #tpu.memory_space<hbm>> -> memref<1568xi32, #tpu.memory_space<hbm>>
      %dma_wait3A_620 = tpu.memref_slice %arg3[%mul3A_2] : memref<50176xi32, #tpu.memory_space<hbm>> -> memref<1568xi32, #tpu.memory_space<hbm>>
      tpu.wait_dma2 semaphore(%run_scoped3A : memref<!tpu.dma_semaphore, #tpu.memory_space<semaphore_mem>>) src(%dma_wait3A_620 : memref<1568xi32, #tpu.memory_space<hbm>>) dst(%arg5 : memref<1568xi32, #tpu.memory_space<vmem>>)
      tpu.yield
    }) : () -> ()
    %dma_start3A = arith.constant 0 : i32
    %dma_start3A_3 = tpu.memref_slice %arg5[%dma_start3A] : memref<1568xi32, #tpu.memory_space<vmem>> -> memref<56xi32, #tpu.memory_space<vmem>>
    %dma_start3A_4 = arith.constant 0 : i32
    %dma_start3A_5 = arith.constant 0 : i32
    %dma_start3A_6 = tpu.memref_slice %arg2[%dma_start3A_4, %dma_start3A_5] : memref<2048x512xi32, #tpu.memory_space<hbm>> -> memref<2048x512xi32, #tpu.memory_space<hbm>>
    tpu.enqueue_indirect_dma source(%dma_start3A_6 : memref<2048x512xi32, #tpu.memory_space<hbm>>) target(%arg6 : memref<56x512xi32, #tpu.memory_space<vmem>>) offsets(%dma_start3A_3 : memref<56xi32, #tpu.memory_space<vmem>>) semaphore(%arg10 : memref<!tpu.dma_semaphore, #tpu.memory_space<semaphore_mem>>)
    %dma_start3A_7 = arith.constant 56 : i32
    %dma_start3A_8 = tpu.memref_slice %arg5[%dma_start3A_7] : memref<1568xi32, #tpu.memory_space<vmem>> -> memref<56xi32, #tpu.memory_space<vmem>>
    %dma_start3A_9 = arith.constant 0 : i32
    %dma_start3A_10 = arith.constant 0 : i32
    %dma_start3A_11 = tpu.memref_slice %arg2[%dma_start3A_9, %dma_start3A_10] : memref<2048x512xi32, #tpu.memory_space<hbm>> -> memref<2048x512xi32, #tpu.memory_space<hbm>>
    tpu.enqueue_indirect_dma source(%dma_start3A_11 : memref<2048x512xi32, #tpu.memory_space<hbm>>) target(%arg7 : memref<56x512xi32, #tpu.memory_space<vmem>>) offsets(%dma_start3A_8 : memref<56xi32, #tpu.memory_space<vmem>>) semaphore(%arg11 : memref<!tpu.dma_semaphore, #tpu.memory_space<semaphore_mem>>)
    %dma_start3A_12 = arith.constant 112 : i32
    %dma_start3A_13 = tpu.memref_slice %arg5[%dma_start3A_12] : memref<1568xi32, #tpu.memory_space<vmem>> -> memref<56xi32, #tpu.memory_space<vmem>>
    %dma_start3A_14 = arith.constant 0 : i32
    %dma_start3A_15 = arith.constant 0 : i32
    %dma_start3A_16 = tpu.memref_slice %arg2[%dma_start3A_14, %dma_start3A_15] : memref<2048x512xi32, #tpu.memory_space<hbm>> -> memref<2048x512xi32, #tpu.memory_space<hbm>>
    tpu.enqueue_indirect_dma source(%dma_start3A_16 : memref<2048x512xi32, #tpu.memory_space<hbm>>) target(%arg8 : memref<56x512xi32, #tpu.memory_space<vmem>>) offsets(%dma_start3A_13 : memref<56xi32, #tpu.memory_space<vmem>>) semaphore(%arg12 : memref<!tpu.dma_semaphore, #tpu.memory_space<semaphore_mem>>)
    %dma_wait3A = arith.constant 0 : i32
    %dma_wait3A_17 = tpu.memref_slice %arg5[%dma_wait3A] : memref<1568xi32, #tpu.memory_space<vmem>> -> memref<56xi32, #tpu.memory_space<vmem>>
    %dma_wait3A_18 = arith.constant 0 : i32
    %dma_wait3A_19 = arith.constant 0 : i32
    %dma_wait3A_20 = tpu.memref_slice %arg2[%dma_wait3A_18, %dma_wait3A_19] : memref<2048x512xi32, #tpu.memory_space<hbm>> -> memref<2048x512xi32, #tpu.memory_space<hbm>>
    tpu.wait_indirect_dma semaphore(%arg10 : memref<!tpu.dma_semaphore, #tpu.memory_space<semaphore_mem>>) src(%dma_wait3A_20 : memref<2048x512xi32, #tpu.memory_space<hbm>>) dst(%arg6 : memref<56x512xi32, #tpu.memory_space<vmem>>)
    %add3A_21 = arith.constant 0 : i32
    %add3A_22 = arith.addi %mul3A_2, %add3A_21 : i32
    %dma_start3A_23 = arith.constant 0 : i32
    %dma_start3A_24 = tpu.memref_slice %arg4[%add3A_22, %dma_start3A_23] : memref<50176x512xi32, #tpu.memory_space<hbm>> -> memref<56x512xi32, #tpu.memory_space<hbm>>
    %dma_start3A_25 = arith.constant 0 : i32
    %dma_start3A_26 = tpu.memref_slice %arg4[%add3A_22, %dma_start3A_25] : memref<50176x512xi32, #tpu.memory_space<hbm>> -> memref<56x512xi32, #tpu.memory_space<hbm>>
    tpu.enqueue_dma source(%arg6 : memref<56x512xi32, #tpu.memory_space<vmem>>) target(%dma_start3A_26 : memref<56x512xi32, #tpu.memory_space<hbm>>) target_semaphore(%arg14 : memref<!tpu.dma_semaphore, #tpu.memory_space<semaphore_mem>>)
    %dma_start3A_27 = arith.constant 168 : i32
    %dma_start3A_28 = tpu.memref_slice %arg5[%dma_start3A_27] : memref<1568xi32, #tpu.memory_space<vmem>> -> memref<56xi32, #tpu.memory_space<vmem>>
    %dma_start3A_29 = arith.constant 0 : i32
    %dma_start3A_30 = arith.constant 0 : i32
    %dma_start3A_31 = tpu.memref_slice %arg2[%dma_start3A_29, %dma_start3A_30] : memref<2048x512xi32, #tpu.memory_space<hbm>> -> memref<2048x512xi32, #tpu.memory_space<hbm>>
    tpu.enqueue_indirect_dma source(%dma_start3A_31 : memref<2048x512xi32, #tpu.memory_space<hbm>>) target(%arg9 : memref<56x512xi32, #tpu.memory_space<vmem>>) offsets(%dma_start3A_28 : memref<56xi32, #tpu.memory_space<vmem>>) semaphore(%arg13 : memref<!tpu.dma_semaphore, #tpu.memory_space<semaphore_mem>>)
    %dma_wait3A_32 = arith.constant 56 : i32
    %dma_wait3A_33 = tpu.memref_slice %arg5[%dma_wait3A_32] : memref<1568xi32, #tpu.memory_space<vmem>> -> memref<56xi32, #tpu.memory_space<vmem>>
    %dma_wait3A_34 = arith.constant 0 : i32
    %dma_wait3A_35 = arith.constant 0 : i32
    %dma_wait3A_36 = tpu.memref_slice %arg2[%dma_wait3A_34, %dma_wait3A_35] : memref<2048x512xi32, #tpu.memory_space<hbm>> -> memref<2048x512xi32, #tpu.memory_space<hbm>>
    tpu.wait_indirect_dma semaphore(%arg11 : memref<!tpu.dma_semaphore, #tpu.memory_space<semaphore_mem>>) src(%dma_wait3A_36 : memref<2048x512xi32, #tpu.memory_space<hbm>>) dst(%arg7 : memref<56x512xi32, #tpu.memory_space<vmem>>)
    %add3A_37 = arith.constant 56 : i32
    %add3A_38 = arith.addi %mul3A_2, %add3A_37 : i32
    %dma_start3A_39 = arith.constant 0 : i32
    %dma_start3A_40 = tpu.memref_slice %arg4[%add3A_38, %dma_start3A_39] : memref<50176x512xi32, #tpu.memory_space<hbm>> -> memref<56x512xi32, #tpu.memory_space<hbm>>
    %dma_start3A_41 = arith.constant 0 : i32
    %dma_start3A_42 = tpu.memref_slice %arg4[%add3A_38, %dma_start3A_41] : memref<50176x512xi32, #tpu.memory_space<hbm>> -> memref<56x512xi32, #tpu.memory_space<hbm>>
    tpu.enqueue_dma source(%arg7 : memref<56x512xi32, #tpu.memory_space<vmem>>) target(%dma_start3A_42 : memref<56x512xi32, #tpu.memory_space<hbm>>) target_semaphore(%arg15 : memref<!tpu.dma_semaphore, #tpu.memory_space<semaphore_mem>>)
    %add3A_43 = arith.constant 0 : i32
    %add3A_44 = arith.addi %mul3A_2, %add3A_43 : i32
    %dma_wait3A_45 = arith.constant 0 : i32
    %dma_wait3A_46 = tpu.memref_slice %arg4[%add3A_44, %dma_wait3A_45] : memref<50176x512xi32, #tpu.memory_space<hbm>> -> memref<56x512xi32, #tpu.memory_space<hbm>>
    %dma_wait3A_47 = arith.constant 0 : i32
    %dma_wait3A_48 = tpu.memref_slice %arg4[%add3A_44, %dma_wait3A_47] : memref<50176x512xi32, #tpu.memory_space<hbm>> -> memref<56x512xi32, #tpu.memory_space<hbm>>
    tpu.wait_dma2 semaphore(%arg14 : memref<!tpu.dma_semaphore, #tpu.memory_space<semaphore_mem>>) src(%arg6 : memref<56x512xi32, #tpu.memory_space<vmem>>) dst(%dma_wait3A_48 : memref<56x512xi32, #tpu.memory_space<hbm>>)
    %dma_start3A_49 = arith.constant 224 : i32
    %dma_start3A_50 = tpu.memref_slice %arg5[%dma_start3A_49] : memref<1568xi32, #tpu.memory_space<vmem>> -> memref<56xi32, #tpu.memory_space<vmem>>
    %dma_start3A_51 = arith.constant 0 : i32
    %dma_start3A_52 = arith.constant 0 : i32
    %dma_start3A_53 = tpu.memref_slice %arg2[%dma_start3A_51, %dma_start3A_52] : memref<2048x512xi32, #tpu.memory_space<hbm>> -> memref<2048x512xi32, #tpu.memory_space<hbm>>
    tpu.enqueue_indirect_dma source(%dma_start3A_53 : memref<2048x512xi32, #tpu.memory_space<hbm>>) target(%arg6 : memref<56x512xi32, #tpu.memory_space<vmem>>) offsets(%dma_start3A_50 : memref<56xi32, #tpu.memory_space<vmem>>) semaphore(%arg10 : memref<!tpu.dma_semaphore, #tpu.memory_space<semaphore_mem>>)
    %dma_wait3A_54 = arith.constant 112 : i32
    %dma_wait3A_55 = tpu.memref_slice %arg5[%dma_wait3A_54] : memref<1568xi32, #tpu.memory_space<vmem>> -> memref<56xi32, #tpu.memory_space<vmem>>
    %dma_wait3A_56 = arith.constant 0 : i32
    %dma_wait3A_57 = arith.constant 0 : i32
    %dma_wait3A_58 = tpu.memref_slice %arg2[%dma_wait3A_56, %dma_wait3A_57] : memref<2048x512xi32, #tpu.memory_space<hbm>> -> memref<2048x512xi32, #tpu.memory_space<hbm>>
    tpu.wait_indirect_dma semaphore(%arg12 : memref<!tpu.dma_semaphore, #tpu.memory_space<semaphore_mem>>) src(%dma_wait3A_58 : memref<2048x512xi32, #tpu.memory_space<hbm>>) dst(%arg8 : memref<56x512xi32, #tpu.memory_space<vmem>>)
    %add3A_59 = arith.constant 112 : i32
    %add3A_60 = arith.addi %mul3A_2, %add3A_59 : i32
    %dma_start3A_61 = arith.constant 0 : i32
    %dma_start3A_62 = tpu.memref_slice %arg4[%add3A_60, %dma_start3A_61] : memref<50176x512xi32, #tpu.memory_space<hbm>> -> memref<56x512xi32, #tpu.memory_space<hbm>>
    %dma_start3A_63 = arith.constant 0 : i32
    %dma_start3A_64 = tpu.memref_slice %arg4[%add3A_60, %dma_start3A_63] : memref<50176x512xi32, #tpu.memory_space<hbm>> -> memref<56x512xi32, #tpu.memory_space<hbm>>
    tpu.enqueue_dma source(%arg8 : memref<56x512xi32, #tpu.memory_space<vmem>>) target(%dma_start3A_64 : memref<56x512xi32, #tpu.memory_space<hbm>>) target_semaphore(%arg16 : memref<!tpu.dma_semaphore, #tpu.memory_space<semaphore_mem>>)
    %add3A_65 = arith.constant 56 : i32
    %add3A_66 = arith.addi %mul3A_2, %add3A_65 : i32
    %dma_wait3A_67 = arith.constant 0 : i32
    %dma_wait3A_68 = tpu.memref_slice %arg4[%add3A_66, %dma_wait3A_67] : memref<50176x512xi32, #tpu.memory_space<hbm>> -> memref<56x512xi32, #tpu.memory_space<hbm>>
    %dma_wait3A_69 = arith.constant 0 : i32
    %dma_wait3A_70 = tpu.memref_slice %arg4[%add3A_66, %dma_wait3A_69] : memref<50176x512xi32, #tpu.memory_space<hbm>> -> memref<56x512xi32, #tpu.memory_space<hbm>>
    tpu.wait_dma2 semaphore(%arg15 : memref<!tpu.dma_semaphore, #tpu.memory_space<semaphore_mem>>) src(%arg7 : memref<56x512xi32, #tpu.memory_space<vmem>>) dst(%dma_wait3A_70 : memref<56x512xi32, #tpu.memory_space<hbm>>)
    %dma_start3A_71 = arith.constant 280 : i32
    %dma_start3A_72 = tpu.memref_slice %arg5[%dma_start3A_71] : memref<1568xi32, #tpu.memory_space<vmem>> -> memref<56xi32, #tpu.memory_space<vmem>>
    %dma_start3A_73 = arith.constant 0 : i32
    %dma_start3A_74 = arith.constant 0 : i32
    %dma_start3A_75 = tpu.memref_slice %arg2[%dma_start3A_73, %dma_start3A_74] : memref<2048x512xi32, #tpu.memory_space<hbm>> -> memref<2048x512xi32, #tpu.memory_space<hbm>>
    tpu.enqueue_indirect_dma source(%dma_start3A_75 : memref<2048x512xi32, #tpu.memory_space<hbm>>) target(%arg7 : memref<56x512xi32, #tpu.memory_space<vmem>>) offsets(%dma_start3A_72 : memref<56xi32, #tpu.memory_space<vmem>>) semaphore(%arg11 : memref<!tpu.dma_semaphore, #tpu.memory_space<semaphore_mem>>)
    %dma_wait3A_76 = arith.constant 168 : i32
    %dma_wait3A_77 = tpu.memref_slice %arg5[%dma_wait3A_76] : memref<1568xi32, #tpu.memory_space<vmem>> -> memref<56xi32, #tpu.memory_space<vmem>>
    %dma_wait3A_78 = arith.constant 0 : i32
    %dma_wait3A_79 = arith.constant 0 : i32
    %dma_wait3A_80 = tpu.memref_slice %arg2[%dma_wait3A_78, %dma_wait3A_79] : memref<2048x512xi32, #tpu.memory_space<hbm>> -> memref<2048x512xi32, #tpu.memory_space<hbm>>
    tpu.wait_indirect_dma semaphore(%arg13 : memref<!tpu.dma_semaphore, #tpu.memory_space<semaphore_mem>>) src(%dma_wait3A_80 : memref<2048x512xi32, #tpu.memory_space<hbm>>) dst(%arg9 : memref<56x512xi32, #tpu.memory_space<vmem>>)
    %add3A_81 = arith.constant 168 : i32
    %add3A_82 = arith.addi %mul3A_2, %add3A_81 : i32
    %dma_start3A_83 = arith.constant 0 : i32
    %dma_start3A_84 = tpu.memref_slice %arg4[%add3A_82, %dma_start3A_83] : memref<50176x512xi32, #tpu.memory_space<hbm>> -> memref<56x512xi32, #tpu.memory_space<hbm>>
    %dma_start3A_85 = arith.constant 0 : i32
    %dma_start3A_86 = tpu.memref_slice %arg4[%add3A_82, %dma_start3A_85] : memref<50176x512xi32, #tpu.memory_space<hbm>> -> memref<56x512xi32, #tpu.memory_space<hbm>>
    tpu.enqueue_dma source(%arg9 : memref<56x512xi32, #tpu.memory_space<vmem>>) target(%dma_start3A_86 : memref<56x512xi32, #tpu.memory_space<hbm>>) target_semaphore(%arg17 : memref<!tpu.dma_semaphore, #tpu.memory_space<semaphore_mem>>)
    %add3A_87 = arith.constant 112 : i32
    %add3A_88 = arith.addi %mul3A_2, %add3A_87 : i32
    %dma_wait3A_89 = arith.constant 0 : i32
    %dma_wait3A_90 = tpu.memref_slice %arg4[%add3A_88, %dma_wait3A_89] : memref<50176x512xi32, #tpu.memory_space<hbm>> -> memref<56x512xi32, #tpu.memory_space<hbm>>
    %dma_wait3A_91 = arith.constant 0 : i32
    %dma_wait3A_92 = tpu.memref_slice %arg4[%add3A_88, %dma_wait3A_91] : memref<50176x512xi32, #tpu.memory_space<hbm>> -> memref<56x512xi32, #tpu.memory_space<hbm>>
    tpu.wait_dma2 semaphore(%arg16 : memref<!tpu.dma_semaphore, #tpu.memory_space<semaphore_mem>>) src(%arg8 : memref<56x512xi32, #tpu.memory_space<vmem>>) dst(%dma_wait3A_92 : memref<56x512xi32, #tpu.memory_space<hbm>>)
    %dma_start3A_93 = arith.constant 336 : i32
    %dma_start3A_94 = tpu.memref_slice %arg5[%dma_start3A_93] : memref<1568xi32, #tpu.memory_space<vmem>> -> memref<56xi32, #tpu.memory_space<vmem>>
    %dma_start3A_95 = arith.constant 0 : i32
    %dma_start3A_96 = arith.constant 0 : i32
    %dma_start3A_97 = tpu.memref_slice %arg2[%dma_start3A_95, %dma_start3A_96] : memref<2048x512xi32, #tpu.memory_space<hbm>> -> memref<2048x512xi32, #tpu.memory_space<hbm>>
    tpu.enqueue_indirect_dma source(%dma_start3A_97 : memref<2048x512xi32, #tpu.memory_space<hbm>>) target(%arg8 : memref<56x512xi32, #tpu.memory_space<vmem>>) offsets(%dma_start3A_94 : memref<56xi32, #tpu.memory_space<vmem>>) semaphore(%arg12 : memref<!tpu.dma_semaphore, #tpu.memory_space<semaphore_mem>>)
    %dma_wait3A_98 = arith.constant 224 : i32
    %dma_wait3A_99 = tpu.memref_slice %arg5[%dma_wait3A_98] : memref<1568xi32, #tpu.memory_space<vmem>> -> memref<56xi32, #tpu.memory_space<vmem>>
    %dma_wait3A_100 = arith.constant 0 : i32
    %dma_wait3A_101 = arith.constant 0 : i32
    %dma_wait3A_102 = tpu.memref_slice %arg2[%dma_wait3A_100, %dma_wait3A_101] : memref<2048x512xi32, #tpu.memory_space<hbm>> -> memref<2048x512xi32, #tpu.memory_space<hbm>>
    tpu.wait_indirect_dma semaphore(%arg10 : memref<!tpu.dma_semaphore, #tpu.memory_space<semaphore_mem>>) src(%dma_wait3A_102 : memref<2048x512xi32, #tpu.memory_space<hbm>>) dst(%arg6 : memref<56x512xi32, #tpu.memory_space<vmem>>)
    %add3A_103 = arith.constant 224 : i32
    %add3A_104 = arith.addi %mul3A_2, %add3A_103 : i32
    %dma_start3A_105 = arith.constant 0 : i32
    %dma_start3A_106 = tpu.memref_slice %arg4[%add3A_104, %dma_start3A_105] : memref<50176x512xi32, #tpu.memory_space<hbm>> -> memref<56x512xi32, #tpu.memory_space<hbm>>
    %dma_start3A_107 = arith.constant 0 : i32
    %dma_start3A_108 = tpu.memref_slice %arg4[%add3A_104, %dma_start3A_107] : memref<50176x512xi32, #tpu.memory_space<hbm>> -> memref<56x512xi32, #tpu.memory_space<hbm>>
    tpu.enqueue_dma source(%arg6 : memref<56x512xi32, #tpu.memory_space<vmem>>) target(%dma_start3A_108 : memref<56x512xi32, #tpu.memory_space<hbm>>) target_semaphore(%arg14 : memref<!tpu.dma_semaphore, #tpu.memory_space<semaphore_mem>>)
    %add3A_109 = arith.constant 168 : i32
    %add3A_110 = arith.addi %mul3A_2, %add3A_109 : i32
    %dma_wait3A_111 = arith.constant 0 : i32
    %dma_wait3A_112 = tpu.memref_slice %arg4[%add3A_110, %dma_wait3A_111] : memref<50176x512xi32, #tpu.memory_space<hbm>> -> memref<56x512xi32, #tpu.memory_space<hbm>>
    %dma_wait3A_113 = arith.constant 0 : i32
    %dma_wait3A_114 = tpu.memref_slice %arg4[%add3A_110, %dma_wait3A_113] : memref<50176x512xi32, #tpu.memory_space<hbm>> -> memref<56x512xi32, #tpu.memory_space<hbm>>
    tpu.wait_dma2 semaphore(%arg17 : memref<!tpu.dma_semaphore, #tpu.memory_space<semaphore_mem>>) src(%arg9 : memref<56x512xi32, #tpu.memory_space<vmem>>) dst(%dma_wait3A_114 : memref<56x512xi32, #tpu.memory_space<hbm>>)
    %dma_start3A_115 = arith.constant 392 : i32
    %dma_start3A_116 = tpu.memref_slice %arg5[%dma_start3A_115] : memref<1568xi32, #tpu.memory_space<vmem>> -> memref<56xi32, #tpu.memory_space<vmem>>
    %dma_start3A_117 = arith.constant 0 : i32
    %dma_start3A_118 = arith.constant 0 : i32
    %dma_start3A_119 = tpu.memref_slice %arg2[%dma_start3A_117, %dma_start3A_118] : memref<2048x512xi32, #tpu.memory_space<hbm>> -> memref<2048x512xi32, #tpu.memory_space<hbm>>
    tpu.enqueue_indirect_dma source(%dma_start3A_119 : memref<2048x512xi32, #tpu.memory_space<hbm>>) target(%arg9 : memref<56x512xi32, #tpu.memory_space<vmem>>) offsets(%dma_start3A_116 : memref<56xi32, #tpu.memory_space<vmem>>) semaphore(%arg13 : memref<!tpu.dma_semaphore, #tpu.memory_space<semaphore_mem>>)
    %dma_wait3A_120 = arith.constant 280 : i32
    %dma_wait3A_121 = tpu.memref_slice %arg5[%dma_wait3A_120] : memref<1568xi32, #tpu.memory_space<vmem>> -> memref<56xi32, #tpu.memory_space<vmem>>
    %dma_wait3A_122 = arith.constant 0 : i32
    %dma_wait3A_123 = arith.constant 0 : i32
    %dma_wait3A_124 = tpu.memref_slice %arg2[%dma_wait3A_122, %dma_wait3A_123] : memref<2048x512xi32, #tpu.memory_space<hbm>> -> memref<2048x512xi32, #tpu.memory_space<hbm>>
    tpu.wait_indirect_dma semaphore(%arg11 : memref<!tpu.dma_semaphore, #tpu.memory_space<semaphore_mem>>) src(%dma_wait3A_124 : memref<2048x512xi32, #tpu.memory_space<hbm>>) dst(%arg7 : memref<56x512xi32, #tpu.memory_space<vmem>>)
    %add3A_125 = arith.constant 280 : i32
    %add3A_126 = arith.addi %mul3A_2, %add3A_125 : i32
    %dma_start3A_127 = arith.constant 0 : i32
    %dma_start3A_128 = tpu.memref_slice %arg4[%add3A_126, %dma_start3A_127] : memref<50176x512xi32, #tpu.memory_space<hbm>> -> memref<56x512xi32, #tpu.memory_space<hbm>>
    %dma_start3A_129 = arith.constant 0 : i32
    %dma_start3A_130 = tpu.memref_slice %arg4[%add3A_126, %dma_start3A_129] : memref<50176x512xi32, #tpu.memory_space<hbm>> -> memref<56x512xi32, #tpu.memory_space<hbm>>
    tpu.enqueue_dma source(%arg7 : memref<56x512xi32, #tpu.memory_space<vmem>>) target(%dma_start3A_130 : memref<56x512xi32, #tpu.memory_space<hbm>>) target_semaphore(%arg15 : memref<!tpu.dma_semaphore, #tpu.memory_space<semaphore_mem>>)
    %add3A_131 = arith.constant 224 : i32
    %add3A_132 = arith.addi %mul3A_2, %add3A_131 : i32
    %dma_wait3A_133 = arith.constant 0 : i32
    %dma_wait3A_134 = tpu.memref_slice %arg4[%add3A_132, %dma_wait3A_133] : memref<50176x512xi32, #tpu.memory_space<hbm>> -> memref<56x512xi32, #tpu.memory_space<hbm>>
    %dma_wait3A_135 = arith.constant 0 : i32
    %dma_wait3A_136 = tpu.memref_slice %arg4[%add3A_132, %dma_wait3A_135] : memref<50176x512xi32, #tpu.memory_space<hbm>> -> memref<56x512xi32, #tpu.memory_space<hbm>>
    tpu.wait_dma2 semaphore(%arg14 : memref<!tpu.dma_semaphore, #tpu.memory_space<semaphore_mem>>) src(%arg6 : memref<56x512xi32, #tpu.memory_space<vmem>>) dst(%dma_wait3A_136 : memref<56x512xi32, #tpu.memory_space<hbm>>)
    %dma_start3A_137 = arith.constant 448 : i32
    %dma_start3A_138 = tpu.memref_slice %arg5[%dma_start3A_137] : memref<1568xi32, #tpu.memory_space<vmem>> -> memref<56xi32, #tpu.memory_space<vmem>>
    %dma_start3A_139 = arith.constant 0 : i32
    %dma_start3A_140 = arith.constant 0 : i32
    %dma_start3A_141 = tpu.memref_slice %arg2[%dma_start3A_139, %dma_start3A_140] : memref<2048x512xi32, #tpu.memory_space<hbm>> -> memref<2048x512xi32, #tpu.memory_space<hbm>>
    tpu.enqueue_indirect_dma source(%dma_start3A_141 : memref<2048x512xi32, #tpu.memory_space<hbm>>) target(%arg6 : memref<56x512xi32, #tpu.memory_space<vmem>>) offsets(%dma_start3A_138 : memref<56xi32, #tpu.memory_space<vmem>>) semaphore(%arg10 : memref<!tpu.dma_semaphore, #tpu.memory_space<semaphore_mem>>)
    %dma_wait3A_142 = arith.constant 336 : i32
    %dma_wait3A_143 = tpu.memref_slice %arg5[%dma_wait3A_142] : memref<1568xi32, #tpu.memory_space<vmem>> -> memref<56xi32, #tpu.memory_space<vmem>>
    %dma_wait3A_144 = arith.constant 0 : i32
    %dma_wait3A_145 = arith.constant 0 : i32
    %dma_wait3A_146 = tpu.memref_slice %arg2[%dma_wait3A_144, %dma_wait3A_145] : memref<2048x512xi32, #tpu.memory_space<hbm>> -> memref<2048x512xi32, #tpu.memory_space<hbm>>
    tpu.wait_indirect_dma semaphore(%arg12 : memref<!tpu.dma_semaphore, #tpu.memory_space<semaphore_mem>>) src(%dma_wait3A_146 : memref<2048x512xi32, #tpu.memory_space<hbm>>) dst(%arg8 : memref<56x512xi32, #tpu.memory_space<vmem>>)
    %add3A_147 = arith.constant 336 : i32
    %add3A_148 = arith.addi %mul3A_2, %add3A_147 : i32
    %dma_start3A_149 = arith.constant 0 : i32
    %dma_start3A_150 = tpu.memref_slice %arg4[%add3A_148, %dma_start3A_149] : memref<50176x512xi32, #tpu.memory_space<hbm>> -> memref<56x512xi32, #tpu.memory_space<hbm>>
    %dma_start3A_151 = arith.constant 0 : i32
    %dma_start3A_152 = tpu.memref_slice %arg4[%add3A_148, %dma_start3A_151] : memref<50176x512xi32, #tpu.memory_space<hbm>> -> memref<56x512xi32, #tpu.memory_space<hbm>>
    tpu.enqueue_dma source(%arg8 : memref<56x512xi32, #tpu.memory_space<vmem>>) target(%dma_start3A_152 : memref<56x512xi32, #tpu.memory_space<hbm>>) target_semaphore(%arg16 : memref<!tpu.dma_semaphore, #tpu.memory_space<semaphore_mem>>)
    %add3A_153 = arith.constant 280 : i32
    %add3A_154 = arith.addi %mul3A_2, %add3A_153 : i32
    %dma_wait3A_155 = arith.constant 0 : i32
    %dma_wait3A_156 = tpu.memref_slice %arg4[%add3A_154, %dma_wait3A_155] : memref<50176x512xi32, #tpu.memory_space<hbm>> -> memref<56x512xi32, #tpu.memory_space<hbm>>
    %dma_wait3A_157 = arith.constant 0 : i32
    %dma_wait3A_158 = tpu.memref_slice %arg4[%add3A_154, %dma_wait3A_157] : memref<50176x512xi32, #tpu.memory_space<hbm>> -> memref<56x512xi32, #tpu.memory_space<hbm>>
    tpu.wait_dma2 semaphore(%arg15 : memref<!tpu.dma_semaphore, #tpu.memory_space<semaphore_mem>>) src(%arg7 : memref<56x512xi32, #tpu.memory_space<vmem>>) dst(%dma_wait3A_158 : memref<56x512xi32, #tpu.memory_space<hbm>>)
    %dma_start3A_159 = arith.constant 504 : i32
    %dma_start3A_160 = tpu.memref_slice %arg5[%dma_start3A_159] : memref<1568xi32, #tpu.memory_space<vmem>> -> memref<56xi32, #tpu.memory_space<vmem>>
    %dma_start3A_161 = arith.constant 0 : i32
    %dma_start3A_162 = arith.constant 0 : i32
    %dma_start3A_163 = tpu.memref_slice %arg2[%dma_start3A_161, %dma_start3A_162] : memref<2048x512xi32, #tpu.memory_space<hbm>> -> memref<2048x512xi32, #tpu.memory_space<hbm>>
    tpu.enqueue_indirect_dma source(%dma_start3A_163 : memref<2048x512xi32, #tpu.memory_space<hbm>>) target(%arg7 : memref<56x512xi32, #tpu.memory_space<vmem>>) offsets(%dma_start3A_160 : memref<56xi32, #tpu.memory_space<vmem>>) semaphore(%arg11 : memref<!tpu.dma_semaphore, #tpu.memory_space<semaphore_mem>>)
    %dma_wait3A_164 = arith.constant 392 : i32
    %dma_wait3A_165 = tpu.memref_slice %arg5[%dma_wait3A_164] : memref<1568xi32, #tpu.memory_space<vmem>> -> memref<56xi32, #tpu.memory_space<vmem>>
    %dma_wait3A_166 = arith.constant 0 : i32
    %dma_wait3A_167 = arith.constant 0 : i32
    %dma_wait3A_168 = tpu.memref_slice %arg2[%dma_wait3A_166, %dma_wait3A_167] : memref<2048x512xi32, #tpu.memory_space<hbm>> -> memref<2048x512xi32, #tpu.memory_space<hbm>>
    tpu.wait_indirect_dma semaphore(%arg13 : memref<!tpu.dma_semaphore, #tpu.memory_space<semaphore_mem>>) src(%dma_wait3A_168 : memref<2048x512xi32, #tpu.memory_space<hbm>>) dst(%arg9 : memref<56x512xi32, #tpu.memory_space<vmem>>)
    %add3A_169 = arith.constant 392 : i32
    %add3A_170 = arith.addi %mul3A_2, %add3A_169 : i32
    %dma_start3A_171 = arith.constant 0 : i32
    %dma_start3A_172 = tpu.memref_slice %arg4[%add3A_170, %dma_start3A_171] : memref<50176x512xi32, #tpu.memory_space<hbm>> -> memref<56x512xi32, #tpu.memory_space<hbm>>
    %dma_start3A_173 = arith.constant 0 : i32
    %dma_start3A_174 = tpu.memref_slice %arg4[%add3A_170, %dma_start3A_173] : memref<50176x512xi32, #tpu.memory_space<hbm>> -> memref<56x512xi32, #tpu.memory_space<hbm>>
    tpu.enqueue_dma source(%arg9 : memref<56x512xi32, #tpu.memory_space<vmem>>) target(%dma_start3A_174 : memref<56x512xi32, #tpu.memory_space<hbm>>) target_semaphore(%arg17 : memref<!tpu.dma_semaphore, #tpu.memory_space<semaphore_mem>>)
    %add3A_175 = arith.constant 336 : i32
    %add3A_176 = arith.addi %mul3A_2, %add3A_175 : i32
    %dma_wait3A_177 = arith.constant 0 : i32
    %dma_wait3A_178 = tpu.memref_slice %arg4[%add3A_176, %dma_wait3A_177] : memref<50176x512xi32, #tpu.memory_space<hbm>> -> memref<56x512xi32, #tpu.memory_space<hbm>>
    %dma_wait3A_179 = arith.constant 0 : i32
    %dma_wait3A_180 = tpu.memref_slice %arg4[%add3A_176, %dma_wait3A_179] : memref<50176x512xi32, #tpu.memory_space<hbm>> -> memref<56x512xi32, #tpu.memory_space<hbm>>
    tpu.wait_dma2 semaphore(%arg16 : memref<!tpu.dma_semaphore, #tpu.memory_space<semaphore_mem>>) src(%arg8 : memref<56x512xi32, #tpu.memory_space<vmem>>) dst(%dma_wait3A_180 : memref<56x512xi32, #tpu.memory_space<hbm>>)
    %dma_start3A_181 = arith.constant 560 : i32
    %dma_start3A_182 = tpu.memref_slice %arg5[%dma_start3A_181] : memref<1568xi32, #tpu.memory_space<vmem>> -> memref<56xi32, #tpu.memory_space<vmem>>
    %dma_start3A_183 = arith.constant 0 : i32
    %dma_start3A_184 = arith.constant 0 : i32
    %dma_start3A_185 = tpu.memref_slice %arg2[%dma_start3A_183, %dma_start3A_184] : memref<2048x512xi32, #tpu.memory_space<hbm>> -> memref<2048x512xi32, #tpu.memory_space<hbm>>
    tpu.enqueue_indirect_dma source(%dma_start3A_185 : memref<2048x512xi32, #tpu.memory_space<hbm>>) target(%arg8 : memref<56x512xi32, #tpu.memory_space<vmem>>) offsets(%dma_start3A_182 : memref<56xi32, #tpu.memory_space<vmem>>) semaphore(%arg12 : memref<!tpu.dma_semaphore, #tpu.memory_space<semaphore_mem>>)
    %dma_wait3A_186 = arith.constant 448 : i32
    %dma_wait3A_187 = tpu.memref_slice %arg5[%dma_wait3A_186] : memref<1568xi32, #tpu.memory_space<vmem>> -> memref<56xi32, #tpu.memory_space<vmem>>
    %dma_wait3A_188 = arith.constant 0 : i32
    %dma_wait3A_189 = arith.constant 0 : i32
    %dma_wait3A_190 = tpu.memref_slice %arg2[%dma_wait3A_188, %dma_wait3A_189] : memref<2048x512xi32, #tpu.memory_space<hbm>> -> memref<2048x512xi32, #tpu.memory_space<hbm>>
    tpu.wait_indirect_dma semaphore(%arg10 : memref<!tpu.dma_semaphore, #tpu.memory_space<semaphore_mem>>) src(%dma_wait3A_190 : memref<2048x512xi32, #tpu.memory_space<hbm>>) dst(%arg6 : memref<56x512xi32, #tpu.memory_space<vmem>>)
    %add3A_191 = arith.constant 448 : i32
    %add3A_192 = arith.addi %mul3A_2, %add3A_191 : i32
    %dma_start3A_193 = arith.constant 0 : i32
    %dma_start3A_194 = tpu.memref_slice %arg4[%add3A_192, %dma_start3A_193] : memref<50176x512xi32, #tpu.memory_space<hbm>> -> memref<56x512xi32, #tpu.memory_space<hbm>>
    %dma_start3A_195 = arith.constant 0 : i32
    %dma_start3A_196 = tpu.memref_slice %arg4[%add3A_192, %dma_start3A_195] : memref<50176x512xi32, #tpu.memory_space<hbm>> -> memref<56x512xi32, #tpu.memory_space<hbm>>
    tpu.enqueue_dma source(%arg6 : memref<56x512xi32, #tpu.memory_space<vmem>>) target(%dma_start3A_196 : memref<56x512xi32, #tpu.memory_space<hbm>>) target_semaphore(%arg14 : memref<!tpu.dma_semaphore, #tpu.memory_space<semaphore_mem>>)
    %add3A_197 = arith.constant 392 : i32
    %add3A_198 = arith.addi %mul3A_2, %add3A_197 : i32
    %dma_wait3A_199 = arith.constant 0 : i32
    %dma_wait3A_200 = tpu.memref_slice %arg4[%add3A_198, %dma_wait3A_199] : memref<50176x512xi32, #tpu.memory_space<hbm>> -> memref<56x512xi32, #tpu.memory_space<hbm>>
    %dma_wait3A_201 = arith.constant 0 : i32
    %dma_wait3A_202 = tpu.memref_slice %arg4[%add3A_198, %dma_wait3A_201] : memref<50176x512xi32, #tpu.memory_space<hbm>> -> memref<56x512xi32, #tpu.memory_space<hbm>>
    tpu.wait_dma2 semaphore(%arg17 : memref<!tpu.dma_semaphore, #tpu.memory_space<semaphore_mem>>) src(%arg9 : memref<56x512xi32, #tpu.memory_space<vmem>>) dst(%dma_wait3A_202 : memref<56x512xi32, #tpu.memory_space<hbm>>)
    %dma_start3A_203 = arith.constant 616 : i32
    %dma_start3A_204 = tpu.memref_slice %arg5[%dma_start3A_203] : memref<1568xi32, #tpu.memory_space<vmem>> -> memref<56xi32, #tpu.memory_space<vmem>>
    %dma_start3A_205 = arith.constant 0 : i32
    %dma_start3A_206 = arith.constant 0 : i32
    %dma_start3A_207 = tpu.memref_slice %arg2[%dma_start3A_205, %dma_start3A_206] : memref<2048x512xi32, #tpu.memory_space<hbm>> -> memref<2048x512xi32, #tpu.memory_space<hbm>>
    tpu.enqueue_indirect_dma source(%dma_start3A_207 : memref<2048x512xi32, #tpu.memory_space<hbm>>) target(%arg9 : memref<56x512xi32, #tpu.memory_space<vmem>>) offsets(%dma_start3A_204 : memref<56xi32, #tpu.memory_space<vmem>>) semaphore(%arg13 : memref<!tpu.dma_semaphore, #tpu.memory_space<semaphore_mem>>)
    %dma_wait3A_208 = arith.constant 504 : i32
    %dma_wait3A_209 = tpu.memref_slice %arg5[%dma_wait3A_208] : memref<1568xi32, #tpu.memory_space<vmem>> -> memref<56xi32, #tpu.memory_space<vmem>>
    %dma_wait3A_210 = arith.constant 0 : i32
    %dma_wait3A_211 = arith.constant 0 : i32
    %dma_wait3A_212 = tpu.memref_slice %arg2[%dma_wait3A_210, %dma_wait3A_211] : memref<2048x512xi32, #tpu.memory_space<hbm>> -> memref<2048x512xi32, #tpu.memory_space<hbm>>
    tpu.wait_indirect_dma semaphore(%arg11 : memref<!tpu.dma_semaphore, #tpu.memory_space<semaphore_mem>>) src(%dma_wait3A_212 : memref<2048x512xi32, #tpu.memory_space<hbm>>) dst(%arg7 : memref<56x512xi32, #tpu.memory_space<vmem>>)
    %add3A_213 = arith.constant 504 : i32
    %add3A_214 = arith.addi %mul3A_2, %add3A_213 : i32
    %dma_start3A_215 = arith.constant 0 : i32
    %dma_start3A_216 = tpu.memref_slice %arg4[%add3A_214, %dma_start3A_215] : memref<50176x512xi32, #tpu.memory_space<hbm>> -> memref<56x512xi32, #tpu.memory_space<hbm>>
    %dma_start3A_217 = arith.constant 0 : i32
    %dma_start3A_218 = tpu.memref_slice %arg4[%add3A_214, %dma_start3A_217] : memref<50176x512xi32, #tpu.memory_space<hbm>> -> memref<56x512xi32, #tpu.memory_space<hbm>>
    tpu.enqueue_dma source(%arg7 : memref<56x512xi32, #tpu.memory_space<vmem>>) target(%dma_start3A_218 : memref<56x512xi32, #tpu.memory_space<hbm>>) target_semaphore(%arg15 : memref<!tpu.dma_semaphore, #tpu.memory_space<semaphore_mem>>)
    %add3A_219 = arith.constant 448 : i32
    %add3A_220 = arith.addi %mul3A_2, %add3A_219 : i32
    %dma_wait3A_221 = arith.constant 0 : i32
    %dma_wait3A_222 = tpu.memref_slice %arg4[%add3A_220, %dma_wait3A_221] : memref<50176x512xi32, #tpu.memory_space<hbm>> -> memref<56x512xi32, #tpu.memory_space<hbm>>
    %dma_wait3A_223 = arith.constant 0 : i32
    %dma_wait3A_224 = tpu.memref_slice %arg4[%add3A_220, %dma_wait3A_223] : memref<50176x512xi32, #tpu.memory_space<hbm>> -> memref<56x512xi32, #tpu.memory_space<hbm>>
    tpu.wait_dma2 semaphore(%arg14 : memref<!tpu.dma_semaphore, #tpu.memory_space<semaphore_mem>>) src(%arg6 : memref<56x512xi32, #tpu.memory_space<vmem>>) dst(%dma_wait3A_224 : memref<56x512xi32, #tpu.memory_space<hbm>>)
    %dma_start3A_225 = arith.constant 672 : i32
    %dma_start3A_226 = tpu.memref_slice %arg5[%dma_start3A_225] : memref<1568xi32, #tpu.memory_space<vmem>> -> memref<56xi32, #tpu.memory_space<vmem>>
    %dma_start3A_227 = arith.constant 0 : i32
    %dma_start3A_228 = arith.constant 0 : i32
    %dma_start3A_229 = tpu.memref_slice %arg2[%dma_start3A_227, %dma_start3A_228] : memref<2048x512xi32, #tpu.memory_space<hbm>> -> memref<2048x512xi32, #tpu.memory_space<hbm>>
    tpu.enqueue_indirect_dma source(%dma_start3A_229 : memref<2048x512xi32, #tpu.memory_space<hbm>>) target(%arg6 : memref<56x512xi32, #tpu.memory_space<vmem>>) offsets(%dma_start3A_226 : memref<56xi32, #tpu.memory_space<vmem>>) semaphore(%arg10 : memref<!tpu.dma_semaphore, #tpu.memory_space<semaphore_mem>>)
    %dma_wait3A_230 = arith.constant 560 : i32
    %dma_wait3A_231 = tpu.memref_slice %arg5[%dma_wait3A_230] : memref<1568xi32, #tpu.memory_space<vmem>> -> memref<56xi32, #tpu.memory_space<vmem>>
    %dma_wait3A_232 = arith.constant 0 : i32
    %dma_wait3A_233 = arith.constant 0 : i32
    %dma_wait3A_234 = tpu.memref_slice %arg2[%dma_wait3A_232, %dma_wait3A_233] : memref<2048x512xi32, #tpu.memory_space<hbm>> -> memref<2048x512xi32, #tpu.memory_space<hbm>>
    tpu.wait_indirect_dma semaphore(%arg12 : memref<!tpu.dma_semaphore, #tpu.memory_space<semaphore_mem>>) src(%dma_wait3A_234 : memref<2048x512xi32, #tpu.memory_space<hbm>>) dst(%arg8 : memref<56x512xi32, #tpu.memory_space<vmem>>)
    %add3A_235 = arith.constant 560 : i32
    %add3A_236 = arith.addi %mul3A_2, %add3A_235 : i32
    %dma_start3A_237 = arith.constant 0 : i32
    %dma_start3A_238 = tpu.memref_slice %arg4[%add3A_236, %dma_start3A_237] : memref<50176x512xi32, #tpu.memory_space<hbm>> -> memref<56x512xi32, #tpu.memory_space<hbm>>
    %dma_start3A_239 = arith.constant 0 : i32
    %dma_start3A_240 = tpu.memref_slice %arg4[%add3A_236, %dma_start3A_239] : memref<50176x512xi32, #tpu.memory_space<hbm>> -> memref<56x512xi32, #tpu.memory_space<hbm>>
    tpu.enqueue_dma source(%arg8 : memref<56x512xi32, #tpu.memory_space<vmem>>) target(%dma_start3A_240 : memref<56x512xi32, #tpu.memory_space<hbm>>) target_semaphore(%arg16 : memref<!tpu.dma_semaphore, #tpu.memory_space<semaphore_mem>>)
    %add3A_241 = arith.constant 504 : i32
    %add3A_242 = arith.addi %mul3A_2, %add3A_241 : i32
    %dma_wait3A_243 = arith.constant 0 : i32
    %dma_wait3A_244 = tpu.memref_slice %arg4[%add3A_242, %dma_wait3A_243] : memref<50176x512xi32, #tpu.memory_space<hbm>> -> memref<56x512xi32, #tpu.memory_space<hbm>>
    %dma_wait3A_245 = arith.constant 0 : i32
    %dma_wait3A_246 = tpu.memref_slice %arg4[%add3A_242, %dma_wait3A_245] : memref<50176x512xi32, #tpu.memory_space<hbm>> -> memref<56x512xi32, #tpu.memory_space<hbm>>
    tpu.wait_dma2 semaphore(%arg15 : memref<!tpu.dma_semaphore, #tpu.memory_space<semaphore_mem>>) src(%arg7 : memref<56x512xi32, #tpu.memory_space<vmem>>) dst(%dma_wait3A_246 : memref<56x512xi32, #tpu.memory_space<hbm>>)
    %dma_start3A_247 = arith.constant 728 : i32
    %dma_start3A_248 = tpu.memref_slice %arg5[%dma_start3A_247] : memref<1568xi32, #tpu.memory_space<vmem>> -> memref<56xi32, #tpu.memory_space<vmem>>
    %dma_start3A_249 = arith.constant 0 : i32
    %dma_start3A_250 = arith.constant 0 : i32
    %dma_start3A_251 = tpu.memref_slice %arg2[%dma_start3A_249, %dma_start3A_250] : memref<2048x512xi32, #tpu.memory_space<hbm>> -> memref<2048x512xi32, #tpu.memory_space<hbm>>
    tpu.enqueue_indirect_dma source(%dma_start3A_251 : memref<2048x512xi32, #tpu.memory_space<hbm>>) target(%arg7 : memref<56x512xi32, #tpu.memory_space<vmem>>) offsets(%dma_start3A_248 : memref<56xi32, #tpu.memory_space<vmem>>) semaphore(%arg11 : memref<!tpu.dma_semaphore, #tpu.memory_space<semaphore_mem>>)
    %dma_wait3A_252 = arith.constant 616 : i32
    %dma_wait3A_253 = tpu.memref_slice %arg5[%dma_wait3A_252] : memref<1568xi32, #tpu.memory_space<vmem>> -> memref<56xi32, #tpu.memory_space<vmem>>
    %dma_wait3A_254 = arith.constant 0 : i32
    %dma_wait3A_255 = arith.constant 0 : i32
    %dma_wait3A_256 = tpu.memref_slice %arg2[%dma_wait3A_254, %dma_wait3A_255] : memref<2048x512xi32, #tpu.memory_space<hbm>> -> memref<2048x512xi32, #tpu.memory_space<hbm>>
    tpu.wait_indirect_dma semaphore(%arg13 : memref<!tpu.dma_semaphore, #tpu.memory_space<semaphore_mem>>) src(%dma_wait3A_256 : memref<2048x512xi32, #tpu.memory_space<hbm>>) dst(%arg9 : memref<56x512xi32, #tpu.memory_space<vmem>>)
    %add3A_257 = arith.constant 616 : i32
    %add3A_258 = arith.addi %mul3A_2, %add3A_257 : i32
    %dma_start3A_259 = arith.constant 0 : i32
    %dma_start3A_260 = tpu.memref_slice %arg4[%add3A_258, %dma_start3A_259] : memref<50176x512xi32, #tpu.memory_space<hbm>> -> memref<56x512xi32, #tpu.memory_space<hbm>>
    %dma_start3A_261 = arith.constant 0 : i32
    %dma_start3A_262 = tpu.memref_slice %arg4[%add3A_258, %dma_start3A_261] : memref<50176x512xi32, #tpu.memory_space<hbm>> -> memref<56x512xi32, #tpu.memory_space<hbm>>
    tpu.enqueue_dma source(%arg9 : memref<56x512xi32, #tpu.memory_space<vmem>>) target(%dma_start3A_262 : memref<56x512xi32, #tpu.memory_space<hbm>>) target_semaphore(%arg17 : memref<!tpu.dma_semaphore, #tpu.memory_space<semaphore_mem>>)
    %add3A_263 = arith.constant 560 : i32
    %add3A_264 = arith.addi %mul3A_2, %add3A_263 : i32
    %dma_wait3A_265 = arith.constant 0 : i32
    %dma_wait3A_266 = tpu.memref_slice %arg4[%add3A_264, %dma_wait3A_265] : memref<50176x512xi32, #tpu.memory_space<hbm>> -> memref<56x512xi32, #tpu.memory_space<hbm>>
    %dma_wait3A_267 = arith.constant 0 : i32
    %dma_wait3A_268 = tpu.memref_slice %arg4[%add3A_264, %dma_wait3A_267] : memref<50176x512xi32, #tpu.memory_space<hbm>> -> memref<56x512xi32, #tpu.memory_space<hbm>>
    tpu.wait_dma2 semaphore(%arg16 : memref<!tpu.dma_semaphore, #tpu.memory_space<semaphore_mem>>) src(%arg8 : memref<56x512xi32, #tpu.memory_space<vmem>>) dst(%dma_wait3A_268 : memref<56x512xi32, #tpu.memory_space<hbm>>)
    %dma_start3A_269 = arith.constant 784 : i32
    %dma_start3A_270 = tpu.memref_slice %arg5[%dma_start3A_269] : memref<1568xi32, #tpu.memory_space<vmem>> -> memref<56xi32, #tpu.memory_space<vmem>>
    %dma_start3A_271 = arith.constant 0 : i32
    %dma_start3A_272 = arith.constant 0 : i32
    %dma_start3A_273 = tpu.memref_slice %arg2[%dma_start3A_271, %dma_start3A_272] : memref<2048x512xi32, #tpu.memory_space<hbm>> -> memref<2048x512xi32, #tpu.memory_space<hbm>>
    tpu.enqueue_indirect_dma source(%dma_start3A_273 : memref<2048x512xi32, #tpu.memory_space<hbm>>) target(%arg8 : memref<56x512xi32, #tpu.memory_space<vmem>>) offsets(%dma_start3A_270 : memref<56xi32, #tpu.memory_space<vmem>>) semaphore(%arg12 : memref<!tpu.dma_semaphore, #tpu.memory_space<semaphore_mem>>)
    %dma_wait3A_274 = arith.constant 672 : i32
    %dma_wait3A_275 = tpu.memref_slice %arg5[%dma_wait3A_274] : memref<1568xi32, #tpu.memory_space<vmem>> -> memref<56xi32, #tpu.memory_space<vmem>>
    %dma_wait3A_276 = arith.constant 0 : i32
    %dma_wait3A_277 = arith.constant 0 : i32
    %dma_wait3A_278 = tpu.memref_slice %arg2[%dma_wait3A_276, %dma_wait3A_277] : memref<2048x512xi32, #tpu.memory_space<hbm>> -> memref<2048x512xi32, #tpu.memory_space<hbm>>
    tpu.wait_indirect_dma semaphore(%arg10 : memref<!tpu.dma_semaphore, #tpu.memory_space<semaphore_mem>>) src(%dma_wait3A_278 : memref<2048x512xi32, #tpu.memory_space<hbm>>) dst(%arg6 : memref<56x512xi32, #tpu.memory_space<vmem>>)
    %add3A_279 = arith.constant 672 : i32
    %add3A_280 = arith.addi %mul3A_2, %add3A_279 : i32
    %dma_start3A_281 = arith.constant 0 : i32
    %dma_start3A_282 = tpu.memref_slice %arg4[%add3A_280, %dma_start3A_281] : memref<50176x512xi32, #tpu.memory_space<hbm>> -> memref<56x512xi32, #tpu.memory_space<hbm>>
    %dma_start3A_283 = arith.constant 0 : i32
    %dma_start3A_284 = tpu.memref_slice %arg4[%add3A_280, %dma_start3A_283] : memref<50176x512xi32, #tpu.memory_space<hbm>> -> memref<56x512xi32, #tpu.memory_space<hbm>>
    tpu.enqueue_dma source(%arg6 : memref<56x512xi32, #tpu.memory_space<vmem>>) target(%dma_start3A_284 : memref<56x512xi32, #tpu.memory_space<hbm>>) target_semaphore(%arg14 : memref<!tpu.dma_semaphore, #tpu.memory_space<semaphore_mem>>)
    %add3A_285 = arith.constant 616 : i32
    %add3A_286 = arith.addi %mul3A_2, %add3A_285 : i32
    %dma_wait3A_287 = arith.constant 0 : i32
    %dma_wait3A_288 = tpu.memref_slice %arg4[%add3A_286, %dma_wait3A_287] : memref<50176x512xi32, #tpu.memory_space<hbm>> -> memref<56x512xi32, #tpu.memory_space<hbm>>
    %dma_wait3A_289 = arith.constant 0 : i32
    %dma_wait3A_290 = tpu.memref_slice %arg4[%add3A_286, %dma_wait3A_289] : memref<50176x512xi32, #tpu.memory_space<hbm>> -> memref<56x512xi32, #tpu.memory_space<hbm>>
    tpu.wait_dma2 semaphore(%arg17 : memref<!tpu.dma_semaphore, #tpu.memory_space<semaphore_mem>>) src(%arg9 : memref<56x512xi32, #tpu.memory_space<vmem>>) dst(%dma_wait3A_290 : memref<56x512xi32, #tpu.memory_space<hbm>>)
    %dma_start3A_291 = arith.constant 840 : i32
    %dma_start3A_292 = tpu.memref_slice %arg5[%dma_start3A_291] : memref<1568xi32, #tpu.memory_space<vmem>> -> memref<56xi32, #tpu.memory_space<vmem>>
    %dma_start3A_293 = arith.constant 0 : i32
    %dma_start3A_294 = arith.constant 0 : i32
    %dma_start3A_295 = tpu.memref_slice %arg2[%dma_start3A_293, %dma_start3A_294] : memref<2048x512xi32, #tpu.memory_space<hbm>> -> memref<2048x512xi32, #tpu.memory_space<hbm>>
    tpu.enqueue_indirect_dma source(%dma_start3A_295 : memref<2048x512xi32, #tpu.memory_space<hbm>>) target(%arg9 : memref<56x512xi32, #tpu.memory_space<vmem>>) offsets(%dma_start3A_292 : memref<56xi32, #tpu.memory_space<vmem>>) semaphore(%arg13 : memref<!tpu.dma_semaphore, #tpu.memory_space<semaphore_mem>>)
    %dma_wait3A_296 = arith.constant 728 : i32
    %dma_wait3A_297 = tpu.memref_slice %arg5[%dma_wait3A_296] : memref<1568xi32, #tpu.memory_space<vmem>> -> memref<56xi32, #tpu.memory_space<vmem>>
    %dma_wait3A_298 = arith.constant 0 : i32
    %dma_wait3A_299 = arith.constant 0 : i32
    %dma_wait3A_300 = tpu.memref_slice %arg2[%dma_wait3A_298, %dma_wait3A_299] : memref<2048x512xi32, #tpu.memory_space<hbm>> -> memref<2048x512xi32, #tpu.memory_space<hbm>>
    tpu.wait_indirect_dma semaphore(%arg11 : memref<!tpu.dma_semaphore, #tpu.memory_space<semaphore_mem>>) src(%dma_wait3A_300 : memref<2048x512xi32, #tpu.memory_space<hbm>>) dst(%arg7 : memref<56x512xi32, #tpu.memory_space<vmem>>)
    %add3A_301 = arith.constant 728 : i32
    %add3A_302 = arith.addi %mul3A_2, %add3A_301 : i32
    %dma_start3A_303 = arith.constant 0 : i32
    %dma_start3A_304 = tpu.memref_slice %arg4[%add3A_302, %dma_start3A_303] : memref<50176x512xi32, #tpu.memory_space<hbm>> -> memref<56x512xi32, #tpu.memory_space<hbm>>
    %dma_start3A_305 = arith.constant 0 : i32
    %dma_start3A_306 = tpu.memref_slice %arg4[%add3A_302, %dma_start3A_305] : memref<50176x512xi32, #tpu.memory_space<hbm>> -> memref<56x512xi32, #tpu.memory_space<hbm>>
    tpu.enqueue_dma source(%arg7 : memref<56x512xi32, #tpu.memory_space<vmem>>) target(%dma_start3A_306 : memref<56x512xi32, #tpu.memory_space<hbm>>) target_semaphore(%arg15 : memref<!tpu.dma_semaphore, #tpu.memory_space<semaphore_mem>>)
    %add3A_307 = arith.constant 672 : i32
    %add3A_308 = arith.addi %mul3A_2, %add3A_307 : i32
    %dma_wait3A_309 = arith.constant 0 : i32
    %dma_wait3A_310 = tpu.memref_slice %arg4[%add3A_308, %dma_wait3A_309] : memref<50176x512xi32, #tpu.memory_space<hbm>> -> memref<56x512xi32, #tpu.memory_space<hbm>>
    %dma_wait3A_311 = arith.constant 0 : i32
    %dma_wait3A_312 = tpu.memref_slice %arg4[%add3A_308, %dma_wait3A_311] : memref<50176x512xi32, #tpu.memory_space<hbm>> -> memref<56x512xi32, #tpu.memory_space<hbm>>
    tpu.wait_dma2 semaphore(%arg14 : memref<!tpu.dma_semaphore, #tpu.memory_space<semaphore_mem>>) src(%arg6 : memref<56x512xi32, #tpu.memory_space<vmem>>) dst(%dma_wait3A_312 : memref<56x512xi32, #tpu.memory_space<hbm>>)
    %dma_start3A_313 = arith.constant 896 : i32
    %dma_start3A_314 = tpu.memref_slice %arg5[%dma_start3A_313] : memref<1568xi32, #tpu.memory_space<vmem>> -> memref<56xi32, #tpu.memory_space<vmem>>
    %dma_start3A_315 = arith.constant 0 : i32
    %dma_start3A_316 = arith.constant 0 : i32
    %dma_start3A_317 = tpu.memref_slice %arg2[%dma_start3A_315, %dma_start3A_316] : memref<2048x512xi32, #tpu.memory_space<hbm>> -> memref<2048x512xi32, #tpu.memory_space<hbm>>
    tpu.enqueue_indirect_dma source(%dma_start3A_317 : memref<2048x512xi32, #tpu.memory_space<hbm>>) target(%arg6 : memref<56x512xi32, #tpu.memory_space<vmem>>) offsets(%dma_start3A_314 : memref<56xi32, #tpu.memory_space<vmem>>) semaphore(%arg10 : memref<!tpu.dma_semaphore, #tpu.memory_space<semaphore_mem>>)
    %dma_wait3A_318 = arith.constant 784 : i32
    %dma_wait3A_319 = tpu.memref_slice %arg5[%dma_wait3A_318] : memref<1568xi32, #tpu.memory_space<vmem>> -> memref<56xi32, #tpu.memory_space<vmem>>
    %dma_wait3A_320 = arith.constant 0 : i32
    %dma_wait3A_321 = arith.constant 0 : i32
    %dma_wait3A_322 = tpu.memref_slice %arg2[%dma_wait3A_320, %dma_wait3A_321] : memref<2048x512xi32, #tpu.memory_space<hbm>> -> memref<2048x512xi32, #tpu.memory_space<hbm>>
    tpu.wait_indirect_dma semaphore(%arg12 : memref<!tpu.dma_semaphore, #tpu.memory_space<semaphore_mem>>) src(%dma_wait3A_322 : memref<2048x512xi32, #tpu.memory_space<hbm>>) dst(%arg8 : memref<56x512xi32, #tpu.memory_space<vmem>>)
    %add3A_323 = arith.constant 784 : i32
    %add3A_324 = arith.addi %mul3A_2, %add3A_323 : i32
    %dma_start3A_325 = arith.constant 0 : i32
    %dma_start3A_326 = tpu.memref_slice %arg4[%add3A_324, %dma_start3A_325] : memref<50176x512xi32, #tpu.memory_space<hbm>> -> memref<56x512xi32, #tpu.memory_space<hbm>>
    %dma_start3A_327 = arith.constant 0 : i32
    %dma_start3A_328 = tpu.memref_slice %arg4[%add3A_324, %dma_start3A_327] : memref<50176x512xi32, #tpu.memory_space<hbm>> -> memref<56x512xi32, #tpu.memory_space<hbm>>
    tpu.enqueue_dma source(%arg8 : memref<56x512xi32, #tpu.memory_space<vmem>>) target(%dma_start3A_328 : memref<56x512xi32, #tpu.memory_space<hbm>>) target_semaphore(%arg16 : memref<!tpu.dma_semaphore, #tpu.memory_space<semaphore_mem>>)
    %add3A_329 = arith.constant 728 : i32
    %add3A_330 = arith.addi %mul3A_2, %add3A_329 : i32
    %dma_wait3A_331 = arith.constant 0 : i32
    %dma_wait3A_332 = tpu.memref_slice %arg4[%add3A_330, %dma_wait3A_331] : memref<50176x512xi32, #tpu.memory_space<hbm>> -> memref<56x512xi32, #tpu.memory_space<hbm>>
    %dma_wait3A_333 = arith.constant 0 : i32
    %dma_wait3A_334 = tpu.memref_slice %arg4[%add3A_330, %dma_wait3A_333] : memref<50176x512xi32, #tpu.memory_space<hbm>> -> memref<56x512xi32, #tpu.memory_space<hbm>>
    tpu.wait_dma2 semaphore(%arg15 : memref<!tpu.dma_semaphore, #tpu.memory_space<semaphore_mem>>) src(%arg7 : memref<56x512xi32, #tpu.memory_space<vmem>>) dst(%dma_wait3A_334 : memref<56x512xi32, #tpu.memory_space<hbm>>)
    %dma_start3A_335 = arith.constant 952 : i32
    %dma_start3A_336 = tpu.memref_slice %arg5[%dma_start3A_335] : memref<1568xi32, #tpu.memory_space<vmem>> -> memref<56xi32, #tpu.memory_space<vmem>>
    %dma_start3A_337 = arith.constant 0 : i32
    %dma_start3A_338 = arith.constant 0 : i32
    %dma_start3A_339 = tpu.memref_slice %arg2[%dma_start3A_337, %dma_start3A_338] : memref<2048x512xi32, #tpu.memory_space<hbm>> -> memref<2048x512xi32, #tpu.memory_space<hbm>>
    tpu.enqueue_indirect_dma source(%dma_start3A_339 : memref<2048x512xi32, #tpu.memory_space<hbm>>) target(%arg7 : memref<56x512xi32, #tpu.memory_space<vmem>>) offsets(%dma_start3A_336 : memref<56xi32, #tpu.memory_space<vmem>>) semaphore(%arg11 : memref<!tpu.dma_semaphore, #tpu.memory_space<semaphore_mem>>)
    %dma_wait3A_340 = arith.constant 840 : i32
    %dma_wait3A_341 = tpu.memref_slice %arg5[%dma_wait3A_340] : memref<1568xi32, #tpu.memory_space<vmem>> -> memref<56xi32, #tpu.memory_space<vmem>>
    %dma_wait3A_342 = arith.constant 0 : i32
    %dma_wait3A_343 = arith.constant 0 : i32
    %dma_wait3A_344 = tpu.memref_slice %arg2[%dma_wait3A_342, %dma_wait3A_343] : memref<2048x512xi32, #tpu.memory_space<hbm>> -> memref<2048x512xi32, #tpu.memory_space<hbm>>
    tpu.wait_indirect_dma semaphore(%arg13 : memref<!tpu.dma_semaphore, #tpu.memory_space<semaphore_mem>>) src(%dma_wait3A_344 : memref<2048x512xi32, #tpu.memory_space<hbm>>) dst(%arg9 : memref<56x512xi32, #tpu.memory_space<vmem>>)
    %add3A_345 = arith.constant 840 : i32
    %add3A_346 = arith.addi %mul3A_2, %add3A_345 : i32
    %dma_start3A_347 = arith.constant 0 : i32
    %dma_start3A_348 = tpu.memref_slice %arg4[%add3A_346, %dma_start3A_347] : memref<50176x512xi32, #tpu.memory_space<hbm>> -> memref<56x512xi32, #tpu.memory_space<hbm>>
    %dma_start3A_349 = arith.constant 0 : i32
    %dma_start3A_350 = tpu.memref_slice %arg4[%add3A_346, %dma_start3A_349] : memref<50176x512xi32, #tpu.memory_space<hbm>> -> memref<56x512xi32, #tpu.memory_space<hbm>>
    tpu.enqueue_dma source(%arg9 : memref<56x512xi32, #tpu.memory_space<vmem>>) target(%dma_start3A_350 : memref<56x512xi32, #tpu.memory_space<hbm>>) target_semaphore(%arg17 : memref<!tpu.dma_semaphore, #tpu.memory_space<semaphore_mem>>)
    %add3A_351 = arith.constant 784 : i32
    %add3A_352 = arith.addi %mul3A_2, %add3A_351 : i32
    %dma_wait3A_353 = arith.constant 0 : i32
    %dma_wait3A_354 = tpu.memref_slice %arg4[%add3A_352, %dma_wait3A_353] : memref<50176x512xi32, #tpu.memory_space<hbm>> -> memref<56x512xi32, #tpu.memory_space<hbm>>
    %dma_wait3A_355 = arith.constant 0 : i32
    %dma_wait3A_356 = tpu.memref_slice %arg4[%add3A_352, %dma_wait3A_355] : memref<50176x512xi32, #tpu.memory_space<hbm>> -> memref<56x512xi32, #tpu.memory_space<hbm>>
    tpu.wait_dma2 semaphore(%arg16 : memref<!tpu.dma_semaphore, #tpu.memory_space<semaphore_mem>>) src(%arg8 : memref<56x512xi32, #tpu.memory_space<vmem>>) dst(%dma_wait3A_356 : memref<56x512xi32, #tpu.memory_space<hbm>>)
    %dma_start3A_357 = arith.constant 1008 : i32
    %dma_start3A_358 = tpu.memref_slice %arg5[%dma_start3A_357] : memref<1568xi32, #tpu.memory_space<vmem>> -> memref<56xi32, #tpu.memory_space<vmem>>
    %dma_start3A_359 = arith.constant 0 : i32
    %dma_start3A_360 = arith.constant 0 : i32
    %dma_start3A_361 = tpu.memref_slice %arg2[%dma_start3A_359, %dma_start3A_360] : memref<2048x512xi32, #tpu.memory_space<hbm>> -> memref<2048x512xi32, #tpu.memory_space<hbm>>
    tpu.enqueue_indirect_dma source(%dma_start3A_361 : memref<2048x512xi32, #tpu.memory_space<hbm>>) target(%arg8 : memref<56x512xi32, #tpu.memory_space<vmem>>) offsets(%dma_start3A_358 : memref<56xi32, #tpu.memory_space<vmem>>) semaphore(%arg12 : memref<!tpu.dma_semaphore, #tpu.memory_space<semaphore_mem>>)
    %dma_wait3A_362 = arith.constant 896 : i32
    %dma_wait3A_363 = tpu.memref_slice %arg5[%dma_wait3A_362] : memref<1568xi32, #tpu.memory_space<vmem>> -> memref<56xi32, #tpu.memory_space<vmem>>
    %dma_wait3A_364 = arith.constant 0 : i32
    %dma_wait3A_365 = arith.constant 0 : i32
    %dma_wait3A_366 = tpu.memref_slice %arg2[%dma_wait3A_364, %dma_wait3A_365] : memref<2048x512xi32, #tpu.memory_space<hbm>> -> memref<2048x512xi32, #tpu.memory_space<hbm>>
    tpu.wait_indirect_dma semaphore(%arg10 : memref<!tpu.dma_semaphore, #tpu.memory_space<semaphore_mem>>) src(%dma_wait3A_366 : memref<2048x512xi32, #tpu.memory_space<hbm>>) dst(%arg6 : memref<56x512xi32, #tpu.memory_space<vmem>>)
    %add3A_367 = arith.constant 896 : i32
    %add3A_368 = arith.addi %mul3A_2, %add3A_367 : i32
    %dma_start3A_369 = arith.constant 0 : i32
    %dma_start3A_370 = tpu.memref_slice %arg4[%add3A_368, %dma_start3A_369] : memref<50176x512xi32, #tpu.memory_space<hbm>> -> memref<56x512xi32, #tpu.memory_space<hbm>>
    %dma_start3A_371 = arith.constant 0 : i32
    %dma_start3A_372 = tpu.memref_slice %arg4[%add3A_368, %dma_start3A_371] : memref<50176x512xi32, #tpu.memory_space<hbm>> -> memref<56x512xi32, #tpu.memory_space<hbm>>
    tpu.enqueue_dma source(%arg6 : memref<56x512xi32, #tpu.memory_space<vmem>>) target(%dma_start3A_372 : memref<56x512xi32, #tpu.memory_space<hbm>>) target_semaphore(%arg14 : memref<!tpu.dma_semaphore, #tpu.memory_space<semaphore_mem>>)
    %add3A_373 = arith.constant 840 : i32
    %add3A_374 = arith.addi %mul3A_2, %add3A_373 : i32
    %dma_wait3A_375 = arith.constant 0 : i32
    %dma_wait3A_376 = tpu.memref_slice %arg4[%add3A_374, %dma_wait3A_375] : memref<50176x512xi32, #tpu.memory_space<hbm>> -> memref<56x512xi32, #tpu.memory_space<hbm>>
    %dma_wait3A_377 = arith.constant 0 : i32
    %dma_wait3A_378 = tpu.memref_slice %arg4[%add3A_374, %dma_wait3A_377] : memref<50176x512xi32, #tpu.memory_space<hbm>> -> memref<56x512xi32, #tpu.memory_space<hbm>>
    tpu.wait_dma2 semaphore(%arg17 : memref<!tpu.dma_semaphore, #tpu.memory_space<semaphore_mem>>) src(%arg9 : memref<56x512xi32, #tpu.memory_space<vmem>>) dst(%dma_wait3A_378 : memref<56x512xi32, #tpu.memory_space<hbm>>)
    %dma_start3A_379 = arith.constant 1064 : i32
    %dma_start3A_380 = tpu.memref_slice %arg5[%dma_start3A_379] : memref<1568xi32, #tpu.memory_space<vmem>> -> memref<56xi32, #tpu.memory_space<vmem>>
    %dma_start3A_381 = arith.constant 0 : i32
    %dma_start3A_382 = arith.constant 0 : i32
    %dma_start3A_383 = tpu.memref_slice %arg2[%dma_start3A_381, %dma_start3A_382] : memref<2048x512xi32, #tpu.memory_space<hbm>> -> memref<2048x512xi32, #tpu.memory_space<hbm>>
    tpu.enqueue_indirect_dma source(%dma_start3A_383 : memref<2048x512xi32, #tpu.memory_space<hbm>>) target(%arg9 : memref<56x512xi32, #tpu.memory_space<vmem>>) offsets(%dma_start3A_380 : memref<56xi32, #tpu.memory_space<vmem>>) semaphore(%arg13 : memref<!tpu.dma_semaphore, #tpu.memory_space<semaphore_mem>>)
    %dma_wait3A_384 = arith.constant 952 : i32
    %dma_wait3A_385 = tpu.memref_slice %arg5[%dma_wait3A_384] : memref<1568xi32, #tpu.memory_space<vmem>> -> memref<56xi32, #tpu.memory_space<vmem>>
    %dma_wait3A_386 = arith.constant 0 : i32
    %dma_wait3A_387 = arith.constant 0 : i32
    %dma_wait3A_388 = tpu.memref_slice %arg2[%dma_wait3A_386, %dma_wait3A_387] : memref<2048x512xi32, #tpu.memory_space<hbm>> -> memref<2048x512xi32, #tpu.memory_space<hbm>>
    tpu.wait_indirect_dma semaphore(%arg11 : memref<!tpu.dma_semaphore, #tpu.memory_space<semaphore_mem>>) src(%dma_wait3A_388 : memref<2048x512xi32, #tpu.memory_space<hbm>>) dst(%arg7 : memref<56x512xi32, #tpu.memory_space<vmem>>)
    %add3A_389 = arith.constant 952 : i32
    %add3A_390 = arith.addi %mul3A_2, %add3A_389 : i32
    %dma_start3A_391 = arith.constant 0 : i32
    %dma_start3A_392 = tpu.memref_slice %arg4[%add3A_390, %dma_start3A_391] : memref<50176x512xi32, #tpu.memory_space<hbm>> -> memref<56x512xi32, #tpu.memory_space<hbm>>
    %dma_start3A_393 = arith.constant 0 : i32
    %dma_start3A_394 = tpu.memref_slice %arg4[%add3A_390, %dma_start3A_393] : memref<50176x512xi32, #tpu.memory_space<hbm>> -> memref<56x512xi32, #tpu.memory_space<hbm>>
    tpu.enqueue_dma source(%arg7 : memref<56x512xi32, #tpu.memory_space<vmem>>) target(%dma_start3A_394 : memref<56x512xi32, #tpu.memory_space<hbm>>) target_semaphore(%arg15 : memref<!tpu.dma_semaphore, #tpu.memory_space<semaphore_mem>>)
    %add3A_395 = arith.constant 896 : i32
    %add3A_396 = arith.addi %mul3A_2, %add3A_395 : i32
    %dma_wait3A_397 = arith.constant 0 : i32
    %dma_wait3A_398 = tpu.memref_slice %arg4[%add3A_396, %dma_wait3A_397] : memref<50176x512xi32, #tpu.memory_space<hbm>> -> memref<56x512xi32, #tpu.memory_space<hbm>>
    %dma_wait3A_399 = arith.constant 0 : i32
    %dma_wait3A_400 = tpu.memref_slice %arg4[%add3A_396, %dma_wait3A_399] : memref<50176x512xi32, #tpu.memory_space<hbm>> -> memref<56x512xi32, #tpu.memory_space<hbm>>
    tpu.wait_dma2 semaphore(%arg14 : memref<!tpu.dma_semaphore, #tpu.memory_space<semaphore_mem>>) src(%arg6 : memref<56x512xi32, #tpu.memory_space<vmem>>) dst(%dma_wait3A_400 : memref<56x512xi32, #tpu.memory_space<hbm>>)
    %dma_start3A_401 = arith.constant 1120 : i32
    %dma_start3A_402 = tpu.memref_slice %arg5[%dma_start3A_401] : memref<1568xi32, #tpu.memory_space<vmem>> -> memref<56xi32, #tpu.memory_space<vmem>>
    %dma_start3A_403 = arith.constant 0 : i32
    %dma_start3A_404 = arith.constant 0 : i32
    %dma_start3A_405 = tpu.memref_slice %arg2[%dma_start3A_403, %dma_start3A_404] : memref<2048x512xi32, #tpu.memory_space<hbm>> -> memref<2048x512xi32, #tpu.memory_space<hbm>>
    tpu.enqueue_indirect_dma source(%dma_start3A_405 : memref<2048x512xi32, #tpu.memory_space<hbm>>) target(%arg6 : memref<56x512xi32, #tpu.memory_space<vmem>>) offsets(%dma_start3A_402 : memref<56xi32, #tpu.memory_space<vmem>>) semaphore(%arg10 : memref<!tpu.dma_semaphore, #tpu.memory_space<semaphore_mem>>)
    %dma_wait3A_406 = arith.constant 1008 : i32
    %dma_wait3A_407 = tpu.memref_slice %arg5[%dma_wait3A_406] : memref<1568xi32, #tpu.memory_space<vmem>> -> memref<56xi32, #tpu.memory_space<vmem>>
    %dma_wait3A_408 = arith.constant 0 : i32
    %dma_wait3A_409 = arith.constant 0 : i32
    %dma_wait3A_410 = tpu.memref_slice %arg2[%dma_wait3A_408, %dma_wait3A_409] : memref<2048x512xi32, #tpu.memory_space<hbm>> -> memref<2048x512xi32, #tpu.memory_space<hbm>>
    tpu.wait_indirect_dma semaphore(%arg12 : memref<!tpu.dma_semaphore, #tpu.memory_space<semaphore_mem>>) src(%dma_wait3A_410 : memref<2048x512xi32, #tpu.memory_space<hbm>>) dst(%arg8 : memref<56x512xi32, #tpu.memory_space<vmem>>)
    %add3A_411 = arith.constant 1008 : i32
    %add3A_412 = arith.addi %mul3A_2, %add3A_411 : i32
    %dma_start3A_413 = arith.constant 0 : i32
    %dma_start3A_414 = tpu.memref_slice %arg4[%add3A_412, %dma_start3A_413] : memref<50176x512xi32, #tpu.memory_space<hbm>> -> memref<56x512xi32, #tpu.memory_space<hbm>>
    %dma_start3A_415 = arith.constant 0 : i32
    %dma_start3A_416 = tpu.memref_slice %arg4[%add3A_412, %dma_start3A_415] : memref<50176x512xi32, #tpu.memory_space<hbm>> -> memref<56x512xi32, #tpu.memory_space<hbm>>
    tpu.enqueue_dma source(%arg8 : memref<56x512xi32, #tpu.memory_space<vmem>>) target(%dma_start3A_416 : memref<56x512xi32, #tpu.memory_space<hbm>>) target_semaphore(%arg16 : memref<!tpu.dma_semaphore, #tpu.memory_space<semaphore_mem>>)
    %add3A_417 = arith.constant 952 : i32
    %add3A_418 = arith.addi %mul3A_2, %add3A_417 : i32
    %dma_wait3A_419 = arith.constant 0 : i32
    %dma_wait3A_420 = tpu.memref_slice %arg4[%add3A_418, %dma_wait3A_419] : memref<50176x512xi32, #tpu.memory_space<hbm>> -> memref<56x512xi32, #tpu.memory_space<hbm>>
    %dma_wait3A_421 = arith.constant 0 : i32
    %dma_wait3A_422 = tpu.memref_slice %arg4[%add3A_418, %dma_wait3A_421] : memref<50176x512xi32, #tpu.memory_space<hbm>> -> memref<56x512xi32, #tpu.memory_space<hbm>>
    tpu.wait_dma2 semaphore(%arg15 : memref<!tpu.dma_semaphore, #tpu.memory_space<semaphore_mem>>) src(%arg7 : memref<56x512xi32, #tpu.memory_space<vmem>>) dst(%dma_wait3A_422 : memref<56x512xi32, #tpu.memory_space<hbm>>)
    %dma_start3A_423 = arith.constant 1176 : i32
    %dma_start3A_424 = tpu.memref_slice %arg5[%dma_start3A_423] : memref<1568xi32, #tpu.memory_space<vmem>> -> memref<56xi32, #tpu.memory_space<vmem>>
    %dma_start3A_425 = arith.constant 0 : i32
    %dma_start3A_426 = arith.constant 0 : i32
    %dma_start3A_427 = tpu.memref_slice %arg2[%dma_start3A_425, %dma_start3A_426] : memref<2048x512xi32, #tpu.memory_space<hbm>> -> memref<2048x512xi32, #tpu.memory_space<hbm>>
    tpu.enqueue_indirect_dma source(%dma_start3A_427 : memref<2048x512xi32, #tpu.memory_space<hbm>>) target(%arg7 : memref<56x512xi32, #tpu.memory_space<vmem>>) offsets(%dma_start3A_424 : memref<56xi32, #tpu.memory_space<vmem>>) semaphore(%arg11 : memref<!tpu.dma_semaphore, #tpu.memory_space<semaphore_mem>>)
    %dma_wait3A_428 = arith.constant 1064 : i32
    %dma_wait3A_429 = tpu.memref_slice %arg5[%dma_wait3A_428] : memref<1568xi32, #tpu.memory_space<vmem>> -> memref<56xi32, #tpu.memory_space<vmem>>
    %dma_wait3A_430 = arith.constant 0 : i32
    %dma_wait3A_431 = arith.constant 0 : i32
    %dma_wait3A_432 = tpu.memref_slice %arg2[%dma_wait3A_430, %dma_wait3A_431] : memref<2048x512xi32, #tpu.memory_space<hbm>> -> memref<2048x512xi32, #tpu.memory_space<hbm>>
    tpu.wait_indirect_dma semaphore(%arg13 : memref<!tpu.dma_semaphore, #tpu.memory_space<semaphore_mem>>) src(%dma_wait3A_432 : memref<2048x512xi32, #tpu.memory_space<hbm>>) dst(%arg9 : memref<56x512xi32, #tpu.memory_space<vmem>>)
    %add3A_433 = arith.constant 1064 : i32
    %add3A_434 = arith.addi %mul3A_2, %add3A_433 : i32
    %dma_start3A_435 = arith.constant 0 : i32
    %dma_start3A_436 = tpu.memref_slice %arg4[%add3A_434, %dma_start3A_435] : memref<50176x512xi32, #tpu.memory_space<hbm>> -> memref<56x512xi32, #tpu.memory_space<hbm>>
    %dma_start3A_437 = arith.constant 0 : i32
    %dma_start3A_438 = tpu.memref_slice %arg4[%add3A_434, %dma_start3A_437] : memref<50176x512xi32, #tpu.memory_space<hbm>> -> memref<56x512xi32, #tpu.memory_space<hbm>>
    tpu.enqueue_dma source(%arg9 : memref<56x512xi32, #tpu.memory_space<vmem>>) target(%dma_start3A_438 : memref<56x512xi32, #tpu.memory_space<hbm>>) target_semaphore(%arg17 : memref<!tpu.dma_semaphore, #tpu.memory_space<semaphore_mem>>)
    %add3A_439 = arith.constant 1008 : i32
    %add3A_440 = arith.addi %mul3A_2, %add3A_439 : i32
    %dma_wait3A_441 = arith.constant 0 : i32
    %dma_wait3A_442 = tpu.memref_slice %arg4[%add3A_440, %dma_wait3A_441] : memref<50176x512xi32, #tpu.memory_space<hbm>> -> memref<56x512xi32, #tpu.memory_space<hbm>>
    %dma_wait3A_443 = arith.constant 0 : i32
    %dma_wait3A_444 = tpu.memref_slice %arg4[%add3A_440, %dma_wait3A_443] : memref<50176x512xi32, #tpu.memory_space<hbm>> -> memref<56x512xi32, #tpu.memory_space<hbm>>
    tpu.wait_dma2 semaphore(%arg16 : memref<!tpu.dma_semaphore, #tpu.memory_space<semaphore_mem>>) src(%arg8 : memref<56x512xi32, #tpu.memory_space<vmem>>) dst(%dma_wait3A_444 : memref<56x512xi32, #tpu.memory_space<hbm>>)
    %dma_start3A_445 = arith.constant 1232 : i32
    %dma_start3A_446 = tpu.memref_slice %arg5[%dma_start3A_445] : memref<1568xi32, #tpu.memory_space<vmem>> -> memref<56xi32, #tpu.memory_space<vmem>>
    %dma_start3A_447 = arith.constant 0 : i32
    %dma_start3A_448 = arith.constant 0 : i32
    %dma_start3A_449 = tpu.memref_slice %arg2[%dma_start3A_447, %dma_start3A_448] : memref<2048x512xi32, #tpu.memory_space<hbm>> -> memref<2048x512xi32, #tpu.memory_space<hbm>>
    tpu.enqueue_indirect_dma source(%dma_start3A_449 : memref<2048x512xi32, #tpu.memory_space<hbm>>) target(%arg8 : memref<56x512xi32, #tpu.memory_space<vmem>>) offsets(%dma_start3A_446 : memref<56xi32, #tpu.memory_space<vmem>>) semaphore(%arg12 : memref<!tpu.dma_semaphore, #tpu.memory_space<semaphore_mem>>)
    %dma_wait3A_450 = arith.constant 1120 : i32
    %dma_wait3A_451 = tpu.memref_slice %arg5[%dma_wait3A_450] : memref<1568xi32, #tpu.memory_space<vmem>> -> memref<56xi32, #tpu.memory_space<vmem>>
    %dma_wait3A_452 = arith.constant 0 : i32
    %dma_wait3A_453 = arith.constant 0 : i32
    %dma_wait3A_454 = tpu.memref_slice %arg2[%dma_wait3A_452, %dma_wait3A_453] : memref<2048x512xi32, #tpu.memory_space<hbm>> -> memref<2048x512xi32, #tpu.memory_space<hbm>>
    tpu.wait_indirect_dma semaphore(%arg10 : memref<!tpu.dma_semaphore, #tpu.memory_space<semaphore_mem>>) src(%dma_wait3A_454 : memref<2048x512xi32, #tpu.memory_space<hbm>>) dst(%arg6 : memref<56x512xi32, #tpu.memory_space<vmem>>)
    %add3A_455 = arith.constant 1120 : i32
    %add3A_456 = arith.addi %mul3A_2, %add3A_455 : i32
    %dma_start3A_457 = arith.constant 0 : i32
    %dma_start3A_458 = tpu.memref_slice %arg4[%add3A_456, %dma_start3A_457] : memref<50176x512xi32, #tpu.memory_space<hbm>> -> memref<56x512xi32, #tpu.memory_space<hbm>>
    %dma_start3A_459 = arith.constant 0 : i32
    %dma_start3A_460 = tpu.memref_slice %arg4[%add3A_456, %dma_start3A_459] : memref<50176x512xi32, #tpu.memory_space<hbm>> -> memref<56x512xi32, #tpu.memory_space<hbm>>
    tpu.enqueue_dma source(%arg6 : memref<56x512xi32, #tpu.memory_space<vmem>>) target(%dma_start3A_460 : memref<56x512xi32, #tpu.memory_space<hbm>>) target_semaphore(%arg14 : memref<!tpu.dma_semaphore, #tpu.memory_space<semaphore_mem>>)
    %add3A_461 = arith.constant 1064 : i32
    %add3A_462 = arith.addi %mul3A_2, %add3A_461 : i32
    %dma_wait3A_463 = arith.constant 0 : i32
    %dma_wait3A_464 = tpu.memref_slice %arg4[%add3A_462, %dma_wait3A_463] : memref<50176x512xi32, #tpu.memory_space<hbm>> -> memref<56x512xi32, #tpu.memory_space<hbm>>
    %dma_wait3A_465 = arith.constant 0 : i32
    %dma_wait3A_466 = tpu.memref_slice %arg4[%add3A_462, %dma_wait3A_465] : memref<50176x512xi32, #tpu.memory_space<hbm>> -> memref<56x512xi32, #tpu.memory_space<hbm>>
    tpu.wait_dma2 semaphore(%arg17 : memref<!tpu.dma_semaphore, #tpu.memory_space<semaphore_mem>>) src(%arg9 : memref<56x512xi32, #tpu.memory_space<vmem>>) dst(%dma_wait3A_466 : memref<56x512xi32, #tpu.memory_space<hbm>>)
    %dma_start3A_467 = arith.constant 1288 : i32
    %dma_start3A_468 = tpu.memref_slice %arg5[%dma_start3A_467] : memref<1568xi32, #tpu.memory_space<vmem>> -> memref<56xi32, #tpu.memory_space<vmem>>
    %dma_start3A_469 = arith.constant 0 : i32
    %dma_start3A_470 = arith.constant 0 : i32
    %dma_start3A_471 = tpu.memref_slice %arg2[%dma_start3A_469, %dma_start3A_470] : memref<2048x512xi32, #tpu.memory_space<hbm>> -> memref<2048x512xi32, #tpu.memory_space<hbm>>
    tpu.enqueue_indirect_dma source(%dma_start3A_471 : memref<2048x512xi32, #tpu.memory_space<hbm>>) target(%arg9 : memref<56x512xi32, #tpu.memory_space<vmem>>) offsets(%dma_start3A_468 : memref<56xi32, #tpu.memory_space<vmem>>) semaphore(%arg13 : memref<!tpu.dma_semaphore, #tpu.memory_space<semaphore_mem>>)
    %dma_wait3A_472 = arith.constant 1176 : i32
    %dma_wait3A_473 = tpu.memref_slice %arg5[%dma_wait3A_472] : memref<1568xi32, #tpu.memory_space<vmem>> -> memref<56xi32, #tpu.memory_space<vmem>>
    %dma_wait3A_474 = arith.constant 0 : i32
    %dma_wait3A_475 = arith.constant 0 : i32
    %dma_wait3A_476 = tpu.memref_slice %arg2[%dma_wait3A_474, %dma_wait3A_475] : memref<2048x512xi32, #tpu.memory_space<hbm>> -> memref<2048x512xi32, #tpu.memory_space<hbm>>
    tpu.wait_indirect_dma semaphore(%arg11 : memref<!tpu.dma_semaphore, #tpu.memory_space<semaphore_mem>>) src(%dma_wait3A_476 : memref<2048x512xi32, #tpu.memory_space<hbm>>) dst(%arg7 : memref<56x512xi32, #tpu.memory_space<vmem>>)
    %add3A_477 = arith.constant 1176 : i32
    %add3A_478 = arith.addi %mul3A_2, %add3A_477 : i32
    %dma_start3A_479 = arith.constant 0 : i32
    %dma_start3A_480 = tpu.memref_slice %arg4[%add3A_478, %dma_start3A_479] : memref<50176x512xi32, #tpu.memory_space<hbm>> -> memref<56x512xi32, #tpu.memory_space<hbm>>
    %dma_start3A_481 = arith.constant 0 : i32
    %dma_start3A_482 = tpu.memref_slice %arg4[%add3A_478, %dma_start3A_481] : memref<50176x512xi32, #tpu.memory_space<hbm>> -> memref<56x512xi32, #tpu.memory_space<hbm>>
    tpu.enqueue_dma source(%arg7 : memref<56x512xi32, #tpu.memory_space<vmem>>) target(%dma_start3A_482 : memref<56x512xi32, #tpu.memory_space<hbm>>) target_semaphore(%arg15 : memref<!tpu.dma_semaphore, #tpu.memory_space<semaphore_mem>>)
    %add3A_483 = arith.constant 1120 : i32
    %add3A_484 = arith.addi %mul3A_2, %add3A_483 : i32
    %dma_wait3A_485 = arith.constant 0 : i32
    %dma_wait3A_486 = tpu.memref_slice %arg4[%add3A_484, %dma_wait3A_485] : memref<50176x512xi32, #tpu.memory_space<hbm>> -> memref<56x512xi32, #tpu.memory_space<hbm>>
    %dma_wait3A_487 = arith.constant 0 : i32
    %dma_wait3A_488 = tpu.memref_slice %arg4[%add3A_484, %dma_wait3A_487] : memref<50176x512xi32, #tpu.memory_space<hbm>> -> memref<56x512xi32, #tpu.memory_space<hbm>>
    tpu.wait_dma2 semaphore(%arg14 : memref<!tpu.dma_semaphore, #tpu.memory_space<semaphore_mem>>) src(%arg6 : memref<56x512xi32, #tpu.memory_space<vmem>>) dst(%dma_wait3A_488 : memref<56x512xi32, #tpu.memory_space<hbm>>)
    %dma_start3A_489 = arith.constant 1344 : i32
    %dma_start3A_490 = tpu.memref_slice %arg5[%dma_start3A_489] : memref<1568xi32, #tpu.memory_space<vmem>> -> memref<56xi32, #tpu.memory_space<vmem>>
    %dma_start3A_491 = arith.constant 0 : i32
    %dma_start3A_492 = arith.constant 0 : i32
    %dma_start3A_493 = tpu.memref_slice %arg2[%dma_start3A_491, %dma_start3A_492] : memref<2048x512xi32, #tpu.memory_space<hbm>> -> memref<2048x512xi32, #tpu.memory_space<hbm>>
    tpu.enqueue_indirect_dma source(%dma_start3A_493 : memref<2048x512xi32, #tpu.memory_space<hbm>>) target(%arg6 : memref<56x512xi32, #tpu.memory_space<vmem>>) offsets(%dma_start3A_490 : memref<56xi32, #tpu.memory_space<vmem>>) semaphore(%arg10 : memref<!tpu.dma_semaphore, #tpu.memory_space<semaphore_mem>>)
    %dma_wait3A_494 = arith.constant 1232 : i32
    %dma_wait3A_495 = tpu.memref_slice %arg5[%dma_wait3A_494] : memref<1568xi32, #tpu.memory_space<vmem>> -> memref<56xi32, #tpu.memory_space<vmem>>
    %dma_wait3A_496 = arith.constant 0 : i32
    %dma_wait3A_497 = arith.constant 0 : i32
    %dma_wait3A_498 = tpu.memref_slice %arg2[%dma_wait3A_496, %dma_wait3A_497] : memref<2048x512xi32, #tpu.memory_space<hbm>> -> memref<2048x512xi32, #tpu.memory_space<hbm>>
    tpu.wait_indirect_dma semaphore(%arg12 : memref<!tpu.dma_semaphore, #tpu.memory_space<semaphore_mem>>) src(%dma_wait3A_498 : memref<2048x512xi32, #tpu.memory_space<hbm>>) dst(%arg8 : memref<56x512xi32, #tpu.memory_space<vmem>>)
    %add3A_499 = arith.constant 1232 : i32
    %add3A_500 = arith.addi %mul3A_2, %add3A_499 : i32
    %dma_start3A_501 = arith.constant 0 : i32
    %dma_start3A_502 = tpu.memref_slice %arg4[%add3A_500, %dma_start3A_501] : memref<50176x512xi32, #tpu.memory_space<hbm>> -> memref<56x512xi32, #tpu.memory_space<hbm>>
    %dma_start3A_503 = arith.constant 0 : i32
    %dma_start3A_504 = tpu.memref_slice %arg4[%add3A_500, %dma_start3A_503] : memref<50176x512xi32, #tpu.memory_space<hbm>> -> memref<56x512xi32, #tpu.memory_space<hbm>>
    tpu.enqueue_dma source(%arg8 : memref<56x512xi32, #tpu.memory_space<vmem>>) target(%dma_start3A_504 : memref<56x512xi32, #tpu.memory_space<hbm>>) target_semaphore(%arg16 : memref<!tpu.dma_semaphore, #tpu.memory_space<semaphore_mem>>)
    %add3A_505 = arith.constant 1176 : i32
    %add3A_506 = arith.addi %mul3A_2, %add3A_505 : i32
    %dma_wait3A_507 = arith.constant 0 : i32
    %dma_wait3A_508 = tpu.memref_slice %arg4[%add3A_506, %dma_wait3A_507] : memref<50176x512xi32, #tpu.memory_space<hbm>> -> memref<56x512xi32, #tpu.memory_space<hbm>>
    %dma_wait3A_509 = arith.constant 0 : i32
    %dma_wait3A_510 = tpu.memref_slice %arg4[%add3A_506, %dma_wait3A_509] : memref<50176x512xi32, #tpu.memory_space<hbm>> -> memref<56x512xi32, #tpu.memory_space<hbm>>
    tpu.wait_dma2 semaphore(%arg15 : memref<!tpu.dma_semaphore, #tpu.memory_space<semaphore_mem>>) src(%arg7 : memref<56x512xi32, #tpu.memory_space<vmem>>) dst(%dma_wait3A_510 : memref<56x512xi32, #tpu.memory_space<hbm>>)
    %dma_start3A_511 = arith.constant 1400 : i32
    %dma_start3A_512 = tpu.memref_slice %arg5[%dma_start3A_511] : memref<1568xi32, #tpu.memory_space<vmem>> -> memref<56xi32, #tpu.memory_space<vmem>>
    %dma_start3A_513 = arith.constant 0 : i32
    %dma_start3A_514 = arith.constant 0 : i32
    %dma_start3A_515 = tpu.memref_slice %arg2[%dma_start3A_513, %dma_start3A_514] : memref<2048x512xi32, #tpu.memory_space<hbm>> -> memref<2048x512xi32, #tpu.memory_space<hbm>>
    tpu.enqueue_indirect_dma source(%dma_start3A_515 : memref<2048x512xi32, #tpu.memory_space<hbm>>) target(%arg7 : memref<56x512xi32, #tpu.memory_space<vmem>>) offsets(%dma_start3A_512 : memref<56xi32, #tpu.memory_space<vmem>>) semaphore(%arg11 : memref<!tpu.dma_semaphore, #tpu.memory_space<semaphore_mem>>)
    %dma_wait3A_516 = arith.constant 1288 : i32
    %dma_wait3A_517 = tpu.memref_slice %arg5[%dma_wait3A_516] : memref<1568xi32, #tpu.memory_space<vmem>> -> memref<56xi32, #tpu.memory_space<vmem>>
    %dma_wait3A_518 = arith.constant 0 : i32
    %dma_wait3A_519 = arith.constant 0 : i32
    %dma_wait3A_520 = tpu.memref_slice %arg2[%dma_wait3A_518, %dma_wait3A_519] : memref<2048x512xi32, #tpu.memory_space<hbm>> -> memref<2048x512xi32, #tpu.memory_space<hbm>>
    tpu.wait_indirect_dma semaphore(%arg13 : memref<!tpu.dma_semaphore, #tpu.memory_space<semaphore_mem>>) src(%dma_wait3A_520 : memref<2048x512xi32, #tpu.memory_space<hbm>>) dst(%arg9 : memref<56x512xi32, #tpu.memory_space<vmem>>)
    %add3A_521 = arith.constant 1288 : i32
    %add3A_522 = arith.addi %mul3A_2, %add3A_521 : i32
    %dma_start3A_523 = arith.constant 0 : i32
    %dma_start3A_524 = tpu.memref_slice %arg4[%add3A_522, %dma_start3A_523] : memref<50176x512xi32, #tpu.memory_space<hbm>> -> memref<56x512xi32, #tpu.memory_space<hbm>>
    %dma_start3A_525 = arith.constant 0 : i32
    %dma_start3A_526 = tpu.memref_slice %arg4[%add3A_522, %dma_start3A_525] : memref<50176x512xi32, #tpu.memory_space<hbm>> -> memref<56x512xi32, #tpu.memory_space<hbm>>
    tpu.enqueue_dma source(%arg9 : memref<56x512xi32, #tpu.memory_space<vmem>>) target(%dma_start3A_526 : memref<56x512xi32, #tpu.memory_space<hbm>>) target_semaphore(%arg17 : memref<!tpu.dma_semaphore, #tpu.memory_space<semaphore_mem>>)
    %add3A_527 = arith.constant 1232 : i32
    %add3A_528 = arith.addi %mul3A_2, %add3A_527 : i32
    %dma_wait3A_529 = arith.constant 0 : i32
    %dma_wait3A_530 = tpu.memref_slice %arg4[%add3A_528, %dma_wait3A_529] : memref<50176x512xi32, #tpu.memory_space<hbm>> -> memref<56x512xi32, #tpu.memory_space<hbm>>
    %dma_wait3A_531 = arith.constant 0 : i32
    %dma_wait3A_532 = tpu.memref_slice %arg4[%add3A_528, %dma_wait3A_531] : memref<50176x512xi32, #tpu.memory_space<hbm>> -> memref<56x512xi32, #tpu.memory_space<hbm>>
    tpu.wait_dma2 semaphore(%arg16 : memref<!tpu.dma_semaphore, #tpu.memory_space<semaphore_mem>>) src(%arg8 : memref<56x512xi32, #tpu.memory_space<vmem>>) dst(%dma_wait3A_532 : memref<56x512xi32, #tpu.memory_space<hbm>>)
    %dma_start3A_533 = arith.constant 1456 : i32
    %dma_start3A_534 = tpu.memref_slice %arg5[%dma_start3A_533] : memref<1568xi32, #tpu.memory_space<vmem>> -> memref<56xi32, #tpu.memory_space<vmem>>
    %dma_start3A_535 = arith.constant 0 : i32
    %dma_start3A_536 = arith.constant 0 : i32
    %dma_start3A_537 = tpu.memref_slice %arg2[%dma_start3A_535, %dma_start3A_536] : memref<2048x512xi32, #tpu.memory_space<hbm>> -> memref<2048x512xi32, #tpu.memory_space<hbm>>
    tpu.enqueue_indirect_dma source(%dma_start3A_537 : memref<2048x512xi32, #tpu.memory_space<hbm>>) target(%arg8 : memref<56x512xi32, #tpu.memory_space<vmem>>) offsets(%dma_start3A_534 : memref<56xi32, #tpu.memory_space<vmem>>) semaphore(%arg12 : memref<!tpu.dma_semaphore, #tpu.memory_space<semaphore_mem>>)
    %dma_wait3A_538 = arith.constant 1344 : i32
    %dma_wait3A_539 = tpu.memref_slice %arg5[%dma_wait3A_538] : memref<1568xi32, #tpu.memory_space<vmem>> -> memref<56xi32, #tpu.memory_space<vmem>>
    %dma_wait3A_540 = arith.constant 0 : i32
    %dma_wait3A_541 = arith.constant 0 : i32
    %dma_wait3A_542 = tpu.memref_slice %arg2[%dma_wait3A_540, %dma_wait3A_541] : memref<2048x512xi32, #tpu.memory_space<hbm>> -> memref<2048x512xi32, #tpu.memory_space<hbm>>
    tpu.wait_indirect_dma semaphore(%arg10 : memref<!tpu.dma_semaphore, #tpu.memory_space<semaphore_mem>>) src(%dma_wait3A_542 : memref<2048x512xi32, #tpu.memory_space<hbm>>) dst(%arg6 : memref<56x512xi32, #tpu.memory_space<vmem>>)
    %add3A_543 = arith.constant 1344 : i32
    %add3A_544 = arith.addi %mul3A_2, %add3A_543 : i32
    %dma_start3A_545 = arith.constant 0 : i32
    %dma_start3A_546 = tpu.memref_slice %arg4[%add3A_544, %dma_start3A_545] : memref<50176x512xi32, #tpu.memory_space<hbm>> -> memref<56x512xi32, #tpu.memory_space<hbm>>
    %dma_start3A_547 = arith.constant 0 : i32
    %dma_start3A_548 = tpu.memref_slice %arg4[%add3A_544, %dma_start3A_547] : memref<50176x512xi32, #tpu.memory_space<hbm>> -> memref<56x512xi32, #tpu.memory_space<hbm>>
    tpu.enqueue_dma source(%arg6 : memref<56x512xi32, #tpu.memory_space<vmem>>) target(%dma_start3A_548 : memref<56x512xi32, #tpu.memory_space<hbm>>) target_semaphore(%arg14 : memref<!tpu.dma_semaphore, #tpu.memory_space<semaphore_mem>>)
    %add3A_549 = arith.constant 1288 : i32
    %add3A_550 = arith.addi %mul3A_2, %add3A_549 : i32
    %dma_wait3A_551 = arith.constant 0 : i32
    %dma_wait3A_552 = tpu.memref_slice %arg4[%add3A_550, %dma_wait3A_551] : memref<50176x512xi32, #tpu.memory_space<hbm>> -> memref<56x512xi32, #tpu.memory_space<hbm>>
    %dma_wait3A_553 = arith.constant 0 : i32
    %dma_wait3A_554 = tpu.memref_slice %arg4[%add3A_550, %dma_wait3A_553] : memref<50176x512xi32, #tpu.memory_space<hbm>> -> memref<56x512xi32, #tpu.memory_space<hbm>>
    tpu.wait_dma2 semaphore(%arg17 : memref<!tpu.dma_semaphore, #tpu.memory_space<semaphore_mem>>) src(%arg9 : memref<56x512xi32, #tpu.memory_space<vmem>>) dst(%dma_wait3A_554 : memref<56x512xi32, #tpu.memory_space<hbm>>)
    %dma_start3A_555 = arith.constant 1512 : i32
    %dma_start3A_556 = tpu.memref_slice %arg5[%dma_start3A_555] : memref<1568xi32, #tpu.memory_space<vmem>> -> memref<56xi32, #tpu.memory_space<vmem>>
    %dma_start3A_557 = arith.constant 0 : i32
    %dma_start3A_558 = arith.constant 0 : i32
    %dma_start3A_559 = tpu.memref_slice %arg2[%dma_start3A_557, %dma_start3A_558] : memref<2048x512xi32, #tpu.memory_space<hbm>> -> memref<2048x512xi32, #tpu.memory_space<hbm>>
    tpu.enqueue_indirect_dma source(%dma_start3A_559 : memref<2048x512xi32, #tpu.memory_space<hbm>>) target(%arg9 : memref<56x512xi32, #tpu.memory_space<vmem>>) offsets(%dma_start3A_556 : memref<56xi32, #tpu.memory_space<vmem>>) semaphore(%arg13 : memref<!tpu.dma_semaphore, #tpu.memory_space<semaphore_mem>>)
    %dma_wait3A_560 = arith.constant 1400 : i32
    %dma_wait3A_561 = tpu.memref_slice %arg5[%dma_wait3A_560] : memref<1568xi32, #tpu.memory_space<vmem>> -> memref<56xi32, #tpu.memory_space<vmem>>
    %dma_wait3A_562 = arith.constant 0 : i32
    %dma_wait3A_563 = arith.constant 0 : i32
    %dma_wait3A_564 = tpu.memref_slice %arg2[%dma_wait3A_562, %dma_wait3A_563] : memref<2048x512xi32, #tpu.memory_space<hbm>> -> memref<2048x512xi32, #tpu.memory_space<hbm>>
    tpu.wait_indirect_dma semaphore(%arg11 : memref<!tpu.dma_semaphore, #tpu.memory_space<semaphore_mem>>) src(%dma_wait3A_564 : memref<2048x512xi32, #tpu.memory_space<hbm>>) dst(%arg7 : memref<56x512xi32, #tpu.memory_space<vmem>>)
    %add3A_565 = arith.constant 1400 : i32
    %add3A_566 = arith.addi %mul3A_2, %add3A_565 : i32
    %dma_start3A_567 = arith.constant 0 : i32
    %dma_start3A_568 = tpu.memref_slice %arg4[%add3A_566, %dma_start3A_567] : memref<50176x512xi32, #tpu.memory_space<hbm>> -> memref<56x512xi32, #tpu.memory_space<hbm>>
    %dma_start3A_569 = arith.constant 0 : i32
    %dma_start3A_570 = tpu.memref_slice %arg4[%add3A_566, %dma_start3A_569] : memref<50176x512xi32, #tpu.memory_space<hbm>> -> memref<56x512xi32, #tpu.memory_space<hbm>>
    tpu.enqueue_dma source(%arg7 : memref<56x512xi32, #tpu.memory_space<vmem>>) target(%dma_start3A_570 : memref<56x512xi32, #tpu.memory_space<hbm>>) target_semaphore(%arg15 : memref<!tpu.dma_semaphore, #tpu.memory_space<semaphore_mem>>)
    %dma_wait3A_571 = arith.constant 1456 : i32
    %dma_wait3A_572 = tpu.memref_slice %arg5[%dma_wait3A_571] : memref<1568xi32, #tpu.memory_space<vmem>> -> memref<56xi32, #tpu.memory_space<vmem>>
    %dma_wait3A_573 = arith.constant 0 : i32
    %dma_wait3A_574 = arith.constant 0 : i32
    %dma_wait3A_575 = tpu.memref_slice %arg2[%dma_wait3A_573, %dma_wait3A_574] : memref<2048x512xi32, #tpu.memory_space<hbm>> -> memref<2048x512xi32, #tpu.memory_space<hbm>>
    tpu.wait_indirect_dma semaphore(%arg12 : memref<!tpu.dma_semaphore, #tpu.memory_space<semaphore_mem>>) src(%dma_wait3A_575 : memref<2048x512xi32, #tpu.memory_space<hbm>>) dst(%arg8 : memref<56x512xi32, #tpu.memory_space<vmem>>)
    %add3A_576 = arith.constant 1456 : i32
    %add3A_577 = arith.addi %mul3A_2, %add3A_576 : i32
    %dma_start3A_578 = arith.constant 0 : i32
    %dma_start3A_579 = tpu.memref_slice %arg4[%add3A_577, %dma_start3A_578] : memref<50176x512xi32, #tpu.memory_space<hbm>> -> memref<56x512xi32, #tpu.memory_space<hbm>>
    %dma_start3A_580 = arith.constant 0 : i32
    %dma_start3A_581 = tpu.memref_slice %arg4[%add3A_577, %dma_start3A_580] : memref<50176x512xi32, #tpu.memory_space<hbm>> -> memref<56x512xi32, #tpu.memory_space<hbm>>
    tpu.enqueue_dma source(%arg8 : memref<56x512xi32, #tpu.memory_space<vmem>>) target(%dma_start3A_581 : memref<56x512xi32, #tpu.memory_space<hbm>>) target_semaphore(%arg16 : memref<!tpu.dma_semaphore, #tpu.memory_space<semaphore_mem>>)
    %dma_wait3A_582 = arith.constant 1512 : i32
    %dma_wait3A_583 = tpu.memref_slice %arg5[%dma_wait3A_582] : memref<1568xi32, #tpu.memory_space<vmem>> -> memref<56xi32, #tpu.memory_space<vmem>>
    %dma_wait3A_584 = arith.constant 0 : i32
    %dma_wait3A_585 = arith.constant 0 : i32
    %dma_wait3A_586 = tpu.memref_slice %arg2[%dma_wait3A_584, %dma_wait3A_585] : memref<2048x512xi32, #tpu.memory_space<hbm>> -> memref<2048x512xi32, #tpu.memory_space<hbm>>
    tpu.wait_indirect_dma semaphore(%arg13 : memref<!tpu.dma_semaphore, #tpu.memory_space<semaphore_mem>>) src(%dma_wait3A_586 : memref<2048x512xi32, #tpu.memory_space<hbm>>) dst(%arg9 : memref<56x512xi32, #tpu.memory_space<vmem>>)
    %add3A_587 = arith.constant 1512 : i32
    %add3A_588 = arith.addi %mul3A_2, %add3A_587 : i32
    %dma_start3A_589 = arith.constant 0 : i32
    %dma_start3A_590 = tpu.memref_slice %arg4[%add3A_588, %dma_start3A_589] : memref<50176x512xi32, #tpu.memory_space<hbm>> -> memref<56x512xi32, #tpu.memory_space<hbm>>
    %dma_start3A_591 = arith.constant 0 : i32
    %dma_start3A_592 = tpu.memref_slice %arg4[%add3A_588, %dma_start3A_591] : memref<50176x512xi32, #tpu.memory_space<hbm>> -> memref<56x512xi32, #tpu.memory_space<hbm>>
    tpu.enqueue_dma source(%arg9 : memref<56x512xi32, #tpu.memory_space<vmem>>) target(%dma_start3A_592 : memref<56x512xi32, #tpu.memory_space<hbm>>) target_semaphore(%arg17 : memref<!tpu.dma_semaphore, #tpu.memory_space<semaphore_mem>>)
    %add3A_593 = arith.constant 1344 : i32
    %add3A_594 = arith.addi %mul3A_2, %add3A_593 : i32
    %dma_wait3A_595 = arith.constant 0 : i32
    %dma_wait3A_596 = tpu.memref_slice %arg4[%add3A_594, %dma_wait3A_595] : memref<50176x512xi32, #tpu.memory_space<hbm>> -> memref<56x512xi32, #tpu.memory_space<hbm>>
    %dma_wait3A_597 = arith.constant 0 : i32
    %dma_wait3A_598 = tpu.memref_slice %arg4[%add3A_594, %dma_wait3A_597] : memref<50176x512xi32, #tpu.memory_space<hbm>> -> memref<56x512xi32, #tpu.memory_space<hbm>>
    tpu.wait_dma2 semaphore(%arg14 : memref<!tpu.dma_semaphore, #tpu.memory_space<semaphore_mem>>) src(%arg6 : memref<56x512xi32, #tpu.memory_space<vmem>>) dst(%dma_wait3A_598 : memref<56x512xi32, #tpu.memory_space<hbm>>)
    %add3A_599 = arith.constant 1400 : i32
    %add3A_600 = arith.addi %mul3A_2, %add3A_599 : i32
    %dma_wait3A_601 = arith.constant 0 : i32
    %dma_wait3A_602 = tpu.memref_slice %arg4[%add3A_600, %dma_wait3A_601] : memref<50176x512xi32, #tpu.memory_space<hbm>> -> memref<56x512xi32, #tpu.memory_space<hbm>>
    %dma_wait3A_603 = arith.constant 0 : i32
    %dma_wait3A_604 = tpu.memref_slice %arg4[%add3A_600, %dma_wait3A_603] : memref<50176x512xi32, #tpu.memory_space<hbm>> -> memref<56x512xi32, #tpu.memory_space<hbm>>
    tpu.wait_dma2 semaphore(%arg15 : memref<!tpu.dma_semaphore, #tpu.memory_space<semaphore_mem>>) src(%arg7 : memref<56x512xi32, #tpu.memory_space<vmem>>) dst(%dma_wait3A_604 : memref<56x512xi32, #tpu.memory_space<hbm>>)
    %add3A_605 = arith.constant 1456 : i32
    %add3A_606 = arith.addi %mul3A_2, %add3A_605 : i32
    %dma_wait3A_607 = arith.constant 0 : i32
    %dma_wait3A_608 = tpu.memref_slice %arg4[%add3A_606, %dma_wait3A_607] : memref<50176x512xi32, #tpu.memory_space<hbm>> -> memref<56x512xi32, #tpu.memory_space<hbm>>
    %dma_wait3A_609 = arith.constant 0 : i32
    %dma_wait3A_610 = tpu.memref_slice %arg4[%add3A_606, %dma_wait3A_609] : memref<50176x512xi32, #tpu.memory_space<hbm>> -> memref<56x512xi32, #tpu.memory_space<hbm>>
    tpu.wait_dma2 semaphore(%arg16 : memref<!tpu.dma_semaphore, #tpu.memory_space<semaphore_mem>>) src(%arg8 : memref<56x512xi32, #tpu.memory_space<vmem>>) dst(%dma_wait3A_610 : memref<56x512xi32, #tpu.memory_space<hbm>>)
    %add3A_611 = arith.constant 1512 : i32
    %add3A_612 = arith.addi %mul3A_2, %add3A_611 : i32
    %dma_wait3A_613 = arith.constant 0 : i32
    %dma_wait3A_614 = tpu.memref_slice %arg4[%add3A_612, %dma_wait3A_613] : memref<50176x512xi32, #tpu.memory_space<hbm>> -> memref<56x512xi32, #tpu.memory_space<hbm>>
    %dma_wait3A_615 = arith.constant 0 : i32
    %dma_wait3A_616 = tpu.memref_slice %arg4[%add3A_612, %dma_wait3A_615] : memref<50176x512xi32, #tpu.memory_space<hbm>> -> memref<56x512xi32, #tpu.memory_space<hbm>>
    tpu.wait_dma2 semaphore(%arg17 : memref<!tpu.dma_semaphore, #tpu.memory_space<semaphore_mem>>) src(%arg9 : memref<56x512xi32, #tpu.memory_space<vmem>>) dst(%dma_wait3A_616 : memref<56x512xi32, #tpu.memory_space<hbm>>)
    return
  }
}

#map = affine_map<(d0, d1) -> (0)>
module attributes {stable_mosaic.version = 14 : i64} {
  func.func @k(%arg0: i32, %arg1: i32, %arg2: memref<150000xi32, #tpu.memory_space<hbm>>, %arg3: memref<702464xi32, #tpu.memory_space<hbm>>, %arg4: memref<2107392xi32, #tpu.memory_space<hbm>>, %arg5: memref<50000xi32, #tpu.memory_space<vmem>>, %arg6: memref<21952xi32, #tpu.memory_space<vmem>>, %arg7: memref<21952xi32, #tpu.memory_space<vmem>>) attributes {dimension_semantics = [#tpu.dimension_semantics<core_parallel>, #tpu.dimension_semantics<subcore_parallel>], iteration_bounds = array<i64: 2, 16>, scalar_prefetch = 0 : i64, scratch_operands = 3 : i64, tpu.core_type = #tpu.core_type<sc_vector_subcore>, window_params = [{transform_indices = #map}, {transform_indices = #map}, {transform_indices = #map}]} {
    %mul3A = arith.constant 2 : i32
    %mul3A_0 = arith.muli %arg1, %mul3A : i32
    %add3A = arith.addi %mul3A_0, %arg0 : i32
    %mul3A_1 = arith.constant 21952 : i32
    %mul3A_2 = arith.muli %add3A, %mul3A_1 : i32
    "tpu.region"() ({
      %run_scoped3A = tpu.sem_alloc : memref<!tpu.dma_semaphore, #tpu.memory_space<semaphore_mem>>
      %dma_start3A = tpu.memref_slice %arg3[%mul3A_2] : memref<702464xi32, #tpu.memory_space<hbm>> -> memref<21952xi32, #tpu.memory_space<hbm>>
      %dma_start3A_17 = tpu.memref_slice %arg3[%mul3A_2] : memref<702464xi32, #tpu.memory_space<hbm>> -> memref<21952xi32, #tpu.memory_space<hbm>>
      tpu.enqueue_dma source(%dma_start3A_17 : memref<21952xi32, #tpu.memory_space<hbm>>) target(%arg6 : memref<21952xi32, #tpu.memory_space<vmem>>) target_semaphore(%run_scoped3A : memref<!tpu.dma_semaphore, #tpu.memory_space<semaphore_mem>>)
      %dma_wait3A = tpu.memref_slice %arg3[%mul3A_2] : memref<702464xi32, #tpu.memory_space<hbm>> -> memref<21952xi32, #tpu.memory_space<hbm>>
      %dma_wait3A_18 = tpu.memref_slice %arg3[%mul3A_2] : memref<702464xi32, #tpu.memory_space<hbm>> -> memref<21952xi32, #tpu.memory_space<hbm>>
      tpu.wait_dma2 semaphore(%run_scoped3A : memref<!tpu.dma_semaphore, #tpu.memory_space<semaphore_mem>>) src(%dma_wait3A_18 : memref<21952xi32, #tpu.memory_space<hbm>>) dst(%arg6 : memref<21952xi32, #tpu.memory_space<vmem>>)
      tpu.yield
    }) : () -> ()
    "tpu.region"() ({
      %run_scoped3A = tpu.sem_alloc : memref<!tpu.dma_semaphore, #tpu.memory_space<semaphore_mem>>
      %dma_start3A = arith.constant 0 : i32
      %dma_start3A_17 = tpu.memref_slice %arg2[%dma_start3A] : memref<150000xi32, #tpu.memory_space<hbm>> -> memref<50000xi32, #tpu.memory_space<hbm>>
      %dma_start3A_18 = arith.constant 0 : i32
      %dma_start3A_19 = tpu.memref_slice %arg2[%dma_start3A_18] : memref<150000xi32, #tpu.memory_space<hbm>> -> memref<50000xi32, #tpu.memory_space<hbm>>
      tpu.enqueue_dma source(%dma_start3A_19 : memref<50000xi32, #tpu.memory_space<hbm>>) target(%arg5 : memref<50000xi32, #tpu.memory_space<vmem>>) target_semaphore(%run_scoped3A : memref<!tpu.dma_semaphore, #tpu.memory_space<semaphore_mem>>)
      %dma_wait3A = arith.constant 0 : i32
      %dma_wait3A_20 = tpu.memref_slice %arg2[%dma_wait3A] : memref<150000xi32, #tpu.memory_space<hbm>> -> memref<50000xi32, #tpu.memory_space<hbm>>
      %dma_wait3A_21 = arith.constant 0 : i32
      %dma_wait3A_22 = tpu.memref_slice %arg2[%dma_wait3A_21] : memref<150000xi32, #tpu.memory_space<hbm>> -> memref<50000xi32, #tpu.memory_space<hbm>>
      tpu.wait_dma2 semaphore(%run_scoped3A : memref<!tpu.dma_semaphore, #tpu.memory_space<semaphore_mem>>) src(%dma_wait3A_22 : memref<50000xi32, #tpu.memory_space<hbm>>) dst(%arg5 : memref<50000xi32, #tpu.memory_space<vmem>>)
      tpu.yield
    }) : () -> ()
    %parallel_loop3A = arith.constant 0 : i32
    %parallel_loop3A_3 = arith.constant 21952 : i32
    %parallel_loop3A_4 = arith.constant 16 : i32
    scf.for %parallel_loop3A_17 = %parallel_loop3A to %parallel_loop3A_3 step %parallel_loop3A_4  : i32 {
      %parallel_loop3A_18 = arith.index_cast %parallel_loop3A_17 : i32 to index
      %parallel_loop3A_19 = tpu.vector_load %arg6[%parallel_loop3A_18] {strides = array<i32>} : memref<21952xi32, #tpu.memory_space<vmem>>, vector<16xi32>,
      %parallel_loop3A_20 = tpu.vector_load_idx %arg5[%parallel_loop3A_19] : memref<50000xi32, #tpu.memory_space<vmem>>[vector<16xi32>], vector<16xi32>,
      %parallel_loop3A_21 = arith.index_cast %parallel_loop3A_17 : i32 to index
      %parallel_loop3A_22 = tpu.vector_load %arg7[%parallel_loop3A_21] {strides = array<i32>} : memref<21952xi32, #tpu.memory_space<vmem>>, vector<16xi32>,
      tpu.vector_store %arg7[%parallel_loop3A_21], %parallel_loop3A_20 {strides = array<i32>} : memref<21952xi32, #tpu.memory_space<vmem>>, vector<16xi32>,
    } {sc.loop_unroll_factor = 8 : i64, sc.parallel_access}
    %add3A_5 = arith.constant 0 : i32
    %add3A_6 = arith.addi %add3A_5, %mul3A_2 : i32
    "tpu.region"() ({
      %run_scoped3A = tpu.sem_alloc : memref<!tpu.dma_semaphore, #tpu.memory_space<semaphore_mem>>
      %dma_start3A = tpu.memref_slice %arg4[%add3A_6] : memref<2107392xi32, #tpu.memory_space<hbm>> -> memref<21952xi32, #tpu.memory_space<hbm>>
      %dma_start3A_17 = tpu.memref_slice %arg4[%add3A_6] : memref<2107392xi32, #tpu.memory_space<hbm>> -> memref<21952xi32, #tpu.memory_space<hbm>>
      tpu.enqueue_dma source(%arg7 : memref<21952xi32, #tpu.memory_space<vmem>>) target(%dma_start3A_17 : memref<21952xi32, #tpu.memory_space<hbm>>) target_semaphore(%run_scoped3A : memref<!tpu.dma_semaphore, #tpu.memory_space<semaphore_mem>>)
      %dma_wait3A = tpu.memref_slice %arg4[%add3A_6] : memref<2107392xi32, #tpu.memory_space<hbm>> -> memref<21952xi32, #tpu.memory_space<hbm>>
      %dma_wait3A_18 = tpu.memref_slice %arg4[%add3A_6] : memref<2107392xi32, #tpu.memory_space<hbm>> -> memref<21952xi32, #tpu.memory_space<hbm>>
      tpu.wait_dma2 semaphore(%run_scoped3A : memref<!tpu.dma_semaphore, #tpu.memory_space<semaphore_mem>>) src(%arg7 : memref<21952xi32, #tpu.memory_space<vmem>>) dst(%dma_wait3A_18 : memref<21952xi32, #tpu.memory_space<hbm>>)
      tpu.yield
    }) : () -> ()
    "tpu.region"() ({
      %run_scoped3A = tpu.sem_alloc : memref<!tpu.dma_semaphore, #tpu.memory_space<semaphore_mem>>
      %dma_start3A = arith.constant 50000 : i32
      %dma_start3A_17 = tpu.memref_slice %arg2[%dma_start3A] : memref<150000xi32, #tpu.memory_space<hbm>> -> memref<50000xi32, #tpu.memory_space<hbm>>
      %dma_start3A_18 = arith.constant 50000 : i32
      %dma_start3A_19 = tpu.memref_slice %arg2[%dma_start3A_18] : memref<150000xi32, #tpu.memory_space<hbm>> -> memref<50000xi32, #tpu.memory_space<hbm>>
      tpu.enqueue_dma source(%dma_start3A_19 : memref<50000xi32, #tpu.memory_space<hbm>>) target(%arg5 : memref<50000xi32, #tpu.memory_space<vmem>>) target_semaphore(%run_scoped3A : memref<!tpu.dma_semaphore, #tpu.memory_space<semaphore_mem>>)
      %dma_wait3A = arith.constant 50000 : i32
      %dma_wait3A_20 = tpu.memref_slice %arg2[%dma_wait3A] : memref<150000xi32, #tpu.memory_space<hbm>> -> memref<50000xi32, #tpu.memory_space<hbm>>
      %dma_wait3A_21 = arith.constant 50000 : i32
      %dma_wait3A_22 = tpu.memref_slice %arg2[%dma_wait3A_21] : memref<150000xi32, #tpu.memory_space<hbm>> -> memref<50000xi32, #tpu.memory_space<hbm>>
      tpu.wait_dma2 semaphore(%run_scoped3A : memref<!tpu.dma_semaphore, #tpu.memory_space<semaphore_mem>>) src(%dma_wait3A_22 : memref<50000xi32, #tpu.memory_space<hbm>>) dst(%arg5 : memref<50000xi32, #tpu.memory_space<vmem>>)
      tpu.yield
    }) : () -> ()
    %parallel_loop3A_7 = arith.constant 0 : i32
    %parallel_loop3A_8 = arith.constant 21952 : i32
    %parallel_loop3A_9 = arith.constant 16 : i32
    scf.for %parallel_loop3A_17 = %parallel_loop3A_7 to %parallel_loop3A_8 step %parallel_loop3A_9  : i32 {
      %parallel_loop3A_18 = arith.index_cast %parallel_loop3A_17 : i32 to index
      %parallel_loop3A_19 = tpu.vector_load %arg6[%parallel_loop3A_18] {strides = array<i32>} : memref<21952xi32, #tpu.memory_space<vmem>>, vector<16xi32>,
      %parallel_loop3A_20 = tpu.vector_load_idx %arg5[%parallel_loop3A_19] : memref<50000xi32, #tpu.memory_space<vmem>>[vector<16xi32>], vector<16xi32>,
      %parallel_loop3A_21 = arith.index_cast %parallel_loop3A_17 : i32 to index
      %parallel_loop3A_22 = tpu.vector_load %arg7[%parallel_loop3A_21] {strides = array<i32>} : memref<21952xi32, #tpu.memory_space<vmem>>, vector<16xi32>,
      tpu.vector_store %arg7[%parallel_loop3A_21], %parallel_loop3A_20 {strides = array<i32>} : memref<21952xi32, #tpu.memory_space<vmem>>, vector<16xi32>,
    } {sc.loop_unroll_factor = 8 : i64, sc.parallel_access}
    %add3A_10 = arith.constant 702464 : i32
    %add3A_11 = arith.addi %add3A_10, %mul3A_2 : i32
    "tpu.region"() ({
      %run_scoped3A = tpu.sem_alloc : memref<!tpu.dma_semaphore, #tpu.memory_space<semaphore_mem>>
      %dma_start3A = tpu.memref_slice %arg4[%add3A_11] : memref<2107392xi32, #tpu.memory_space<hbm>> -> memref<21952xi32, #tpu.memory_space<hbm>>
      %dma_start3A_17 = tpu.memref_slice %arg4[%add3A_11] : memref<2107392xi32, #tpu.memory_space<hbm>> -> memref<21952xi32, #tpu.memory_space<hbm>>
      tpu.enqueue_dma source(%arg7 : memref<21952xi32, #tpu.memory_space<vmem>>) target(%dma_start3A_17 : memref<21952xi32, #tpu.memory_space<hbm>>) target_semaphore(%run_scoped3A : memref<!tpu.dma_semaphore, #tpu.memory_space<semaphore_mem>>)
      %dma_wait3A = tpu.memref_slice %arg4[%add3A_11] : memref<2107392xi32, #tpu.memory_space<hbm>> -> memref<21952xi32, #tpu.memory_space<hbm>>
      %dma_wait3A_18 = tpu.memref_slice %arg4[%add3A_11] : memref<2107392xi32, #tpu.memory_space<hbm>> -> memref<21952xi32, #tpu.memory_space<hbm>>
      tpu.wait_dma2 semaphore(%run_scoped3A : memref<!tpu.dma_semaphore, #tpu.memory_space<semaphore_mem>>) src(%arg7 : memref<21952xi32, #tpu.memory_space<vmem>>) dst(%dma_wait3A_18 : memref<21952xi32, #tpu.memory_space<hbm>>)
      tpu.yield
    }) : () -> ()
    "tpu.region"() ({
      %run_scoped3A = tpu.sem_alloc : memref<!tpu.dma_semaphore, #tpu.memory_space<semaphore_mem>>
      %dma_start3A = arith.constant 100000 : i32
      %dma_start3A_17 = tpu.memref_slice %arg2[%dma_start3A] : memref<150000xi32, #tpu.memory_space<hbm>> -> memref<50000xi32, #tpu.memory_space<hbm>>
      %dma_start3A_18 = arith.constant 100000 : i32
      %dma_start3A_19 = tpu.memref_slice %arg2[%dma_start3A_18] : memref<150000xi32, #tpu.memory_space<hbm>> -> memref<50000xi32, #tpu.memory_space<hbm>>
      tpu.enqueue_dma source(%dma_start3A_19 : memref<50000xi32, #tpu.memory_space<hbm>>) target(%arg5 : memref<50000xi32, #tpu.memory_space<vmem>>) target_semaphore(%run_scoped3A : memref<!tpu.dma_semaphore, #tpu.memory_space<semaphore_mem>>)
      %dma_wait3A = arith.constant 100000 : i32
      %dma_wait3A_20 = tpu.memref_slice %arg2[%dma_wait3A] : memref<150000xi32, #tpu.memory_space<hbm>> -> memref<50000xi32, #tpu.memory_space<hbm>>
      %dma_wait3A_21 = arith.constant 100000 : i32
      %dma_wait3A_22 = tpu.memref_slice %arg2[%dma_wait3A_21] : memref<150000xi32, #tpu.memory_space<hbm>> -> memref<50000xi32, #tpu.memory_space<hbm>>
      tpu.wait_dma2 semaphore(%run_scoped3A : memref<!tpu.dma_semaphore, #tpu.memory_space<semaphore_mem>>) src(%dma_wait3A_22 : memref<50000xi32, #tpu.memory_space<hbm>>) dst(%arg5 : memref<50000xi32, #tpu.memory_space<vmem>>)
      tpu.yield
    }) : () -> ()
    %parallel_loop3A_12 = arith.constant 0 : i32
    %parallel_loop3A_13 = arith.constant 21952 : i32
    %parallel_loop3A_14 = arith.constant 16 : i32
    scf.for %parallel_loop3A_17 = %parallel_loop3A_12 to %parallel_loop3A_13 step %parallel_loop3A_14  : i32 {
      %parallel_loop3A_18 = arith.index_cast %parallel_loop3A_17 : i32 to index
      %parallel_loop3A_19 = tpu.vector_load %arg6[%parallel_loop3A_18] {strides = array<i32>} : memref<21952xi32, #tpu.memory_space<vmem>>, vector<16xi32>,
      %parallel_loop3A_20 = tpu.vector_load_idx %arg5[%parallel_loop3A_19] : memref<50000xi32, #tpu.memory_space<vmem>>[vector<16xi32>], vector<16xi32>,
      %parallel_loop3A_21 = arith.index_cast %parallel_loop3A_17 : i32 to index
      %parallel_loop3A_22 = tpu.vector_load %arg7[%parallel_loop3A_21] {strides = array<i32>} : memref<21952xi32, #tpu.memory_space<vmem>>, vector<16xi32>,
      tpu.vector_store %arg7[%parallel_loop3A_21], %parallel_loop3A_20 {strides = array<i32>} : memref<21952xi32, #tpu.memory_space<vmem>>, vector<16xi32>,
    } {sc.loop_unroll_factor = 8 : i64, sc.parallel_access}
    %add3A_15 = arith.constant 1404928 : i32
    %add3A_16 = arith.addi %add3A_15, %mul3A_2 : i32
    "tpu.region"() ({
      %run_scoped3A = tpu.sem_alloc : memref<!tpu.dma_semaphore, #tpu.memory_space<semaphore_mem>>
      %dma_start3A = tpu.memref_slice %arg4[%add3A_16] : memref<2107392xi32, #tpu.memory_space<hbm>> -> memref<21952xi32, #tpu.memory_space<hbm>>
      %dma_start3A_17 = tpu.memref_slice %arg4[%add3A_16] : memref<2107392xi32, #tpu.memory_space<hbm>> -> memref<21952xi32, #tpu.memory_space<hbm>>
      tpu.enqueue_dma source(%arg7 : memref<21952xi32, #tpu.memory_space<vmem>>) target(%dma_start3A_17 : memref<21952xi32, #tpu.memory_space<hbm>>) target_semaphore(%run_scoped3A : memref<!tpu.dma_semaphore, #tpu.memory_space<semaphore_mem>>)
      %dma_wait3A = tpu.memref_slice %arg4[%add3A_16] : memref<2107392xi32, #tpu.memory_space<hbm>> -> memref<21952xi32, #tpu.memory_space<hbm>>
      %dma_wait3A_18 = tpu.memref_slice %arg4[%add3A_16] : memref<2107392xi32, #tpu.memory_space<hbm>> -> memref<21952xi32, #tpu.memory_space<hbm>>
      tpu.wait_dma2 semaphore(%run_scoped3A : memref<!tpu.dma_semaphore, #tpu.memory_space<semaphore_mem>>) src(%arg7 : memref<21952xi32, #tpu.memory_space<vmem>>) dst(%dma_wait3A_18 : memref<21952xi32, #tpu.memory_space<hbm>>)
      tpu.yield
    }) : () -> ()
    return
  }
}

#map = affine_map<(d0, d1) -> (0)>
module attributes {stable_mosaic.version = 14 : i64} {
  func.func @k(%arg0: i32, %arg1: i32, %arg2: memref<150000xi32, #tpu.memory_space<hbm>>, %arg3: memref<802816xi32, #tpu.memory_space<hbm>>, %arg4: memref<100000xi32, #tpu.memory_space<hbm>>, %arg5: memref<802816xi32, #tpu.memory_space<hbm>>, %arg6: memref<2408448xi32, #tpu.memory_space<hbm>>, %arg7: memref<100000xi32, #tpu.memory_space<vmem>>, %arg8: memref<12544xi32, #tpu.memory_space<vmem>>, %arg9: memref<12544xi32, #tpu.memory_space<vmem>>) attributes {dimension_semantics = [#tpu.dimension_semantics<core_parallel>, #tpu.dimension_semantics<subcore_parallel>], iteration_bounds = array<i64: 2, 16>, scalar_prefetch = 0 : i64, scratch_operands = 3 : i64, tpu.core_type = #tpu.core_type<sc_vector_subcore>, window_params = [{transform_indices = #map}, {transform_indices = #map}, {transform_indices = #map}, {transform_indices = #map}, {transform_indices = #map}]} {
    %mul3A = arith.constant 2 : i32
    %mul3A_0 = arith.muli %arg1, %mul3A : i32
    %add3A = arith.addi %mul3A_0, %arg0 : i32
    %mul3A_1 = arith.constant 25088 : i32
    %mul3A_2 = arith.muli %add3A, %mul3A_1 : i32
    "tpu.region"() ({
      %run_scoped3A = tpu.sem_alloc : memref<!tpu.dma_semaphore, #tpu.memory_space<semaphore_mem>>
      tpu.enqueue_dma source(%arg4 : memref<100000xi32, #tpu.memory_space<hbm>>) target(%arg7 : memref<100000xi32, #tpu.memory_space<vmem>>) target_semaphore(%run_scoped3A : memref<!tpu.dma_semaphore, #tpu.memory_space<semaphore_mem>>)
      tpu.wait_dma2 semaphore(%run_scoped3A : memref<!tpu.dma_semaphore, #tpu.memory_space<semaphore_mem>>) src(%arg4 : memref<100000xi32, #tpu.memory_space<hbm>>) dst(%arg7 : memref<100000xi32, #tpu.memory_space<vmem>>)
      tpu.yield
    }) : () -> ()
    %add3A_3 = arith.constant 0 : i32
    %add3A_4 = arith.addi %mul3A_2, %add3A_3 : i32
    "tpu.region"() ({
      %run_scoped3A = tpu.sem_alloc : memref<!tpu.dma_semaphore, #tpu.memory_space<semaphore_mem>>
      %dma_start3A = tpu.memref_slice %arg3[%add3A_4] : memref<802816xi32, #tpu.memory_space<hbm>> -> memref<12544xi32, #tpu.memory_space<hbm>>
      %dma_start3A_54 = tpu.memref_slice %arg3[%add3A_4] : memref<802816xi32, #tpu.memory_space<hbm>> -> memref<12544xi32, #tpu.memory_space<hbm>>
      tpu.enqueue_dma source(%dma_start3A_54 : memref<12544xi32, #tpu.memory_space<hbm>>) target(%arg8 : memref<12544xi32, #tpu.memory_space<vmem>>) target_semaphore(%run_scoped3A : memref<!tpu.dma_semaphore, #tpu.memory_space<semaphore_mem>>)
      %dma_wait3A = tpu.memref_slice %arg3[%add3A_4] : memref<802816xi32, #tpu.memory_space<hbm>> -> memref<12544xi32, #tpu.memory_space<hbm>>
      %dma_wait3A_55 = tpu.memref_slice %arg3[%add3A_4] : memref<802816xi32, #tpu.memory_space<hbm>> -> memref<12544xi32, #tpu.memory_space<hbm>>
      tpu.wait_dma2 semaphore(%run_scoped3A : memref<!tpu.dma_semaphore, #tpu.memory_space<semaphore_mem>>) src(%dma_wait3A_55 : memref<12544xi32, #tpu.memory_space<hbm>>) dst(%arg8 : memref<12544xi32, #tpu.memory_space<vmem>>)
      tpu.yield
    }) : () -> ()
    %parallel_loop3A = arith.constant 0 : i32
    %parallel_loop3A_5 = arith.constant 12544 : i32
    %parallel_loop3A_6 = arith.constant 16 : i32
    scf.for %parallel_loop3A_54 = %parallel_loop3A to %parallel_loop3A_5 step %parallel_loop3A_6  : i32 {
      %parallel_loop3A_55 = arith.index_cast %parallel_loop3A_54 : i32 to index
      %parallel_loop3A_56 = tpu.vector_load %arg8[%parallel_loop3A_55] {strides = array<i32>} : memref<12544xi32, #tpu.memory_space<vmem>>, vector<16xi32>,
      %parallel_loop3A_57 = tpu.vector_load_idx %arg7[%parallel_loop3A_56] : memref<100000xi32, #tpu.memory_space<vmem>>[vector<16xi32>], vector<16xi32>,
      %parallel_loop3A_58 = arith.index_cast %parallel_loop3A_54 : i32 to index
      %parallel_loop3A_59 = tpu.vector_load %arg9[%parallel_loop3A_58] {strides = array<i32>} : memref<12544xi32, #tpu.memory_space<vmem>>, vector<16xi32>,
      tpu.vector_store %arg9[%parallel_loop3A_58], %parallel_loop3A_57 {strides = array<i32>} : memref<12544xi32, #tpu.memory_space<vmem>>, vector<16xi32>,
    } {sc.loop_unroll_factor = 8 : i64, sc.parallel_access}
    "tpu.region"() ({
      %run_scoped3A = tpu.sem_alloc : memref<!tpu.dma_semaphore, #tpu.memory_space<semaphore_mem>>
      %dma_start3A = tpu.memref_slice %arg5[%add3A_4] : memref<802816xi32, #tpu.memory_space<hbm>> -> memref<12544xi32, #tpu.memory_space<hbm>>
      %dma_start3A_54 = tpu.memref_slice %arg5[%add3A_4] : memref<802816xi32, #tpu.memory_space<hbm>> -> memref<12544xi32, #tpu.memory_space<hbm>>
      tpu.enqueue_dma source(%arg9 : memref<12544xi32, #tpu.memory_space<vmem>>) target(%dma_start3A_54 : memref<12544xi32, #tpu.memory_space<hbm>>) target_semaphore(%run_scoped3A : memref<!tpu.dma_semaphore, #tpu.memory_space<semaphore_mem>>)
      %dma_wait3A = tpu.memref_slice %arg5[%add3A_4] : memref<802816xi32, #tpu.memory_space<hbm>> -> memref<12544xi32, #tpu.memory_space<hbm>>
      %dma_wait3A_55 = tpu.memref_slice %arg5[%add3A_4] : memref<802816xi32, #tpu.memory_space<hbm>> -> memref<12544xi32, #tpu.memory_space<hbm>>
      tpu.wait_dma2 semaphore(%run_scoped3A : memref<!tpu.dma_semaphore, #tpu.memory_space<semaphore_mem>>) src(%arg9 : memref<12544xi32, #tpu.memory_space<vmem>>) dst(%dma_wait3A_55 : memref<12544xi32, #tpu.memory_space<hbm>>)
      tpu.yield
    }) : () -> ()
    %add3A_7 = arith.constant 12544 : i32
    %add3A_8 = arith.addi %mul3A_2, %add3A_7 : i32
    "tpu.region"() ({
      %run_scoped3A = tpu.sem_alloc : memref<!tpu.dma_semaphore, #tpu.memory_space<semaphore_mem>>
      %dma_start3A = tpu.memref_slice %arg3[%add3A_8] : memref<802816xi32, #tpu.memory_space<hbm>> -> memref<12544xi32, #tpu.memory_space<hbm>>
      %dma_start3A_54 = tpu.memref_slice %arg3[%add3A_8] : memref<802816xi32, #tpu.memory_space<hbm>> -> memref<12544xi32, #tpu.memory_space<hbm>>
      tpu.enqueue_dma source(%dma_start3A_54 : memref<12544xi32, #tpu.memory_space<hbm>>) target(%arg8 : memref<12544xi32, #tpu.memory_space<vmem>>) target_semaphore(%run_scoped3A : memref<!tpu.dma_semaphore, #tpu.memory_space<semaphore_mem>>)
      %dma_wait3A = tpu.memref_slice %arg3[%add3A_8] : memref<802816xi32, #tpu.memory_space<hbm>> -> memref<12544xi32, #tpu.memory_space<hbm>>
      %dma_wait3A_55 = tpu.memref_slice %arg3[%add3A_8] : memref<802816xi32, #tpu.memory_space<hbm>> -> memref<12544xi32, #tpu.memory_space<hbm>>
      tpu.wait_dma2 semaphore(%run_scoped3A : memref<!tpu.dma_semaphore, #tpu.memory_space<semaphore_mem>>) src(%dma_wait3A_55 : memref<12544xi32, #tpu.memory_space<hbm>>) dst(%arg8 : memref<12544xi32, #tpu.memory_space<vmem>>)
      tpu.yield
    }) : () -> ()
    %parallel_loop3A_9 = arith.constant 0 : i32
    %parallel_loop3A_10 = arith.constant 12544 : i32
    %parallel_loop3A_11 = arith.constant 16 : i32
    scf.for %parallel_loop3A_54 = %parallel_loop3A_9 to %parallel_loop3A_10 step %parallel_loop3A_11  : i32 {
      %parallel_loop3A_55 = arith.index_cast %parallel_loop3A_54 : i32 to index
      %parallel_loop3A_56 = tpu.vector_load %arg8[%parallel_loop3A_55] {strides = array<i32>} : memref<12544xi32, #tpu.memory_space<vmem>>, vector<16xi32>,
      %parallel_loop3A_57 = tpu.vector_load_idx %arg7[%parallel_loop3A_56] : memref<100000xi32, #tpu.memory_space<vmem>>[vector<16xi32>], vector<16xi32>,
      %parallel_loop3A_58 = arith.index_cast %parallel_loop3A_54 : i32 to index
      %parallel_loop3A_59 = tpu.vector_load %arg9[%parallel_loop3A_58] {strides = array<i32>} : memref<12544xi32, #tpu.memory_space<vmem>>, vector<16xi32>,
      tpu.vector_store %arg9[%parallel_loop3A_58], %parallel_loop3A_57 {strides = array<i32>} : memref<12544xi32, #tpu.memory_space<vmem>>, vector<16xi32>,
    } {sc.loop_unroll_factor = 8 : i64, sc.parallel_access}
    "tpu.region"() ({
      %run_scoped3A = tpu.sem_alloc : memref<!tpu.dma_semaphore, #tpu.memory_space<semaphore_mem>>
      %dma_start3A = tpu.memref_slice %arg5[%add3A_8] : memref<802816xi32, #tpu.memory_space<hbm>> -> memref<12544xi32, #tpu.memory_space<hbm>>
      %dma_start3A_54 = tpu.memref_slice %arg5[%add3A_8] : memref<802816xi32, #tpu.memory_space<hbm>> -> memref<12544xi32, #tpu.memory_space<hbm>>
      tpu.enqueue_dma source(%arg9 : memref<12544xi32, #tpu.memory_space<vmem>>) target(%dma_start3A_54 : memref<12544xi32, #tpu.memory_space<hbm>>) target_semaphore(%run_scoped3A : memref<!tpu.dma_semaphore, #tpu.memory_space<semaphore_mem>>)
      %dma_wait3A = tpu.memref_slice %arg5[%add3A_8] : memref<802816xi32, #tpu.memory_space<hbm>> -> memref<12544xi32, #tpu.memory_space<hbm>>
      %dma_wait3A_55 = tpu.memref_slice %arg5[%add3A_8] : memref<802816xi32, #tpu.memory_space<hbm>> -> memref<12544xi32, #tpu.memory_space<hbm>>
      tpu.wait_dma2 semaphore(%run_scoped3A : memref<!tpu.dma_semaphore, #tpu.memory_space<semaphore_mem>>) src(%arg9 : memref<12544xi32, #tpu.memory_space<vmem>>) dst(%dma_wait3A_55 : memref<12544xi32, #tpu.memory_space<hbm>>)
      tpu.yield
    }) : () -> ()
    "tpu.region"() ({
      %run_scoped3A = tpu.sem_alloc : memref<!tpu.dma_semaphore, #tpu.memory_space<semaphore_mem>>
      %dma_start3A = arith.constant 0 : i32
      %dma_start3A_54 = tpu.memref_slice %arg7[%dma_start3A] : memref<100000xi32, #tpu.memory_space<vmem>> -> memref<50000xi32, #tpu.memory_space<vmem>>
      %dma_start3A_55 = arith.constant 0 : i32
      %dma_start3A_56 = tpu.memref_slice %arg2[%dma_start3A_55] : memref<150000xi32, #tpu.memory_space<hbm>> -> memref<50000xi32, #tpu.memory_space<hbm>>
      %dma_start3A_57 = arith.constant 0 : i32
      %dma_start3A_58 = tpu.memref_slice %arg7[%dma_start3A_57] : memref<100000xi32, #tpu.memory_space<vmem>> -> memref<50000xi32, #tpu.memory_space<vmem>>
      %dma_start3A_59 = arith.constant 0 : i32
      %dma_start3A_60 = tpu.memref_slice %arg2[%dma_start3A_59] : memref<150000xi32, #tpu.memory_space<hbm>> -> memref<50000xi32, #tpu.memory_space<hbm>>
      tpu.enqueue_dma source(%dma_start3A_60 : memref<50000xi32, #tpu.memory_space<hbm>>) target(%dma_start3A_58 : memref<50000xi32, #tpu.memory_space<vmem>>) target_semaphore(%run_scoped3A : memref<!tpu.dma_semaphore, #tpu.memory_space<semaphore_mem>>)
      %dma_wait3A = arith.constant 0 : i32
      %dma_wait3A_61 = tpu.memref_slice %arg7[%dma_wait3A] : memref<100000xi32, #tpu.memory_space<vmem>> -> memref<50000xi32, #tpu.memory_space<vmem>>
      %dma_wait3A_62 = arith.constant 0 : i32
      %dma_wait3A_63 = tpu.memref_slice %arg2[%dma_wait3A_62] : memref<150000xi32, #tpu.memory_space<hbm>> -> memref<50000xi32, #tpu.memory_space<hbm>>
      %dma_wait3A_64 = arith.constant 0 : i32
      %dma_wait3A_65 = tpu.memref_slice %arg7[%dma_wait3A_64] : memref<100000xi32, #tpu.memory_space<vmem>> -> memref<50000xi32, #tpu.memory_space<vmem>>
      %dma_wait3A_66 = arith.constant 0 : i32
      %dma_wait3A_67 = tpu.memref_slice %arg2[%dma_wait3A_66] : memref<150000xi32, #tpu.memory_space<hbm>> -> memref<50000xi32, #tpu.memory_space<hbm>>
      tpu.wait_dma2 semaphore(%run_scoped3A : memref<!tpu.dma_semaphore, #tpu.memory_space<semaphore_mem>>) src(%dma_wait3A_67 : memref<50000xi32, #tpu.memory_space<hbm>>) dst(%dma_wait3A_65 : memref<50000xi32, #tpu.memory_space<vmem>>)
      tpu.yield
    }) : () -> ()
    %add3A_12 = arith.constant 0 : i32
    %add3A_13 = arith.addi %mul3A_2, %add3A_12 : i32
    "tpu.region"() ({
      %run_scoped3A = tpu.sem_alloc : memref<!tpu.dma_semaphore, #tpu.memory_space<semaphore_mem>>
      %dma_start3A = tpu.memref_slice %arg5[%add3A_13] : memref<802816xi32, #tpu.memory_space<hbm>> -> memref<12544xi32, #tpu.memory_space<hbm>>
      %dma_start3A_54 = tpu.memref_slice %arg5[%add3A_13] : memref<802816xi32, #tpu.memory_space<hbm>> -> memref<12544xi32, #tpu.memory_space<hbm>>
      tpu.enqueue_dma source(%dma_start3A_54 : memref<12544xi32, #tpu.memory_space<hbm>>) target(%arg8 : memref<12544xi32, #tpu.memory_space<vmem>>) target_semaphore(%run_scoped3A : memref<!tpu.dma_semaphore, #tpu.memory_space<semaphore_mem>>)
      %dma_wait3A = tpu.memref_slice %arg5[%add3A_13] : memref<802816xi32, #tpu.memory_space<hbm>> -> memref<12544xi32, #tpu.memory_space<hbm>>
      %dma_wait3A_55 = tpu.memref_slice %arg5[%add3A_13] : memref<802816xi32, #tpu.memory_space<hbm>> -> memref<12544xi32, #tpu.memory_space<hbm>>
      tpu.wait_dma2 semaphore(%run_scoped3A : memref<!tpu.dma_semaphore, #tpu.memory_space<semaphore_mem>>) src(%dma_wait3A_55 : memref<12544xi32, #tpu.memory_space<hbm>>) dst(%arg8 : memref<12544xi32, #tpu.memory_space<vmem>>)
      tpu.yield
    }) : () -> ()
    %parallel_loop3A_14 = arith.constant 0 : i32
    %parallel_loop3A_15 = arith.constant 12544 : i32
    %parallel_loop3A_16 = arith.constant 16 : i32
    scf.for %parallel_loop3A_54 = %parallel_loop3A_14 to %parallel_loop3A_15 step %parallel_loop3A_16  : i32 {
      %parallel_loop3A_55 = arith.index_cast %parallel_loop3A_54 : i32 to index
      %parallel_loop3A_56 = tpu.vector_load %arg8[%parallel_loop3A_55] {strides = array<i32>} : memref<12544xi32, #tpu.memory_space<vmem>>, vector<16xi32>,
      %parallel_loop3A_57 = tpu.vector_load_idx %arg7[%parallel_loop3A_56] : memref<100000xi32, #tpu.memory_space<vmem>>[vector<16xi32>], vector<16xi32>,
      %parallel_loop3A_58 = arith.index_cast %parallel_loop3A_54 : i32 to index
      %parallel_loop3A_59 = tpu.vector_load %arg9[%parallel_loop3A_58] {strides = array<i32>} : memref<12544xi32, #tpu.memory_space<vmem>>, vector<16xi32>,
      tpu.vector_store %arg9[%parallel_loop3A_58], %parallel_loop3A_57 {strides = array<i32>} : memref<12544xi32, #tpu.memory_space<vmem>>, vector<16xi32>,
    } {sc.loop_unroll_factor = 8 : i64, sc.parallel_access}
    %add3A_17 = arith.constant 0 : i32
    %add3A_18 = arith.addi %add3A_17, %add3A_13 : i32
    "tpu.region"() ({
      %run_scoped3A = tpu.sem_alloc : memref<!tpu.dma_semaphore, #tpu.memory_space<semaphore_mem>>
      %dma_start3A = tpu.memref_slice %arg6[%add3A_18] : memref<2408448xi32, #tpu.memory_space<hbm>> -> memref<12544xi32, #tpu.memory_space<hbm>>
      %dma_start3A_54 = tpu.memref_slice %arg6[%add3A_18] : memref<2408448xi32, #tpu.memory_space<hbm>> -> memref<12544xi32, #tpu.memory_space<hbm>>
      tpu.enqueue_dma source(%arg9 : memref<12544xi32, #tpu.memory_space<vmem>>) target(%dma_start3A_54 : memref<12544xi32, #tpu.memory_space<hbm>>) target_semaphore(%run_scoped3A : memref<!tpu.dma_semaphore, #tpu.memory_space<semaphore_mem>>)
      %dma_wait3A = tpu.memref_slice %arg6[%add3A_18] : memref<2408448xi32, #tpu.memory_space<hbm>> -> memref<12544xi32, #tpu.memory_space<hbm>>
      %dma_wait3A_55 = tpu.memref_slice %arg6[%add3A_18] : memref<2408448xi32, #tpu.memory_space<hbm>> -> memref<12544xi32, #tpu.memory_space<hbm>>
      tpu.wait_dma2 semaphore(%run_scoped3A : memref<!tpu.dma_semaphore, #tpu.memory_space<semaphore_mem>>) src(%arg9 : memref<12544xi32, #tpu.memory_space<vmem>>) dst(%dma_wait3A_55 : memref<12544xi32, #tpu.memory_space<hbm>>)
      tpu.yield
    }) : () -> ()
    %add3A_19 = arith.constant 12544 : i32
    %add3A_20 = arith.addi %mul3A_2, %add3A_19 : i32
    "tpu.region"() ({
      %run_scoped3A = tpu.sem_alloc : memref<!tpu.dma_semaphore, #tpu.memory_space<semaphore_mem>>
      %dma_start3A = tpu.memref_slice %arg5[%add3A_20] : memref<802816xi32, #tpu.memory_space<hbm>> -> memref<12544xi32, #tpu.memory_space<hbm>>
      %dma_start3A_54 = tpu.memref_slice %arg5[%add3A_20] : memref<802816xi32, #tpu.memory_space<hbm>> -> memref<12544xi32, #tpu.memory_space<hbm>>
      tpu.enqueue_dma source(%dma_start3A_54 : memref<12544xi32, #tpu.memory_space<hbm>>) target(%arg8 : memref<12544xi32, #tpu.memory_space<vmem>>) target_semaphore(%run_scoped3A : memref<!tpu.dma_semaphore, #tpu.memory_space<semaphore_mem>>)
      %dma_wait3A = tpu.memref_slice %arg5[%add3A_20] : memref<802816xi32, #tpu.memory_space<hbm>> -> memref<12544xi32, #tpu.memory_space<hbm>>
      %dma_wait3A_55 = tpu.memref_slice %arg5[%add3A_20] : memref<802816xi32, #tpu.memory_space<hbm>> -> memref<12544xi32, #tpu.memory_space<hbm>>
      tpu.wait_dma2 semaphore(%run_scoped3A : memref<!tpu.dma_semaphore, #tpu.memory_space<semaphore_mem>>) src(%dma_wait3A_55 : memref<12544xi32, #tpu.memory_space<hbm>>) dst(%arg8 : memref<12544xi32, #tpu.memory_space<vmem>>)
      tpu.yield
    }) : () -> ()
    %parallel_loop3A_21 = arith.constant 0 : i32
    %parallel_loop3A_22 = arith.constant 12544 : i32
    %parallel_loop3A_23 = arith.constant 16 : i32
    scf.for %parallel_loop3A_54 = %parallel_loop3A_21 to %parallel_loop3A_22 step %parallel_loop3A_23  : i32 {
      %parallel_loop3A_55 = arith.index_cast %parallel_loop3A_54 : i32 to index
      %parallel_loop3A_56 = tpu.vector_load %arg8[%parallel_loop3A_55] {strides = array<i32>} : memref<12544xi32, #tpu.memory_space<vmem>>, vector<16xi32>,
      %parallel_loop3A_57 = tpu.vector_load_idx %arg7[%parallel_loop3A_56] : memref<100000xi32, #tpu.memory_space<vmem>>[vector<16xi32>], vector<16xi32>,
      %parallel_loop3A_58 = arith.index_cast %parallel_loop3A_54 : i32 to index
      %parallel_loop3A_59 = tpu.vector_load %arg9[%parallel_loop3A_58] {strides = array<i32>} : memref<12544xi32, #tpu.memory_space<vmem>>, vector<16xi32>,
      tpu.vector_store %arg9[%parallel_loop3A_58], %parallel_loop3A_57 {strides = array<i32>} : memref<12544xi32, #tpu.memory_space<vmem>>, vector<16xi32>,
    } {sc.loop_unroll_factor = 8 : i64, sc.parallel_access}
    %add3A_24 = arith.constant 0 : i32
    %add3A_25 = arith.addi %add3A_24, %add3A_20 : i32
    "tpu.region"() ({
      %run_scoped3A = tpu.sem_alloc : memref<!tpu.dma_semaphore, #tpu.memory_space<semaphore_mem>>
      %dma_start3A = tpu.memref_slice %arg6[%add3A_25] : memref<2408448xi32, #tpu.memory_space<hbm>> -> memref<12544xi32, #tpu.memory_space<hbm>>
      %dma_start3A_54 = tpu.memref_slice %arg6[%add3A_25] : memref<2408448xi32, #tpu.memory_space<hbm>> -> memref<12544xi32, #tpu.memory_space<hbm>>
      tpu.enqueue_dma source(%arg9 : memref<12544xi32, #tpu.memory_space<vmem>>) target(%dma_start3A_54 : memref<12544xi32, #tpu.memory_space<hbm>>) target_semaphore(%run_scoped3A : memref<!tpu.dma_semaphore, #tpu.memory_space<semaphore_mem>>)
      %dma_wait3A = tpu.memref_slice %arg6[%add3A_25] : memref<2408448xi32, #tpu.memory_space<hbm>> -> memref<12544xi32, #tpu.memory_space<hbm>>
      %dma_wait3A_55 = tpu.memref_slice %arg6[%add3A_25] : memref<2408448xi32, #tpu.memory_space<hbm>> -> memref<12544xi32, #tpu.memory_space<hbm>>
      tpu.wait_dma2 semaphore(%run_scoped3A : memref<!tpu.dma_semaphore, #tpu.memory_space<semaphore_mem>>) src(%arg9 : memref<12544xi32, #tpu.memory_space<vmem>>) dst(%dma_wait3A_55 : memref<12544xi32, #tpu.memory_space<hbm>>)
      tpu.yield
    }) : () -> ()
    "tpu.region"() ({
      %run_scoped3A = tpu.sem_alloc : memref<!tpu.dma_semaphore, #tpu.memory_space<semaphore_mem>>
      %dma_start3A = arith.constant 0 : i32
      %dma_start3A_54 = tpu.memref_slice %arg7[%dma_start3A] : memref<100000xi32, #tpu.memory_space<vmem>> -> memref<50000xi32, #tpu.memory_space<vmem>>
      %dma_start3A_55 = arith.constant 50000 : i32
      %dma_start3A_56 = tpu.memref_slice %arg2[%dma_start3A_55] : memref<150000xi32, #tpu.memory_space<hbm>> -> memref<50000xi32, #tpu.memory_space<hbm>>
      %dma_start3A_57 = arith.constant 0 : i32
      %dma_start3A_58 = tpu.memref_slice %arg7[%dma_start3A_57] : memref<100000xi32, #tpu.memory_space<vmem>> -> memref<50000xi32, #tpu.memory_space<vmem>>
      %dma_start3A_59 = arith.constant 50000 : i32
      %dma_start3A_60 = tpu.memref_slice %arg2[%dma_start3A_59] : memref<150000xi32, #tpu.memory_space<hbm>> -> memref<50000xi32, #tpu.memory_space<hbm>>
      tpu.enqueue_dma source(%dma_start3A_60 : memref<50000xi32, #tpu.memory_space<hbm>>) target(%dma_start3A_58 : memref<50000xi32, #tpu.memory_space<vmem>>) target_semaphore(%run_scoped3A : memref<!tpu.dma_semaphore, #tpu.memory_space<semaphore_mem>>)
      %dma_wait3A = arith.constant 0 : i32
      %dma_wait3A_61 = tpu.memref_slice %arg7[%dma_wait3A] : memref<100000xi32, #tpu.memory_space<vmem>> -> memref<50000xi32, #tpu.memory_space<vmem>>
      %dma_wait3A_62 = arith.constant 50000 : i32
      %dma_wait3A_63 = tpu.memref_slice %arg2[%dma_wait3A_62] : memref<150000xi32, #tpu.memory_space<hbm>> -> memref<50000xi32, #tpu.memory_space<hbm>>
      %dma_wait3A_64 = arith.constant 0 : i32
      %dma_wait3A_65 = tpu.memref_slice %arg7[%dma_wait3A_64] : memref<100000xi32, #tpu.memory_space<vmem>> -> memref<50000xi32, #tpu.memory_space<vmem>>
      %dma_wait3A_66 = arith.constant 50000 : i32
      %dma_wait3A_67 = tpu.memref_slice %arg2[%dma_wait3A_66] : memref<150000xi32, #tpu.memory_space<hbm>> -> memref<50000xi32, #tpu.memory_space<hbm>>
      tpu.wait_dma2 semaphore(%run_scoped3A : memref<!tpu.dma_semaphore, #tpu.memory_space<semaphore_mem>>) src(%dma_wait3A_67 : memref<50000xi32, #tpu.memory_space<hbm>>) dst(%dma_wait3A_65 : memref<50000xi32, #tpu.memory_space<vmem>>)
      tpu.yield
    }) : () -> ()
    %add3A_26 = arith.constant 0 : i32
    %add3A_27 = arith.addi %mul3A_2, %add3A_26 : i32
    "tpu.region"() ({
      %run_scoped3A = tpu.sem_alloc : memref<!tpu.dma_semaphore, #tpu.memory_space<semaphore_mem>>
      %dma_start3A = tpu.memref_slice %arg5[%add3A_27] : memref<802816xi32, #tpu.memory_space<hbm>> -> memref<12544xi32, #tpu.memory_space<hbm>>
      %dma_start3A_54 = tpu.memref_slice %arg5[%add3A_27] : memref<802816xi32, #tpu.memory_space<hbm>> -> memref<12544xi32, #tpu.memory_space<hbm>>
      tpu.enqueue_dma source(%dma_start3A_54 : memref<12544xi32, #tpu.memory_space<hbm>>) target(%arg8 : memref<12544xi32, #tpu.memory_space<vmem>>) target_semaphore(%run_scoped3A : memref<!tpu.dma_semaphore, #tpu.memory_space<semaphore_mem>>)
      %dma_wait3A = tpu.memref_slice %arg5[%add3A_27] : memref<802816xi32, #tpu.memory_space<hbm>> -> memref<12544xi32, #tpu.memory_space<hbm>>
      %dma_wait3A_55 = tpu.memref_slice %arg5[%add3A_27] : memref<802816xi32, #tpu.memory_space<hbm>> -> memref<12544xi32, #tpu.memory_space<hbm>>
      tpu.wait_dma2 semaphore(%run_scoped3A : memref<!tpu.dma_semaphore, #tpu.memory_space<semaphore_mem>>) src(%dma_wait3A_55 : memref<12544xi32, #tpu.memory_space<hbm>>) dst(%arg8 : memref<12544xi32, #tpu.memory_space<vmem>>)
      tpu.yield
    }) : () -> ()
    %parallel_loop3A_28 = arith.constant 0 : i32
    %parallel_loop3A_29 = arith.constant 12544 : i32
    %parallel_loop3A_30 = arith.constant 16 : i32
    scf.for %parallel_loop3A_54 = %parallel_loop3A_28 to %parallel_loop3A_29 step %parallel_loop3A_30  : i32 {
      %parallel_loop3A_55 = arith.index_cast %parallel_loop3A_54 : i32 to index
      %parallel_loop3A_56 = tpu.vector_load %arg8[%parallel_loop3A_55] {strides = array<i32>} : memref<12544xi32, #tpu.memory_space<vmem>>, vector<16xi32>,
      %parallel_loop3A_57 = tpu.vector_load_idx %arg7[%parallel_loop3A_56] : memref<100000xi32, #tpu.memory_space<vmem>>[vector<16xi32>], vector<16xi32>,
      %parallel_loop3A_58 = arith.index_cast %parallel_loop3A_54 : i32 to index
      %parallel_loop3A_59 = tpu.vector_load %arg9[%parallel_loop3A_58] {strides = array<i32>} : memref<12544xi32, #tpu.memory_space<vmem>>, vector<16xi32>,
      tpu.vector_store %arg9[%parallel_loop3A_58], %parallel_loop3A_57 {strides = array<i32>} : memref<12544xi32, #tpu.memory_space<vmem>>, vector<16xi32>,
    } {sc.loop_unroll_factor = 8 : i64, sc.parallel_access}
    %add3A_31 = arith.constant 802816 : i32
    %add3A_32 = arith.addi %add3A_31, %add3A_27 : i32
    "tpu.region"() ({
      %run_scoped3A = tpu.sem_alloc : memref<!tpu.dma_semaphore, #tpu.memory_space<semaphore_mem>>
      %dma_start3A = tpu.memref_slice %arg6[%add3A_32] : memref<2408448xi32, #tpu.memory_space<hbm>> -> memref<12544xi32, #tpu.memory_space<hbm>>
      %dma_start3A_54 = tpu.memref_slice %arg6[%add3A_32] : memref<2408448xi32, #tpu.memory_space<hbm>> -> memref<12544xi32, #tpu.memory_space<hbm>>
      tpu.enqueue_dma source(%arg9 : memref<12544xi32, #tpu.memory_space<vmem>>) target(%dma_start3A_54 : memref<12544xi32, #tpu.memory_space<hbm>>) target_semaphore(%run_scoped3A : memref<!tpu.dma_semaphore, #tpu.memory_space<semaphore_mem>>)
      %dma_wait3A = tpu.memref_slice %arg6[%add3A_32] : memref<2408448xi32, #tpu.memory_space<hbm>> -> memref<12544xi32, #tpu.memory_space<hbm>>
      %dma_wait3A_55 = tpu.memref_slice %arg6[%add3A_32] : memref<2408448xi32, #tpu.memory_space<hbm>> -> memref<12544xi32, #tpu.memory_space<hbm>>
      tpu.wait_dma2 semaphore(%run_scoped3A : memref<!tpu.dma_semaphore, #tpu.memory_space<semaphore_mem>>) src(%arg9 : memref<12544xi32, #tpu.memory_space<vmem>>) dst(%dma_wait3A_55 : memref<12544xi32, #tpu.memory_space<hbm>>)
      tpu.yield
    }) : () -> ()
    %add3A_33 = arith.constant 12544 : i32
    %add3A_34 = arith.addi %mul3A_2, %add3A_33 : i32
    "tpu.region"() ({
      %run_scoped3A = tpu.sem_alloc : memref<!tpu.dma_semaphore, #tpu.memory_space<semaphore_mem>>
      %dma_start3A = tpu.memref_slice %arg5[%add3A_34] : memref<802816xi32, #tpu.memory_space<hbm>> -> memref<12544xi32, #tpu.memory_space<hbm>>
      %dma_start3A_54 = tpu.memref_slice %arg5[%add3A_34] : memref<802816xi32, #tpu.memory_space<hbm>> -> memref<12544xi32, #tpu.memory_space<hbm>>
      tpu.enqueue_dma source(%dma_start3A_54 : memref<12544xi32, #tpu.memory_space<hbm>>) target(%arg8 : memref<12544xi32, #tpu.memory_space<vmem>>) target_semaphore(%run_scoped3A : memref<!tpu.dma_semaphore, #tpu.memory_space<semaphore_mem>>)
      %dma_wait3A = tpu.memref_slice %arg5[%add3A_34] : memref<802816xi32, #tpu.memory_space<hbm>> -> memref<12544xi32, #tpu.memory_space<hbm>>
      %dma_wait3A_55 = tpu.memref_slice %arg5[%add3A_34] : memref<802816xi32, #tpu.memory_space<hbm>> -> memref<12544xi32, #tpu.memory_space<hbm>>
      tpu.wait_dma2 semaphore(%run_scoped3A : memref<!tpu.dma_semaphore, #tpu.memory_space<semaphore_mem>>) src(%dma_wait3A_55 : memref<12544xi32, #tpu.memory_space<hbm>>) dst(%arg8 : memref<12544xi32, #tpu.memory_space<vmem>>)
      tpu.yield
    }) : () -> ()
    %parallel_loop3A_35 = arith.constant 0 : i32
    %parallel_loop3A_36 = arith.constant 12544 : i32
    %parallel_loop3A_37 = arith.constant 16 : i32
    scf.for %parallel_loop3A_54 = %parallel_loop3A_35 to %parallel_loop3A_36 step %parallel_loop3A_37  : i32 {
      %parallel_loop3A_55 = arith.index_cast %parallel_loop3A_54 : i32 to index
      %parallel_loop3A_56 = tpu.vector_load %arg8[%parallel_loop3A_55] {strides = array<i32>} : memref<12544xi32, #tpu.memory_space<vmem>>, vector<16xi32>,
      %parallel_loop3A_57 = tpu.vector_load_idx %arg7[%parallel_loop3A_56] : memref<100000xi32, #tpu.memory_space<vmem>>[vector<16xi32>], vector<16xi32>,
      %parallel_loop3A_58 = arith.index_cast %parallel_loop3A_54 : i32 to index
      %parallel_loop3A_59 = tpu.vector_load %arg9[%parallel_loop3A_58] {strides = array<i32>} : memref<12544xi32, #tpu.memory_space<vmem>>, vector<16xi32>,
      tpu.vector_store %arg9[%parallel_loop3A_58], %parallel_loop3A_57 {strides = array<i32>} : memref<12544xi32, #tpu.memory_space<vmem>>, vector<16xi32>,
    } {sc.loop_unroll_factor = 8 : i64, sc.parallel_access}
    %add3A_38 = arith.constant 802816 : i32
    %add3A_39 = arith.addi %add3A_38, %add3A_34 : i32
    "tpu.region"() ({
      %run_scoped3A = tpu.sem_alloc : memref<!tpu.dma_semaphore, #tpu.memory_space<semaphore_mem>>
      %dma_start3A = tpu.memref_slice %arg6[%add3A_39] : memref<2408448xi32, #tpu.memory_space<hbm>> -> memref<12544xi32, #tpu.memory_space<hbm>>
      %dma_start3A_54 = tpu.memref_slice %arg6[%add3A_39] : memref<2408448xi32, #tpu.memory_space<hbm>> -> memref<12544xi32, #tpu.memory_space<hbm>>
      tpu.enqueue_dma source(%arg9 : memref<12544xi32, #tpu.memory_space<vmem>>) target(%dma_start3A_54 : memref<12544xi32, #tpu.memory_space<hbm>>) target_semaphore(%run_scoped3A : memref<!tpu.dma_semaphore, #tpu.memory_space<semaphore_mem>>)
      %dma_wait3A = tpu.memref_slice %arg6[%add3A_39] : memref<2408448xi32, #tpu.memory_space<hbm>> -> memref<12544xi32, #tpu.memory_space<hbm>>
      %dma_wait3A_55 = tpu.memref_slice %arg6[%add3A_39] : memref<2408448xi32, #tpu.memory_space<hbm>> -> memref<12544xi32, #tpu.memory_space<hbm>>
      tpu.wait_dma2 semaphore(%run_scoped3A : memref<!tpu.dma_semaphore, #tpu.memory_space<semaphore_mem>>) src(%arg9 : memref<12544xi32, #tpu.memory_space<vmem>>) dst(%dma_wait3A_55 : memref<12544xi32, #tpu.memory_space<hbm>>)
      tpu.yield
    }) : () -> ()
    "tpu.region"() ({
      %run_scoped3A = tpu.sem_alloc : memref<!tpu.dma_semaphore, #tpu.memory_space<semaphore_mem>>
      %dma_start3A = arith.constant 0 : i32
      %dma_start3A_54 = tpu.memref_slice %arg7[%dma_start3A] : memref<100000xi32, #tpu.memory_space<vmem>> -> memref<50000xi32, #tpu.memory_space<vmem>>
      %dma_start3A_55 = arith.constant 100000 : i32
      %dma_start3A_56 = tpu.memref_slice %arg2[%dma_start3A_55] : memref<150000xi32, #tpu.memory_space<hbm>> -> memref<50000xi32, #tpu.memory_space<hbm>>
      %dma_start3A_57 = arith.constant 0 : i32
      %dma_start3A_58 = tpu.memref_slice %arg7[%dma_start3A_57] : memref<100000xi32, #tpu.memory_space<vmem>> -> memref<50000xi32, #tpu.memory_space<vmem>>
      %dma_start3A_59 = arith.constant 100000 : i32
      %dma_start3A_60 = tpu.memref_slice %arg2[%dma_start3A_59] : memref<150000xi32, #tpu.memory_space<hbm>> -> memref<50000xi32, #tpu.memory_space<hbm>>
      tpu.enqueue_dma source(%dma_start3A_60 : memref<50000xi32, #tpu.memory_space<hbm>>) target(%dma_start3A_58 : memref<50000xi32, #tpu.memory_space<vmem>>) target_semaphore(%run_scoped3A : memref<!tpu.dma_semaphore, #tpu.memory_space<semaphore_mem>>)
      %dma_wait3A = arith.constant 0 : i32
      %dma_wait3A_61 = tpu.memref_slice %arg7[%dma_wait3A] : memref<100000xi32, #tpu.memory_space<vmem>> -> memref<50000xi32, #tpu.memory_space<vmem>>
      %dma_wait3A_62 = arith.constant 100000 : i32
      %dma_wait3A_63 = tpu.memref_slice %arg2[%dma_wait3A_62] : memref<150000xi32, #tpu.memory_space<hbm>> -> memref<50000xi32, #tpu.memory_space<hbm>>
      %dma_wait3A_64 = arith.constant 0 : i32
      %dma_wait3A_65 = tpu.memref_slice %arg7[%dma_wait3A_64] : memref<100000xi32, #tpu.memory_space<vmem>> -> memref<50000xi32, #tpu.memory_space<vmem>>
      %dma_wait3A_66 = arith.constant 100000 : i32
      %dma_wait3A_67 = tpu.memref_slice %arg2[%dma_wait3A_66] : memref<150000xi32, #tpu.memory_space<hbm>> -> memref<50000xi32, #tpu.memory_space<hbm>>
      tpu.wait_dma2 semaphore(%run_scoped3A : memref<!tpu.dma_semaphore, #tpu.memory_space<semaphore_mem>>) src(%dma_wait3A_67 : memref<50000xi32, #tpu.memory_space<hbm>>) dst(%dma_wait3A_65 : memref<50000xi32, #tpu.memory_space<vmem>>)
      tpu.yield
    }) : () -> ()
    %add3A_40 = arith.constant 0 : i32
    %add3A_41 = arith.addi %mul3A_2, %add3A_40 : i32
    "tpu.region"() ({
      %run_scoped3A = tpu.sem_alloc : memref<!tpu.dma_semaphore, #tpu.memory_space<semaphore_mem>>
      %dma_start3A = tpu.memref_slice %arg5[%add3A_41] : memref<802816xi32, #tpu.memory_space<hbm>> -> memref<12544xi32, #tpu.memory_space<hbm>>
      %dma_start3A_54 = tpu.memref_slice %arg5[%add3A_41] : memref<802816xi32, #tpu.memory_space<hbm>> -> memref<12544xi32, #tpu.memory_space<hbm>>
      tpu.enqueue_dma source(%dma_start3A_54 : memref<12544xi32, #tpu.memory_space<hbm>>) target(%arg8 : memref<12544xi32, #tpu.memory_space<vmem>>) target_semaphore(%run_scoped3A : memref<!tpu.dma_semaphore, #tpu.memory_space<semaphore_mem>>)
      %dma_wait3A = tpu.memref_slice %arg5[%add3A_41] : memref<802816xi32, #tpu.memory_space<hbm>> -> memref<12544xi32, #tpu.memory_space<hbm>>
      %dma_wait3A_55 = tpu.memref_slice %arg5[%add3A_41] : memref<802816xi32, #tpu.memory_space<hbm>> -> memref<12544xi32, #tpu.memory_space<hbm>>
      tpu.wait_dma2 semaphore(%run_scoped3A : memref<!tpu.dma_semaphore, #tpu.memory_space<semaphore_mem>>) src(%dma_wait3A_55 : memref<12544xi32, #tpu.memory_space<hbm>>) dst(%arg8 : memref<12544xi32, #tpu.memory_space<vmem>>)
      tpu.yield
    }) : () -> ()
    %parallel_loop3A_42 = arith.constant 0 : i32
    %parallel_loop3A_43 = arith.constant 12544 : i32
    %parallel_loop3A_44 = arith.constant 16 : i32
    scf.for %parallel_loop3A_54 = %parallel_loop3A_42 to %parallel_loop3A_43 step %parallel_loop3A_44  : i32 {
      %parallel_loop3A_55 = arith.index_cast %parallel_loop3A_54 : i32 to index
      %parallel_loop3A_56 = tpu.vector_load %arg8[%parallel_loop3A_55] {strides = array<i32>} : memref<12544xi32, #tpu.memory_space<vmem>>, vector<16xi32>,
      %parallel_loop3A_57 = tpu.vector_load_idx %arg7[%parallel_loop3A_56] : memref<100000xi32, #tpu.memory_space<vmem>>[vector<16xi32>], vector<16xi32>,
      %parallel_loop3A_58 = arith.index_cast %parallel_loop3A_54 : i32 to index
      %parallel_loop3A_59 = tpu.vector_load %arg9[%parallel_loop3A_58] {strides = array<i32>} : memref<12544xi32, #tpu.memory_space<vmem>>, vector<16xi32>,
      tpu.vector_store %arg9[%parallel_loop3A_58], %parallel_loop3A_57 {strides = array<i32>} : memref<12544xi32, #tpu.memory_space<vmem>>, vector<16xi32>,
    } {sc.loop_unroll_factor = 8 : i64, sc.parallel_access}
    %add3A_45 = arith.constant 1605632 : i32
    %add3A_46 = arith.addi %add3A_45, %add3A_41 : i32
    "tpu.region"() ({
      %run_scoped3A = tpu.sem_alloc : memref<!tpu.dma_semaphore, #tpu.memory_space<semaphore_mem>>
      %dma_start3A = tpu.memref_slice %arg6[%add3A_46] : memref<2408448xi32, #tpu.memory_space<hbm>> -> memref<12544xi32, #tpu.memory_space<hbm>>
      %dma_start3A_54 = tpu.memref_slice %arg6[%add3A_46] : memref<2408448xi32, #tpu.memory_space<hbm>> -> memref<12544xi32, #tpu.memory_space<hbm>>
      tpu.enqueue_dma source(%arg9 : memref<12544xi32, #tpu.memory_space<vmem>>) target(%dma_start3A_54 : memref<12544xi32, #tpu.memory_space<hbm>>) target_semaphore(%run_scoped3A : memref<!tpu.dma_semaphore, #tpu.memory_space<semaphore_mem>>)
      %dma_wait3A = tpu.memref_slice %arg6[%add3A_46] : memref<2408448xi32, #tpu.memory_space<hbm>> -> memref<12544xi32, #tpu.memory_space<hbm>>
      %dma_wait3A_55 = tpu.memref_slice %arg6[%add3A_46] : memref<2408448xi32, #tpu.memory_space<hbm>> -> memref<12544xi32, #tpu.memory_space<hbm>>
      tpu.wait_dma2 semaphore(%run_scoped3A : memref<!tpu.dma_semaphore, #tpu.memory_space<semaphore_mem>>) src(%arg9 : memref<12544xi32, #tpu.memory_space<vmem>>) dst(%dma_wait3A_55 : memref<12544xi32, #tpu.memory_space<hbm>>)
      tpu.yield
    }) : () -> ()
    %add3A_47 = arith.constant 12544 : i32
    %add3A_48 = arith.addi %mul3A_2, %add3A_47 : i32
    "tpu.region"() ({
      %run_scoped3A = tpu.sem_alloc : memref<!tpu.dma_semaphore, #tpu.memory_space<semaphore_mem>>
      %dma_start3A = tpu.memref_slice %arg5[%add3A_48] : memref<802816xi32, #tpu.memory_space<hbm>> -> memref<12544xi32, #tpu.memory_space<hbm>>
      %dma_start3A_54 = tpu.memref_slice %arg5[%add3A_48] : memref<802816xi32, #tpu.memory_space<hbm>> -> memref<12544xi32, #tpu.memory_space<hbm>>
      tpu.enqueue_dma source(%dma_start3A_54 : memref<12544xi32, #tpu.memory_space<hbm>>) target(%arg8 : memref<12544xi32, #tpu.memory_space<vmem>>) target_semaphore(%run_scoped3A : memref<!tpu.dma_semaphore, #tpu.memory_space<semaphore_mem>>)
      %dma_wait3A = tpu.memref_slice %arg5[%add3A_48] : memref<802816xi32, #tpu.memory_space<hbm>> -> memref<12544xi32, #tpu.memory_space<hbm>>
      %dma_wait3A_55 = tpu.memref_slice %arg5[%add3A_48] : memref<802816xi32, #tpu.memory_space<hbm>> -> memref<12544xi32, #tpu.memory_space<hbm>>
      tpu.wait_dma2 semaphore(%run_scoped3A : memref<!tpu.dma_semaphore, #tpu.memory_space<semaphore_mem>>) src(%dma_wait3A_55 : memref<12544xi32, #tpu.memory_space<hbm>>) dst(%arg8 : memref<12544xi32, #tpu.memory_space<vmem>>)
      tpu.yield
    }) : () -> ()
    %parallel_loop3A_49 = arith.constant 0 : i32
    %parallel_loop3A_50 = arith.constant 12544 : i32
    %parallel_loop3A_51 = arith.constant 16 : i32
    scf.for %parallel_loop3A_54 = %parallel_loop3A_49 to %parallel_loop3A_50 step %parallel_loop3A_51  : i32 {
      %parallel_loop3A_55 = arith.index_cast %parallel_loop3A_54 : i32 to index
      %parallel_loop3A_56 = tpu.vector_load %arg8[%parallel_loop3A_55] {strides = array<i32>} : memref<12544xi32, #tpu.memory_space<vmem>>, vector<16xi32>,
      %parallel_loop3A_57 = tpu.vector_load_idx %arg7[%parallel_loop3A_56] : memref<100000xi32, #tpu.memory_space<vmem>>[vector<16xi32>], vector<16xi32>,
      %parallel_loop3A_58 = arith.index_cast %parallel_loop3A_54 : i32 to index
      %parallel_loop3A_59 = tpu.vector_load %arg9[%parallel_loop3A_58] {strides = array<i32>} : memref<12544xi32, #tpu.memory_space<vmem>>, vector<16xi32>,
      tpu.vector_store %arg9[%parallel_loop3A_58], %parallel_loop3A_57 {strides = array<i32>} : memref<12544xi32, #tpu.memory_space<vmem>>, vector<16xi32>,
    } {sc.loop_unroll_factor = 8 : i64, sc.parallel_access}
    %add3A_52 = arith.constant 1605632 : i32
    %add3A_53 = arith.addi %add3A_52, %add3A_48 : i32
    "tpu.region"() ({
      %run_scoped3A = tpu.sem_alloc : memref<!tpu.dma_semaphore, #tpu.memory_space<semaphore_mem>>
      %dma_start3A = tpu.memref_slice %arg6[%add3A_53] : memref<2408448xi32, #tpu.memory_space<hbm>> -> memref<12544xi32, #tpu.memory_space<hbm>>
      %dma_start3A_54 = tpu.memref_slice %arg6[%add3A_53] : memref<2408448xi32, #tpu.memory_space<hbm>> -> memref<12544xi32, #tpu.memory_space<hbm>>
      tpu.enqueue_dma source(%arg9 : memref<12544xi32, #tpu.memory_space<vmem>>) target(%dma_start3A_54 : memref<12544xi32, #tpu.memory_space<hbm>>) target_semaphore(%run_scoped3A : memref<!tpu.dma_semaphore, #tpu.memory_space<semaphore_mem>>)
      %dma_wait3A = tpu.memref_slice %arg6[%add3A_53] : memref<2408448xi32, #tpu.memory_space<hbm>> -> memref<12544xi32, #tpu.memory_space<hbm>>
      %dma_wait3A_55 = tpu.memref_slice %arg6[%add3A_53] : memref<2408448xi32, #tpu.memory_space<hbm>> -> memref<12544xi32, #tpu.memory_space<hbm>>
      tpu.wait_dma2 semaphore(%run_scoped3A : memref<!tpu.dma_semaphore, #tpu.memory_space<semaphore_mem>>) src(%arg9 : memref<12544xi32, #tpu.memory_space<vmem>>) dst(%dma_wait3A_55 : memref<12544xi32, #tpu.memory_space<hbm>>)
      tpu.yield
    }) : () -> ()
    return
  }
}

module attributes {stable_mosaic.version = 14 : i64} {
  func.func @body(%arg0: i32, %arg1: memref<3x128x343xf32, #tpu.memory_space<vmem>>, %arg2: memref<343x343xf32, #tpu.memory_space<vmem>>, %arg3: memref<3x343x1024xf32, #tpu.memory_space<vmem>>, %arg4: memref<8x1024xf32, #tpu.memory_space<vmem>>, %arg5: memref<128x512xi32, #tpu.memory_space<vmem>>) attributes {dimension_semantics = [#tpu.dimension_semantics<arbitrary>], iteration_bounds = array<i64: 16>, scalar_prefetch = 0 : i64, scratch_operands = 0 : i64, tpu.core_type = #tpu.core_type<tc>, window_params = [{transform_indices = @transform_0, window_bounds = array<i64: 3, 128, 343>}, {pipeline_mode = #tpu.pipeline_mode<synchronous>, transform_indices = @transform_1, window_bounds = array<i64: 343, 343>}, {pipeline_mode = #tpu.pipeline_mode<synchronous>, transform_indices = @transform_2, window_bounds = array<i64: 3, 343, 1024>}, {pipeline_mode = #tpu.pipeline_mode<synchronous>, transform_indices = @transform_3, window_bounds = array<i64: 8, 1024>}, {transform_indices = @transform_4, window_bounds = array<i64: 128, 512>}]} {
    %get3A = arith.constant 0 : index
    %get3A_0 = arith.constant 0 : index
    %get3A_1 = vector.load %arg2[%get3A, %get3A_0] : memref<343x343xf32, #tpu.memory_space<vmem>>, vector<343x343xf32>
    %get3A_2 = arith.constant 0 : index
    %get3A_3 = arith.constant 0 : index
    %get3A_4 = arith.constant 0 : index
    %get3A_5 = vector.load %arg1[%get3A_2, %get3A_3, %get3A_4] : memref<3x128x343xf32, #tpu.memory_space<vmem>>, vector<1x128x343xf32>
    %get3A_6 = vector.shape_cast %get3A_5 : vector<1x128x343xf32> to vector<128x343xf32>
    %get3A_7 = arith.constant 1 : index
    %get3A_8 = arith.constant 0 : index
    %get3A_9 = arith.constant 0 : index
    %get3A_10 = vector.load %arg1[%get3A_7, %get3A_8, %get3A_9] : memref<3x128x343xf32, #tpu.memory_space<vmem>>, vector<1x128x343xf32>
    %get3A_11 = vector.shape_cast %get3A_10 : vector<1x128x343xf32> to vector<128x343xf32>
    %get3A_12 = arith.constant 2 : index
    %get3A_13 = arith.constant 0 : index
    %get3A_14 = arith.constant 0 : index
    %get3A_15 = vector.load %arg1[%get3A_12, %get3A_13, %get3A_14] : memref<3x128x343xf32, #tpu.memory_space<vmem>>, vector<1x128x343xf32>
    %get3A_16 = vector.shape_cast %get3A_15 : vector<1x128x343xf32> to vector<128x343xf32>
    %get3A_17 = arith.constant 0 : index
    %get3A_18 = arith.constant 0 : index
    %get3A_19 = vector.load %arg4[%get3A_17, %get3A_18] : memref<8x1024xf32, #tpu.memory_space<vmem>>, vector<1x1024xf32>
    %mul3A = arith.constant 7.624500e+01 : f32
    %mul3A_20 = vector.broadcast %mul3A : f32 to vector<128x343xf32>
    %mul3A_21 = arith.mulf %mul3A_20, %get3A_6 : vector<128x343xf32>
    %mul3A_22 = arith.constant 1.496850e+02 : f32
    %mul3A_23 = vector.broadcast %mul3A_22 : f32 to vector<128x343xf32>
    %mul3A_24 = arith.mulf %mul3A_23, %get3A_11 : vector<128x343xf32>
    %add3A = arith.addf %mul3A_21, %mul3A_24 : vector<128x343xf32>
    %mul3A_25 = arith.constant 2.907000e+01 : f32
    %mul3A_26 = vector.broadcast %mul3A_25 : f32 to vector<128x343xf32>
    %mul3A_27 = arith.mulf %mul3A_26, %get3A_16 : vector<128x343xf32>
    %add3A_28 = arith.addf %add3A, %mul3A_27 : vector<128x343xf32>
    %dot_general3A = arith.constant dense<0.000000e+00> : vector<128x343xf32>
    %dot_general3A_29 = tpu.matmul %add3A_28, %get3A_1, %dot_general3A {dimension_numbers = #tpu.dot_dimension_numbers<[1], [0], [0], [1], [0, 0, 1, 1], [], []>, transpose_lhs_hint = false} : vector<128x343xf32>, vector<343x343xf32>, vector<128x343xf32> -> vector<128x343xf32>
    %abs3A = math.absf %dot_general3A_29 : vector<128x343xf32>
    %reduce_sum3A = arith.constant dense<0.000000e+00> : vector<128xf32>
    %reduce_sum3A_30 = vector.multi_reduction <add>, %abs3A, %reduce_sum3A [1] : vector<128x343xf32> to vector<128xf32>
    %broadcast_in_dim3A = vector.shape_cast %reduce_sum3A_30 : vector<128xf32> to vector<128x1xf32>
    %add3A_31 = arith.constant 9.99999993E-9 : f32
    %add3A_32 = vector.broadcast %add3A_31 : f32 to vector<128x1xf32>
    %add3A_33 = arith.addf %broadcast_in_dim3A, %add3A_32 : vector<128x1xf32>
    %div3A = vector.broadcast %add3A_33 : vector<128x1xf32> to vector<128x343xf32>
    %div3A_34 = arith.divf %abs3A, %div3A : vector<128x343xf32>
    %get3A_35 = arith.constant 0 : index
    %get3A_36 = arith.constant 0 : index
    %get3A_37 = arith.constant 0 : index
    %get3A_38 = vector.load %arg3[%get3A_35, %get3A_36, %get3A_37] : memref<3x343x1024xf32, #tpu.memory_space<vmem>>, vector<1x343x1024xf32>
    %get3A_39 = vector.shape_cast %get3A_38 : vector<1x343x1024xf32> to vector<343x1024xf32>
    %dot_general3A_40 = arith.constant dense<0.000000e+00> : vector<128x1024xf32>
    %dot_general3A_41 = tpu.matmul %div3A_34, %get3A_39, %dot_general3A_40 {dimension_numbers = #tpu.dot_dimension_numbers<[1], [0], [0], [1], [0, 0, 1, 1], [], []>, transpose_lhs_hint = false} : vector<128x343xf32>, vector<343x1024xf32>, vector<128x1024xf32> -> vector<128x1024xf32>
    %add3A_42 = vector.broadcast %get3A_19 : vector<1x1024xf32> to vector<128x1024xf32>
    %add3A_43 = arith.addf %add3A_42, %dot_general3A_41 : vector<128x1024xf32>
    %mul3A_44 = arith.constant -37.5181503 : f32
    %mul3A_45 = vector.broadcast %mul3A_44 : f32 to vector<128x343xf32>
    %mul3A_46 = arith.mulf %mul3A_45, %get3A_6 : vector<128x343xf32>
    %mul3A_47 = arith.constant -7.365930e+01 : f32
    %mul3A_48 = vector.broadcast %mul3A_47 : f32 to vector<128x343xf32>
    %mul3A_49 = arith.mulf %mul3A_48, %get3A_11 : vector<128x343xf32>
    %add3A_50 = arith.addf %mul3A_46, %mul3A_49 : vector<128x343xf32>
    %mul3A_51 = arith.constant 1.111800e+02 : f32
    %mul3A_52 = vector.broadcast %mul3A_51 : f32 to vector<128x343xf32>
    %mul3A_53 = arith.mulf %mul3A_52, %get3A_16 : vector<128x343xf32>
    %add3A_54 = arith.addf %add3A_50, %mul3A_53 : vector<128x343xf32>
    %dot_general3A_55 = arith.constant dense<0.000000e+00> : vector<128x343xf32>
    %dot_general3A_56 = tpu.matmul %add3A_54, %get3A_1, %dot_general3A_55 {dimension_numbers = #tpu.dot_dimension_numbers<[1], [0], [0], [1], [0, 0, 1, 1], [], []>, transpose_lhs_hint = false} : vector<128x343xf32>, vector<343x343xf32>, vector<128x343xf32> -> vector<128x343xf32>
    %abs3A_57 = math.absf %dot_general3A_56 : vector<128x343xf32>
    %reduce_sum3A_58 = arith.constant dense<0.000000e+00> : vector<128xf32>
    %reduce_sum3A_59 = vector.multi_reduction <add>, %abs3A_57, %reduce_sum3A_58 [1] : vector<128x343xf32> to vector<128xf32>
    %broadcast_in_dim3A_60 = vector.shape_cast %reduce_sum3A_59 : vector<128xf32> to vector<128x1xf32>
    %add3A_61 = arith.constant 9.99999993E-9 : f32
    %add3A_62 = vector.broadcast %add3A_61 : f32 to vector<128x1xf32>
    %add3A_63 = arith.addf %broadcast_in_dim3A_60, %add3A_62 : vector<128x1xf32>
    %div3A_64 = vector.broadcast %add3A_63 : vector<128x1xf32> to vector<128x343xf32>
    %div3A_65 = arith.divf %abs3A_57, %div3A_64 : vector<128x343xf32>
    %get3A_66 = arith.constant 1 : index
    %get3A_67 = arith.constant 0 : index
    %get3A_68 = arith.constant 0 : index
    %get3A_69 = vector.load %arg3[%get3A_66, %get3A_67, %get3A_68] : memref<3x343x1024xf32, #tpu.memory_space<vmem>>, vector<1x343x1024xf32>
    %get3A_70 = vector.shape_cast %get3A_69 : vector<1x343x1024xf32> to vector<343x1024xf32>
    %dot_general3A_71 = arith.constant dense<0.000000e+00> : vector<128x1024xf32>
    %dot_general3A_72 = tpu.matmul %div3A_65, %get3A_70, %dot_general3A_71 {dimension_numbers = #tpu.dot_dimension_numbers<[1], [0], [0], [1], [0, 0, 1, 1], [], []>, transpose_lhs_hint = false} : vector<128x343xf32>, vector<343x1024xf32>, vector<128x1024xf32> -> vector<128x1024xf32>
    %add3A_73 = arith.addf %add3A_43, %dot_general3A_72 : vector<128x1024xf32>
    %mul3A_74 = arith.constant 1.568250e+02 : f32
    %mul3A_75 = vector.broadcast %mul3A_74 : f32 to vector<128x343xf32>
    %mul3A_76 = arith.mulf %mul3A_75, %get3A_6 : vector<128x343xf32>
    %mul3A_77 = arith.constant -131.322449 : f32
    %mul3A_78 = vector.broadcast %mul3A_77 : f32 to vector<128x343xf32>
    %mul3A_79 = arith.mulf %mul3A_78, %get3A_11 : vector<128x343xf32>
    %add3A_80 = arith.addf %mul3A_76, %mul3A_79 : vector<128x343xf32>
    %mul3A_81 = arith.constant -25.5025501 : f32
    %mul3A_82 = vector.broadcast %mul3A_81 : f32 to vector<128x343xf32>
    %mul3A_83 = arith.mulf %mul3A_82, %get3A_16 : vector<128x343xf32>
    %add3A_84 = arith.addf %add3A_80, %mul3A_83 : vector<128x343xf32>
    %dot_general3A_85 = arith.constant dense<0.000000e+00> : vector<128x343xf32>
    %dot_general3A_86 = tpu.matmul %add3A_84, %get3A_1, %dot_general3A_85 {dimension_numbers = #tpu.dot_dimension_numbers<[1], [0], [0], [1], [0, 0, 1, 1], [], []>, transpose_lhs_hint = false} : vector<128x343xf32>, vector<343x343xf32>, vector<128x343xf32> -> vector<128x343xf32>
    %abs3A_87 = math.absf %dot_general3A_86 : vector<128x343xf32>
    %reduce_sum3A_88 = arith.constant dense<0.000000e+00> : vector<128xf32>
    %reduce_sum3A_89 = vector.multi_reduction <add>, %abs3A_87, %reduce_sum3A_88 [1] : vector<128x343xf32> to vector<128xf32>
    %broadcast_in_dim3A_90 = vector.shape_cast %reduce_sum3A_89 : vector<128xf32> to vector<128x1xf32>
    %add3A_91 = arith.constant 9.99999993E-9 : f32
    %add3A_92 = vector.broadcast %add3A_91 : f32 to vector<128x1xf32>
    %add3A_93 = arith.addf %broadcast_in_dim3A_90, %add3A_92 : vector<128x1xf32>
    %div3A_94 = vector.broadcast %add3A_93 : vector<128x1xf32> to vector<128x343xf32>
    %div3A_95 = arith.divf %abs3A_87, %div3A_94 : vector<128x343xf32>
    %get3A_96 = arith.constant 2 : index
    %get3A_97 = arith.constant 0 : index
    %get3A_98 = arith.constant 0 : index
    %get3A_99 = vector.load %arg3[%get3A_96, %get3A_97, %get3A_98] : memref<3x343x1024xf32, #tpu.memory_space<vmem>>, vector<1x343x1024xf32>
    %get3A_100 = vector.shape_cast %get3A_99 : vector<1x343x1024xf32> to vector<343x1024xf32>
    %dot_general3A_101 = arith.constant dense<0.000000e+00> : vector<128x1024xf32>
    %dot_general3A_102 = tpu.matmul %div3A_95, %get3A_100, %dot_general3A_101 {dimension_numbers = #tpu.dot_dimension_numbers<[1], [0], [0], [1], [0, 0, 1, 1], [], []>, transpose_lhs_hint = false} : vector<128x343xf32>, vector<343x1024xf32>, vector<128x1024xf32> -> vector<128x1024xf32>
    %add3A_103 = arith.addf %add3A_73, %dot_general3A_102 : vector<128x1024xf32>
    %slice3A = vector.extract_strided_slice %add3A_103 {offsets = [0, 0], sizes = [128, 512], strides = [1, 1]} : vector<128x1024xf32> to vector<128x512xf32>
    %convert_element_type3A = arith.truncf %slice3A : vector<128x512xf32> to vector<128x512xbf16>
    %bitcast_convert_type3A = tpu.bitcast %convert_element_type3A : vector<128x512xbf16> -> vector<128x512xi16>
    %convert_element_type3A_104 = arith.extui %bitcast_convert_type3A : vector<128x512xi16> to vector<128x512xi32>
    %slice3A_105 = vector.extract_strided_slice %add3A_103 {offsets = [0, 512], sizes = [128, 512], strides = [1, 1]} : vector<128x1024xf32> to vector<128x512xf32>
    %convert_element_type3A_106 = arith.truncf %slice3A_105 : vector<128x512xf32> to vector<128x512xbf16>
    %bitcast_convert_type3A_107 = tpu.bitcast %convert_element_type3A_106 : vector<128x512xbf16> -> vector<128x512xi16>
    %convert_element_type3A_108 = arith.extui %bitcast_convert_type3A_107 : vector<128x512xi16> to vector<128x512xi32>
    %shift_left3A = arith.constant 16 : i32
    %shift_left3A_109 = vector.broadcast %shift_left3A : i32 to vector<128x512xi32>
    %shift_left3A_110 = arith.shli %convert_element_type3A_108, %shift_left3A_109 : vector<128x512xi32>
    %or3A = arith.ori %convert_element_type3A_104, %shift_left3A_110 : vector<128x512xi32>
    %bitcast_convert_type3A_111 = tpu.bitcast %or3A : vector<128x512xi32> -> vector<128x512xi32>
    %swap3A = arith.constant 0 : index
    %swap3A_112 = arith.constant 0 : index
    %swap3A_113 = vector.load %arg5[%swap3A, %swap3A_112] : memref<128x512xi32, #tpu.memory_space<vmem>>, vector<128x512xi32>
    tpu.vector_store %arg5[%swap3A, %swap3A_112], %bitcast_convert_type3A_111 {strides = array<i32>} : memref<128x512xi32, #tpu.memory_space<vmem>>, vector<128x512xi32>,
    return
  }
  func.func @transform_0(%arg0: i32) -> (i32, i32, i32) {
    %c0_i32 = arith.constant 0 : i32
    %c0_i32_0 = arith.constant 0 : i32
    %c0_i32_1 = arith.constant 0 : i32
    return %c0_i32, %arg0, %c0_i32_0 : i32, i32, i32
  }
  func.func @transform_1(%arg0: i32) -> (i32, i32) {
    %c0_i32 = arith.constant 0 : i32
    %c0_i32_0 = arith.constant 0 : i32
    %c0_i32_1 = arith.constant 0 : i32
    return %c0_i32, %c0_i32_0 : i32, i32
  }
  func.func @transform_2(%arg0: i32) -> (i32, i32, i32) {
    %c0_i32 = arith.constant 0 : i32
    %c0_i32_0 = arith.constant 0 : i32
    %c0_i32_1 = arith.constant 0 : i32
    %c0_i32_2 = arith.constant 0 : i32
    return %c0_i32, %c0_i32_0, %c0_i32_1 : i32, i32, i32
  }
  func.func @transform_3(%arg0: i32) -> (i32, i32) {
    %c0_i32 = arith.constant 0 : i32
    %c0_i32_0 = arith.constant 0 : i32
    %c0_i32_1 = arith.constant 0 : i32
    return %c0_i32, %c0_i32_0 : i32, i32
  }
  func.func @transform_4(%arg0: i32) -> (i32, i32) {
    %c0_i32 = arith.constant 0 : i32
    %c0_i32_0 = arith.constant 0 : i32
    return %arg0, %c0_i32 : i32, i32
  }
}

module attributes {stable_mosaic.version = 14 : i64} {
  func.func @body(%arg0: i32, %arg1: memref<1024x512xi32, #tpu.memory_space<vmem>>, %arg2: memref<3x1024x16xf32, #tpu.memory_space<vmem>>, %arg3: memref<48x1024xf32, #tpu.memory_space<vmem>>, %arg4: memref<1024x512xbf16, #tpu.memory_space<vmem>>, %arg5: memref<8x512xf32, #tpu.memory_space<vmem>>, %arg6: memref<512x256xbf16, #tpu.memory_space<vmem>>, %arg7: memref<8x256xf32, #tpu.memory_space<vmem>>, %arg8: memref<1024x256xf32, #tpu.memory_space<vmem>>) attributes {dimension_semantics = [#tpu.dimension_semantics<arbitrary>], iteration_bounds = array<i64: 49>, scalar_prefetch = 0 : i64, scratch_operands = 0 : i64, tpu.core_type = #tpu.core_type<tc>, window_params = [{transform_indices = @transform_0, window_bounds = array<i64: 1024, 512>}, {transform_indices = @transform_1, window_bounds = array<i64: 3, 1024, 16>}, {pipeline_mode = #tpu.pipeline_mode<synchronous>, transform_indices = @transform_2, window_bounds = array<i64: 48, 1024>}, {pipeline_mode = #tpu.pipeline_mode<synchronous>, transform_indices = @transform_3, window_bounds = array<i64: 1024, 512>}, {pipeline_mode = #tpu.pipeline_mode<synchronous>, transform_indices = @transform_4, window_bounds = array<i64: 8, 512>}, {pipeline_mode = #tpu.pipeline_mode<synchronous>, transform_indices = @transform_5, window_bounds = array<i64: 512, 256>}, {pipeline_mode = #tpu.pipeline_mode<synchronous>, transform_indices = @transform_6, window_bounds = array<i64: 8, 256>}, {transform_indices = @transform_7, window_bounds = array<i64: 1024, 256>}]} {
    %get3A = arith.constant 0 : index
    %get3A_0 = arith.constant 0 : index
    %get3A_1 = vector.load %arg1[%get3A, %get3A_0] : memref<1024x512xi32, #tpu.memory_space<vmem>>, vector<1024x512xi32>
    %bitcast_convert_type3A = tpu.bitcast %get3A_1 : vector<1024x512xi32> -> vector<1024x512xi32>
    %and3A = arith.constant 65535 : i32
    %and3A_2 = vector.broadcast %and3A : i32 to vector<1024x512xi32>
    %and3A_3 = arith.andi %bitcast_convert_type3A, %and3A_2 : vector<1024x512xi32>
    %convert_element_type3A = arith.trunci %and3A_3 : vector<1024x512xi32> to vector<1024x512xi16>
    %bitcast_convert_type3A_4 = tpu.bitcast %convert_element_type3A : vector<1024x512xi16> -> vector<1024x512xbf16>
    %convert_element_type3A_5 = arith.extf %bitcast_convert_type3A_4 : vector<1024x512xbf16> to vector<1024x512xf32>
    %shift_right_logical3A = arith.constant 16 : i32
    %shift_right_logical3A_6 = vector.broadcast %shift_right_logical3A : i32 to vector<1024x512xi32>
    %shift_right_logical3A_7 = arith.shrui %bitcast_convert_type3A, %shift_right_logical3A_6 : vector<1024x512xi32>
    %convert_element_type3A_8 = arith.trunci %shift_right_logical3A_7 : vector<1024x512xi32> to vector<1024x512xi16>
    %bitcast_convert_type3A_9 = tpu.bitcast %convert_element_type3A_8 : vector<1024x512xi16> -> vector<1024x512xbf16>
    %convert_element_type3A_10 = arith.extf %bitcast_convert_type3A_9 : vector<1024x512xbf16> to vector<1024x512xf32>
    %get3A_11 = arith.constant 0 : index
    %get3A_12 = arith.constant 0 : index
    %get3A_13 = arith.constant 0 : index
    %get3A_14 = vector.load %arg2[%get3A_11, %get3A_12, %get3A_13] : memref<3x1024x16xf32, #tpu.memory_space<vmem>>, vector<1x1024x16xf32>
    %get3A_15 = vector.shape_cast %get3A_14 : vector<1x1024x16xf32> to vector<1024x16xf32>
    %get3A_16 = arith.constant 1 : index
    %get3A_17 = arith.constant 0 : index
    %get3A_18 = arith.constant 0 : index
    %get3A_19 = vector.load %arg2[%get3A_16, %get3A_17, %get3A_18] : memref<3x1024x16xf32, #tpu.memory_space<vmem>>, vector<1x1024x16xf32>
    %get3A_20 = vector.shape_cast %get3A_19 : vector<1x1024x16xf32> to vector<1024x16xf32>
    %get3A_21 = arith.constant 2 : index
    %get3A_22 = arith.constant 0 : index
    %get3A_23 = arith.constant 0 : index
    %get3A_24 = vector.load %arg2[%get3A_21, %get3A_22, %get3A_23] : memref<3x1024x16xf32, #tpu.memory_space<vmem>>, vector<1x1024x16xf32>
    %get3A_25 = vector.shape_cast %get3A_24 : vector<1x1024x16xf32> to vector<1024x16xf32>
    %concatenate3A = tpu.concatenate %get3A_15, %get3A_20, %get3A_25 in 1 : vector<1024x16xf32>, vector<1024x16xf32>, vector<1024x16xf32> -> vector<1024x48xf32>
    %get3A_26 = arith.constant 0 : index
    %get3A_27 = arith.constant 0 : index
    %get3A_28 = vector.load %arg3[%get3A_26, %get3A_27] : memref<48x1024xf32, #tpu.memory_space<vmem>>, vector<48x1024xf32>
    %slice3A = vector.extract_strided_slice %get3A_28 {offsets = [0, 0], sizes = [48, 512], strides = [1, 1]} : vector<48x1024xf32> to vector<48x512xf32>
    %dot_general3A = arith.constant dense<0.000000e+00> : vector<1024x512xf32>
    %dot_general3A_29 = tpu.matmul %concatenate3A, %slice3A, %dot_general3A {dimension_numbers = #tpu.dot_dimension_numbers<[1], [0], [0], [1], [0, 0, 1, 1], [], []>, transpose_lhs_hint = false} : vector<1024x48xf32>, vector<48x512xf32>, vector<1024x512xf32> -> vector<1024x512xf32>
    %add3A = arith.addf %convert_element_type3A_5, %dot_general3A_29 : vector<1024x512xf32>
    %slice3A_30 = vector.extract_strided_slice %get3A_28 {offsets = [0, 512], sizes = [48, 512], strides = [1, 1]} : vector<48x1024xf32> to vector<48x512xf32>
    %dot_general3A_31 = arith.constant dense<0.000000e+00> : vector<1024x512xf32>
    %dot_general3A_32 = tpu.matmul %concatenate3A, %slice3A_30, %dot_general3A_31 {dimension_numbers = #tpu.dot_dimension_numbers<[1], [0], [0], [1], [0, 0, 1, 1], [], []>, transpose_lhs_hint = false} : vector<1024x48xf32>, vector<48x512xf32>, vector<1024x512xf32> -> vector<1024x512xf32>
    %add3A_33 = arith.addf %convert_element_type3A_10, %dot_general3A_32 : vector<1024x512xf32>
    %max3A = arith.constant 0.000000e+00 : f32
    %max3A_34 = vector.broadcast %max3A : f32 to vector<1024x512xf32>
    %max3A_35 = arith.maximumf %add3A, %max3A_34 : vector<1024x512xf32>
    %convert_element_type3A_36 = arith.truncf %max3A_35 : vector<1024x512xf32> to vector<1024x512xbf16>
    %max3A_37 = arith.constant 0.000000e+00 : f32
    %max3A_38 = vector.broadcast %max3A_37 : f32 to vector<1024x512xf32>
    %max3A_39 = arith.maximumf %add3A_33, %max3A_38 : vector<1024x512xf32>
    %convert_element_type3A_40 = arith.truncf %max3A_39 : vector<1024x512xf32> to vector<1024x512xbf16>
    %get3A_41 = arith.constant 0 : index
    %get3A_42 = arith.constant 0 : index
    %get3A_43 = vector.load %arg4[%get3A_41, %get3A_42] : memref<1024x512xbf16, #tpu.memory_space<vmem>>, vector<1024x512xbf16>
    %slice3A_44 = vector.extract_strided_slice %get3A_43 {offsets = [0, 0], sizes = [512, 512], strides = [1, 1]} : vector<1024x512xbf16> to vector<512x512xbf16>
    %dot_general3A_45 = arith.constant dense<0.000000e+00> : vector<1024x512xf32>
    %dot_general3A_46 = tpu.matmul %convert_element_type3A_36, %slice3A_44, %dot_general3A_45 {dimension_numbers = #tpu.dot_dimension_numbers<[1], [0], [0], [1], [0, 0, 1, 1], [], []>, transpose_lhs_hint = false} : vector<1024x512xbf16>, vector<512x512xbf16>, vector<1024x512xf32> -> vector<1024x512xf32>
    %slice3A_47 = vector.extract_strided_slice %get3A_43 {offsets = [512, 0], sizes = [512, 512], strides = [1, 1]} : vector<1024x512xbf16> to vector<512x512xbf16>
    %dot_general3A_48 = arith.constant dense<0.000000e+00> : vector<1024x512xf32>
    %dot_general3A_49 = tpu.matmul %convert_element_type3A_40, %slice3A_47, %dot_general3A_48 {dimension_numbers = #tpu.dot_dimension_numbers<[1], [0], [0], [1], [0, 0, 1, 1], [], []>, transpose_lhs_hint = false} : vector<1024x512xbf16>, vector<512x512xbf16>, vector<1024x512xf32> -> vector<1024x512xf32>
    %add3A_50 = arith.addf %dot_general3A_46, %dot_general3A_49 : vector<1024x512xf32>
    %get3A_51 = arith.constant 0 : index
    %get3A_52 = arith.constant 0 : index
    %get3A_53 = vector.load %arg5[%get3A_51, %get3A_52] : memref<8x512xf32, #tpu.memory_space<vmem>>, vector<1x512xf32>
    %add3A_54 = vector.broadcast %get3A_53 : vector<1x512xf32> to vector<1024x512xf32>
    %add3A_55 = arith.addf %add3A_50, %add3A_54 : vector<1024x512xf32>
    %max3A_56 = arith.constant 0.000000e+00 : f32
    %max3A_57 = vector.broadcast %max3A_56 : f32 to vector<1024x512xf32>
    %max3A_58 = arith.maximumf %add3A_55, %max3A_57 : vector<1024x512xf32>
    %convert_element_type3A_59 = arith.truncf %max3A_58 : vector<1024x512xf32> to vector<1024x512xbf16>
    %get3A_60 = arith.constant 0 : index
    %get3A_61 = arith.constant 0 : index
    %get3A_62 = vector.load %arg6[%get3A_60, %get3A_61] : memref<512x256xbf16, #tpu.memory_space<vmem>>, vector<512x256xbf16>
    %dot_general3A_63 = arith.constant dense<0.000000e+00> : vector<1024x256xf32>
    %dot_general3A_64 = tpu.matmul %convert_element_type3A_59, %get3A_62, %dot_general3A_63 {dimension_numbers = #tpu.dot_dimension_numbers<[1], [0], [0], [1], [0, 0, 1, 1], [], []>, transpose_lhs_hint = false} : vector<1024x512xbf16>, vector<512x256xbf16>, vector<1024x256xf32> -> vector<1024x256xf32>
    %get3A_65 = arith.constant 0 : index
    %get3A_66 = arith.constant 0 : index
    %get3A_67 = vector.load %arg7[%get3A_65, %get3A_66] : memref<8x256xf32, #tpu.memory_space<vmem>>, vector<1x256xf32>
    %add3A_68 = vector.broadcast %get3A_67 : vector<1x256xf32> to vector<1024x256xf32>
    %add3A_69 = arith.addf %dot_general3A_64, %add3A_68 : vector<1024x256xf32>
    %max3A_70 = arith.constant 0.000000e+00 : f32
    %max3A_71 = vector.broadcast %max3A_70 : f32 to vector<1024x256xf32>
    %max3A_72 = arith.maximumf %add3A_69, %max3A_71 : vector<1024x256xf32>
    %swap3A = arith.constant 0 : index
    %swap3A_73 = arith.constant 0 : index
    %swap3A_74 = vector.load %arg8[%swap3A, %swap3A_73] : memref<1024x256xf32, #tpu.memory_space<vmem>>, vector<1024x256xf32>
    tpu.vector_store %arg8[%swap3A, %swap3A_73], %max3A_72 {strides = array<i32>} : memref<1024x256xf32, #tpu.memory_space<vmem>>, vector<1024x256xf32>,
    return
  }
  func.func @transform_0(%arg0: i32) -> (i32, i32) {
    %c0_i32 = arith.constant 0 : i32
    %c0_i32_0 = arith.constant 0 : i32
    return %arg0, %c0_i32 : i32, i32
  }
  func.func @transform_1(%arg0: i32) -> (i32, i32, i32) {
    %c0_i32 = arith.constant 0 : i32
    %c0_i32_0 = arith.constant 0 : i32
    %c0_i32_1 = arith.constant 0 : i32
    return %c0_i32, %arg0, %c0_i32_0 : i32, i32, i32
  }
  func.func @transform_2(%arg0: i32) -> (i32, i32) {
    %c0_i32 = arith.constant 0 : i32
    %c0_i32_0 = arith.constant 0 : i32
    %c0_i32_1 = arith.constant 0 : i32
    return %c0_i32, %c0_i32_0 : i32, i32
  }
  func.func @transform_3(%arg0: i32) -> (i32, i32) {
    %c0_i32 = arith.constant 0 : i32
    %c0_i32_0 = arith.constant 0 : i32
    %c0_i32_1 = arith.constant 0 : i32
    return %c0_i32, %c0_i32_0 : i32, i32
  }
  func.func @transform_4(%arg0: i32) -> (i32, i32) {
    %c0_i32 = arith.constant 0 : i32
    %c0_i32_0 = arith.constant 0 : i32
    %c0_i32_1 = arith.constant 0 : i32
    return %c0_i32, %c0_i32_0 : i32, i32
  }
  func.func @transform_5(%arg0: i32) -> (i32, i32) {
    %c0_i32 = arith.constant 0 : i32
    %c0_i32_0 = arith.constant 0 : i32
    %c0_i32_1 = arith.constant 0 : i32
    return %c0_i32, %c0_i32_0 : i32, i32
  }
  func.func @transform_6(%arg0: i32) -> (i32, i32) {
    %c0_i32 = arith.constant 0 : i32
    %c0_i32_0 = arith.constant 0 : i32
    %c0_i32_1 = arith.constant 0 : i32
    return %c0_i32, %c0_i32_0 : i32, i32
  }
  func.func @transform_7(%arg0: i32) -> (i32, i32) {
    %c0_i32 = arith.constant 0 : i32
    %c0_i32_0 = arith.constant 0 : i32
    return %arg0, %c0_i32 : i32, i32
  }
}

</mosaic_0001>

<sc_bundles>
// kernel: kernel.10.cloned.1.call-start
scs
__scs_entry_jumppad:
0x0: {  	(pc) =	sbr.rel $0x88, $3  }
0x1: {  	(tag) =	ssettag $0x0;
	lr =	simm.s32 $0x1  }
0x2: {  	[smem:$0x3F95] =	sst lr;
	_ =	strace $0xD0000000  }
0x3: {  	_ = 	snop  }
0x4: {  	_ = 	snop  }
0x5: {  	_ = 	snop  }
0x6: {  	_ = 	snop  }
0x7: {  	_ = 	snop  }
__scs_overlays_trampoline_lowered:
0x8: {  	[smem:$0x3FA4] =	sst s0  }
0x9: {  	[smem:$0x3FA5] =	sst s1  }
0xa: {  	[smem:$0x3FA6] =	sst s2  }
0xb: {  	[smem:$0x3FA7] =	sst s3  }
0xc: {  	[smem:$0x3FA8] =	sst s4  }
0xd: {  	[smem:$0x3FA9] =	sst s5  }
0xe: {  	[smem:$0x3FAA] =	sst s6  }
0xf: {  	[smem:$0x3FAB] =	sst s7  }
0x10: {  	[smem:$0x3FAC] =	sst s8  }
0x11: {  	[smem:$0x3FAD] =	sst s9;
	s0 =	simm.s32 @!p0 $0x0  }
0x12: {  	s1 =	sld [smem:$0x3F93];
	s0 =	simm.s32 @p0 $0x1  }
0x13: {  	[smem:$0x3FAE] =	sst s0;
	s0 =	simm.s32 @!p1 $0x0  }
0x14: {  	s2 =	sld [smem:$0x3F92];
	s0 =	simm.s32 @p1 $0x1  }
0x15: {  	[smem:$0x3FAF] =	sst s0;
	s0 =	simm.s32 @!p2 $0x0  }
0x16: {  	s3 =	sld [smem:$0x3FDB];
	s0 =	simm.s32 @p2 $0x1  }
0x17: {  	s4 =	simm.s32 $0x1BF5;
	[smem:$0x3FB1] =	sst s0  }
0x18: {  	s0 =	sld [smem:$0x3F94];
	_ =	swait.ge [sflag:s4], $0x0  }
0x19: {  	s7 =	sld [smem:$0x3F95]  }
0x1a: {  	s8 =	sadd.s32 $0xFFFFE003, lr  }
0x1b: {  	s9 =	sadd.s32 $0xFFFFFEF7, lr;
	s5 =	simm.s32 $0xFFFFFFFF;
	p2 =	slt.u32 s8, $0xFFFFF086  }
0x1c: {  	p1 =	slt.u32 s9, $0xF7A;
	s5 =	simm.s32 @!p2 $0x0  }
0x1d: {  	s5 =	simm.s32 @p1 $0x1;
	p0 =	seq.s32 s7, s2  }
0x1e: {  	s7 =	smul.u32 @!p0 $0xF7A, s2;
	p2 =	seq.s32 @!p0 s5, $0x0  }
0x1f: {  	s9 =	smul.u32 $0xF7A, s1;
	s8 =	simm.s32 @!p0 $0x1BF5;
	p2 =	por !p2, p0  }
0x20: {  	[sflag:s8] =	ssyncset.s32 @!p0 $0xFFFFF086;
	s6 =	sadd.s32 @!p0 s3, s7;
	s7 =	simm.s32 @!p0 $0x108  }
0x21: {  	s3 =	sadd.s32 s3, s9;
	s6 =	sadd.s32 @!p0 $0x88, s6;
	s7 =	simm.s32 @p2 $0x1082  }
0x22: {  	[simem:s7], [sflag:s8] =	dma.local @!p0 [hbm:s6], $0xF7A  }
0x23: {  	s9 =	sor.u32 $0xD0000000, s2;
	s6 =	simm.s32 $0x108;
	_ =	swait.ge @!p0 [sflag:s8], $0x0  }
0x24: {  	s3 =	sadd.s32 $0x88, s3;
	s6 =	simm.s32 @!p1 $0x1082;
	[sflag:s4] =	ssyncset.s32 $0xFFFFF086  }
0x25: {  	[simem:s6], [sflag:s4] =	dma.local [hbm:s3], $0xF7A  }
0x26: {  	[smem:$0x3F95] =	sst s1;
	(tag) =	ssettag s2;
	_ =	strace s9  }
0x27: {  	s1 =	sld [smem:$0x3FA5]  }
0x28: {  	s2 =	sld [smem:$0x3FA6]  }
0x29: {  	s4 =	sld [smem:$0x3FA8]  }
0x2a: {  	p0 =	seq.s32 s5, $0x0;
	s5 =	sld [smem:$0x3FA9]  }
0x2b: {  	s6 =	sld [smem:$0x3FAA]  }
0x2c: {  	s7 =	sld [smem:$0x3FAB]  }
0x2d: {  	s3 =	simm.s32 $0x108;
	s8 =	sld [smem:$0x3FAC]  }
0x2e: {  	s3 =	simm.s32 @!p0 $0x1082;
	s9 =	sld [smem:$0x3FAD]  }
0x2f: {  	lr =	sadd.s32 s0, s3;
	s0 =	sld [smem:$0x3FA4]  }
0x30: {  	s3 =	sld [smem:$0x3FA7]  }
0x31: {  	[smem:$0x3FB0] =	sst s10  }
0x32: {  	s10 =	sld [smem:$0x3FAE];
	_ =	sdelay $0x3  }
0x33: {  	p0 =	seq.s32 s10, $0x1;
	s10 =	sld [smem:$0x3FB0];
	_ =	sdelay $0x3  }
0x34: {  	[smem:$0x3FB0] =	sst s10  }
0x35: {  	s10 =	sld [smem:$0x3FAF];
	_ =	sdelay $0x3  }
0x36: {  	p1 =	seq.s32 s10, $0x1;
	s10 =	sld [smem:$0x3FB0];
	_ =	sdelay $0x3  }
0x37: {  	[smem:$0x3FB0] =	sst s10  }
0x38: {  	s10 =	sld [smem:$0x3FB1]  }
0x39: {  	_ = 	snop;
	(pc) =	sbr.ind lr, $3  }
0x3a: {  	_ = 	snop  }
0x3b: {  	_ = 	snop  }
0x3c: {  	p2 =	seq.s32 s10, $0x1;
	s10 =	sld [smem:$0x3FB0]  }
0x3d: {  	_ =	shalt  }
0x3e: {  	_ =	shalt  }
0x3f: {  	_ =	shalt  }
0x40: {  	_ =	shalt  }
0x41: {  	_ =	shalt  }
0x42: {  	_ =	shalt  }
0x43: {  	_ =	shalt  }
0x44: {  	_ =	shalt  }
0x45: {  	_ =	shalt  }
0x46: {  	_ =	shalt  }
0x47: {  	_ =	shalt  }
0x48: {  	_ =	shalt  }
0x49: {  	_ =	shalt  }
0x4a: {  	_ =	shalt  }
0x4b: {  	_ =	shalt  }
0x4c: {  	_ =	shalt  }
0x4d: {  	_ =	shalt  }
0x4e: {  	_ =	shalt  }
0x4f: {  	_ =	shalt  }
0x50: {  	_ =	shalt  }
0x51: {  	_ =	shalt  }
0x52: {  	_ =	shalt  }
0x53: {  	_ =	shalt  }
0x54: {  	_ =	shalt  }
0x55: {  	_ =	shalt  }
0x56: {  	_ =	shalt  }
0x57: {  	_ =	shalt  }
0x58: {  	_ =	shalt  }
0x59: {  	_ =	shalt  }
0x5a: {  	_ =	shalt  }
0x5b: {  	_ =	shalt  }
0x5c: {  	_ =	shalt  }
0x5d: {  	_ =	shalt  }
0x5e: {  	_ =	shalt  }
0x5f: {  	_ =	shalt  }
0x60: {  	_ =	shalt  }
0x61: {  	_ =	shalt  }
0x62: {  	_ =	shalt  }
0x63: {  	_ =	shalt  }
0x64: {  	_ =	shalt  }
0x65: {  	_ =	shalt  }
0x66: {  	_ =	shalt  }
0x67: {  	_ =	shalt  }
0x68: {  	_ =	shalt  }
0x69: {  	_ =	shalt  }
0x6a: {  	_ =	shalt  }
0x6b: {  	_ =	shalt  }
0x6c: {  	_ =	shalt  }
0x6d: {  	_ =	shalt  }
0x6e: {  	_ =	shalt  }
0x6f: {  	_ =	shalt  }
0x70: {  	_ =	shalt  }
0x71: {  	_ =	shalt  }
0x72: {  	_ =	shalt  }
0x73: {  	_ =	shalt  }
0x74: {  	_ =	shalt  }
0x75: {  	_ =	shalt  }
0x76: {  	_ =	shalt  }
0x77: {  	_ =	shalt  }
0x78: {  	_ =	shalt  }
0x79: {  	_ =	shalt  }
0x7a: {  	_ =	shalt  }
0x7b: {  	_ =	shalt  }
0x7c: {  	_ =	shalt  }
0x7d: {  	_ =	shalt  }
0x7e: {  	_ =	shalt  }
0x7f: {  	_ =	shalt  }
0x80: {  	_ =	shalt  }
0x81: {  	_ =	shalt  }
0x82: {  	_ =	shalt  }
0x83: {  	_ =	shalt  }
0x84: {  	_ =	shalt  }
0x85: {  	_ =	shalt  }
0x86: {  	_ =	shalt  }
0x87: {  	_ =	shalt  }
.Lfunc_end0:
.L_simem_size_0:
called_computation.1_lowered:
.L_overlay_start_0:
0x88: {  	s2 =	sld [smem:$0x3FD9]  }
0x89: {  	s3 =	sld [smem:$0x3FFE];
	_ =	sdelay $0x1  }
0x8a: {  	s1 =	srdreg.scid  }
0x8b: {  	s0 =	sand.u32 $0x1, s1  }
0x8c: {  	s17 =	sshll.u32 s0, $0xA;
	s2 =	sadd.s32 s3, s2  }
0x8d: {  	s2 =	sadd.s32 s2, s17  }
0x8e: {  	[smem:$0x3FBC] =	sst s2  }
0x8f: {  	_ = 	snop  }
0x90: {  	s18 =	sld [smem:$0x3FC8]  }
0x91: {  	s4 =	sld [smem:$0x3FD0];
	(tm) =	ssettm $0x1  }
0x92: {  	s19 =	sld [smem:$0x3FFB];
	_ =	sdelay $0x3  }
0x93: {  	_ =	strace s19  }
0x94: {  	s2 =	sld [smem:$0x3FFC];
	_ =	sdelay $0x3  }
0x95: {  	_ =	strace s2  }
0x96: {  	s2 =	sld [smem:$0x3FFD];
	_ =	sdelay $0x3  }
0x97: {  	_ =	strace s2  }
0x98: {  	_ =	strace $0x8FFFFFFF  }
0x99: {  	s20 =	sld [smem:$0x3FDB];
	_ =	sdelay $0x1  }
0x9a: {  	s5 =	simm.s32 $_scs_section_size  }
0x9b: {  	s6 =	simm.s32 $_size__tile_overlayer_lowered;
	s7 =	simm.s32 $_tile_overlayer_lowered  }
0x9c: {  	s8 =	simm.s32 $0x1BFF;
	s21 =	sshll.u32 s7, $0x1;
	s5 =	sadd.s32 s5, s20  }
0x9d: {  	s22 =	simm.s32 $0x0;
	s6 =	sshll.u32 s6, $0x1;
	s7 =	sadd.s32 s21, s5  }
0x9e: {  	[timem:s22], [sflag:s8] =	dma.local [hbm:s7], s6  }
0x9f: {  	_ =	swait.ge [sflag:s8], s6  }
0xa0: {  	s6 =	ssub.s32 $0x0, s6;
	[sflag:s8] =	ssyncset.done $0x0  }
0xa1: {  	[sflag:s8] =	ssyncadd.s32 s6;
	_ =	sdelay $0x1  }
0xa2: {  	s23 =	simm.s32 $0x1B8B  }
0xa3: {  	_ =	swait.ge [sflag:s23], $0x1  }
0xa4: {  	[sflag:s23] =	ssyncset.done $0x0  }
0xa5: {  	[sflag:s23] =	ssyncadd.s32 $0xFFFFFFFF  }
0xa6: {  	s6 =	sld [smem:$0x0]  }
0xa7: {  	s7 =	sand.u32 $0xFFFFFFFE, s1  }
0xa8: {  	p0 =	sne.s32 s1, s7  }
0xa9: {  	s7 =	sshll.u32 @p0 s7, $0xE  }
0xaa: {  	s7 =	sadd.s32 @p0 $0x11B8D, s7;
	s8 =	sshll.u32 @p0 s6, $0x11  }
0xab: {  	s7 =	sor.u32 @p0 s8, s7  }
0xac: {  	[sflag:s7] =	ssyncadd.remote.s32 @p0 $0x1;
	_ =	sdelay $0x1  }
0xad: {  	s7 =	simm.s32 @p0 $0x1B8D  }
0xae: {  	_ =	swait.eq @p0 [sflag:s7], $0x1  }
0xaf: {  	[sflag:s7] =	ssyncadd.s32 @p0 $0xFFFFFFFF  }
0xb0: {  	s8 =	sshll.u32 @!p0 s1, $0xE  }
0xb1: {  	s8 =	sor.u32 @!p0 $0x4000, s8;
	s7 =	simm.s32 @!p0 $0x1B8D  }
0xb2: {  	s6 =	sshll.u32 @!p0 s6, $0x11;
	s8 =	sadd.s32 @!p0 $0x11B8D, s8;
	_ =	swait.eq @!p0 [sflag:s7], $0x1  }
0xb3: {  	s6 =	sor.u32 @!p0 s6, s8;
	[sflag:s7] =	ssyncadd.s32 @!p0 $0xFFFFFFFF  }
0xb4: {  	s25 =	simm.s32 $0x1B8E;
	s24 =	sld [smem:$0x3FFE];
	[sflag:s6] =	ssyncadd.remote.s32 @!p0 $0x1  }
0xb5: {  	s26 =	simm.s32 $execute0_lowered;
	[smem:$0x3FD2] =	sst s25  }
0xb6: {  	s7 =	sshll.u32 s26, $0x1;
	_ =	strace $0x80000049;
	[dreg:$0x1] =	wrdreg $0xFFFFFFFF  }
0xb7: {  	s28 =	simm.s32 $_size_execute0_lowered;
	s5 =	sadd.s32 s5, s7;
	[dreg:$0x0] =	wrdreg $0x0  }
0xb8: {  	s7 =	sshll.u32 s28, $0x1;
	[dreg:$0x2] =	wrdreg s5  }
0xb9: {  	[dreg:$0x3] =	wrdreg s7  }
0xba: {  	[dreg:$0x4] =	wrdreg $0xC0  }
0xbb: {  	_ =	task [dreg:s22], $0x5FFFF  }
0xbc: {  	[dreg:$0x1] =	wrdreg $0xFFFFFFFF  }
0xbd: {  	[dreg:$0x0] =	wrdreg $0x60  }
0xbe: {  	[dreg:$0x2] =	wrdreg s24  }
0xbf: {  	[dreg:$0x3] =	wrdreg s18  }
0xc0: {  	[dreg:$0x4] =	wrdreg s4  }
0xc1: {  	[dreg:$0x5] =	wrdreg $0x9  }
0xc2: {  	_ =	task.clear_ibuf [dreg:s22], $0x6FFFF;
	_ =	strace $0x90000049  }
0xc3: {  	s29 =	simm.s32 $0x9;
	_ =	strace $0x8000004B  }
0xc4: {  	_ =	swait.ge [sflag:s29], $0x1  }
0xc5: {  	[sflag:s29] =	ssyncadd.s32 $0xFFFFFFFF  }
0xc6: {  	_ =	strace $0x9000004B  }
0xc7: {  	_ =	sfence  }
0xc8: {  	s30 =	sld [smem:$0x0];
	_ =	sdelay $0x2  }
0xc9: {  	s31 =	sshll.u32 s1, $0xD;
	s1 =	sshrl.u32 s1, $0x2  }
0xca: {  	s4 =	sand.u32 $0x4000, s31;
	s1 =	sadd.s32 s1, s30  }
0xcb: {  	s0 =	sor.u32 s4, s0;
	s1 =	sshll.u32 s1, $0x11  }
0xcc: {  	s0 =	sor.u32 s1, s0  }
0xcd: {  	s0 =	sadd.s32 $0x8F2B, s0  }
0xce: {  	[sflag:s0] =	ssyncadd.remote.s32 $0x1  }
0xcf: {  	_ =	sfence.sel $0xFFFF  }
0xd0: {  	[dreg:$0x0] =	wrdreg $0xFFFFFFFF;
	(pc) =	sbr.abs _section_cstart, $3  }
0xd1: {  	[dreg:$0x1] =	wrdreg $0xFFFFFFFF  }
0xd2: {  	_ =	task.clear_ibuf [dreg:s22], $0x2FFFF;
	_ =	strace $0x9FFFFFFF  }
0xd3: {  	(tm) =	ssettm $0x7FFFFFFF  }
tec
execute0_lowered:
.L_overlay_start_1:
0x0: {  	(tag) =	ssettag $0x1  }
0x1: {  	s14 =	rddreg [dreg:$0x0]  }
0x2: {  	s2 =	rddreg [dreg:$0x1]  }
0x3: {  	s10 =	rddreg [dreg:$0x2]  }
0x4: {  	s0 =	rddreg [dreg:$0x3];
	s4 =	srdreg.scid  }
0x5: {  	s1 =	stileid.u32;
	s3 =	simm.s32 $0x0;
	s18 =	simm.s32 $0x1  }
0x6: {  	s19 =	simm.s32 $0x18700;
	s4 =	sand.u32 $0x1, s4;
	s5 =	sshll.u32 s1, $0x1  }
0x7: {  	s20 =	simm.s32 $0x1B800;
	s21 =	simm.s32 $0x0;
	s5 =	sor.u32 s4, s5  }
0x8: {  	[smem:$0x7FF] =	sst s3;
	s6 =	ssub.s32 $0x2, s4;
	s5 =	smul.u32 $0x6200, s5  }
0x9: {  	s7 =	sadd.s32 $0x47200, s14;
	s9 =	sadd.s32 $0x5FA00, s14;
	s8 =	sshrl.u32 s6, $0x1  }
0xa: {  	_ =	strace $0x8000004A;
	s17 =	ssub.s32 s6, s8;
	s11 =	sshrl.u32 s5, $0x3  }
0xb: {  	s4 =	sadd.s32 $0x2200, s14;
	s17 =	smax.u32 s17, $0x1;
	s12 =	sadd.s32 $0x620, s11  }
0xc: {  	s5 =	sadd.s32 s7, s11;
	s6 =	sadd.s32 s9, s11;
	s7 =	sadd.s32 s7, s12  }
0xd: {  	s8 =	sadd.s32 s9, s12;
	s9 =	sadd.s32 s10, s11;
	s10 =	sadd.s32 s10, s12  }
0xe: {  	s11 =	sadd.s32 $0x3A6A, s14;
	s14 =	sadd.s32 $0x52D4, s14;
	s12 =	sadd.s32 $0x18800, s9  }
0xf: {  	s13 =	sadd.s32 $0x18E20, s9;
	s15 =	sadd.s32 $0x31000, s9;
	s16 =	sadd.s32 $0x31620, s9  }
.LBB2_1:
0x10: {  	[tilespmem:s3], [sflag:$0x1] =	stream.linear.gather [hbm4b:s2+s3], $0x18700, $0x38;
	[tilespmem:$0x1E900] =	vst v63  }
0x11: {  	_ =	swait.ge [sflag:s18], $0x18700  }
0x12: {  	[sflag:s18] =	ssyncset.done $0x0  }
0x13: {  	[sflag:s18] =	ssyncadd.s32 $0xFFFE7900  }
0x14: {  	[tilespmem:s19], [sflag:$0x1] =	stream.linear.gather [hbm4b:s5+s3], $0x3100, $0x38;
	[tilespmem:$0x1E900] =	vst v63  }
0x15: {  	_ =	swait.ge [sflag:s18], $0x3100  }
0x16: {  	[sflag:s18] =	ssyncset.done $0x0  }
0x17: {  	s22 =	simm.s32 $0x18740;
	[sflag:s18] =	ssyncadd.s32 $0xFFFFCF00  }
0x18: {  	v0 =	vld [tilespmem:s22+$0x30]  }
0x19: {  	v1 =	vld [tilespmem:s22+$0xFFFFFFD0]  }
0x1a: {  	v2 =	vld [tilespmem:s22+$0xFFFFFFE0]  }
0x1b: {  	v3 =	vld [tilespmem:s22+$0xFFFFFFF0]  }
0x1c: {  	v4 =	vld [tilespmem:s22+$0x0]  }
0x1d: {  	v6 =	vld [tilespmem:s22+$0x10]  }
0x1e: {  	v7 =	vld [tilespmem:s22+$0x20]  }
0x1f: {  	v8 =	vld [tilespmem:s22+$0xFFFFFFC0]  }
0x20: {  	v9 =	vld.idx.msk [tilespmem:v0+s3+$0x0], $0xffff  }
0x21: {  	v10 =	vld.idx.msk [tilespmem:v1+s3+$0x0], $0xffff  }
0x22: {  	v5 =	vld.idx.msk [tilespmem:v2+s3+$0x0], $0xffff  }
0x23: {  	v3 =	vld.idx.msk [tilespmem:v3+s3+$0x0], $0xffff  }
0x24: {  	v0 =	vld.idx.msk [tilespmem:v4+s3+$0x0], $0xffff  }
0x25: {  	s22 =	simm.s32 $0x1B840;
	v1 =	vld.idx.msk [tilespmem:v6+s3+$0x0], $0xffff  }
0x26: {  	v2 =	vld.idx.msk [tilespmem:v7+s3+$0x0], $0xffff;
	[tilespmem:s22+$0x30] =	vst v9  }
0x27: {  	s23 =	simm.s32 $0x0;
	s24 =	simm.s32 $0x187C0;
	v4 =	vld.idx.msk [tilespmem:v8+s3+$0x0], $0xffff;
	[tilespmem:s22+$0xFFFFFFD0] =	vst v10  }
.LBB2_2:
0x28: {  	v6 =	vld [tilespmem:s24+$0x30];
	s23 =	sadd.s32 $0x80, s23;
	[tilespmem:s22+$0xFFFFFFE0] =	vst v5  }
0x29: {  	v5 =	vld [tilespmem:s24+$0xFFFFFFD0];
	p0 =	slt.u32 s23, $0x3080;
	[tilespmem:s22+$0xFFFFFFF0] =	vst v3  }
0x2a: {  	v3 =	vld [tilespmem:s24+$0xFFFFFFE0];
	[tilespmem:s22+$0x0] =	vst v0  }
0x2b: {  	v0 =	vld [tilespmem:s24+$0xFFFFFFF0];
	[tilespmem:s22+$0x10] =	vst v1  }
0x2c: {  	v1 =	vld [tilespmem:s24+$0x0];
	[tilespmem:s22+$0x20] =	vst v2  }
0x2d: {  	v2 =	vld [tilespmem:s24+$0x10];
	[tilespmem:s22+$0xFFFFFFC0] =	vst v4  }
0x2e: {  	v4 =	vld [tilespmem:s24+$0x20]  }
0x2f: {  	v7 =	vld [tilespmem:s24+$0xFFFFFFC0]  }
0x30: {  	v6 =	vld.idx.msk [tilespmem:v6+s3+$0x0], $0xffff  }
0x31: {  	v8 =	vld.idx.msk [tilespmem:v5+s3+$0x0], $0xffff  }
0x32: {  	v5 =	vld.idx.msk [tilespmem:v3+s3+$0x0], $0xffff  }
.Ltmp0:
0x33: {  	v3 =	vld.idx.msk [tilespmem:v0+s3+$0x0], $0xffff;
	(pc) =	sbr.rel @p0 .LBB2_2-.Ltmp0, $4  }
0x34: {  	v0 =	vld.idx.msk [tilespmem:v1+s3+$0x0], $0xffff  }
0x35: {  	s22 =	sadd.s32 $0x80, s22;
	v1 =	vld.idx.msk [tilespmem:v2+s3+$0x0], $0xffff  }
0x36: {  	v2 =	vld.idx.msk [tilespmem:v4+s3+$0x0], $0xffff;
	[tilespmem:s22+$0x30] =	vst v6  }
0x37: {  	s24 =	sadd.s32 $0x80, s24;
	v4 =	vld.idx.msk [tilespmem:v7+s3+$0x0], $0xffff;
	[tilespmem:s22+$0xFFFFFFD0] =	vst v8  }
0x38: {  	[tilespmem:s22+$0xFFFFFFE0] =	vst v5  }
0x39: {  	[tilespmem:s22+$0xFFFFFFF0] =	vst v3  }
0x3a: {  	[tilespmem:s22+$0x0] =	vst v0  }
0x3b: {  	[tilespmem:s22+$0x10] =	vst v1  }
0x3c: {  	[tilespmem:s22+$0x20] =	vst v2  }
0x3d: {  	[tilespmem:s22+$0xFFFFFFC0] =	vst v4  }
0x3e: {  	[hbm4b:s6+s3] =	stream.linear.scatter [tilespmem:s20], [sflag:$0x1], $0x3100, $0x38;
	[tilespmem:$0x1E900] =	vst v63  }
0x3f: {  	_ =	swait.ge [sflag:s18], $0x3100  }
0x40: {  	[sflag:s18] =	ssyncset.done $0x0  }
0x41: {  	[sflag:s18] =	ssyncadd.s32 $0xFFFFCF00  }
0x42: {  	[tilespmem:s19], [sflag:$0x1] =	stream.linear.gather [hbm4b:s7+s3], $0x3100, $0x38;
	[tilespmem:$0x1E900] =	vst v63  }
0x43: {  	_ =	swait.ge [sflag:s18], $0x3100  }
0x44: {  	[sflag:s18] =	ssyncset.done $0x0  }
0x45: {  	s31 =	simm.s32 $0x18740;
	[sflag:s18] =	ssyncadd.s32 $0xFFFFCF00  }
0x46: {  	v0 =	vld [tilespmem:s31+$0x30]  }
0x47: {  	v1 =	vld [tilespmem:s31+$0xFFFFFFD0]  }
0x48: {  	v2 =	vld [tilespmem:s31+$0xFFFFFFE0]  }
0x49: {  	v3 =	vld [tilespmem:s31+$0xFFFFFFF0]  }
0x4a: {  	v4 =	vld [tilespmem:s31+$0x0]  }
0x4b: {  	v6 =	vld [tilespmem:s31+$0x10]  }
0x4c: {  	v7 =	vld [tilespmem:s31+$0x20]  }
0x4d: {  	v8 =	vld [tilespmem:s31+$0xFFFFFFC0]  }
0x4e: {  	v9 =	vld.idx.msk [tilespmem:v0+s3+$0x0], $0xffff  }
0x4f: {  	v10 =	vld.idx.msk [tilespmem:v1+s3+$0x0], $0xffff  }
0x50: {  	v5 =	vld.idx.msk [tilespmem:v2+s3+$0x0], $0xffff  }
0x51: {  	v3 =	vld.idx.msk [tilespmem:v3+s3+$0x0], $0xffff  }
0x52: {  	v0 =	vld.idx.msk [tilespmem:v4+s3+$0x0], $0xffff  }
0x53: {  	s22 =	simm.s32 $0x1B840;
	v1 =	vld.idx.msk [tilespmem:v6+s3+$0x0], $0xffff  }
0x54: {  	v2 =	vld.idx.msk [tilespmem:v7+s3+$0x0], $0xffff;
	[tilespmem:s22+$0x30] =	vst v9  }
0x55: {  	s23 =	simm.s32 $0x0;
	s24 =	simm.s32 $0x187C0;
	v4 =	vld.idx.msk [tilespmem:v8+s3+$0x0], $0xffff;
	[tilespmem:s22+$0xFFFFFFD0] =	vst v10  }
.LBB2_4:
0x56: {  	v6 =	vld [tilespmem:s24+$0x30];
	s23 =	sadd.s32 $0x80, s23;
	[tilespmem:s22+$0xFFFFFFE0] =	vst v5  }
0x57: {  	v5 =	vld [tilespmem:s24+$0xFFFFFFD0];
	p0 =	slt.u32 s23, $0x3080;
	[tilespmem:s22+$0xFFFFFFF0] =	vst v3  }
0x58: {  	v3 =	vld [tilespmem:s24+$0xFFFFFFE0];
	[tilespmem:s22+$0x0] =	vst v0  }
0x59: {  	v0 =	vld [tilespmem:s24+$0xFFFFFFF0];
	[tilespmem:s22+$0x10] =	vst v1  }
0x5a: {  	v1 =	vld [tilespmem:s24+$0x0];
	[tilespmem:s22+$0x20] =	vst v2  }
0x5b: {  	v2 =	vld [tilespmem:s24+$0x10];
	[tilespmem:s22+$0xFFFFFFC0] =	vst v4  }
0x5c: {  	v4 =	vld [tilespmem:s24+$0x20]  }
0x5d: {  	v7 =	vld [tilespmem:s24+$0xFFFFFFC0]  }
0x5e: {  	v6 =	vld.idx.msk [tilespmem:v6+s3+$0x0], $0xffff  }
0x5f: {  	v8 =	vld.idx.msk [tilespmem:v5+s3+$0x0], $0xffff  }
0x60: {  	v5 =	vld.idx.msk [tilespmem:v3+s3+$0x0], $0xffff  }
.Ltmp1:
0x61: {  	v3 =	vld.idx.msk [tilespmem:v0+s3+$0x0], $0xffff;
	(pc) =	sbr.rel @p0 .LBB2_4-.Ltmp1, $4  }
0x62: {  	v0 =	vld.idx.msk [tilespmem:v1+s3+$0x0], $0xffff  }
0x63: {  	s22 =	sadd.s32 $0x80, s22;
	v1 =	vld.idx.msk [tilespmem:v2+s3+$0x0], $0xffff  }
0x64: {  	v2 =	vld.idx.msk [tilespmem:v4+s3+$0x0], $0xffff;
	[tilespmem:s22+$0x30] =	vst v6  }
0x65: {  	s24 =	sadd.s32 $0x80, s24;
	v4 =	vld.idx.msk [tilespmem:v7+s3+$0x0], $0xffff;
	[tilespmem:s22+$0xFFFFFFD0] =	vst v8  }
0x66: {  	[tilespmem:s22+$0xFFFFFFE0] =	vst v5  }
0x67: {  	[tilespmem:s22+$0xFFFFFFF0] =	vst v3  }
0x68: {  	[tilespmem:s22+$0x0] =	vst v0  }
0x69: {  	[tilespmem:s22+$0x10] =	vst v1  }
0x6a: {  	[tilespmem:s22+$0x20] =	vst v2  }
0x6b: {  	[tilespmem:s22+$0xFFFFFFC0] =	vst v4  }
0x6c: {  	[hbm4b:s8+s3] =	stream.linear.scatter [tilespmem:s20], [sflag:$0x1], $0x3100, $0x38;
	[tilespmem:$0x1E900] =	vst v63  }
0x6d: {  	_ =	swait.ge [sflag:s18], $0x3100  }
0x6e: {  	[sflag:s18] =	ssyncset.done $0x0  }
0x6f: {  	[sflag:s18] =	ssyncadd.s32 $0xFFFFCF00  }
0x70: {  	[tilespmem:s3], [sflag:$0x1] =	stream.linear.gather [hbm4b:s4+s3], $0xC350, $0x38;
	[tilespmem:$0x1E900] =	vst v63  }
0x71: {  	_ =	swait.ge [sflag:s18], $0xC350  }
0x72: {  	[sflag:s18] =	ssyncset.done $0x0  }
0x73: {  	[sflag:s18] =	ssyncadd.s32 $0xFFFF3CB0  }
0x74: {  	[tilespmem:s19], [sflag:$0x1] =	stream.linear.gather [hbm4b:s6+s3], $0x3100, $0x38;
	[tilespmem:$0x1E900] =	vst v63  }
0x75: {  	_ =	swait.ge [sflag:s18], $0x3100  }
0x76: {  	[sflag:s18] =	ssyncset.done $0x0  }
0x77: {  	s31 =	simm.s32 $0x18740;
	[sflag:s18] =	ssyncadd.s32 $0xFFFFCF00  }
0x78: {  	v0 =	vld [tilespmem:s31+$0x30]  }
0x79: {  	v1 =	vld [tilespmem:s31+$0xFFFFFFD0]  }
0x7a: {  	v2 =	vld [tilespmem:s31+$0xFFFFFFE0]  }
0x7b: {  	v3 =	vld [tilespmem:s31+$0xFFFFFFF0]  }
0x7c: {  	v4 =	vld [tilespmem:s31+$0x0]  }
0x7d: {  	v6 =	vld [tilespmem:s31+$0x10]  }
0x7e: {  	v7 =	vld [tilespmem:s31+$0x20]  }
0x7f: {  	v8 =	vld [tilespmem:s31+$0xFFFFFFC0]  }
0x80: {  	v9 =	vld.idx.msk [tilespmem:v0+s3+$0x0], $0xffff  }
0x81: {  	v10 =	vld.idx.msk [tilespmem:v1+s3+$0x0], $0xffff  }
0x82: {  	v5 =	vld.idx.msk [tilespmem:v2+s3+$0x0], $0xffff  }
0x83: {  	v3 =	vld.idx.msk [tilespmem:v3+s3+$0x0], $0xffff  }
0x84: {  	v0 =	vld.idx.msk [tilespmem:v4+s3+$0x0], $0xffff  }
0x85: {  	s22 =	simm.s32 $0x1B840;
	v1 =	vld.idx.msk [tilespmem:v6+s3+$0x0], $0xffff  }
0x86: {  	v2 =	vld.idx.msk [tilespmem:v7+s3+$0x0], $0xffff;
	[tilespmem:s22+$0x30] =	vst v9  }
0x87: {  	s23 =	simm.s32 $0x0;
	s24 =	simm.s32 $0x187C0;
	v4 =	vld.idx.msk [tilespmem:v8+s3+$0x0], $0xffff;
	[tilespmem:s22+$0xFFFFFFD0] =	vst v10  }
.LBB2_6:
0x88: {  	v6 =	vld [tilespmem:s24+$0x30];
	s23 =	sadd.s32 $0x80, s23;
	[tilespmem:s22+$0xFFFFFFE0] =	vst v5  }
0x89: {  	v5 =	vld [tilespmem:s24+$0xFFFFFFD0];
	p0 =	slt.u32 s23, $0x3080;
	[tilespmem:s22+$0xFFFFFFF0] =	vst v3  }
0x8a: {  	v3 =	vld [tilespmem:s24+$0xFFFFFFE0];
	[tilespmem:s22+$0x0] =	vst v0  }
0x8b: {  	v0 =	vld [tilespmem:s24+$0xFFFFFFF0];
	[tilespmem:s22+$0x10] =	vst v1  }
0x8c: {  	v1 =	vld [tilespmem:s24+$0x0];
	[tilespmem:s22+$0x20] =	vst v2  }
0x8d: {  	v2 =	vld [tilespmem:s24+$0x10];
	[tilespmem:s22+$0xFFFFFFC0] =	vst v4  }
0x8e: {  	v4 =	vld [tilespmem:s24+$0x20]  }
0x8f: {  	v7 =	vld [tilespmem:s24+$0xFFFFFFC0]  }
0x90: {  	v6 =	vld.idx.msk [tilespmem:v6+s3+$0x0], $0xffff  }
0x91: {  	v8 =	vld.idx.msk [tilespmem:v5+s3+$0x0], $0xffff  }
0x92: {  	v5 =	vld.idx.msk [tilespmem:v3+s3+$0x0], $0xffff  }
.Ltmp2:
0x93: {  	v3 =	vld.idx.msk [tilespmem:v0+s3+$0x0], $0xffff;
	(pc) =	sbr.rel @p0 .LBB2_6-.Ltmp2, $4  }
0x94: {  	v0 =	vld.idx.msk [tilespmem:v1+s3+$0x0], $0xffff  }
0x95: {  	s22 =	sadd.s32 $0x80, s22;
	v1 =	vld.idx.msk [tilespmem:v2+s3+$0x0], $0xffff  }
0x96: {  	v2 =	vld.idx.msk [tilespmem:v4+s3+$0x0], $0xffff;
	[tilespmem:s22+$0x30] =	vst v6  }
0x97: {  	s24 =	sadd.s32 $0x80, s24;
	v4 =	vld.idx.msk [tilespmem:v7+s3+$0x0], $0xffff;
	[tilespmem:s22+$0xFFFFFFD0] =	vst v8  }
0x98: {  	[tilespmem:s22+$0xFFFFFFE0] =	vst v5  }
0x99: {  	[tilespmem:s22+$0xFFFFFFF0] =	vst v3  }
0x9a: {  	[tilespmem:s22+$0x0] =	vst v0  }
0x9b: {  	[tilespmem:s22+$0x10] =	vst v1  }
0x9c: {  	[tilespmem:s22+$0x20] =	vst v2  }
0x9d: {  	[tilespmem:s22+$0xFFFFFFC0] =	vst v4  }
0x9e: {  	[hbm4b:s9+s3] =	stream.linear.scatter [tilespmem:s20], [sflag:$0x1], $0x3100, $0x38;
	[tilespmem:$0x1E900] =	vst v63  }
0x9f: {  	_ =	swait.ge [sflag:s18], $0x3100  }
0xa0: {  	[sflag:s18] =	ssyncset.done $0x0  }
0xa1: {  	[sflag:s18] =	ssyncadd.s32 $0xFFFFCF00  }
0xa2: {  	[tilespmem:s19], [sflag:$0x1] =	stream.linear.gather [hbm4b:s8+s3], $0x3100, $0x38;
	[tilespmem:$0x1E900] =	vst v63  }
0xa3: {  	_ =	swait.ge [sflag:s18], $0x3100  }
0xa4: {  	[sflag:s18] =	ssyncset.done $0x0  }
0xa5: {  	s31 =	simm.s32 $0x18740;
	[sflag:s18] =	ssyncadd.s32 $0xFFFFCF00  }
0xa6: {  	v0 =	vld [tilespmem:s31+$0x30]  }
0xa7: {  	v1 =	vld [tilespmem:s31+$0xFFFFFFD0]  }
0xa8: {  	v2 =	vld [tilespmem:s31+$0xFFFFFFE0]  }
0xa9: {  	v3 =	vld [tilespmem:s31+$0xFFFFFFF0]  }
0xaa: {  	v4 =	vld [tilespmem:s31+$0x0]  }
0xab: {  	v6 =	vld [tilespmem:s31+$0x10]  }
0xac: {  	v7 =	vld [tilespmem:s31+$0x20]  }
0xad: {  	v8 =	vld [tilespmem:s31+$0xFFFFFFC0]  }
0xae: {  	v9 =	vld.idx.msk [tilespmem:v0+s3+$0x0], $0xffff  }
0xaf: {  	v10 =	vld.idx.msk [tilespmem:v1+s3+$0x0], $0xffff  }
0xb0: {  	v5 =	vld.idx.msk [tilespmem:v2+s3+$0x0], $0xffff  }
0xb1: {  	v3 =	vld.idx.msk [tilespmem:v3+s3+$0x0], $0xffff  }
0xb2: {  	v0 =	vld.idx.msk [tilespmem:v4+s3+$0x0], $0xffff  }
0xb3: {  	s22 =	simm.s32 $0x1B840;
	v1 =	vld.idx.msk [tilespmem:v6+s3+$0x0], $0xffff  }
0xb4: {  	v2 =	vld.idx.msk [tilespmem:v7+s3+$0x0], $0xffff;
	[tilespmem:s22+$0x30] =	vst v9  }
0xb5: {  	s23 =	simm.s32 $0x0;
	s24 =	simm.s32 $0x187C0;
	v4 =	vld.idx.msk [tilespmem:v8+s3+$0x0], $0xffff;
	[tilespmem:s22+$0xFFFFFFD0] =	vst v10  }
.LBB2_8:
0xb6: {  	v6 =	vld [tilespmem:s24+$0x30];
	s23 =	sadd.s32 $0x80, s23;
	[tilespmem:s22+$0xFFFFFFE0] =	vst v5  }
0xb7: {  	v5 =	vld [tilespmem:s24+$0xFFFFFFD0];
	p0 =	slt.u32 s23, $0x3080;
	[tilespmem:s22+$0xFFFFFFF0] =	vst v3  }
0xb8: {  	v3 =	vld [tilespmem:s24+$0xFFFFFFE0];
	[tilespmem:s22+$0x0] =	vst v0  }
0xb9: {  	v0 =	vld [tilespmem:s24+$0xFFFFFFF0];
	[tilespmem:s22+$0x10] =	vst v1  }
0xba: {  	v1 =	vld [tilespmem:s24+$0x0];
	[tilespmem:s22+$0x20] =	vst v2  }
0xbb: {  	v2 =	vld [tilespmem:s24+$0x10];
	[tilespmem:s22+$0xFFFFFFC0] =	vst v4  }
0xbc: {  	v4 =	vld [tilespmem:s24+$0x20]  }
0xbd: {  	v7 =	vld [tilespmem:s24+$0xFFFFFFC0]  }
0xbe: {  	v6 =	vld.idx.msk [tilespmem:v6+s3+$0x0], $0xffff  }
0xbf: {  	v8 =	vld.idx.msk [tilespmem:v5+s3+$0x0], $0xffff  }
0xc0: {  	v5 =	vld.idx.msk [tilespmem:v3+s3+$0x0], $0xffff  }
.Ltmp3:
0xc1: {  	v3 =	vld.idx.msk [tilespmem:v0+s3+$0x0], $0xffff;
	(pc) =	sbr.rel @p0 .LBB2_8-.Ltmp3, $4  }
0xc2: {  	v0 =	vld.idx.msk [tilespmem:v1+s3+$0x0], $0xffff  }
0xc3: {  	s22 =	sadd.s32 $0x80, s22;
	v1 =	vld.idx.msk [tilespmem:v2+s3+$0x0], $0xffff  }
0xc4: {  	v2 =	vld.idx.msk [tilespmem:v4+s3+$0x0], $0xffff;
	[tilespmem:s22+$0x30] =	vst v6  }
0xc5: {  	s24 =	sadd.s32 $0x80, s24;
	v4 =	vld.idx.msk [tilespmem:v7+s3+$0x0], $0xffff;
	[tilespmem:s22+$0xFFFFFFD0] =	vst v8  }
0xc6: {  	[tilespmem:s22+$0xFFFFFFE0] =	vst v5  }
0xc7: {  	[tilespmem:s22+$0xFFFFFFF0] =	vst v3  }
0xc8: {  	[tilespmem:s22+$0x0] =	vst v0  }
0xc9: {  	[tilespmem:s22+$0x10] =	vst v1  }
0xca: {  	[tilespmem:s22+$0x20] =	vst v2  }
0xcb: {  	[tilespmem:s22+$0xFFFFFFC0] =	vst v4  }
0xcc: {  	[hbm4b:s10+s3] =	stream.linear.scatter [tilespmem:s20], [sflag:$0x1], $0x3100, $0x38;
	[tilespmem:$0x1E900] =	vst v63  }
0xcd: {  	_ =	swait.ge [sflag:s18], $0x3100  }
0xce: {  	[sflag:s18] =	ssyncset.done $0x0  }
0xcf: {  	[sflag:s18] =	ssyncadd.s32 $0xFFFFCF00  }
0xd0: {  	[tilespmem:s3], [sflag:$0x1] =	stream.linear.gather [hbm4b:s11+s3], $0xC350, $0x38;
	[tilespmem:$0x1E900] =	vst v63  }
0xd1: {  	_ =	swait.ge [sflag:s18], $0xC350  }
0xd2: {  	[sflag:s18] =	ssyncset.done $0x0  }
0xd3: {  	[sflag:s18] =	ssyncadd.s32 $0xFFFF3CB0  }
0xd4: {  	[tilespmem:s19], [sflag:$0x1] =	stream.linear.gather [hbm4b:s6+s3], $0x3100, $0x38;
	[tilespmem:$0x1E900] =	vst v63  }
0xd5: {  	_ =	swait.ge [sflag:s18], $0x3100  }
0xd6: {  	[sflag:s18] =	ssyncset.done $0x0  }
0xd7: {  	s31 =	simm.s32 $0x18740;
	[sflag:s18] =	ssyncadd.s32 $0xFFFFCF00  }
0xd8: {  	v0 =	vld [tilespmem:s31+$0x30]  }
0xd9: {  	v1 =	vld [tilespmem:s31+$0xFFFFFFD0]  }
0xda: {  	v2 =	vld [tilespmem:s31+$0xFFFFFFE0]  }
0xdb: {  	v3 =	vld [tilespmem:s31+$0xFFFFFFF0]  }
0xdc: {  	v4 =	vld [tilespmem:s31+$0x0]  }
0xdd: {  	v6 =	vld [tilespmem:s31+$0x10]  }
0xde: {  	v7 =	vld [tilespmem:s31+$0x20]  }
0xdf: {  	v8 =	vld [tilespmem:s31+$0xFFFFFFC0]  }
0xe0: {  	v9 =	vld.idx.msk [tilespmem:v0+s3+$0x0], $0xffff  }
0xe1: {  	v10 =	vld.idx.msk [tilespmem:v1+s3+$0x0], $0xffff  }
0xe2: {  	v5 =	vld.idx.msk [tilespmem:v2+s3+$0x0], $0xffff  }
0xe3: {  	v3 =	vld.idx.msk [tilespmem:v3+s3+$0x0], $0xffff  }
0xe4: {  	v0 =	vld.idx.msk [tilespmem:v4+s3+$0x0], $0xffff  }
0xe5: {  	s22 =	simm.s32 $0x1B840;
	v1 =	vld.idx.msk [tilespmem:v6+s3+$0x0], $0xffff  }
0xe6: {  	v2 =	vld.idx.msk [tilespmem:v7+s3+$0x0], $0xffff;
	[tilespmem:s22+$0x30] =	vst v9  }
0xe7: {  	s23 =	simm.s32 $0x0;
	s24 =	simm.s32 $0x187C0;
	v4 =	vld.idx.msk [tilespmem:v8+s3+$0x0], $0xffff;
	[tilespmem:s22+$0xFFFFFFD0] =	vst v10  }
.LBB2_10:
0xe8: {  	v6 =	vld [tilespmem:s24+$0x30];
	s23 =	sadd.s32 $0x80, s23;
	[tilespmem:s22+$0xFFFFFFE0] =	vst v5  }
0xe9: {  	v5 =	vld [tilespmem:s24+$0xFFFFFFD0];
	p0 =	slt.u32 s23, $0x3080;
	[tilespmem:s22+$0xFFFFFFF0] =	vst v3  }
0xea: {  	v3 =	vld [tilespmem:s24+$0xFFFFFFE0];
	[tilespmem:s22+$0x0] =	vst v0  }
0xeb: {  	v0 =	vld [tilespmem:s24+$0xFFFFFFF0];
	[tilespmem:s22+$0x10] =	vst v1  }
0xec: {  	v1 =	vld [tilespmem:s24+$0x0];
	[tilespmem:s22+$0x20] =	vst v2  }
0xed: {  	v2 =	vld [tilespmem:s24+$0x10];
	[tilespmem:s22+$0xFFFFFFC0] =	vst v4  }
0xee: {  	v4 =	vld [tilespmem:s24+$0x20]  }
0xef: {  	v7 =	vld [tilespmem:s24+$0xFFFFFFC0]  }
0xf0: {  	v6 =	vld.idx.msk [tilespmem:v6+s3+$0x0], $0xffff  }
0xf1: {  	v8 =	vld.idx.msk [tilespmem:v5+s3+$0x0], $0xffff  }
0xf2: {  	v5 =	vld.idx.msk [tilespmem:v3+s3+$0x0], $0xffff  }
.Ltmp4:
0xf3: {  	v3 =	vld.idx.msk [tilespmem:v0+s3+$0x0], $0xffff;
	(pc) =	sbr.rel @p0 .LBB2_10-.Ltmp4, $4  }
0xf4: {  	v0 =	vld.idx.msk [tilespmem:v1+s3+$0x0], $0xffff  }
0xf5: {  	s22 =	sadd.s32 $0x80, s22;
	v1 =	vld.idx.msk [tilespmem:v2+s3+$0x0], $0xffff  }
0xf6: {  	v2 =	vld.idx.msk [tilespmem:v4+s3+$0x0], $0xffff;
	[tilespmem:s22+$0x30] =	vst v6  }
0xf7: {  	s24 =	sadd.s32 $0x80, s24;
	v4 =	vld.idx.msk [tilespmem:v7+s3+$0x0], $0xffff;
	[tilespmem:s22+$0xFFFFFFD0] =	vst v8  }
0xf8: {  	[tilespmem:s22+$0xFFFFFFE0] =	vst v5  }
0xf9: {  	[tilespmem:s22+$0xFFFFFFF0] =	vst v3  }
0xfa: {  	[tilespmem:s22+$0x0] =	vst v0  }
0xfb: {  	[tilespmem:s22+$0x10] =	vst v1  }
0xfc: {  	[tilespmem:s22+$0x20] =	vst v2  }
0xfd: {  	[tilespmem:s22+$0xFFFFFFC0] =	vst v4  }
0xfe: {  	[hbm4b:s12+s3] =	stream.linear.scatter [tilespmem:s20], [sflag:$0x1], $0x3100, $0x38;
	[tilespmem:$0x1E900] =	vst v63  }
0xff: {  	_ =	swait.ge [sflag:s18], $0x3100  }
0x100: {  	[sflag:s18] =	ssyncset.done $0x0  }
0x101: {  	[sflag:s18] =	ssyncadd.s32 $0xFFFFCF00  }
0x102: {  	[tilespmem:s19], [sflag:$0x1] =	stream.linear.gather [hbm4b:s8+s3], $0x3100, $0x38;
	[tilespmem:$0x1E900] =	vst v63  }
0x103: {  	_ =	swait.ge [sflag:s18], $0x3100  }
0x104: {  	[sflag:s18] =	ssyncset.done $0x0  }
0x105: {  	s31 =	simm.s32 $0x18740;
	[sflag:s18] =	ssyncadd.s32 $0xFFFFCF00  }
0x106: {  	v0 =	vld [tilespmem:s31+$0x30]  }
0x107: {  	v1 =	vld [tilespmem:s31+$0xFFFFFFD0]  }
0x108: {  	v2 =	vld [tilespmem:s31+$0xFFFFFFE0]  }
0x109: {  	v3 =	vld [tilespmem:s31+$0xFFFFFFF0]  }
0x10a: {  	v4 =	vld [tilespmem:s31+$0x0]  }
0x10b: {  	v6 =	vld [tilespmem:s31+$0x10]  }
0x10c: {  	v7 =	vld [tilespmem:s31+$0x20]  }
0x10d: {  	v8 =	vld [tilespmem:s31+$0xFFFFFFC0]  }
0x10e: {  	v9 =	vld.idx.msk [tilespmem:v0+s3+$0x0], $0xffff  }
0x10f: {  	v10 =	vld.idx.msk [tilespmem:v1+s3+$0x0], $0xffff  }
0x110: {  	v5 =	vld.idx.msk [tilespmem:v2+s3+$0x0], $0xffff  }
0x111: {  	v3 =	vld.idx.msk [tilespmem:v3+s3+$0x0], $0xffff  }
0x112: {  	v0 =	vld.idx.msk [tilespmem:v4+s3+$0x0], $0xffff  }
0x113: {  	s22 =	simm.s32 $0x1B840;
	v1 =	vld.idx.msk [tilespmem:v6+s3+$0x0], $0xffff  }
0x114: {  	v2 =	vld.idx.msk [tilespmem:v7+s3+$0x0], $0xffff;
	[tilespmem:s22+$0x30] =	vst v9  }
0x115: {  	s23 =	simm.s32 $0x0;
	s24 =	simm.s32 $0x187C0;
	v4 =	vld.idx.msk [tilespmem:v8+s3+$0x0], $0xffff;
	[tilespmem:s22+$0xFFFFFFD0] =	vst v10  }
.LBB2_12:
0x116: {  	v6 =	vld [tilespmem:s24+$0x30];
	s23 =	sadd.s32 $0x80, s23;
	[tilespmem:s22+$0xFFFFFFE0] =	vst v5  }
0x117: {  	v5 =	vld [tilespmem:s24+$0xFFFFFFD0];
	p0 =	slt.u32 s23, $0x3080;
	[tilespmem:s22+$0xFFFFFFF0] =	vst v3  }
0x118: {  	v3 =	vld [tilespmem:s24+$0xFFFFFFE0];
	[tilespmem:s22+$0x0] =	vst v0  }
0x119: {  	v0 =	vld [tilespmem:s24+$0xFFFFFFF0];
	[tilespmem:s22+$0x10] =	vst v1  }
0x11a: {  	v1 =	vld [tilespmem:s24+$0x0];
	[tilespmem:s22+$0x20] =	vst v2  }
0x11b: {  	v2 =	vld [tilespmem:s24+$0x10];
	[tilespmem:s22+$0xFFFFFFC0] =	vst v4  }
0x11c: {  	v4 =	vld [tilespmem:s24+$0x20]  }
0x11d: {  	v7 =	vld [tilespmem:s24+$0xFFFFFFC0]  }
0x11e: {  	v6 =	vld.idx.msk [tilespmem:v6+s3+$0x0], $0xffff  }
0x11f: {  	v8 =	vld.idx.msk [tilespmem:v5+s3+$0x0], $0xffff  }
0x120: {  	v5 =	vld.idx.msk [tilespmem:v3+s3+$0x0], $0xffff  }
.Ltmp5:
0x121: {  	v3 =	vld.idx.msk [tilespmem:v0+s3+$0x0], $0xffff;
	(pc) =	sbr.rel @p0 .LBB2_12-.Ltmp5, $4  }
0x122: {  	v0 =	vld.idx.msk [tilespmem:v1+s3+$0x0], $0xffff  }
0x123: {  	s22 =	sadd.s32 $0x80, s22;
	v1 =	vld.idx.msk [tilespmem:v2+s3+$0x0], $0xffff  }
0x124: {  	v2 =	vld.idx.msk [tilespmem:v4+s3+$0x0], $0xffff;
	[tilespmem:s22+$0x30] =	vst v6  }
0x125: {  	s24 =	sadd.s32 $0x80, s24;
	v4 =	vld.idx.msk [tilespmem:v7+s3+$0x0], $0xffff;
	[tilespmem:s22+$0xFFFFFFD0] =	vst v8  }
0x126: {  	[tilespmem:s22+$0xFFFFFFE0] =	vst v5  }
0x127: {  	[tilespmem:s22+$0xFFFFFFF0] =	vst v3  }
0x128: {  	[tilespmem:s22+$0x0] =	vst v0  }
0x129: {  	[tilespmem:s22+$0x10] =	vst v1  }
0x12a: {  	[tilespmem:s22+$0x20] =	vst v2  }
0x12b: {  	[tilespmem:s22+$0xFFFFFFC0] =	vst v4  }
0x12c: {  	[hbm4b:s13+s3] =	stream.linear.scatter [tilespmem:s20], [sflag:$0x1], $0x3100, $0x38;
	[tilespmem:$0x1E900] =	vst v63  }
0x12d: {  	_ =	swait.ge [sflag:s18], $0x3100  }
0x12e: {  	[sflag:s18] =	ssyncset.done $0x0  }
0x12f: {  	[sflag:s18] =	ssyncadd.s32 $0xFFFFCF00  }
0x130: {  	[tilespmem:s3], [sflag:$0x1] =	stream.linear.gather [hbm4b:s14+s3], $0xC350, $0x38;
	[tilespmem:$0x1E900] =	vst v63  }
0x131: {  	_ =	swait.ge [sflag:s18], $0xC350  }
0x132: {  	[sflag:s18] =	ssyncset.done $0x0  }
0x133: {  	[sflag:s18] =	ssyncadd.s32 $0xFFFF3CB0  }
0x134: {  	[tilespmem:s19], [sflag:$0x1] =	stream.linear.gather [hbm4b:s6+s3], $0x3100, $0x38;
	[tilespmem:$0x1E900] =	vst v63  }
0x135: {  	_ =	swait.ge [sflag:s18], $0x3100  }
0x136: {  	[sflag:s18] =	ssyncset.done $0x0  }
0x137: {  	s31 =	simm.s32 $0x18740;
	[sflag:s18] =	ssyncadd.s32 $0xFFFFCF00  }
0x138: {  	v0 =	vld [tilespmem:s31+$0x30]  }
0x139: {  	v1 =	vld [tilespmem:s31+$0xFFFFFFD0]  }
0x13a: {  	v2 =	vld [tilespmem:s31+$0xFFFFFFE0]  }
0x13b: {  	v3 =	vld [tilespmem:s31+$0xFFFFFFF0]  }
0x13c: {  	v4 =	vld [tilespmem:s31+$0x0]  }
0x13d: {  	v6 =	vld [tilespmem:s31+$0x10]  }
0x13e: {  	v7 =	vld [tilespmem:s31+$0x20]  }
0x13f: {  	v8 =	vld [tilespmem:s31+$0xFFFFFFC0]  }
0x140: {  	v9 =	vld.idx.msk [tilespmem:v0+s3+$0x0], $0xffff  }
0x141: {  	v10 =	vld.idx.msk [tilespmem:v1+s3+$0x0], $0xffff  }
0x142: {  	v5 =	vld.idx.msk [tilespmem:v2+s3+$0x0], $0xffff  }
0x143: {  	v3 =	vld.idx.msk [tilespmem:v3+s3+$0x0], $0xffff  }
0x144: {  	v0 =	vld.idx.msk [tilespmem:v4+s3+$0x0], $0xffff  }
0x145: {  	s22 =	simm.s32 $0x1B840;
	v1 =	vld.idx.msk [tilespmem:v6+s3+$0x0], $0xffff  }
0x146: {  	v2 =	vld.idx.msk [tilespmem:v7+s3+$0x0], $0xffff;
	[tilespmem:s22+$0x30] =	vst v9  }
0x147: {  	s23 =	simm.s32 $0x0;
	s24 =	simm.s32 $0x187C0;
	v4 =	vld.idx.msk [tilespmem:v8+s3+$0x0], $0xffff;
	[tilespmem:s22+$0xFFFFFFD0] =	vst v10  }
.LBB2_14:
0x148: {  	v6 =	vld [tilespmem:s24+$0x30];
	s23 =	sadd.s32 $0x80, s23;
	[tilespmem:s22+$0xFFFFFFE0] =	vst v5  }
0x149: {  	v5 =	vld [tilespmem:s24+$0xFFFFFFD0];
	p0 =	slt.u32 s23, $0x3080;
	[tilespmem:s22+$0xFFFFFFF0] =	vst v3  }
0x14a: {  	v3 =	vld [tilespmem:s24+$0xFFFFFFE0];
	[tilespmem:s22+$0x0] =	vst v0  }
0x14b: {  	v0 =	vld [tilespmem:s24+$0xFFFFFFF0];
	[tilespmem:s22+$0x10] =	vst v1  }
0x14c: {  	v1 =	vld [tilespmem:s24+$0x0];
	[tilespmem:s22+$0x20] =	vst v2  }
0x14d: {  	v2 =	vld [tilespmem:s24+$0x10];
	[tilespmem:s22+$0xFFFFFFC0] =	vst v4  }
0x14e: {  	v4 =	vld [tilespmem:s24+$0x20]  }
0x14f: {  	v7 =	vld [tilespmem:s24+$0xFFFFFFC0]  }
0x150: {  	v6 =	vld.idx.msk [tilespmem:v6+s3+$0x0], $0xffff  }
0x151: {  	v8 =	vld.idx.msk [tilespmem:v5+s3+$0x0], $0xffff  }
0x152: {  	v5 =	vld.idx.msk [tilespmem:v3+s3+$0x0], $0xffff  }
.Ltmp6:
0x153: {  	v3 =	vld.idx.msk [tilespmem:v0+s3+$0x0], $0xffff;
	(pc) =	sbr.rel @p0 .LBB2_14-.Ltmp6, $4  }
0x154: {  	v0 =	vld.idx.msk [tilespmem:v1+s3+$0x0], $0xffff  }
0x155: {  	s22 =	sadd.s32 $0x80, s22;
	v1 =	vld.idx.msk [tilespmem:v2+s3+$0x0], $0xffff  }
0x156: {  	v2 =	vld.idx.msk [tilespmem:v4+s3+$0x0], $0xffff;
	[tilespmem:s22+$0x30] =	vst v6  }
0x157: {  	s24 =	sadd.s32 $0x80, s24;
	v4 =	vld.idx.msk [tilespmem:v7+s3+$0x0], $0xffff;
	[tilespmem:s22+$0xFFFFFFD0] =	vst v8  }
0x158: {  	[tilespmem:s22+$0xFFFFFFE0] =	vst v5  }
0x159: {  	[tilespmem:s22+$0xFFFFFFF0] =	vst v3  }
0x15a: {  	[tilespmem:s22+$0x0] =	vst v0  }
0x15b: {  	[tilespmem:s22+$0x10] =	vst v1  }
0x15c: {  	[tilespmem:s22+$0x20] =	vst v2  }
0x15d: {  	[tilespmem:s22+$0xFFFFFFC0] =	vst v4  }
0x15e: {  	[hbm4b:s15+s3] =	stream.linear.scatter [tilespmem:s20], [sflag:$0x1], $0x3100, $0x38;
	[tilespmem:$0x1E900] =	vst v63  }
0x15f: {  	_ =	swait.ge [sflag:s18], $0x3100  }
0x160: {  	[sflag:s18] =	ssyncset.done $0x0  }
0x161: {  	[sflag:s18] =	ssyncadd.s32 $0xFFFFCF00  }
0x162: {  	[tilespmem:s19], [sflag:$0x1] =	stream.linear.gather [hbm4b:s8+s3], $0x3100, $0x38;
	[tilespmem:$0x1E900] =	vst v63  }
0x163: {  	_ =	swait.ge [sflag:s18], $0x3100  }
0x164: {  	[sflag:s18] =	ssyncset.done $0x0  }
0x165: {  	s31 =	simm.s32 $0x18740;
	[sflag:s18] =	ssyncadd.s32 $0xFFFFCF00  }
0x166: {  	v0 =	vld [tilespmem:s31+$0x30]  }
0x167: {  	v1 =	vld [tilespmem:s31+$0xFFFFFFD0]  }
0x168: {  	v2 =	vld [tilespmem:s31+$0xFFFFFFE0]  }
0x169: {  	v3 =	vld [tilespmem:s31+$0xFFFFFFF0]  }
0x16a: {  	v4 =	vld [tilespmem:s31+$0x0]  }
0x16b: {  	v6 =	vld [tilespmem:s31+$0x10]  }
0x16c: {  	v7 =	vld [tilespmem:s31+$0x20]  }
0x16d: {  	v8 =	vld [tilespmem:s31+$0xFFFFFFC0]  }
0x16e: {  	v9 =	vld.idx.msk [tilespmem:v0+s3+$0x0], $0xffff  }
0x16f: {  	v10 =	vld.idx.msk [tilespmem:v1+s3+$0x0], $0xffff  }
0x170: {  	v5 =	vld.idx.msk [tilespmem:v2+s3+$0x0], $0xffff  }
0x171: {  	v3 =	vld.idx.msk [tilespmem:v3+s3+$0x0], $0xffff  }
0x172: {  	v0 =	vld.idx.msk [tilespmem:v4+s3+$0x0], $0xffff  }
0x173: {  	s22 =	simm.s32 $0x1B840;
	v1 =	vld.idx.msk [tilespmem:v6+s3+$0x0], $0xffff  }
0x174: {  	v2 =	vld.idx.msk [tilespmem:v7+s3+$0x0], $0xffff;
	[tilespmem:s22+$0x30] =	vst v9  }
0x175: {  	s23 =	simm.s32 $0x0;
	s24 =	simm.s32 $0x187C0;
	v4 =	vld.idx.msk [tilespmem:v8+s3+$0x0], $0xffff;
	[tilespmem:s22+$0xFFFFFFD0] =	vst v10  }
.LBB2_16:
0x176: {  	v6 =	vld [tilespmem:s24+$0x30];
	s23 =	sadd.s32 $0x80, s23;
	[tilespmem:s22+$0xFFFFFFE0] =	vst v5  }
0x177: {  	v5 =	vld [tilespmem:s24+$0xFFFFFFD0];
	p0 =	slt.u32 s23, $0x3080;
	[tilespmem:s22+$0xFFFFFFF0] =	vst v3  }
0x178: {  	v3 =	vld [tilespmem:s24+$0xFFFFFFE0];
	[tilespmem:s22+$0x0] =	vst v0  }
0x179: {  	v0 =	vld [tilespmem:s24+$0xFFFFFFF0];
	[tilespmem:s22+$0x10] =	vst v1  }
0x17a: {  	v1 =	vld [tilespmem:s24+$0x0];
	[tilespmem:s22+$0x20] =	vst v2  }
0x17b: {  	v2 =	vld [tilespmem:s24+$0x10];
	[tilespmem:s22+$0xFFFFFFC0] =	vst v4  }
0x17c: {  	v4 =	vld [tilespmem:s24+$0x20]  }
0x17d: {  	v7 =	vld [tilespmem:s24+$0xFFFFFFC0]  }
0x17e: {  	v6 =	vld.idx.msk [tilespmem:v6+s3+$0x0], $0xffff  }
0x17f: {  	v8 =	vld.idx.msk [tilespmem:v5+s3+$0x0], $0xffff  }
0x180: {  	v5 =	vld.idx.msk [tilespmem:v3+s3+$0x0], $0xffff  }
.Ltmp7:
0x181: {  	v3 =	vld.idx.msk [tilespmem:v0+s3+$0x0], $0xffff;
	(pc) =	sbr.rel @p0 .LBB2_16-.Ltmp7, $4  }
0x182: {  	v0 =	vld.idx.msk [tilespmem:v1+s3+$0x0], $0xffff  }
0x183: {  	s22 =	sadd.s32 $0x80, s22;
	v1 =	vld.idx.msk [tilespmem:v2+s3+$0x0], $0xffff  }
0x184: {  	v2 =	vld.idx.msk [tilespmem:v4+s3+$0x0], $0xffff;
	[tilespmem:s22+$0x30] =	vst v6  }
0x185: {  	s24 =	sadd.s32 $0x80, s24;
	v4 =	vld.idx.msk [tilespmem:v7+s3+$0x0], $0xffff;
	[tilespmem:s22+$0xFFFFFFD0] =	vst v8  }
0x186: {  	[tilespmem:s22+$0xFFFFFFE0] =	vst v5  }
0x187: {  	[tilespmem:s22+$0xFFFFFFF0] =	vst v3  }
0x188: {  	[tilespmem:s22+$0x0] =	vst v0  }
0x189: {  	s21 =	sadd.s32 $0x1, s21;
	[tilespmem:s22+$0x10] =	vst v1  }
0x18a: {  	p0 =	sne.s32 s21, s17;
	[tilespmem:s22+$0x20] =	vst v2  }
.Ltmp8:
0x18b: {  	[tilespmem:s22+$0xFFFFFFC0] =	vst v4;
	(pc) =	sbr.rel @p0 .LBB2_1-.Ltmp8, $4  }
0x18c: {  	[hbm4b:s16+s3] =	stream.linear.scatter [tilespmem:s20], [sflag:$0x1], $0x3100, $0x38;
	[tilespmem:$0x1E900] =	vst v63  }
0x18d: {  	_ =	swait.ge [sflag:s18], $0x3100  }
0x18e: {  	[sflag:s18] =	ssyncset.done $0x0  }
0x18f: {  	[sflag:s18] =	ssyncadd.s32 $0xFFFFCF00  }
0x190: {  	_ =	sfence.sel $0x180000  }
0x191: {  	[bflag:$0x0] =	sbarrier.arrive $0xFFFF  }
0x192: {  	p0 =	sne.s32 s1, $0x0;
	_ =	strace $0x9000004A  }
0x193: {  	s0 =	sadd.s32 @!p0 $0x100000, s0;
	[bflag:$0x2] =	sbarrier.arrive $0xFFFF  }
0x194: {  	[sflag:s0] =	ssyncadd.tile.s32 @!p0 $0x1;
	_ =	shalt  }
.Lfunc_end2:
_tile_overlayer_lowered:
.L_overlay_start_2:
0x195: {  	(tag) =	ssettag $0x2  }
0x196: {  	s0 =	rddreg [dreg:$0x0];
	s2 =	stileid.u32  }
0x197: {  	s1 =	rddreg [dreg:$0x1];
	p0 =	sne.s32 s2, $0x0  }
0x198: {  	s3 =	rddreg [dreg:$0x2];
	[bflag:$0x3] =	sbarrier.arrive $0xFFFF;
	s2 =	simm.s32 @!p0 $0x1C01  }
0x199: {  	[timem:s3], [sflag:s2] =	dma.local @!p0 [hbm:s0], s1  }
0x19a: {  	s0 =	simm.s32 @!p0 $0x1  }
0x19b: {  	_ =	swait.ge @!p0 [sflag:s0], s1  }
0x19c: {  	s1 =	ssub.s32 @!p0 $0x0, s1;
	[sflag:s0] =	ssyncset.done @!p0 $0x0  }
0x19d: {  	[sflag:s0] =	ssyncadd.s32 @!p0 s1  }
0x19e: {  	[bflag:$0x3] =	sbarrier.arrive $0xFFFF  }
0x19f: {  	_ =	shalt  }

// kernel: kernel.13.cloned.1.call-start
scs
__scs_entry_jumppad:
0x0: {  	(pc) =	sbr.rel $0x88, $3  }
0x1: {  	(tag) =	ssettag $0x0;
	lr =	simm.s32 $0x1  }
0x2: {  	[smem:$0x3F95] =	sst lr;
	_ =	strace $0xD0000000  }
0x3: {  	_ = 	snop  }
0x4: {  	_ = 	snop  }
0x5: {  	_ = 	snop  }
0x6: {  	_ = 	snop  }
0x7: {  	_ = 	snop  }
__scs_overlays_trampoline_lowered:
0x8: {  	[smem:$0x3FA4] =	sst s0  }
0x9: {  	[smem:$0x3FA5] =	sst s1  }
0xa: {  	[smem:$0x3FA6] =	sst s2  }
0xb: {  	[smem:$0x3FA7] =	sst s3  }
0xc: {  	[smem:$0x3FA8] =	sst s4  }
0xd: {  	[smem:$0x3FA9] =	sst s5  }
0xe: {  	[smem:$0x3FAA] =	sst s6  }
0xf: {  	[smem:$0x3FAB] =	sst s7  }
0x10: {  	[smem:$0x3FAC] =	sst s8  }
0x11: {  	[smem:$0x3FAD] =	sst s9;
	s0 =	simm.s32 @!p0 $0x0  }
0x12: {  	s1 =	sld [smem:$0x3F93];
	s0 =	simm.s32 @p0 $0x1  }
0x13: {  	[smem:$0x3FAE] =	sst s0;
	s0 =	simm.s32 @!p1 $0x0  }
0x14: {  	s2 =	sld [smem:$0x3F92];
	s0 =	simm.s32 @p1 $0x1  }
0x15: {  	[smem:$0x3FAF] =	sst s0;
	s0 =	simm.s32 @!p2 $0x0  }
0x16: {  	s3 =	sld [smem:$0x3FDB];
	s0 =	simm.s32 @p2 $0x1  }
0x17: {  	s4 =	simm.s32 $0x1BF5;
	[smem:$0x3FB1] =	sst s0  }
0x18: {  	s0 =	sld [smem:$0x3F94];
	_ =	swait.ge [sflag:s4], $0x0  }
0x19: {  	s7 =	sld [smem:$0x3F95]  }
0x1a: {  	s8 =	sadd.s32 $0xFFFFE003, lr  }
0x1b: {  	s9 =	sadd.s32 $0xFFFFFEF7, lr;
	s5 =	simm.s32 $0xFFFFFFFF;
	p2 =	slt.u32 s8, $0xFFFFF086  }
0x1c: {  	p1 =	slt.u32 s9, $0xF7A;
	s5 =	simm.s32 @!p2 $0x0  }
0x1d: {  	s5 =	simm.s32 @p1 $0x1;
	p0 =	seq.s32 s7, s2  }
0x1e: {  	s7 =	smul.u32 @!p0 $0xF7A, s2;
	p2 =	seq.s32 @!p0 s5, $0x0  }
0x1f: {  	s9 =	smul.u32 $0xF7A, s1;
	s8 =	simm.s32 @!p0 $0x1BF5;
	p2 =	por !p2, p0  }
0x20: {  	[sflag:s8] =	ssyncset.s32 @!p0 $0xFFFFF086;
	s6 =	sadd.s32 @!p0 s3, s7;
	s7 =	simm.s32 @!p0 $0x108  }
0x21: {  	s3 =	sadd.s32 s3, s9;
	s6 =	sadd.s32 @!p0 $0x88, s6;
	s7 =	simm.s32 @p2 $0x1082  }
0x22: {  	[simem:s7], [sflag:s8] =	dma.local @!p0 [hbm:s6], $0xF7A  }
0x23: {  	s9 =	sor.u32 $0xD0000000, s2;
	s6 =	simm.s32 $0x108;
	_ =	swait.ge @!p0 [sflag:s8], $0x0  }
0x24: {  	s3 =	sadd.s32 $0x88, s3;
	s6 =	simm.s32 @!p1 $0x1082;
	[sflag:s4] =	ssyncset.s32 $0xFFFFF086  }
0x25: {  	[simem:s6], [sflag:s4] =	dma.local [hbm:s3], $0xF7A  }
0x26: {  	[smem:$0x3F95] =	sst s1;
	(tag) =	ssettag s2;
	_ =	strace s9  }
0x27: {  	s1 =	sld [smem:$0x3FA5]  }
0x28: {  	s2 =	sld [smem:$0x3FA6]  }
0x29: {  	s4 =	sld [smem:$0x3FA8]  }
0x2a: {  	p0 =	seq.s32 s5, $0x0;
	s5 =	sld [smem:$0x3FA9]  }
0x2b: {  	s6 =	sld [smem:$0x3FAA]  }
0x2c: {  	s7 =	sld [smem:$0x3FAB]  }
0x2d: {  	s3 =	simm.s32 $0x108;
	s8 =	sld [smem:$0x3FAC]  }
0x2e: {  	s3 =	simm.s32 @!p0 $0x1082;
	s9 =	sld [smem:$0x3FAD]  }
0x2f: {  	lr =	sadd.s32 s0, s3;
	s0 =	sld [smem:$0x3FA4]  }
0x30: {  	s3 =	sld [smem:$0x3FA7]  }
0x31: {  	[smem:$0x3FB0] =	sst s10  }
0x32: {  	s10 =	sld [smem:$0x3FAE];
	_ =	sdelay $0x3  }
0x33: {  	p0 =	seq.s32 s10, $0x1;
	s10 =	sld [smem:$0x3FB0];
	_ =	sdelay $0x3  }
0x34: {  	[smem:$0x3FB0] =	sst s10  }
0x35: {  	s10 =	sld [smem:$0x3FAF];
	_ =	sdelay $0x3  }
0x36: {  	p1 =	seq.s32 s10, $0x1;
	s10 =	sld [smem:$0x3FB0];
	_ =	sdelay $0x3  }
0x37: {  	[smem:$0x3FB0] =	sst s10  }
0x38: {  	s10 =	sld [smem:$0x3FB1]  }
0x39: {  	_ = 	snop;
	(pc) =	sbr.ind lr, $3  }
0x3a: {  	_ = 	snop  }
0x3b: {  	_ = 	snop  }
0x3c: {  	p2 =	seq.s32 s10, $0x1;
	s10 =	sld [smem:$0x3FB0]  }
0x3d: {  	_ =	shalt  }
0x3e: {  	_ =	shalt  }
0x3f: {  	_ =	shalt  }
0x40: {  	_ =	shalt  }
0x41: {  	_ =	shalt  }
0x42: {  	_ =	shalt  }
0x43: {  	_ =	shalt  }
0x44: {  	_ =	shalt  }
0x45: {  	_ =	shalt  }
0x46: {  	_ =	shalt  }
0x47: {  	_ =	shalt  }
0x48: {  	_ =	shalt  }
0x49: {  	_ =	shalt  }
0x4a: {  	_ =	shalt  }
0x4b: {  	_ =	shalt  }
0x4c: {  	_ =	shalt  }
0x4d: {  	_ =	shalt  }
0x4e: {  	_ =	shalt  }
0x4f: {  	_ =	shalt  }
0x50: {  	_ =	shalt  }
0x51: {  	_ =	shalt  }
0x52: {  	_ =	shalt  }
0x53: {  	_ =	shalt  }
0x54: {  	_ =	shalt  }
0x55: {  	_ =	shalt  }
0x56: {  	_ =	shalt  }
0x57: {  	_ =	shalt  }
0x58: {  	_ =	shalt  }
0x59: {  	_ =	shalt  }
0x5a: {  	_ =	shalt  }
0x5b: {  	_ =	shalt  }
0x5c: {  	_ =	shalt  }
0x5d: {  	_ =	shalt  }
0x5e: {  	_ =	shalt  }
0x5f: {  	_ =	shalt  }
0x60: {  	_ =	shalt  }
0x61: {  	_ =	shalt  }
0x62: {  	_ =	shalt  }
0x63: {  	_ =	shalt  }
0x64: {  	_ =	shalt  }
0x65: {  	_ =	shalt  }
0x66: {  	_ =	shalt  }
0x67: {  	_ =	shalt  }
0x68: {  	_ =	shalt  }
0x69: {  	_ =	shalt  }
0x6a: {  	_ =	shalt  }
0x6b: {  	_ =	shalt  }
0x6c: {  	_ =	shalt  }
0x6d: {  	_ =	shalt  }
0x6e: {  	_ =	shalt  }
0x6f: {  	_ =	shalt  }
0x70: {  	_ =	shalt  }
0x71: {  	_ =	shalt  }
0x72: {  	_ =	shalt  }
0x73: {  	_ =	shalt  }
0x74: {  	_ =	shalt  }
0x75: {  	_ =	shalt  }
0x76: {  	_ =	shalt  }
0x77: {  	_ =	shalt  }
0x78: {  	_ =	shalt  }
0x79: {  	_ =	shalt  }
0x7a: {  	_ =	shalt  }
0x7b: {  	_ =	shalt  }
0x7c: {  	_ =	shalt  }
0x7d: {  	_ =	shalt  }
0x7e: {  	_ =	shalt  }
0x7f: {  	_ =	shalt  }
0x80: {  	_ =	shalt  }
0x81: {  	_ =	shalt  }
0x82: {  	_ =	shalt  }
0x83: {  	_ =	shalt  }
0x84: {  	_ =	shalt  }
0x85: {  	_ =	shalt  }
0x86: {  	_ =	shalt  }
0x87: {  	_ =	shalt  }
.Lfunc_end0:
.L_simem_size_0:
called_computation.2_lowered:
.L_overlay_start_0:
0x88: {  	s2 =	sld [smem:$0x3FD9]  }
0x89: {  	s3 =	sld [smem:$0x3FFE];
	_ =	sdelay $0x1  }
0x8a: {  	s1 =	srdreg.scid  }
0x8b: {  	s0 =	sand.u32 $0x1, s1  }
0x8c: {  	s17 =	sshll.u32 s0, $0xA;
	s2 =	sadd.s32 s3, s2  }
0x8d: {  	s2 =	sadd.s32 s2, s17  }
0x8e: {  	[smem:$0x3FBC] =	sst s2  }
0x8f: {  	_ = 	snop  }
0x90: {  	(tm) =	ssettm $0x1  }
0x91: {  	s18 =	sld [smem:$0x3FFB];
	_ =	sdelay $0x3  }
0x92: {  	_ =	strace s18  }
0x93: {  	s2 =	sld [smem:$0x3FFC];
	_ =	sdelay $0x3  }
0x94: {  	_ =	strace s2  }
0x95: {  	s2 =	sld [smem:$0x3FFD];
	_ =	sdelay $0x3  }
0x96: {  	_ =	strace s2  }
0x97: {  	_ =	strace $0x8FFFFFFF  }
0x98: {  	s19 =	sld [smem:$0x3FDB];
	_ =	sdelay $0x1  }
0x99: {  	s20 =	simm.s32 $_scs_section_size  }
0x9a: {  	s4 =	simm.s32 $_size__tile_overlayer_lowered;
	s5 =	simm.s32 $_tile_overlayer_lowered  }
0x9b: {  	s6 =	simm.s32 $0x1BFF;
	s21 =	sshll.u32 s5, $0x1;
	s3 =	sadd.s32 s20, s19  }
0x9c: {  	s22 =	simm.s32 $0x0;
	s4 =	sshll.u32 s4, $0x1;
	s5 =	sadd.s32 s21, s3  }
0x9d: {  	[timem:s22], [sflag:s6] =	dma.local [hbm:s5], s4  }
0x9e: {  	_ =	swait.ge [sflag:s6], s4  }
0x9f: {  	s4 =	ssub.s32 $0x0, s4;
	[sflag:s6] =	ssyncset.done $0x0  }
0xa0: {  	[sflag:s6] =	ssyncadd.s32 s4;
	_ =	sdelay $0x1  }
0xa1: {  	s23 =	simm.s32 $0x1B8B  }
0xa2: {  	_ =	swait.ge [sflag:s23], $0x1  }
0xa3: {  	[sflag:s23] =	ssyncset.done $0x0  }
0xa4: {  	[sflag:s23] =	ssyncadd.s32 $0xFFFFFFFF  }
0xa5: {  	s4 =	sld [smem:$0x0]  }
0xa6: {  	s5 =	sand.u32 $0xFFFFFFFE, s1  }
0xa7: {  	p0 =	sne.s32 s1, s5  }
0xa8: {  	s5 =	sshll.u32 @p0 s5, $0xE  }
0xa9: {  	s5 =	sadd.s32 @p0 $0x11B8D, s5;
	s6 =	sshll.u32 @p0 s4, $0x11  }
0xaa: {  	s5 =	sor.u32 @p0 s6, s5  }
0xab: {  	[sflag:s5] =	ssyncadd.remote.s32 @p0 $0x1;
	_ =	sdelay $0x1  }
0xac: {  	s5 =	simm.s32 @p0 $0x1B8D  }
0xad: {  	_ =	swait.eq @p0 [sflag:s5], $0x1  }
0xae: {  	[sflag:s5] =	ssyncadd.s32 @p0 $0xFFFFFFFF  }
0xaf: {  	s6 =	sshll.u32 @!p0 s1, $0xE  }
0xb0: {  	s6 =	sor.u32 @!p0 $0x4000, s6;
	s5 =	simm.s32 @!p0 $0x1B8D  }
0xb1: {  	s4 =	sshll.u32 @!p0 s4, $0x11;
	s6 =	sadd.s32 @!p0 $0x11B8D, s6;
	_ =	swait.eq @!p0 [sflag:s5], $0x1  }
0xb2: {  	s4 =	sor.u32 @!p0 s4, s6;
	[sflag:s5] =	ssyncadd.s32 @!p0 $0xFFFFFFFF  }
0xb3: {  	s25 =	simm.s32 $0x1B8E;
	s24 =	sld [smem:$0x3FFE];
	[sflag:s4] =	ssyncadd.remote.s32 @!p0 $0x1  }
0xb4: {  	s26 =	simm.s32 $execute0_lowered;
	[smem:$0x3FD2] =	sst s25  }
0xb5: {  	s5 =	sshll.u32 s26, $0x1;
	_ =	strace $0x8000004C;
	[dreg:$0x1] =	wrdreg $0xFFFFFFFF  }
0xb6: {  	s28 =	simm.s32 $_size_execute0_lowered;
	s3 =	sadd.s32 s3, s5;
	[dreg:$0x0] =	wrdreg $0x0  }
0xb7: {  	s5 =	sshll.u32 s28, $0x1;
	[dreg:$0x2] =	wrdreg s3  }
0xb8: {  	[dreg:$0x3] =	wrdreg s5  }
0xb9: {  	[dreg:$0x4] =	wrdreg $0xC0  }
0xba: {  	_ =	task [dreg:s22], $0x5FFFF  }
0xbb: {  	[dreg:$0x1] =	wrdreg $0xFFFFFFFF  }
0xbc: {  	[dreg:$0x0] =	wrdreg $0x60  }
0xbd: {  	[dreg:$0x2] =	wrdreg s24  }
0xbe: {  	[dreg:$0x3] =	wrdreg $0xA  }
0xbf: {  	_ =	task.clear_ibuf [dreg:s22], $0x4FFFF;
	_ =	strace $0x9000004C  }
0xc0: {  	s29 =	simm.s32 $0xA;
	_ =	strace $0x8000004E  }
0xc1: {  	_ =	swait.ge [sflag:s29], $0x1  }
0xc2: {  	[sflag:s29] =	ssyncadd.s32 $0xFFFFFFFF  }
0xc3: {  	_ =	strace $0x9000004E  }
0xc4: {  	_ =	sfence  }
0xc5: {  	s30 =	sld [smem:$0x0];
	_ =	sdelay $0x2  }
0xc6: {  	s31 =	sshll.u32 s1, $0xD;
	s1 =	sshrl.u32 s1, $0x2  }
0xc7: {  	s4 =	sand.u32 $0x4000, s31;
	s1 =	sadd.s32 s1, s30  }
0xc8: {  	s0 =	sor.u32 s4, s0;
	s1 =	sshll.u32 s1, $0x11  }
0xc9: {  	s0 =	sor.u32 s1, s0  }
0xca: {  	s0 =	sadd.s32 $0x8F2B, s0  }
0xcb: {  	[sflag:s0] =	ssyncadd.remote.s32 $0x1  }
0xcc: {  	_ =	sfence.sel $0xFFFF  }
0xcd: {  	[dreg:$0x0] =	wrdreg $0xFFFFFFFF;
	(pc) =	sbr.abs _section_cstart, $3  }
0xce: {  	[dreg:$0x1] =	wrdreg $0xFFFFFFFF  }
0xcf: {  	_ =	task.clear_ibuf [dreg:s22], $0x2FFFF;
	_ =	strace $0x9FFFFFFF  }
0xd0: {  	(tm) =	ssettm $0x7FFFFFFF  }
0xd1: {  	_ =	shalt  }
tec
execute0_lowered:
.L_overlay_start_1:
0x0: {  	(tag) =	ssettag $0x1  }
0x1: {  	s0 =	srdreg.scid;
	s2 =	stileid.u32  }
0x2: {  	s1 =	sand.u32 $0x1, s0;
	s2 =	sshll.u32 s2, $0x1  }
0x3: {  	s3 =	sor.u32 s1, s2  }
0x4: {  	s0 =	rddreg [dreg:$0x0];
	s4 =	smul.u32 $0xC4, s3  }
0x5: {  	s2 =	simm.s32 $0x0;
	s6 =	sadd.s32 $0x79C00, s0;
	s5 =	smul.u32 $0xC4000, s3  }
0x6: {  	[smem:$0x7FF] =	sst s2;
	s3 =	smul.u32 $0x18800, s3;
	s4 =	sadd.s32 s4, s0  }
0x7: {  	_ =	strace $0x8000004D;
	s5 =	sshrl.u32 s5, $0x3;
	s4 =	sadd.s32 $0x78200, s4  }
0x8: {  	s3 =	sadd.s32 s6, s3;
	[dreg:$0x2] =	wrdreg s4;
	s4 =	sadd.s32 s6, s5  }
0x9: {  	[dreg:$0x3] =	wrdreg s3;
	s31 =	sadd.s32 $0xE00, s4  }
0xa: {  	s5 =	sadd.s32 $0x1C00, s4;
	[dreg:$0x4] =	wrdreg s31  }
0xb: {  	s6 =	sadd.s32 $0x2A00, s4;
	[dreg:$0x5] =	wrdreg s5  }
0xc: {  	s7 =	sadd.s32 $0x3800, s4;
	[dreg:$0x6] =	wrdreg s6  }
0xd: {  	s8 =	sadd.s32 $0x4600, s4;
	[dreg:$0x7] =	wrdreg s7  }
0xe: {  	s9 =	sadd.s32 $0x5400, s4;
	[dreg:$0x8] =	wrdreg s8  }
0xf: {  	s10 =	sadd.s32 $0x6200, s4;
	[dreg:$0x9] =	wrdreg s9  }
0x10: {  	s11 =	sadd.s32 $0x7000, s4;
	[dreg:$0xa] =	wrdreg s10  }
0x11: {  	s12 =	sadd.s32 $0x7E00, s4;
	[dreg:$0xb] =	wrdreg s11  }
0x12: {  	s13 =	sadd.s32 $0x8C00, s4;
	[dreg:$0xc] =	wrdreg s12  }
0x13: {  	s14 =	sadd.s32 $0x9A00, s4;
	[dreg:$0xd] =	wrdreg s13  }
0x14: {  	s15 =	sadd.s32 $0xA800, s4;
	[dreg:$0xe] =	wrdreg s14  }
0x15: {  	s16 =	sadd.s32 $0xB600, s4;
	[dreg:$0xf] =	wrdreg s15  }
0x16: {  	s17 =	sadd.s32 $0xC400, s4;
	[dreg:$0x10] =	wrdreg s16  }
0x17: {  	s18 =	sadd.s32 $0xD200, s4;
	[dreg:$0x11] =	wrdreg s17  }
0x18: {  	s19 =	sadd.s32 $0xE000, s4;
	[dreg:$0x12] =	wrdreg s18  }
0x19: {  	s20 =	sadd.s32 $0xEE00, s4;
	[dreg:$0x13] =	wrdreg s19  }
0x1a: {  	s21 =	sadd.s32 $0xFC00, s4;
	[dreg:$0x14] =	wrdreg s20  }
0x1b: {  	s22 =	sadd.s32 $0x10A00, s4;
	[dreg:$0x15] =	wrdreg s21  }
0x1c: {  	s23 =	sadd.s32 $0x11800, s4;
	[dreg:$0x16] =	wrdreg s22  }
0x1d: {  	s24 =	sadd.s32 $0x12600, s4;
	[dreg:$0x17] =	wrdreg s23  }
0x1e: {  	s1 =	ssub.s32 $0x2, s1;
	s25 =	sadd.s32 $0x13400, s4;
	[dreg:$0x18] =	wrdreg s24  }
0x1f: {  	s30 =	sshrl.u32 s1, $0x1;
	s26 =	sadd.s32 $0x14200, s4;
	[dreg:$0x19] =	wrdreg s25  }
0x20: {  	s1 =	ssub.s32 s1, s30;
	s28 =	sadd.s32 $0x15E00, s4;
	[dreg:$0x1a] =	wrdreg s26  }
0x21: {  	s3 =	sadd.s32 $0x6C00, s0;
	s29 =	sadd.s32 $0x16C00, s4;
	[dreg:$0x1c] =	wrdreg s28  }
0x22: {  	s5 =	sadd.s32 $0x15000, s4;
	[dreg:$0x1d] =	wrdreg s29;
	s31 =	sadd.s32 $0x17A00, s4  }
0x23: {  	s4 =	sadd.s32 $0x6D00, s0;
	s0 =	smax.u32 s1, $0x1;
	s24 =	simm.s32 $0x1  }
0x24: {  	v2 =	vlaneseq.u32;
	s14 =	simm.s32 $0x2;
	s15 =	simm.s32 $0x5;
	s16 =	simm.s32 $0x3  }
0x25: {  	vm0 =	vmmov $0xffff;
	v1 =	vshrl.u32 v2, $0x3;
	s17 =	simm.s32 $0x6;
	s18 =	simm.s32 $0x4;
	[dreg:$0x1b] =	wrdreg s5  }
0x26: {  	v0 =	vand.u32 $0x7, v2;
	v2 =	vor.u32 $0x8, v2;
	v1 =	vmul.u32 $0x8, v1;
	s19 =	simm.s32 $0x7;
	s20 =	simm.s32 $0x8;
	[dreg:$0x1e] =	wrdreg s31  }
.LBB2_1:
0x27: {  	[dreg:$0x1f] =	wrdreg s0  }
0x28: {  	s22 =	rddreg [dreg:$0x2];
	s6 =	simm.s32 $0x9  }
0x29: {  	[tilespmem:s2], [sflag:$0x9] =	stream.linear.gather [hbm4b:s22+s2], $0x620, $0x38;
	[tilespmem:$0x1C680] =	vst v63  }
0x2a: {  	_ =	swait.ge [sflag:s6], $0x620  }
0x2b: {  	[sflag:s6] =	ssyncset.done $0x0  }
0x2c: {  	[sflag:s6] =	ssyncadd.s32 $0xFFFFF9E0  }
0x2d: {  	v3 =	vld [tilespmem:$0x0];
	_ =	sdelay $0x4  }
0x2e: {  	v4 =	vshll.u32 v3, $0x2  }
0x2f: {  	v3 =	vand.u32 $0x7, v3;
	v4 =	vand.u32 $0xFFFFFFE0, v4  }
0x30: {  	v3 =	vor.u32 v3, v4  }
0x31: {  	v4 =	vperm.xlane v3, v0;
	_ =	sdelay $0x1  }
0x32: {  	v4 =	vadd.s32 v1, v4;
	_ =	sdelay $0x1  }
0x33: {  	v3 =	vperm.xlane v3, v2;
	_ =	sdelay $0x1  }
0x34: {  	s7 =	simm.s32 $0x680;
	v3 =	vadd.s32 v1, v3  }
0x35: {  	[tilespmem:s7], [sflag:$0x1] =	stream.indirect_vreg.gather [hbm4b:s3+s2], $0x80, v4, vm0, $0xb8;
	[tilespmem:$0x1C680] =	vst v63  }
0x36: {  	s8 =	simm.s32 $0xE80  }
0x37: {  	[tilespmem:s8], [sflag:$0x1] =	stream.indirect_vreg.gather [hbm4b:s4+s2], $0x80, v4, vm0, $0xb8;
	[tilespmem:$0x1C680] =	vst v63  }
0x38: {  	s9 =	simm.s32 $0x1680  }
0x39: {  	[tilespmem:s9], [sflag:$0x1] =	stream.indirect_vreg.gather [hbm4b:s3+s2], $0x80, v3, vm0, $0xb8;
	[tilespmem:$0x1C680] =	vst v63  }
0x3a: {  	s10 =	simm.s32 $0x1E80  }
0x3b: {  	[tilespmem:s10], [sflag:$0x1] =	stream.indirect_vreg.gather [hbm4b:s4+s2], $0x80, v3, vm0, $0xb8;
	[tilespmem:$0x1C680] =	vst v63  }
0x3c: {  	v3 =	vld [tilespmem:$0x10];
	_ =	sdelay $0x4  }
0x3d: {  	v9 =	vshll.u32 v3, $0x2  }
0x3e: {  	v3 =	vand.u32 $0x7, v3;
	v4 =	vand.u32 $0xFFFFFFE0, v9  }
0x3f: {  	v3 =	vor.u32 v3, v4  }
0x40: {  	v4 =	vperm.xlane v3, v0;
	_ =	sdelay $0x1  }
0x41: {  	v4 =	vadd.s32 v1, v4;
	_ =	sdelay $0x1  }
0x42: {  	v3 =	vperm.xlane v3, v2;
	_ =	sdelay $0x1  }
0x43: {  	s11 =	simm.s32 $0x2680;
	v3 =	vadd.s32 v1, v3  }
0x44: {  	[tilespmem:s11], [sflag:$0x1] =	stream.indirect_vreg.gather [hbm4b:s3+s2], $0x80, v4, vm0, $0xb8;
	[tilespmem:$0x1C680] =	vst v63  }
0x45: {  	s12 =	simm.s32 $0x2E80  }
0x46: {  	[tilespmem:s12], [sflag:$0x1] =	stream.indirect_vreg.gather [hbm4b:s4+s2], $0x80, v4, vm0, $0xb8;
	[tilespmem:$0x1C680] =	vst v63  }
0x47: {  	s13 =	simm.s32 $0x3680  }
0x48: {  	[tilespmem:s13], [sflag:$0x1] =	stream.indirect_vreg.gather [hbm4b:s3+s2], $0x80, v3, vm0, $0xb8;
	[tilespmem:$0x1C680] =	vst v63  }
0x49: {  	s21 =	simm.s32 $0x3E80  }
0x4a: {  	[tilespmem:s21], [sflag:$0x1] =	stream.indirect_vreg.gather [hbm4b:s4+s2], $0x80, v3, vm0, $0xb8;
	[tilespmem:$0x1C680] =	vst v63  }
0x4b: {  	v3 =	vld [tilespmem:$0x20];
	_ =	sdelay $0x4  }
0x4c: {  	v10 =	vshll.u32 v3, $0x2  }
0x4d: {  	v3 =	vand.u32 $0x7, v3;
	v4 =	vand.u32 $0xFFFFFFE0, v10  }
0x4e: {  	v3 =	vor.u32 v3, v4  }
0x4f: {  	v4 =	vperm.xlane v3, v0;
	_ =	sdelay $0x1  }
0x50: {  	v4 =	vadd.s32 v1, v4;
	_ =	sdelay $0x1  }
0x51: {  	v3 =	vperm.xlane v3, v2;
	_ =	sdelay $0x1  }
0x52: {  	s22 =	simm.s32 $0x4680;
	v3 =	vadd.s32 v1, v3  }
0x53: {  	[tilespmem:s22], [sflag:$0x1] =	stream.indirect_vreg.gather [hbm4b:s3+s2], $0x80, v4, vm0, $0xb8;
	[tilespmem:$0x1C680] =	vst v63  }
0x54: {  	s23 =	simm.s32 $0x4E80  }
0x55: {  	[tilespmem:s23], [sflag:$0x1] =	stream.indirect_vreg.gather [hbm4b:s4+s2], $0x80, v4, vm0, $0xb8;
	[tilespmem:$0x1C680] =	vst v63  }
0x56: {  	s26 =	simm.s32 $0x5680  }
0x57: {  	[tilespmem:s26], [sflag:$0x1] =	stream.indirect_vreg.gather [hbm4b:s3+s2], $0x80, v3, vm0, $0xb8;
	[tilespmem:$0x1C680] =	vst v63  }
0x58: {  	s28 =	simm.s32 $0x5E80  }
0x59: {  	[tilespmem:s28], [sflag:$0x1] =	stream.indirect_vreg.gather [hbm4b:s4+s2], $0x80, v3, vm0, $0xb8;
	[tilespmem:$0x1C680] =	vst v63  }
0x5a: {  	v3 =	vld.msk [tilespmem:$0x30], $0xff;
	_ =	sdelay $0x4  }
0x5b: {  	v11 =	vshll.u32 v3, $0x2  }
0x5c: {  	v3 =	vand.u32 $0x7, v3;
	v4 =	vand.u32 $0xFFFFFFE0, v11  }
0x5d: {  	v3 =	vor.u32 v3, v4  }
0x5e: {  	v3 =	vperm.xlane v3, v0;
	_ =	sdelay $0x1  }
0x5f: {  	v3 =	vadd.s32 v1, v3;
	_ =	sdelay $0x3  }
0x60: {  	s29 =	simm.s32 $0x6680  }
0x61: {  	[tilespmem:s29], [sflag:$0x1] =	stream.indirect_vreg.gather [hbm4b:s3+s2], $0x80, v3, vm0, $0xb8;
	[tilespmem:$0x1C680] =	vst v63  }
0x62: {  	s6 =	simm.s32 $0x6E80  }
0x63: {  	[tilespmem:s6], [sflag:$0x1] =	stream.indirect_vreg.gather [hbm4b:s4+s2], $0x80, v3, vm0, $0xb8;
	[tilespmem:$0x1C680] =	vst v63  }
0x64: {  	v3 =	vld [tilespmem:$0x38];
	_ =	sdelay $0x4  }
0x65: {  	v12 =	vshll.u32 v3, $0x2  }
0x66: {  	v3 =	vand.u32 $0x7, v3;
	v4 =	vand.u32 $0xFFFFFFE0, v12  }
0x67: {  	v3 =	vor.u32 v3, v4  }
0x68: {  	v4 =	vperm.xlane v3, v0;
	_ =	sdelay $0x1  }
0x69: {  	v4 =	vadd.s32 v1, v4;
	_ =	sdelay $0x1  }
0x6a: {  	v3 =	vperm.xlane v3, v2;
	_ =	sdelay $0x1  }
0x6b: {  	s7 =	simm.s32 $0x7680;
	v3 =	vadd.s32 v1, v3  }
0x6c: {  	[tilespmem:s7], [sflag:$0x2] =	stream.indirect_vreg.gather [hbm4b:s3+s2], $0x80, v4, vm0, $0xb8;
	[tilespmem:$0x1C680] =	vst v63  }
0x6d: {  	s8 =	simm.s32 $0x7E80  }
0x6e: {  	[tilespmem:s8], [sflag:$0x2] =	stream.indirect_vreg.gather [hbm4b:s4+s2], $0x80, v4, vm0, $0xb8;
	[tilespmem:$0x1C680] =	vst v63  }
0x6f: {  	s10 =	simm.s32 $0x8680  }
0x70: {  	[tilespmem:s10], [sflag:$0x2] =	stream.indirect_vreg.gather [hbm4b:s3+s2], $0x80, v3, vm0, $0xb8;
	[tilespmem:$0x1C680] =	vst v63  }
0x71: {  	s11 =	simm.s32 $0x8E80  }
0x72: {  	[tilespmem:s11], [sflag:$0x2] =	stream.indirect_vreg.gather [hbm4b:s4+s2], $0x80, v3, vm0, $0xb8;
	[tilespmem:$0x1C680] =	vst v63  }
0x73: {  	v3 =	vld [tilespmem:$0x48];
	_ =	sdelay $0x4  }
0x74: {  	v13 =	vshll.u32 v3, $0x2  }
0x75: {  	v3 =	vand.u32 $0x7, v3;
	v4 =	vand.u32 $0xFFFFFFE0, v13  }
0x76: {  	v3 =	vor.u32 v3, v4  }
0x77: {  	v4 =	vperm.xlane v3, v0;
	_ =	sdelay $0x1  }
0x78: {  	v4 =	vadd.s32 v1, v4;
	_ =	sdelay $0x1  }
0x79: {  	v3 =	vperm.xlane v3, v2;
	_ =	sdelay $0x1  }
0x7a: {  	s13 =	simm.s32 $0x9680;
	v3 =	vadd.s32 v1, v3  }
0x7b: {  	[tilespmem:s13], [sflag:$0x2] =	stream.indirect_vreg.gather [hbm4b:s3+s2], $0x80, v4, vm0, $0xb8;
	[tilespmem:$0x1C680] =	vst v63  }
0x7c: {  	s21 =	simm.s32 $0x9E80  }
0x7d: {  	[tilespmem:s21], [sflag:$0x2] =	stream.indirect_vreg.gather [hbm4b:s4+s2], $0x80, v4, vm0, $0xb8;
	[tilespmem:$0x1C680] =	vst v63  }
0x7e: {  	s22 =	simm.s32 $0xA680  }
0x7f: {  	[tilespmem:s22], [sflag:$0x2] =	stream.indirect_vreg.gather [hbm4b:s3+s2], $0x80, v3, vm0, $0xb8;
	[tilespmem:$0x1C680] =	vst v63  }
0x80: {  	s23 =	simm.s32 $0xAE80  }
0x81: {  	[tilespmem:s23], [sflag:$0x2] =	stream.indirect_vreg.gather [hbm4b:s4+s2], $0x80, v3, vm0, $0xb8;
	[tilespmem:$0x1C680] =	vst v63  }
0x82: {  	v3 =	vld [tilespmem:$0x58];
	_ =	sdelay $0x4  }
0x83: {  	v14 =	vshll.u32 v3, $0x2  }
0x84: {  	v3 =	vand.u32 $0x7, v3;
	v4 =	vand.u32 $0xFFFFFFE0, v14  }
0x85: {  	v3 =	vor.u32 v3, v4  }
0x86: {  	v4 =	vperm.xlane v3, v0;
	_ =	sdelay $0x1  }
0x87: {  	v4 =	vadd.s32 v1, v4;
	_ =	sdelay $0x1  }
0x88: {  	v3 =	vperm.xlane v3, v2;
	_ =	sdelay $0x1  }
0x89: {  	s29 =	simm.s32 $0xB680;
	v3 =	vadd.s32 v1, v3  }
0x8a: {  	[tilespmem:s29], [sflag:$0x2] =	stream.indirect_vreg.gather [hbm4b:s3+s2], $0x80, v4, vm0, $0xb8;
	[tilespmem:$0x1C680] =	vst v63  }
0x8b: {  	s6 =	simm.s32 $0xBE80  }
0x8c: {  	[tilespmem:s6], [sflag:$0x2] =	stream.indirect_vreg.gather [hbm4b:s4+s2], $0x80, v4, vm0, $0xb8;
	[tilespmem:$0x1C680] =	vst v63  }
0x8d: {  	s11 =	simm.s32 $0xC680  }
0x8e: {  	[tilespmem:s11], [sflag:$0x2] =	stream.indirect_vreg.gather [hbm4b:s3+s2], $0x80, v3, vm0, $0xb8;
	[tilespmem:$0x1C680] =	vst v63  }
0x8f: {  	s21 =	simm.s32 $0xCE80  }
0x90: {  	[tilespmem:s21], [sflag:$0x2] =	stream.indirect_vreg.gather [hbm4b:s4+s2], $0x80, v3, vm0, $0xb8;
	[tilespmem:$0x1C680] =	vst v63  }
0x91: {  	v3 =	vld.msk [tilespmem:$0x68], $0xff;
	_ =	sdelay $0x4  }
0x92: {  	v15 =	vshll.u32 v3, $0x2  }
0x93: {  	v3 =	vand.u32 $0x7, v3;
	v4 =	vand.u32 $0xFFFFFFE0, v15  }
0x94: {  	v3 =	vor.u32 v3, v4  }
0x95: {  	v3 =	vperm.xlane v3, v0;
	_ =	sdelay $0x1  }
0x96: {  	v3 =	vadd.s32 v1, v3;
	_ =	sdelay $0x3  }
0x97: {  	s22 =	simm.s32 $0xD680  }
0x98: {  	[tilespmem:s22], [sflag:$0x2] =	stream.indirect_vreg.gather [hbm4b:s3+s2], $0x80, v3, vm0, $0xb8;
	[tilespmem:$0x1C680] =	vst v63  }
0x99: {  	s23 =	simm.s32 $0xDE80  }
0x9a: {  	[tilespmem:s23], [sflag:$0x2] =	stream.indirect_vreg.gather [hbm4b:s4+s2], $0x80, v3, vm0, $0xb8;
	[tilespmem:$0x1C680] =	vst v63  }
0x9b: {  	v3 =	vld [tilespmem:$0x70];
	_ =	sdelay $0x4  }
0x9c: {  	v16 =	vshll.u32 v3, $0x2  }
0x9d: {  	v3 =	vand.u32 $0x7, v3;
	v4 =	vand.u32 $0xFFFFFFE0, v16  }
0x9e: {  	v3 =	vor.u32 v3, v4  }
0x9f: {  	v4 =	vperm.xlane v3, v0;
	_ =	sdelay $0x1  }
0xa0: {  	v4 =	vadd.s32 v1, v4;
	_ =	sdelay $0x1  }
0xa1: {  	v3 =	vperm.xlane v3, v2;
	_ =	sdelay $0x1  }
0xa2: {  	s29 =	simm.s32 $0xE680;
	v3 =	vadd.s32 v1, v3  }
0xa3: {  	[tilespmem:s29], [sflag:$0x3] =	stream.indirect_vreg.gather [hbm4b:s3+s2], $0x80, v4, vm0, $0xb8;
	[tilespmem:$0x1C680] =	vst v63  }
0xa4: {  	s6 =	simm.s32 $0xEE80  }
0xa5: {  	[tilespmem:s6], [sflag:$0x3] =	stream.indirect_vreg.gather [hbm4b:s4+s2], $0x80, v4, vm0, $0xb8;
	[tilespmem:$0x1C680] =	vst v63  }
0xa6: {  	s21 =	simm.s32 $0xF680  }
0xa7: {  	[tilespmem:s21], [sflag:$0x3] =	stream.indirect_vreg.gather [hbm4b:s3+s2], $0x80, v3, vm0, $0xb8;
	[tilespmem:$0x1C680] =	vst v63  }
0xa8: {  	s22 =	simm.s32 $0xFE80  }
0xa9: {  	[tilespmem:s22], [sflag:$0x3] =	stream.indirect_vreg.gather [hbm4b:s4+s2], $0x80, v3, vm0, $0xb8;
	[tilespmem:$0x1C680] =	vst v63  }
0xaa: {  	v3 =	vld [tilespmem:$0x80];
	_ =	sdelay $0x4  }
0xab: {  	v17 =	vshll.u32 v3, $0x2  }
0xac: {  	v3 =	vand.u32 $0x7, v3;
	v4 =	vand.u32 $0xFFFFFFE0, v17  }
0xad: {  	v3 =	vor.u32 v3, v4  }
0xae: {  	v4 =	vperm.xlane v3, v0;
	_ =	sdelay $0x1  }
0xaf: {  	v4 =	vadd.s32 v1, v4;
	_ =	sdelay $0x1  }
0xb0: {  	v3 =	vperm.xlane v3, v2;
	_ =	sdelay $0x1  }
0xb1: {  	s23 =	simm.s32 $0x10680;
	v3 =	vadd.s32 v1, v3  }
0xb2: {  	[tilespmem:s23], [sflag:$0x3] =	stream.indirect_vreg.gather [hbm4b:s3+s2], $0x80, v4, vm0, $0xb8;
	[tilespmem:$0x1C680] =	vst v63  }
0xb3: {  	s29 =	simm.s32 $0x10E80  }
0xb4: {  	[tilespmem:s29], [sflag:$0x3] =	stream.indirect_vreg.gather [hbm4b:s4+s2], $0x80, v4, vm0, $0xb8;
	[tilespmem:$0x1C680] =	vst v63  }
0xb5: {  	s6 =	simm.s32 $0x11680  }
0xb6: {  	[tilespmem:s6], [sflag:$0x3] =	stream.indirect_vreg.gather [hbm4b:s3+s2], $0x80, v3, vm0, $0xb8;
	[tilespmem:$0x1C680] =	vst v63  }
0xb7: {  	s21 =	simm.s32 $0x11E80  }
0xb8: {  	[tilespmem:s21], [sflag:$0x3] =	stream.indirect_vreg.gather [hbm4b:s4+s2], $0x80, v3, vm0, $0xb8;
	[tilespmem:$0x1C680] =	vst v63  }
0xb9: {  	v3 =	vld [tilespmem:$0x90];
	_ =	sdelay $0x4  }
0xba: {  	v18 =	vshll.u32 v3, $0x2  }
0xbb: {  	v3 =	vand.u32 $0x7, v3;
	v4 =	vand.u32 $0xFFFFFFE0, v18  }
0xbc: {  	v3 =	vor.u32 v3, v4  }
0xbd: {  	v4 =	vperm.xlane v3, v0;
	_ =	sdelay $0x1  }
0xbe: {  	v4 =	vadd.s32 v1, v4;
	_ =	sdelay $0x1  }
0xbf: {  	v3 =	vperm.xlane v3, v2;
	_ =	sdelay $0x1  }
0xc0: {  	s22 =	simm.s32 $0x12680;
	v3 =	vadd.s32 v1, v3  }
0xc1: {  	[tilespmem:s22], [sflag:$0x3] =	stream.indirect_vreg.gather [hbm4b:s3+s2], $0x80, v4, vm0, $0xb8;
	[tilespmem:$0x1C680] =	vst v63  }
0xc2: {  	s29 =	simm.s32 $0x12E80  }
0xc3: {  	[tilespmem:s29], [sflag:$0x3] =	stream.indirect_vreg.gather [hbm4b:s4+s2], $0x80, v4, vm0, $0xb8;
	[tilespmem:$0x1C680] =	vst v63  }
0xc4: {  	s6 =	simm.s32 $0x13680  }
0xc5: {  	[tilespmem:s6], [sflag:$0x3] =	stream.indirect_vreg.gather [hbm4b:s3+s2], $0x80, v3, vm0, $0xb8;
	[tilespmem:$0x1C680] =	vst v63  }
0xc6: {  	s21 =	simm.s32 $0x13E80  }
0xc7: {  	[tilespmem:s21], [sflag:$0x3] =	stream.indirect_vreg.gather [hbm4b:s4+s2], $0x80, v3, vm0, $0xb8;
	[tilespmem:$0x1C680] =	vst v63  }
0xc8: {  	v3 =	vld.msk [tilespmem:$0xA0], $0xff;
	_ =	sdelay $0x4  }
0xc9: {  	v19 =	vshll.u32 v3, $0x2  }
0xca: {  	v3 =	vand.u32 $0x7, v3;
	v4 =	vand.u32 $0xFFFFFFE0, v19  }
0xcb: {  	v3 =	vor.u32 v3, v4  }
0xcc: {  	v3 =	vperm.xlane v3, v0;
	_ =	sdelay $0x1  }
0xcd: {  	v3 =	vadd.s32 v1, v3;
	_ =	sdelay $0x3  }
0xce: {  	s22 =	simm.s32 $0x14680  }
0xcf: {  	[tilespmem:s22], [sflag:$0x3] =	stream.indirect_vreg.gather [hbm4b:s3+s2], $0x80, v3, vm0, $0xb8;
	[tilespmem:$0x1C680] =	vst v63  }
0xd0: {  	s6 =	simm.s32 $0x14E80  }
0xd1: {  	[tilespmem:s6], [sflag:$0x3] =	stream.indirect_vreg.gather [hbm4b:s4+s2], $0x80, v3, vm0, $0xb8;
	[tilespmem:$0x1C680] =	vst v63  }
0xd2: {  	_ =	swait.ge [sflag:s24], $0x7000  }
0xd3: {  	[sflag:s24] =	ssyncset.done $0x0  }
0xd4: {  	s6 =	simm.s32 $0x680;
	s21 =	rddreg [dreg:$0x3];
	[sflag:s24] =	ssyncadd.s32 $0xFFFF9000  }
0xd5: {  	[hbm4b:s21+s2] =	stream.linear.scatter [tilespmem:s6], [sflag:$0x5], $0x7000, $0x38;
	[tilespmem:$0x1C680] =	vst v63  }
0xd6: {  	v3 =	vld [tilespmem:$0xA8];
	_ =	sdelay $0x4  }
0xd7: {  	v20 =	vshll.u32 v3, $0x2  }
0xd8: {  	v3 =	vand.u32 $0x7, v3;
	v4 =	vand.u32 $0xFFFFFFE0, v20  }
0xd9: {  	v3 =	vor.u32 v3, v4  }
0xda: {  	v4 =	vperm.xlane v3, v0;
	_ =	sdelay $0x1  }
0xdb: {  	v4 =	vadd.s32 v1, v4;
	_ =	sdelay $0x1  }
0xdc: {  	v3 =	vperm.xlane v3, v2;
	_ =	sdelay $0x1  }
0xdd: {  	s22 =	simm.s32 $0x15680;
	v3 =	vadd.s32 v1, v3  }
0xde: {  	[tilespmem:s22], [sflag:$0x4] =	stream.indirect_vreg.gather [hbm4b:s3+s2], $0x80, v4, vm0, $0xb8;
	[tilespmem:$0x1C680] =	vst v63  }
0xdf: {  	s0 =	simm.s32 $0x15E80  }
0xe0: {  	[tilespmem:s0], [sflag:$0x4] =	stream.indirect_vreg.gather [hbm4b:s4+s2], $0x80, v4, vm0, $0xb8;
	[tilespmem:$0x1C680] =	vst v63  }
0xe1: {  	s21 =	simm.s32 $0x16680  }
0xe2: {  	[tilespmem:s21], [sflag:$0x4] =	stream.indirect_vreg.gather [hbm4b:s3+s2], $0x80, v3, vm0, $0xb8;
	[tilespmem:$0x1C680] =	vst v63  }
0xe3: {  	s0 =	simm.s32 $0x16E80  }
0xe4: {  	[tilespmem:s0], [sflag:$0x4] =	stream.indirect_vreg.gather [hbm4b:s4+s2], $0x80, v3, vm0, $0xb8;
	[tilespmem:$0x1C680] =	vst v63  }
0xe5: {  	v3 =	vld [tilespmem:$0xB8];
	_ =	sdelay $0x4  }
0xe6: {  	v21 =	vshll.u32 v3, $0x2  }
0xe7: {  	v3 =	vand.u32 $0x7, v3;
	v4 =	vand.u32 $0xFFFFFFE0, v21  }
0xe8: {  	v3 =	vor.u32 v3, v4  }
0xe9: {  	v4 =	vperm.xlane v3, v0;
	_ =	sdelay $0x1  }
0xea: {  	v4 =	vadd.s32 v1, v4;
	_ =	sdelay $0x1  }
0xeb: {  	v3 =	vperm.xlane v3, v2;
	_ =	sdelay $0x1  }
0xec: {  	s21 =	simm.s32 $0x17680;
	v3 =	vadd.s32 v1, v3  }
0xed: {  	[tilespmem:s21], [sflag:$0x4] =	stream.indirect_vreg.gather [hbm4b:s3+s2], $0x80, v4, vm0, $0xb8;
	[tilespmem:$0x1C680] =	vst v63  }
0xee: {  	s0 =	simm.s32 $0x17E80  }
0xef: {  	[tilespmem:s0], [sflag:$0x4] =	stream.indirect_vreg.gather [hbm4b:s4+s2], $0x80, v4, vm0, $0xb8;
	[tilespmem:$0x1C680] =	vst v63  }
0xf0: {  	s21 =	simm.s32 $0x18680  }
0xf1: {  	[tilespmem:s21], [sflag:$0x4] =	stream.indirect_vreg.gather [hbm4b:s3+s2], $0x80, v3, vm0, $0xb8;
	[tilespmem:$0x1C680] =	vst v63  }
0xf2: {  	s0 =	simm.s32 $0x18E80  }
0xf3: {  	[tilespmem:s0], [sflag:$0x4] =	stream.indirect_vreg.gather [hbm4b:s4+s2], $0x80, v3, vm0, $0xb8;
	[tilespmem:$0x1C680] =	vst v63  }
0xf4: {  	v3 =	vld [tilespmem:$0xC8];
	_ =	sdelay $0x4  }
0xf5: {  	v22 =	vshll.u32 v3, $0x2  }
0xf6: {  	v3 =	vand.u32 $0x7, v3;
	v4 =	vand.u32 $0xFFFFFFE0, v22  }
0xf7: {  	v3 =	vor.u32 v3, v4  }
0xf8: {  	v4 =	vperm.xlane v3, v0;
	_ =	sdelay $0x1  }
0xf9: {  	v4 =	vadd.s32 v1, v4;
	_ =	sdelay $0x1  }
0xfa: {  	v3 =	vperm.xlane v3, v2;
	_ =	sdelay $0x1  }
0xfb: {  	s21 =	simm.s32 $0x19680;
	v3 =	vadd.s32 v1, v3  }
0xfc: {  	[tilespmem:s21], [sflag:$0x4] =	stream.indirect_vreg.gather [hbm4b:s3+s2], $0x80, v4, vm0, $0xb8;
	[tilespmem:$0x1C680] =	vst v63  }
0xfd: {  	s0 =	simm.s32 $0x19E80  }
0xfe: {  	[tilespmem:s0], [sflag:$0x4] =	stream.indirect_vreg.gather [hbm4b:s4+s2], $0x80, v4, vm0, $0xb8;
	[tilespmem:$0x1C680] =	vst v63  }
0xff: {  	s21 =	simm.s32 $0x1A680  }
0x100: {  	[tilespmem:s21], [sflag:$0x4] =	stream.indirect_vreg.gather [hbm4b:s3+s2], $0x80, v3, vm0, $0xb8;
	[tilespmem:$0x1C680] =	vst v63  }
0x101: {  	s0 =	simm.s32 $0x1AE80  }
0x102: {  	[tilespmem:s0], [sflag:$0x4] =	stream.indirect_vreg.gather [hbm4b:s4+s2], $0x80, v3, vm0, $0xb8;
	[tilespmem:$0x1C680] =	vst v63  }
0x103: {  	v3 =	vld.msk [tilespmem:$0xD8], $0xff;
	_ =	sdelay $0x4  }
0x104: {  	v23 =	vshll.u32 v3, $0x2  }
0x105: {  	v3 =	vand.u32 $0x7, v3;
	v4 =	vand.u32 $0xFFFFFFE0, v23  }
0x106: {  	v3 =	vor.u32 v3, v4  }
0x107: {  	v3 =	vperm.xlane v3, v0;
	_ =	sdelay $0x1  }
0x108: {  	v3 =	vadd.s32 v1, v3;
	_ =	sdelay $0x3  }
0x109: {  	s21 =	simm.s32 $0x1B680  }
0x10a: {  	[tilespmem:s21], [sflag:$0x4] =	stream.indirect_vreg.gather [hbm4b:s3+s2], $0x80, v3, vm0, $0xb8;
	[tilespmem:$0x1C680] =	vst v63  }
0x10b: {  	s0 =	simm.s32 $0x1BE80  }
0x10c: {  	[tilespmem:s0], [sflag:$0x4] =	stream.indirect_vreg.gather [hbm4b:s4+s2], $0x80, v3, vm0, $0xb8;
	[tilespmem:$0x1C680] =	vst v63  }
0x10d: {  	_ =	swait.ge [sflag:s14], $0x7000  }
0x10e: {  	[sflag:s14] =	ssyncset.done $0x0  }
0x10f: {  	s0 =	simm.s32 $0x7680;
	s21 =	rddreg [dreg:$0x4];
	[sflag:s14] =	ssyncadd.s32 $0xFFFF9000  }
0x110: {  	[hbm4b:s21+s2] =	stream.linear.scatter [tilespmem:s0], [sflag:$0x6], $0x7000, $0x38;
	[tilespmem:$0x1C680] =	vst v63  }
0x111: {  	_ =	swait.ge [sflag:s15], $0x7000  }
0x112: {  	[sflag:s15] =	ssyncset.done $0x0  }
0x113: {  	[sflag:s15] =	ssyncadd.s32 $0xFFFF9000  }
0x114: {  	v3 =	vld [tilespmem:$0xE0];
	_ =	sdelay $0x4  }
0x115: {  	v24 =	vshll.u32 v3, $0x2  }
0x116: {  	v3 =	vand.u32 $0x7, v3;
	v4 =	vand.u32 $0xFFFFFFE0, v24  }
0x117: {  	v3 =	vor.u32 v3, v4  }
0x118: {  	v4 =	vperm.xlane v3, v0;
	_ =	sdelay $0x1  }
0x119: {  	v4 =	vadd.s32 v1, v4;
	_ =	sdelay $0x1  }
0x11a: {  	v3 =	vperm.xlane v3, v2;
	_ =	sdelay $0x1  }
0x11b: {  	v3 =	vadd.s32 v1, v3  }
0x11c: {  	[tilespmem:s6], [sflag:$0x1] =	stream.indirect_vreg.gather [hbm4b:s3+s2], $0x80, v4, vm0, $0xb8;
	[tilespmem:$0x1C680] =	vst v63  }
0x11d: {  	s30 =	simm.s32 $0xE80  }
0x11e: {  	[tilespmem:s30], [sflag:$0x1] =	stream.indirect_vreg.gather [hbm4b:s4+s2], $0x80, v4, vm0, $0xb8;
	[tilespmem:$0x1C680] =	vst v63  }
0x11f: {  	s31 =	simm.s32 $0x1680  }
0x120: {  	[tilespmem:s31], [sflag:$0x1] =	stream.indirect_vreg.gather [hbm4b:s3+s2], $0x80, v3, vm0, $0xb8;
	[tilespmem:$0x1C680] =	vst v63  }
0x121: {  	s9 =	simm.s32 $0x1E80  }
0x122: {  	[tilespmem:s9], [sflag:$0x1] =	stream.indirect_vreg.gather [hbm4b:s4+s2], $0x80, v3, vm0, $0xb8;
	[tilespmem:$0x1C680] =	vst v63  }
0x123: {  	v3 =	vld [tilespmem:$0xF0];
	_ =	sdelay $0x4  }
0x124: {  	v25 =	vshll.u32 v3, $0x2  }
0x125: {  	v3 =	vand.u32 $0x7, v3;
	v4 =	vand.u32 $0xFFFFFFE0, v25  }
0x126: {  	v3 =	vor.u32 v3, v4  }
0x127: {  	v4 =	vperm.xlane v3, v0;
	_ =	sdelay $0x1  }
0x128: {  	v4 =	vadd.s32 v1, v4;
	_ =	sdelay $0x1  }
0x129: {  	v3 =	vperm.xlane v3, v2;
	_ =	sdelay $0x1  }
0x12a: {  	s6 =	simm.s32 $0x2680;
	v3 =	vadd.s32 v1, v3  }
0x12b: {  	[tilespmem:s6], [sflag:$0x1] =	stream.indirect_vreg.gather [hbm4b:s3+s2], $0x80, v4, vm0, $0xb8;
	[tilespmem:$0x1C680] =	vst v63  }
0x12c: {  	s21 =	simm.s32 $0x2E80  }
0x12d: {  	[tilespmem:s21], [sflag:$0x1] =	stream.indirect_vreg.gather [hbm4b:s4+s2], $0x80, v4, vm0, $0xb8;
	[tilespmem:$0x1C680] =	vst v63  }
0x12e: {  	s1 =	simm.s32 $0x3680  }
0x12f: {  	[tilespmem:s1], [sflag:$0x1] =	stream.indirect_vreg.gather [hbm4b:s3+s2], $0x80, v3, vm0, $0xb8;
	[tilespmem:$0x1C680] =	vst v63  }
0x130: {  	s25 =	simm.s32 $0x3E80  }
0x131: {  	[tilespmem:s25], [sflag:$0x1] =	stream.indirect_vreg.gather [hbm4b:s4+s2], $0x80, v3, vm0, $0xb8;
	[tilespmem:$0x1C680] =	vst v63  }
0x132: {  	v3 =	vld [tilespmem:$0x100];
	_ =	sdelay $0x4  }
0x133: {  	v26 =	vshll.u32 v3, $0x2  }
0x134: {  	v3 =	vand.u32 $0x7, v3;
	v4 =	vand.u32 $0xFFFFFFE0, v26  }
0x135: {  	v3 =	vor.u32 v3, v4  }
0x136: {  	v4 =	vperm.xlane v3, v0;
	_ =	sdelay $0x1  }
0x137: {  	v4 =	vadd.s32 v1, v4;
	_ =	sdelay $0x1  }
0x138: {  	v3 =	vperm.xlane v3, v2;
	_ =	sdelay $0x1  }
0x139: {  	s5 =	simm.s32 $0x4680;
	v3 =	vadd.s32 v1, v3  }
0x13a: {  	[tilespmem:s5], [sflag:$0x1] =	stream.indirect_vreg.gather [hbm4b:s3+s2], $0x80, v4, vm0, $0xb8;
	[tilespmem:$0x1C680] =	vst v63  }
0x13b: {  	s9 =	simm.s32 $0x4E80  }
0x13c: {  	[tilespmem:s9], [sflag:$0x1] =	stream.indirect_vreg.gather [hbm4b:s4+s2], $0x80, v4, vm0, $0xb8;
	[tilespmem:$0x1C680] =	vst v63  }
0x13d: {  	s25 =	simm.s32 $0x5680  }
0x13e: {  	[tilespmem:s25], [sflag:$0x1] =	stream.indirect_vreg.gather [hbm4b:s3+s2], $0x80, v3, vm0, $0xb8;
	[tilespmem:$0x1C680] =	vst v63  }
0x13f: {  	s31 =	simm.s32 $0x5E80  }
0x140: {  	[tilespmem:s31], [sflag:$0x1] =	stream.indirect_vreg.gather [hbm4b:s4+s2], $0x80, v3, vm0, $0xb8;
	[tilespmem:$0x1C680] =	vst v63  }
0x141: {  	v3 =	vld.msk [tilespmem:$0x110], $0xff;
	_ =	sdelay $0x4  }
0x142: {  	v27 =	vshll.u32 v3, $0x2  }
0x143: {  	v3 =	vand.u32 $0x7, v3;
	v4 =	vand.u32 $0xFFFFFFE0, v27  }
0x144: {  	v3 =	vor.u32 v3, v4  }
0x145: {  	v3 =	vperm.xlane v3, v0;
	_ =	sdelay $0x1  }
0x146: {  	v3 =	vadd.s32 v1, v3;
	_ =	sdelay $0x3  }
0x147: {  	s5 =	simm.s32 $0x6680  }
0x148: {  	[tilespmem:s5], [sflag:$0x1] =	stream.indirect_vreg.gather [hbm4b:s3+s2], $0x80, v3, vm0, $0xb8;
	[tilespmem:$0x1C680] =	vst v63  }
0x149: {  	s22 =	simm.s32 $0x6E80  }
0x14a: {  	[tilespmem:s22], [sflag:$0x1] =	stream.indirect_vreg.gather [hbm4b:s4+s2], $0x80, v3, vm0, $0xb8;
	[tilespmem:$0x1C680] =	vst v63  }
0x14b: {  	_ =	swait.ge [sflag:s16], $0x7000  }
0x14c: {  	[sflag:s16] =	ssyncset.done $0x0  }
0x14d: {  	s1 =	simm.s32 $0xE680;
	s30 =	rddreg [dreg:$0x5];
	[sflag:s16] =	ssyncadd.s32 $0xFFFF9000  }
0x14e: {  	[hbm4b:s30+s2] =	stream.linear.scatter [tilespmem:s1], [sflag:$0x7], $0x7000, $0x38;
	[tilespmem:$0x1C680] =	vst v63  }
0x14f: {  	_ =	swait.ge [sflag:s17], $0x7000  }
0x150: {  	[sflag:s17] =	ssyncset.done $0x0  }
0x151: {  	[sflag:s17] =	ssyncadd.s32 $0xFFFF9000  }
0x152: {  	v3 =	vld [tilespmem:$0x118];
	_ =	sdelay $0x4  }
0x153: {  	v28 =	vshll.u32 v3, $0x2  }
0x154: {  	v3 =	vand.u32 $0x7, v3;
	v4 =	vand.u32 $0xFFFFFFE0, v28  }
0x155: {  	v3 =	vor.u32 v3, v4  }
0x156: {  	v4 =	vperm.xlane v3, v0;
	_ =	sdelay $0x1  }
0x157: {  	v4 =	vadd.s32 v1, v4;
	_ =	sdelay $0x1  }
0x158: {  	v3 =	vperm.xlane v3, v2;
	_ =	sdelay $0x1  }
0x159: {  	v3 =	vadd.s32 v1, v3  }
0x15a: {  	[tilespmem:s0], [sflag:$0x2] =	stream.indirect_vreg.gather [hbm4b:s3+s2], $0x80, v4, vm0, $0xb8;
	[tilespmem:$0x1C680] =	vst v63  }
0x15b: {  	s7 =	simm.s32 $0x7E80  }
0x15c: {  	[tilespmem:s7], [sflag:$0x2] =	stream.indirect_vreg.gather [hbm4b:s4+s2], $0x80, v4, vm0, $0xb8;
	[tilespmem:$0x1C680] =	vst v63  }
0x15d: {  	s12 =	simm.s32 $0x8680  }
0x15e: {  	[tilespmem:s12], [sflag:$0x2] =	stream.indirect_vreg.gather [hbm4b:s3+s2], $0x80, v3, vm0, $0xb8;
	[tilespmem:$0x1C680] =	vst v63  }
0x15f: {  	s8 =	simm.s32 $0x8E80  }
0x160: {  	[tilespmem:s8], [sflag:$0x2] =	stream.indirect_vreg.gather [hbm4b:s4+s2], $0x80, v3, vm0, $0xb8;
	[tilespmem:$0x1C680] =	vst v63  }
0x161: {  	v3 =	vld [tilespmem:$0x128];
	_ =	sdelay $0x4  }
0x162: {  	v29 =	vshll.u32 v3, $0x2  }
0x163: {  	v3 =	vand.u32 $0x7, v3;
	v4 =	vand.u32 $0xFFFFFFE0, v29  }
0x164: {  	v3 =	vor.u32 v3, v4  }
0x165: {  	v4 =	vperm.xlane v3, v0;
	_ =	sdelay $0x1  }
0x166: {  	v4 =	vadd.s32 v1, v4;
	_ =	sdelay $0x1  }
0x167: {  	v3 =	vperm.xlane v3, v2;
	_ =	sdelay $0x1  }
0x168: {  	s13 =	simm.s32 $0x9680;
	v3 =	vadd.s32 v1, v3  }
0x169: {  	[tilespmem:s13], [sflag:$0x2] =	stream.indirect_vreg.gather [hbm4b:s3+s2], $0x80, v4, vm0, $0xb8;
	[tilespmem:$0x1C680] =	vst v63  }
0x16a: {  	s26 =	simm.s32 $0x9E80  }
0x16b: {  	[tilespmem:s26], [sflag:$0x2] =	stream.indirect_vreg.gather [hbm4b:s4+s2], $0x80, v4, vm0, $0xb8;
	[tilespmem:$0x1C680] =	vst v63  }
0x16c: {  	s28 =	simm.s32 $0xA680  }
0x16d: {  	[tilespmem:s28], [sflag:$0x2] =	stream.indirect_vreg.gather [hbm4b:s3+s2], $0x80, v3, vm0, $0xb8;
	[tilespmem:$0x1C680] =	vst v63  }
0x16e: {  	s10 =	simm.s32 $0xAE80  }
0x16f: {  	[tilespmem:s10], [sflag:$0x2] =	stream.indirect_vreg.gather [hbm4b:s4+s2], $0x80, v3, vm0, $0xb8;
	[tilespmem:$0x1C680] =	vst v63  }
0x170: {  	v3 =	vld [tilespmem:$0x138];
	_ =	sdelay $0x4  }
0x171: {  	v30 =	vshll.u32 v3, $0x2  }
0x172: {  	v3 =	vand.u32 $0x7, v3;
	v4 =	vand.u32 $0xFFFFFFE0, v30  }
0x173: {  	v3 =	vor.u32 v3, v4  }
0x174: {  	v4 =	vperm.xlane v3, v0;
	_ =	sdelay $0x1  }
0x175: {  	v4 =	vadd.s32 v1, v4;
	_ =	sdelay $0x1  }
0x176: {  	v3 =	vperm.xlane v3, v2;
	_ =	sdelay $0x1  }
0x177: {  	s30 =	simm.s32 $0xB680;
	v3 =	vadd.s32 v1, v3  }
0x178: {  	[tilespmem:s30], [sflag:$0x2] =	stream.indirect_vreg.gather [hbm4b:s3+s2], $0x80, v4, vm0, $0xb8;
	[tilespmem:$0x1C680] =	vst v63  }
0x179: {  	s31 =	simm.s32 $0xBE80  }
0x17a: {  	[tilespmem:s31], [sflag:$0x2] =	stream.indirect_vreg.gather [hbm4b:s4+s2], $0x80, v4, vm0, $0xb8;
	[tilespmem:$0x1C680] =	vst v63  }
0x17b: {  	s5 =	simm.s32 $0xC680  }
0x17c: {  	[tilespmem:s5], [sflag:$0x2] =	stream.indirect_vreg.gather [hbm4b:s3+s2], $0x80, v3, vm0, $0xb8;
	[tilespmem:$0x1C680] =	vst v63  }
0x17d: {  	s11 =	simm.s32 $0xCE80  }
0x17e: {  	[tilespmem:s11], [sflag:$0x2] =	stream.indirect_vreg.gather [hbm4b:s4+s2], $0x80, v3, vm0, $0xb8;
	[tilespmem:$0x1C680] =	vst v63  }
0x17f: {  	v3 =	vld.msk [tilespmem:$0x148], $0xff;
	_ =	sdelay $0x4  }
0x180: {  	v31 =	vshll.u32 v3, $0x2  }
0x181: {  	v3 =	vand.u32 $0x7, v3;
	v4 =	vand.u32 $0xFFFFFFE0, v31  }
0x182: {  	v3 =	vor.u32 v3, v4  }
0x183: {  	v3 =	vperm.xlane v3, v0;
	_ =	sdelay $0x1  }
0x184: {  	v3 =	vadd.s32 v1, v3;
	_ =	sdelay $0x3  }
0x185: {  	s11 =	simm.s32 $0xD680  }
0x186: {  	[tilespmem:s11], [sflag:$0x2] =	stream.indirect_vreg.gather [hbm4b:s3+s2], $0x80, v3, vm0, $0xb8;
	[tilespmem:$0x1C680] =	vst v63  }
0x187: {  	s31 =	simm.s32 $0xDE80  }
0x188: {  	[tilespmem:s31], [sflag:$0x2] =	stream.indirect_vreg.gather [hbm4b:s4+s2], $0x80, v3, vm0, $0xb8;
	[tilespmem:$0x1C680] =	vst v63  }
0x189: {  	_ =	swait.ge [sflag:s18], $0x7000  }
0x18a: {  	[sflag:s18] =	ssyncset.done $0x0  }
0x18b: {  	s5 =	simm.s32 $0x15680;
	s7 =	rddreg [dreg:$0x6];
	[sflag:s18] =	ssyncadd.s32 $0xFFFF9000  }
0x18c: {  	[hbm4b:s7+s2] =	stream.linear.scatter [tilespmem:s5], [sflag:$0x8], $0x7000, $0x38;
	[tilespmem:$0x1C680] =	vst v63  }
0x18d: {  	_ =	swait.ge [sflag:s19], $0x7000  }
0x18e: {  	[sflag:s19] =	ssyncset.done $0x0  }
0x18f: {  	[sflag:s19] =	ssyncadd.s32 $0xFFFF9000  }
0x190: {  	v3 =	vld [tilespmem:$0x150];
	_ =	sdelay $0x4  }
0x191: {  	v32 =	vshll.u32 v3, $0x2  }
0x192: {  	v3 =	vand.u32 $0x7, v3;
	v4 =	vand.u32 $0xFFFFFFE0, v32  }
0x193: {  	v3 =	vor.u32 v3, v4  }
0x194: {  	v4 =	vperm.xlane v3, v0;
	_ =	sdelay $0x1  }
0x195: {  	v4 =	vadd.s32 v1, v4;
	_ =	sdelay $0x1  }
0x196: {  	v3 =	vperm.xlane v3, v2;
	_ =	sdelay $0x1  }
0x197: {  	v3 =	vadd.s32 v1, v3  }
0x198: {  	[tilespmem:s1], [sflag:$0x3] =	stream.indirect_vreg.gather [hbm4b:s3+s2], $0x80, v4, vm0, $0xb8;
	[tilespmem:$0x1C680] =	vst v63  }
0x199: {  	s12 =	simm.s32 $0xEE80  }
0x19a: {  	[tilespmem:s12], [sflag:$0x3] =	stream.indirect_vreg.gather [hbm4b:s4+s2], $0x80, v4, vm0, $0xb8;
	[tilespmem:$0x1C680] =	vst v63  }
0x19b: {  	s8 =	simm.s32 $0xF680  }
0x19c: {  	[tilespmem:s8], [sflag:$0x3] =	stream.indirect_vreg.gather [hbm4b:s3+s2], $0x80, v3, vm0, $0xb8;
	[tilespmem:$0x1C680] =	vst v63  }
0x19d: {  	s10 =	simm.s32 $0xFE80  }
0x19e: {  	[tilespmem:s10], [sflag:$0x3] =	stream.indirect_vreg.gather [hbm4b:s4+s2], $0x80, v3, vm0, $0xb8;
	[tilespmem:$0x1C680] =	vst v63  }
0x19f: {  	v3 =	vld [tilespmem:$0x160];
	_ =	sdelay $0x4  }
0x1a0: {  	v33 =	vshll.u32 v3, $0x2  }
0x1a1: {  	v3 =	vand.u32 $0x7, v3;
	v4 =	vand.u32 $0xFFFFFFE0, v33  }
0x1a2: {  	v3 =	vor.u32 v3, v4  }
0x1a3: {  	v4 =	vperm.xlane v3, v0;
	_ =	sdelay $0x1  }
0x1a4: {  	v4 =	vadd.s32 v1, v4;
	_ =	sdelay $0x1  }
0x1a5: {  	v3 =	vperm.xlane v3, v2;
	_ =	sdelay $0x1  }
0x1a6: {  	s7 =	simm.s32 $0x10680;
	v3 =	vadd.s32 v1, v3  }
0x1a7: {  	[tilespmem:s7], [sflag:$0x3] =	stream.indirect_vreg.gather [hbm4b:s3+s2], $0x80, v4, vm0, $0xb8;
	[tilespmem:$0x1C680] =	vst v63  }
0x1a8: {  	s13 =	simm.s32 $0x10E80  }
0x1a9: {  	[tilespmem:s13], [sflag:$0x3] =	stream.indirect_vreg.gather [hbm4b:s4+s2], $0x80, v4, vm0, $0xb8;
	[tilespmem:$0x1C680] =	vst v63  }
0x1aa: {  	s13 =	simm.s32 $0x11680  }
0x1ab: {  	[tilespmem:s13], [sflag:$0x3] =	stream.indirect_vreg.gather [hbm4b:s3+s2], $0x80, v3, vm0, $0xb8;
	[tilespmem:$0x1C680] =	vst v63  }
0x1ac: {  	s23 =	simm.s32 $0x11E80  }
0x1ad: {  	[tilespmem:s23], [sflag:$0x3] =	stream.indirect_vreg.gather [hbm4b:s4+s2], $0x80, v3, vm0, $0xb8;
	[tilespmem:$0x1C680] =	vst v63  }
0x1ae: {  	v3 =	vld [tilespmem:$0x170];
	_ =	sdelay $0x4  }
0x1af: {  	v34 =	vshll.u32 v3, $0x2  }
0x1b0: {  	v3 =	vand.u32 $0x7, v3;
	v4 =	vand.u32 $0xFFFFFFE0, v34  }
0x1b1: {  	v3 =	vor.u32 v3, v4  }
0x1b2: {  	v4 =	vperm.xlane v3, v0;
	_ =	sdelay $0x1  }
0x1b3: {  	v4 =	vadd.s32 v1, v4;
	_ =	sdelay $0x1  }
0x1b4: {  	v3 =	vperm.xlane v3, v2;
	_ =	sdelay $0x1  }
0x1b5: {  	s23 =	simm.s32 $0x12680;
	v3 =	vadd.s32 v1, v3  }
0x1b6: {  	[tilespmem:s23], [sflag:$0x3] =	stream.indirect_vreg.gather [hbm4b:s3+s2], $0x80, v4, vm0, $0xb8;
	[tilespmem:$0x1C680] =	vst v63  }
0x1b7: {  	s26 =	simm.s32 $0x12E80  }
0x1b8: {  	[tilespmem:s26], [sflag:$0x3] =	stream.indirect_vreg.gather [hbm4b:s4+s2], $0x80, v4, vm0, $0xb8;
	[tilespmem:$0x1C680] =	vst v63  }
0x1b9: {  	s28 =	simm.s32 $0x13680  }
0x1ba: {  	[tilespmem:s28], [sflag:$0x3] =	stream.indirect_vreg.gather [hbm4b:s3+s2], $0x80, v3, vm0, $0xb8;
	[tilespmem:$0x1C680] =	vst v63  }
0x1bb: {  	s29 =	simm.s32 $0x13E80  }
0x1bc: {  	[tilespmem:s29], [sflag:$0x3] =	stream.indirect_vreg.gather [hbm4b:s4+s2], $0x80, v3, vm0, $0xb8;
	[tilespmem:$0x1C680] =	vst v63  }
0x1bd: {  	v3 =	vld.msk [tilespmem:$0x180], $0xff;
	_ =	sdelay $0x4  }
0x1be: {  	v35 =	vshll.u32 v3, $0x2  }
0x1bf: {  	v3 =	vand.u32 $0x7, v3;
	v4 =	vand.u32 $0xFFFFFFE0, v35  }
0x1c0: {  	v3 =	vor.u32 v3, v4  }
0x1c1: {  	v3 =	vperm.xlane v3, v0;
	_ =	sdelay $0x1  }
0x1c2: {  	v3 =	vadd.s32 v1, v3;
	_ =	sdelay $0x3  }
0x1c3: {  	s29 =	simm.s32 $0x14680  }
0x1c4: {  	[tilespmem:s29], [sflag:$0x3] =	stream.indirect_vreg.gather [hbm4b:s3+s2], $0x80, v3, vm0, $0xb8;
	[tilespmem:$0x1C680] =	vst v63  }
0x1c5: {  	s22 =	simm.s32 $0x14E80  }
0x1c6: {  	[tilespmem:s22], [sflag:$0x3] =	stream.indirect_vreg.gather [hbm4b:s4+s2], $0x80, v3, vm0, $0xb8;
	[tilespmem:$0x1C680] =	vst v63  }
0x1c7: {  	_ =	swait.ge [sflag:s24], $0x7000  }
0x1c8: {  	[sflag:s24] =	ssyncset.done $0x0  }
0x1c9: {  	s1 =	simm.s32 $0x680;
	s0 =	rddreg [dreg:$0x7];
	[sflag:s24] =	ssyncadd.s32 $0xFFFF9000  }
0x1ca: {  	[hbm4b:s0+s2] =	stream.linear.scatter [tilespmem:s1], [sflag:$0x5], $0x7000, $0x38;
	[tilespmem:$0x1C680] =	vst v63  }
0x1cb: {  	_ =	swait.ge [sflag:s20], $0x7000  }
0x1cc: {  	[sflag:s20] =	ssyncset.done $0x0  }
0x1cd: {  	[sflag:s20] =	ssyncadd.s32 $0xFFFF9000  }
0x1ce: {  	v3 =	vld [tilespmem:$0x188];
	_ =	sdelay $0x4  }
0x1cf: {  	v36 =	vshll.u32 v3, $0x2  }
0x1d0: {  	v3 =	vand.u32 $0x7, v3;
	v4 =	vand.u32 $0xFFFFFFE0, v36  }
0x1d1: {  	v3 =	vor.u32 v3, v4  }
0x1d2: {  	v4 =	vperm.xlane v3, v0;
	_ =	sdelay $0x1  }
0x1d3: {  	v4 =	vadd.s32 v1, v4;
	_ =	sdelay $0x1  }
0x1d4: {  	v3 =	vperm.xlane v3, v2;
	_ =	sdelay $0x1  }
0x1d5: {  	v3 =	vadd.s32 v1, v3  }
0x1d6: {  	[tilespmem:s5], [sflag:$0x4] =	stream.indirect_vreg.gather [hbm4b:s3+s2], $0x80, v4, vm0, $0xb8;
	[tilespmem:$0x1C680] =	vst v63  }
0x1d7: {  	s8 =	simm.s32 $0x15E80  }
0x1d8: {  	[tilespmem:s8], [sflag:$0x4] =	stream.indirect_vreg.gather [hbm4b:s4+s2], $0x80, v4, vm0, $0xb8;
	[tilespmem:$0x1C680] =	vst v63  }
0x1d9: {  	s10 =	simm.s32 $0x16680  }
0x1da: {  	[tilespmem:s10], [sflag:$0x4] =	stream.indirect_vreg.gather [hbm4b:s3+s2], $0x80, v3, vm0, $0xb8;
	[tilespmem:$0x1C680] =	vst v63  }
0x1db: {  	s22 =	simm.s32 $0x16E80  }
0x1dc: {  	[tilespmem:s22], [sflag:$0x4] =	stream.indirect_vreg.gather [hbm4b:s4+s2], $0x80, v3, vm0, $0xb8;
	[tilespmem:$0x1C680] =	vst v63  }
0x1dd: {  	v3 =	vld [tilespmem:$0x198];
	_ =	sdelay $0x4  }
0x1de: {  	v37 =	vshll.u32 v3, $0x2  }
0x1df: {  	v3 =	vand.u32 $0x7, v3;
	v4 =	vand.u32 $0xFFFFFFE0, v37  }
0x1e0: {  	v3 =	vor.u32 v3, v4  }
0x1e1: {  	v4 =	vperm.xlane v3, v0;
	_ =	sdelay $0x1  }
0x1e2: {  	v4 =	vadd.s32 v1, v4;
	_ =	sdelay $0x1  }
0x1e3: {  	v3 =	vperm.xlane v3, v2;
	_ =	sdelay $0x1  }
0x1e4: {  	s5 =	simm.s32 $0x17680;
	v3 =	vadd.s32 v1, v3  }
0x1e5: {  	[tilespmem:s5], [sflag:$0x4] =	stream.indirect_vreg.gather [hbm4b:s3+s2], $0x80, v4, vm0, $0xb8;
	[tilespmem:$0x1C680] =	vst v63  }
0x1e6: {  	s8 =	simm.s32 $0x17E80  }
0x1e7: {  	[tilespmem:s8], [sflag:$0x4] =	stream.indirect_vreg.gather [hbm4b:s4+s2], $0x80, v4, vm0, $0xb8;
	[tilespmem:$0x1C680] =	vst v63  }
0x1e8: {  	s10 =	simm.s32 $0x18680  }
0x1e9: {  	[tilespmem:s10], [sflag:$0x4] =	stream.indirect_vreg.gather [hbm4b:s3+s2], $0x80, v3, vm0, $0xb8;
	[tilespmem:$0x1C680] =	vst v63  }
0x1ea: {  	s22 =	simm.s32 $0x18E80  }
0x1eb: {  	[tilespmem:s22], [sflag:$0x4] =	stream.indirect_vreg.gather [hbm4b:s4+s2], $0x80, v3, vm0, $0xb8;
	[tilespmem:$0x1C680] =	vst v63  }
0x1ec: {  	v3 =	vld [tilespmem:$0x1A8];
	_ =	sdelay $0x4  }
0x1ed: {  	v38 =	vshll.u32 v3, $0x2  }
0x1ee: {  	v3 =	vand.u32 $0x7, v3;
	v4 =	vand.u32 $0xFFFFFFE0, v38  }
0x1ef: {  	v3 =	vor.u32 v3, v4  }
0x1f0: {  	v4 =	vperm.xlane v3, v0;
	_ =	sdelay $0x1  }
0x1f1: {  	v4 =	vadd.s32 v1, v4;
	_ =	sdelay $0x1  }
0x1f2: {  	v3 =	vperm.xlane v3, v2;
	_ =	sdelay $0x1  }
0x1f3: {  	s5 =	simm.s32 $0x19680;
	v3 =	vadd.s32 v1, v3  }
0x1f4: {  	[tilespmem:s5], [sflag:$0x4] =	stream.indirect_vreg.gather [hbm4b:s3+s2], $0x80, v4, vm0, $0xb8;
	[tilespmem:$0x1C680] =	vst v63  }
0x1f5: {  	s8 =	simm.s32 $0x19E80  }
0x1f6: {  	[tilespmem:s8], [sflag:$0x4] =	stream.indirect_vreg.gather [hbm4b:s4+s2], $0x80, v4, vm0, $0xb8;
	[tilespmem:$0x1C680] =	vst v63  }
0x1f7: {  	s10 =	simm.s32 $0x1A680  }
0x1f8: {  	[tilespmem:s10], [sflag:$0x4] =	stream.indirect_vreg.gather [hbm4b:s3+s2], $0x80, v3, vm0, $0xb8;
	[tilespmem:$0x1C680] =	vst v63  }
0x1f9: {  	s22 =	simm.s32 $0x1AE80  }
0x1fa: {  	[tilespmem:s22], [sflag:$0x4] =	stream.indirect_vreg.gather [hbm4b:s4+s2], $0x80, v3, vm0, $0xb8;
	[tilespmem:$0x1C680] =	vst v63  }
0x1fb: {  	v3 =	vld.msk [tilespmem:$0x1B8], $0xff;
	_ =	sdelay $0x4  }
0x1fc: {  	v39 =	vshll.u32 v3, $0x2  }
0x1fd: {  	v3 =	vand.u32 $0x7, v3;
	v4 =	vand.u32 $0xFFFFFFE0, v39  }
0x1fe: {  	v3 =	vor.u32 v3, v4  }
0x1ff: {  	v3 =	vperm.xlane v3, v0;
	_ =	sdelay $0x1  }
0x200: {  	v3 =	vadd.s32 v1, v3;
	_ =	sdelay $0x3  }
0x201: {  	s5 =	simm.s32 $0x1B680  }
0x202: {  	[tilespmem:s5], [sflag:$0x4] =	stream.indirect_vreg.gather [hbm4b:s3+s2], $0x80, v3, vm0, $0xb8;
	[tilespmem:$0x1C680] =	vst v63  }
0x203: {  	s8 =	simm.s32 $0x1BE80  }
0x204: {  	[tilespmem:s8], [sflag:$0x4] =	stream.indirect_vreg.gather [hbm4b:s4+s2], $0x80, v3, vm0, $0xb8;
	[tilespmem:$0x1C680] =	vst v63  }
0x205: {  	_ =	swait.ge [sflag:s14], $0x7000  }
0x206: {  	[sflag:s14] =	ssyncset.done $0x0  }
0x207: {  	s0 =	simm.s32 $0x7680;
	s10 =	rddreg [dreg:$0x8];
	[sflag:s14] =	ssyncadd.s32 $0xFFFF9000  }
0x208: {  	[hbm4b:s10+s2] =	stream.linear.scatter [tilespmem:s0], [sflag:$0x6], $0x7000, $0x38;
	[tilespmem:$0x1C680] =	vst v63  }
0x209: {  	_ =	swait.ge [sflag:s15], $0x7000  }
0x20a: {  	[sflag:s15] =	ssyncset.done $0x0  }
0x20b: {  	[sflag:s15] =	ssyncadd.s32 $0xFFFF9000  }
0x20c: {  	v3 =	vld [tilespmem:$0x1C0];
	_ =	sdelay $0x4  }
0x20d: {  	v40 =	vshll.u32 v3, $0x2  }
0x20e: {  	v3 =	vand.u32 $0x7, v3;
	v4 =	vand.u32 $0xFFFFFFE0, v40  }
0x20f: {  	v3 =	vor.u32 v3, v4  }
0x210: {  	v4 =	vperm.xlane v3, v0;
	_ =	sdelay $0x1  }
0x211: {  	v4 =	vadd.s32 v1, v4;
	_ =	sdelay $0x1  }
0x212: {  	v3 =	vperm.xlane v3, v2;
	_ =	sdelay $0x1  }
0x213: {  	v3 =	vadd.s32 v1, v3  }
0x214: {  	[tilespmem:s1], [sflag:$0x1] =	stream.indirect_vreg.gather [hbm4b:s3+s2], $0x80, v4, vm0, $0xb8;
	[tilespmem:$0x1C680] =	vst v63  }
0x215: {  	s10 =	simm.s32 $0xE80  }
0x216: {  	[tilespmem:s10], [sflag:$0x1] =	stream.indirect_vreg.gather [hbm4b:s4+s2], $0x80, v4, vm0, $0xb8;
	[tilespmem:$0x1C680] =	vst v63  }
0x217: {  	s22 =	simm.s32 $0x1680  }
0x218: {  	[tilespmem:s22], [sflag:$0x1] =	stream.indirect_vreg.gather [hbm4b:s3+s2], $0x80, v3, vm0, $0xb8;
	[tilespmem:$0x1C680] =	vst v63  }
0x219: {  	s5 =	simm.s32 $0x1E80  }
0x21a: {  	[tilespmem:s5], [sflag:$0x1] =	stream.indirect_vreg.gather [hbm4b:s4+s2], $0x80, v3, vm0, $0xb8;
	[tilespmem:$0x1C680] =	vst v63  }
0x21b: {  	v3 =	vld [tilespmem:$0x1D0];
	_ =	sdelay $0x4  }
0x21c: {  	v41 =	vshll.u32 v3, $0x2  }
0x21d: {  	v3 =	vand.u32 $0x7, v3;
	v4 =	vand.u32 $0xFFFFFFE0, v41  }
0x21e: {  	v3 =	vor.u32 v3, v4  }
0x21f: {  	v4 =	vperm.xlane v3, v0;
	_ =	sdelay $0x1  }
0x220: {  	v4 =	vadd.s32 v1, v4;
	_ =	sdelay $0x1  }
0x221: {  	v3 =	vperm.xlane v3, v2;
	_ =	sdelay $0x1  }
0x222: {  	v3 =	vadd.s32 v1, v3  }
0x223: {  	[tilespmem:s6], [sflag:$0x1] =	stream.indirect_vreg.gather [hbm4b:s3+s2], $0x80, v4, vm0, $0xb8;
	[tilespmem:$0x1C680] =	vst v63  }
0x224: {  	_ = 	snop  }
0x225: {  	[tilespmem:s21], [sflag:$0x1] =	stream.indirect_vreg.gather [hbm4b:s4+s2], $0x80, v4, vm0, $0xb8;
	[tilespmem:$0x1C680] =	vst v63  }
0x226: {  	s21 =	simm.s32 $0x3680  }
0x227: {  	[tilespmem:s21], [sflag:$0x1] =	stream.indirect_vreg.gather [hbm4b:s3+s2], $0x80, v3, vm0, $0xb8;
	[tilespmem:$0x1C680] =	vst v63  }
0x228: {  	s8 =	simm.s32 $0x3E80  }
0x229: {  	[tilespmem:s8], [sflag:$0x1] =	stream.indirect_vreg.gather [hbm4b:s4+s2], $0x80, v3, vm0, $0xb8;
	[tilespmem:$0x1C680] =	vst v63  }
0x22a: {  	v3 =	vld [tilespmem:$0x1E0];
	_ =	sdelay $0x4  }
0x22b: {  	v42 =	vshll.u32 v3, $0x2  }
0x22c: {  	v3 =	vand.u32 $0x7, v3;
	v4 =	vand.u32 $0xFFFFFFE0, v42  }
0x22d: {  	v3 =	vor.u32 v3, v4  }
0x22e: {  	v4 =	vperm.xlane v3, v0;
	_ =	sdelay $0x1  }
0x22f: {  	v4 =	vadd.s32 v1, v4;
	_ =	sdelay $0x1  }
0x230: {  	v3 =	vperm.xlane v3, v2;
	_ =	sdelay $0x1  }
0x231: {  	s22 =	simm.s32 $0x4680;
	v3 =	vadd.s32 v1, v3  }
0x232: {  	[tilespmem:s22], [sflag:$0x1] =	stream.indirect_vreg.gather [hbm4b:s3+s2], $0x80, v4, vm0, $0xb8;
	[tilespmem:$0x1C680] =	vst v63  }
0x233: {  	_ = 	snop  }
0x234: {  	[tilespmem:s9], [sflag:$0x1] =	stream.indirect_vreg.gather [hbm4b:s4+s2], $0x80, v4, vm0, $0xb8;
	[tilespmem:$0x1C680] =	vst v63  }
0x235: {  	_ = 	snop  }
0x236: {  	[tilespmem:s25], [sflag:$0x1] =	stream.indirect_vreg.gather [hbm4b:s3+s2], $0x80, v3, vm0, $0xb8;
	[tilespmem:$0x1C680] =	vst v63  }
0x237: {  	s25 =	simm.s32 $0x5E80  }
0x238: {  	[tilespmem:s25], [sflag:$0x1] =	stream.indirect_vreg.gather [hbm4b:s4+s2], $0x80, v3, vm0, $0xb8;
	[tilespmem:$0x1C680] =	vst v63  }
0x239: {  	v3 =	vld.msk [tilespmem:$0x1F0], $0xff;
	_ =	sdelay $0x4  }
0x23a: {  	v43 =	vshll.u32 v3, $0x2  }
0x23b: {  	v3 =	vand.u32 $0x7, v3;
	v4 =	vand.u32 $0xFFFFFFE0, v43  }
0x23c: {  	v3 =	vor.u32 v3, v4  }
0x23d: {  	v3 =	vperm.xlane v3, v0;
	_ =	sdelay $0x1  }
0x23e: {  	v3 =	vadd.s32 v1, v3;
	_ =	sdelay $0x3  }
0x23f: {  	s5 =	simm.s32 $0x6680  }
0x240: {  	[tilespmem:s5], [sflag:$0x1] =	stream.indirect_vreg.gather [hbm4b:s3+s2], $0x80, v3, vm0, $0xb8;
	[tilespmem:$0x1C680] =	vst v63  }
0x241: {  	s6 =	simm.s32 $0x6E80  }
0x242: {  	[tilespmem:s6], [sflag:$0x1] =	stream.indirect_vreg.gather [hbm4b:s4+s2], $0x80, v3, vm0, $0xb8;
	[tilespmem:$0x1C680] =	vst v63  }
0x243: {  	_ =	swait.ge [sflag:s16], $0x7000  }
0x244: {  	[sflag:s16] =	ssyncset.done $0x0  }
0x245: {  	s1 =	simm.s32 $0xE680;
	s8 =	rddreg [dreg:$0x9];
	[sflag:s16] =	ssyncadd.s32 $0xFFFF9000  }
0x246: {  	[hbm4b:s8+s2] =	stream.linear.scatter [tilespmem:s1], [sflag:$0x7], $0x7000, $0x38;
	[tilespmem:$0x1C680] =	vst v63  }
0x247: {  	_ =	swait.ge [sflag:s17], $0x7000  }
0x248: {  	[sflag:s17] =	ssyncset.done $0x0  }
0x249: {  	[sflag:s17] =	ssyncadd.s32 $0xFFFF9000  }
0x24a: {  	v3 =	vld [tilespmem:$0x1F8];
	_ =	sdelay $0x4  }
0x24b: {  	v44 =	vshll.u32 v3, $0x2  }
0x24c: {  	v3 =	vand.u32 $0x7, v3;
	v4 =	vand.u32 $0xFFFFFFE0, v44  }
0x24d: {  	v3 =	vor.u32 v3, v4  }
0x24e: {  	v4 =	vperm.xlane v3, v0;
	_ =	sdelay $0x1  }
0x24f: {  	v4 =	vadd.s32 v1, v4;
	_ =	sdelay $0x1  }
0x250: {  	v3 =	vperm.xlane v3, v2;
	_ =	sdelay $0x1  }
0x251: {  	v3 =	vadd.s32 v1, v3  }
0x252: {  	[tilespmem:s0], [sflag:$0x2] =	stream.indirect_vreg.gather [hbm4b:s3+s2], $0x80, v4, vm0, $0xb8;
	[tilespmem:$0x1C680] =	vst v63  }
0x253: {  	s8 =	simm.s32 $0x7E80  }
0x254: {  	[tilespmem:s8], [sflag:$0x2] =	stream.indirect_vreg.gather [hbm4b:s4+s2], $0x80, v4, vm0, $0xb8;
	[tilespmem:$0x1C680] =	vst v63  }
0x255: {  	s9 =	simm.s32 $0x8680  }
0x256: {  	[tilespmem:s9], [sflag:$0x2] =	stream.indirect_vreg.gather [hbm4b:s3+s2], $0x80, v3, vm0, $0xb8;
	[tilespmem:$0x1C680] =	vst v63  }
0x257: {  	s22 =	simm.s32 $0x8E80  }
0x258: {  	[tilespmem:s22], [sflag:$0x2] =	stream.indirect_vreg.gather [hbm4b:s4+s2], $0x80, v3, vm0, $0xb8;
	[tilespmem:$0x1C680] =	vst v63  }
0x259: {  	v3 =	vld [tilespmem:$0x208];
	_ =	sdelay $0x4  }
0x25a: {  	v45 =	vshll.u32 v3, $0x2  }
0x25b: {  	v3 =	vand.u32 $0x7, v3;
	v4 =	vand.u32 $0xFFFFFFE0, v45  }
0x25c: {  	v3 =	vor.u32 v3, v4  }
0x25d: {  	v4 =	vperm.xlane v3, v0;
	_ =	sdelay $0x1  }
0x25e: {  	v4 =	vadd.s32 v1, v4;
	_ =	sdelay $0x1  }
0x25f: {  	v3 =	vperm.xlane v3, v2;
	_ =	sdelay $0x1  }
0x260: {  	s25 =	simm.s32 $0x9680;
	v3 =	vadd.s32 v1, v3  }
0x261: {  	[tilespmem:s25], [sflag:$0x2] =	stream.indirect_vreg.gather [hbm4b:s3+s2], $0x80, v4, vm0, $0xb8;
	[tilespmem:$0x1C680] =	vst v63  }
0x262: {  	s5 =	simm.s32 $0x9E80  }
0x263: {  	[tilespmem:s5], [sflag:$0x2] =	stream.indirect_vreg.gather [hbm4b:s4+s2], $0x80, v4, vm0, $0xb8;
	[tilespmem:$0x1C680] =	vst v63  }
0x264: {  	s6 =	simm.s32 $0xA680  }
0x265: {  	[tilespmem:s6], [sflag:$0x2] =	stream.indirect_vreg.gather [hbm4b:s3+s2], $0x80, v3, vm0, $0xb8;
	[tilespmem:$0x1C680] =	vst v63  }
0x266: {  	s9 =	simm.s32 $0xAE80  }
0x267: {  	[tilespmem:s9], [sflag:$0x2] =	stream.indirect_vreg.gather [hbm4b:s4+s2], $0x80, v3, vm0, $0xb8;
	[tilespmem:$0x1C680] =	vst v63  }
0x268: {  	v3 =	vld [tilespmem:$0x218];
	_ =	sdelay $0x4  }
0x269: {  	v46 =	vshll.u32 v3, $0x2  }
0x26a: {  	v3 =	vand.u32 $0x7, v3;
	v4 =	vand.u32 $0xFFFFFFE0, v46  }
0x26b: {  	v3 =	vor.u32 v3, v4  }
0x26c: {  	v4 =	vperm.xlane v3, v0;
	_ =	sdelay $0x1  }
0x26d: {  	v4 =	vadd.s32 v1, v4;
	_ =	sdelay $0x1  }
0x26e: {  	v3 =	vperm.xlane v3, v2;
	_ =	sdelay $0x1  }
0x26f: {  	v3 =	vadd.s32 v1, v3  }
0x270: {  	[tilespmem:s30], [sflag:$0x2] =	stream.indirect_vreg.gather [hbm4b:s3+s2], $0x80, v4, vm0, $0xb8;
	[tilespmem:$0x1C680] =	vst v63  }
0x271: {  	s22 =	simm.s32 $0xBE80  }
0x272: {  	[tilespmem:s22], [sflag:$0x2] =	stream.indirect_vreg.gather [hbm4b:s4+s2], $0x80, v4, vm0, $0xb8;
	[tilespmem:$0x1C680] =	vst v63  }
0x273: {  	s25 =	simm.s32 $0xC680  }
0x274: {  	[tilespmem:s25], [sflag:$0x2] =	stream.indirect_vreg.gather [hbm4b:s3+s2], $0x80, v3, vm0, $0xb8;
	[tilespmem:$0x1C680] =	vst v63  }
0x275: {  	s9 =	simm.s32 $0xCE80  }
0x276: {  	[tilespmem:s9], [sflag:$0x2] =	stream.indirect_vreg.gather [hbm4b:s4+s2], $0x80, v3, vm0, $0xb8;
	[tilespmem:$0x1C680] =	vst v63  }
0x277: {  	v3 =	vld.msk [tilespmem:$0x228], $0xff;
	_ =	sdelay $0x4  }
0x278: {  	v47 =	vshll.u32 v3, $0x2  }
0x279: {  	v3 =	vand.u32 $0x7, v3;
	v4 =	vand.u32 $0xFFFFFFE0, v47  }
0x27a: {  	v3 =	vor.u32 v3, v4  }
0x27b: {  	v3 =	vperm.xlane v3, v0;
	_ =	sdelay $0x1  }
0x27c: {  	v3 =	vadd.s32 v1, v3;
	_ =	sdelay $0x4  }
0x27d: {  	[tilespmem:s11], [sflag:$0x2] =	stream.indirect_vreg.gather [hbm4b:s3+s2], $0x80, v3, vm0, $0xb8;
	[tilespmem:$0x1C680] =	vst v63  }
0x27e: {  	_ = 	snop  }
0x27f: {  	[tilespmem:s31], [sflag:$0x2] =	stream.indirect_vreg.gather [hbm4b:s4+s2], $0x80, v3, vm0, $0xb8;
	[tilespmem:$0x1C680] =	vst v63  }
0x280: {  	_ =	swait.ge [sflag:s18], $0x7000  }
0x281: {  	[sflag:s18] =	ssyncset.done $0x0  }
0x282: {  	s31 =	simm.s32 $0x15680;
	s30 =	rddreg [dreg:$0xa];
	[sflag:s18] =	ssyncadd.s32 $0xFFFF9000  }
0x283: {  	[hbm4b:s30+s2] =	stream.linear.scatter [tilespmem:s31], [sflag:$0x8], $0x7000, $0x38;
	[tilespmem:$0x1C680] =	vst v63  }
0x284: {  	_ =	swait.ge [sflag:s19], $0x7000  }
0x285: {  	[sflag:s19] =	ssyncset.done $0x0  }
0x286: {  	[sflag:s19] =	ssyncadd.s32 $0xFFFF9000  }
0x287: {  	v3 =	vld [tilespmem:$0x230];
	_ =	sdelay $0x4  }
0x288: {  	v48 =	vshll.u32 v3, $0x2  }
0x289: {  	v3 =	vand.u32 $0x7, v3;
	v4 =	vand.u32 $0xFFFFFFE0, v48  }
0x28a: {  	v3 =	vor.u32 v3, v4  }
0x28b: {  	v4 =	vperm.xlane v3, v0;
	_ =	sdelay $0x1  }
0x28c: {  	v4 =	vadd.s32 v1, v4;
	_ =	sdelay $0x1  }
0x28d: {  	v3 =	vperm.xlane v3, v2;
	_ =	sdelay $0x1  }
0x28e: {  	v3 =	vadd.s32 v1, v3  }
0x28f: {  	[tilespmem:s1], [sflag:$0x3] =	stream.indirect_vreg.gather [hbm4b:s3+s2], $0x80, v4, vm0, $0xb8;
	[tilespmem:$0x1C680] =	vst v63  }
0x290: {  	_ = 	snop  }
0x291: {  	[tilespmem:s12], [sflag:$0x3] =	stream.indirect_vreg.gather [hbm4b:s4+s2], $0x80, v4, vm0, $0xb8;
	[tilespmem:$0x1C680] =	vst v63  }
0x292: {  	s6 =	simm.s32 $0xF680  }
0x293: {  	[tilespmem:s6], [sflag:$0x3] =	stream.indirect_vreg.gather [hbm4b:s3+s2], $0x80, v3, vm0, $0xb8;
	[tilespmem:$0x1C680] =	vst v63  }
0x294: {  	s12 =	simm.s32 $0xFE80  }
0x295: {  	[tilespmem:s12], [sflag:$0x3] =	stream.indirect_vreg.gather [hbm4b:s4+s2], $0x80, v3, vm0, $0xb8;
	[tilespmem:$0x1C680] =	vst v63  }
0x296: {  	v3 =	vld [tilespmem:$0x240];
	_ =	sdelay $0x4  }
0x297: {  	v49 =	vshll.u32 v3, $0x2  }
0x298: {  	v3 =	vand.u32 $0x7, v3;
	v4 =	vand.u32 $0xFFFFFFE0, v49  }
0x299: {  	v3 =	vor.u32 v3, v4  }
0x29a: {  	v4 =	vperm.xlane v3, v0;
	_ =	sdelay $0x1  }
0x29b: {  	v4 =	vadd.s32 v1, v4;
	_ =	sdelay $0x1  }
0x29c: {  	v3 =	vperm.xlane v3, v2;
	_ =	sdelay $0x1  }
0x29d: {  	v3 =	vadd.s32 v1, v3  }
0x29e: {  	[tilespmem:s7], [sflag:$0x3] =	stream.indirect_vreg.gather [hbm4b:s3+s2], $0x80, v4, vm0, $0xb8;
	[tilespmem:$0x1C680] =	vst v63  }
0x29f: {  	s11 =	simm.s32 $0x10E80  }
0x2a0: {  	[tilespmem:s11], [sflag:$0x3] =	stream.indirect_vreg.gather [hbm4b:s4+s2], $0x80, v4, vm0, $0xb8;
	[tilespmem:$0x1C680] =	vst v63  }
0x2a1: {  	_ = 	snop  }
0x2a2: {  	[tilespmem:s13], [sflag:$0x3] =	stream.indirect_vreg.gather [hbm4b:s3+s2], $0x80, v3, vm0, $0xb8;
	[tilespmem:$0x1C680] =	vst v63  }
0x2a3: {  	s5 =	simm.s32 $0x11E80  }
0x2a4: {  	[tilespmem:s5], [sflag:$0x3] =	stream.indirect_vreg.gather [hbm4b:s4+s2], $0x80, v3, vm0, $0xb8;
	[tilespmem:$0x1C680] =	vst v63  }
0x2a5: {  	v3 =	vld [tilespmem:$0x250];
	_ =	sdelay $0x4  }
0x2a6: {  	v50 =	vshll.u32 v3, $0x2  }
0x2a7: {  	v3 =	vand.u32 $0x7, v3;
	v4 =	vand.u32 $0xFFFFFFE0, v50  }
0x2a8: {  	v3 =	vor.u32 v3, v4  }
0x2a9: {  	v4 =	vperm.xlane v3, v0;
	_ =	sdelay $0x1  }
0x2aa: {  	v4 =	vadd.s32 v1, v4;
	_ =	sdelay $0x1  }
0x2ab: {  	v3 =	vperm.xlane v3, v2;
	_ =	sdelay $0x1  }
0x2ac: {  	v3 =	vadd.s32 v1, v3  }
0x2ad: {  	[tilespmem:s23], [sflag:$0x3] =	stream.indirect_vreg.gather [hbm4b:s3+s2], $0x80, v4, vm0, $0xb8;
	[tilespmem:$0x1C680] =	vst v63  }
0x2ae: {  	_ = 	snop  }
0x2af: {  	[tilespmem:s26], [sflag:$0x3] =	stream.indirect_vreg.gather [hbm4b:s4+s2], $0x80, v4, vm0, $0xb8;
	[tilespmem:$0x1C680] =	vst v63  }
0x2b0: {  	_ = 	snop  }
0x2b1: {  	[tilespmem:s28], [sflag:$0x3] =	stream.indirect_vreg.gather [hbm4b:s3+s2], $0x80, v3, vm0, $0xb8;
	[tilespmem:$0x1C680] =	vst v63  }
0x2b2: {  	s6 =	simm.s32 $0x13E80  }
0x2b3: {  	[tilespmem:s6], [sflag:$0x3] =	stream.indirect_vreg.gather [hbm4b:s4+s2], $0x80, v3, vm0, $0xb8;
	[tilespmem:$0x1C680] =	vst v63  }
0x2b4: {  	v3 =	vld.msk [tilespmem:$0x260], $0xff;
	_ =	sdelay $0x4  }
0x2b5: {  	v51 =	vshll.u32 v3, $0x2  }
0x2b6: {  	v3 =	vand.u32 $0x7, v3;
	v4 =	vand.u32 $0xFFFFFFE0, v51  }
0x2b7: {  	v3 =	vor.u32 v3, v4  }
0x2b8: {  	v3 =	vperm.xlane v3, v0;
	_ =	sdelay $0x1  }
0x2b9: {  	v3 =	vadd.s32 v1, v3;
	_ =	sdelay $0x4  }
0x2ba: {  	[tilespmem:s29], [sflag:$0x3] =	stream.indirect_vreg.gather [hbm4b:s3+s2], $0x80, v3, vm0, $0xb8;
	[tilespmem:$0x1C680] =	vst v63  }
0x2bb: {  	s7 =	simm.s32 $0x14E80  }
0x2bc: {  	[tilespmem:s7], [sflag:$0x3] =	stream.indirect_vreg.gather [hbm4b:s4+s2], $0x80, v3, vm0, $0xb8;
	[tilespmem:$0x1C680] =	vst v63  }
0x2bd: {  	_ =	swait.ge [sflag:s24], $0x7000  }
0x2be: {  	[sflag:s24] =	ssyncset.done $0x0  }
0x2bf: {  	s1 =	simm.s32 $0x680;
	s13 =	rddreg [dreg:$0xb];
	[sflag:s24] =	ssyncadd.s32 $0xFFFF9000  }
0x2c0: {  	[hbm4b:s13+s2] =	stream.linear.scatter [tilespmem:s1], [sflag:$0x5], $0x7000, $0x38;
	[tilespmem:$0x1C680] =	vst v63  }
0x2c1: {  	_ =	swait.ge [sflag:s20], $0x7000  }
0x2c2: {  	[sflag:s20] =	ssyncset.done $0x0  }
0x2c3: {  	[sflag:s20] =	ssyncadd.s32 $0xFFFF9000  }
0x2c4: {  	v3 =	vld [tilespmem:$0x268];
	_ =	sdelay $0x4  }
0x2c5: {  	v52 =	vshll.u32 v3, $0x2  }
0x2c6: {  	v3 =	vand.u32 $0x7, v3;
	v4 =	vand.u32 $0xFFFFFFE0, v52  }
0x2c7: {  	v3 =	vor.u32 v3, v4  }
0x2c8: {  	v4 =	vperm.xlane v3, v0;
	_ =	sdelay $0x1  }
0x2c9: {  	v4 =	vadd.s32 v1, v4;
	_ =	sdelay $0x1  }
0x2ca: {  	v3 =	vperm.xlane v3, v2;
	_ =	sdelay $0x1  }
0x2cb: {  	v3 =	vadd.s32 v1, v3  }
0x2cc: {  	[tilespmem:s31], [sflag:$0x4] =	stream.indirect_vreg.gather [hbm4b:s3+s2], $0x80, v4, vm0, $0xb8;
	[tilespmem:$0x1C680] =	vst v63  }
0x2cd: {  	s11 =	simm.s32 $0x15E80  }
0x2ce: {  	[tilespmem:s11], [sflag:$0x4] =	stream.indirect_vreg.gather [hbm4b:s4+s2], $0x80, v4, vm0, $0xb8;
	[tilespmem:$0x1C680] =	vst v63  }
0x2cf: {  	s29 =	simm.s32 $0x16680  }
0x2d0: {  	[tilespmem:s29], [sflag:$0x4] =	stream.indirect_vreg.gather [hbm4b:s3+s2], $0x80, v3, vm0, $0xb8;
	[tilespmem:$0x1C680] =	vst v63  }
0x2d1: {  	s25 =	simm.s32 $0x16E80  }
0x2d2: {  	[tilespmem:s25], [sflag:$0x4] =	stream.indirect_vreg.gather [hbm4b:s4+s2], $0x80, v3, vm0, $0xb8;
	[tilespmem:$0x1C680] =	vst v63  }
0x2d3: {  	v3 =	vld [tilespmem:$0x278];
	_ =	sdelay $0x4  }
0x2d4: {  	v53 =	vshll.u32 v3, $0x2  }
0x2d5: {  	v3 =	vand.u32 $0x7, v3;
	v4 =	vand.u32 $0xFFFFFFE0, v53  }
0x2d6: {  	v3 =	vor.u32 v3, v4  }
0x2d7: {  	v4 =	vperm.xlane v3, v0;
	_ =	sdelay $0x1  }
0x2d8: {  	v4 =	vadd.s32 v1, v4;
	_ =	sdelay $0x1  }
0x2d9: {  	v3 =	vperm.xlane v3, v2;
	_ =	sdelay $0x1  }
0x2da: {  	s31 =	simm.s32 $0x17680;
	v3 =	vadd.s32 v1, v3  }
0x2db: {  	[tilespmem:s31], [sflag:$0x4] =	stream.indirect_vreg.gather [hbm4b:s3+s2], $0x80, v4, vm0, $0xb8;
	[tilespmem:$0x1C680] =	vst v63  }
0x2dc: {  	s23 =	simm.s32 $0x17E80  }
0x2dd: {  	[tilespmem:s23], [sflag:$0x4] =	stream.indirect_vreg.gather [hbm4b:s4+s2], $0x80, v4, vm0, $0xb8;
	[tilespmem:$0x1C680] =	vst v63  }
0x2de: {  	s26 =	simm.s32 $0x18680  }
0x2df: {  	[tilespmem:s26], [sflag:$0x4] =	stream.indirect_vreg.gather [hbm4b:s3+s2], $0x80, v3, vm0, $0xb8;
	[tilespmem:$0x1C680] =	vst v63  }
0x2e0: {  	s26 =	simm.s32 $0x18E80  }
0x2e1: {  	[tilespmem:s26], [sflag:$0x4] =	stream.indirect_vreg.gather [hbm4b:s4+s2], $0x80, v3, vm0, $0xb8;
	[tilespmem:$0x1C680] =	vst v63  }
0x2e2: {  	v3 =	vld [tilespmem:$0x288];
	_ =	sdelay $0x4  }
0x2e3: {  	v54 =	vshll.u32 v3, $0x2  }
0x2e4: {  	v3 =	vand.u32 $0x7, v3;
	v4 =	vand.u32 $0xFFFFFFE0, v54  }
0x2e5: {  	v3 =	vor.u32 v3, v4  }
0x2e6: {  	v4 =	vperm.xlane v3, v0;
	_ =	sdelay $0x1  }
0x2e7: {  	v4 =	vadd.s32 v1, v4;
	_ =	sdelay $0x1  }
0x2e8: {  	v3 =	vperm.xlane v3, v2;
	_ =	sdelay $0x1  }
0x2e9: {  	s28 =	simm.s32 $0x19680;
	v3 =	vadd.s32 v1, v3  }
0x2ea: {  	[tilespmem:s28], [sflag:$0x4] =	stream.indirect_vreg.gather [hbm4b:s3+s2], $0x80, v4, vm0, $0xb8;
	[tilespmem:$0x1C680] =	vst v63  }
0x2eb: {  	s30 =	simm.s32 $0x19E80  }
0x2ec: {  	[tilespmem:s30], [sflag:$0x4] =	stream.indirect_vreg.gather [hbm4b:s4+s2], $0x80, v4, vm0, $0xb8;
	[tilespmem:$0x1C680] =	vst v63  }
0x2ed: {  	s13 =	simm.s32 $0x1A680  }
0x2ee: {  	[tilespmem:s13], [sflag:$0x4] =	stream.indirect_vreg.gather [hbm4b:s3+s2], $0x80, v3, vm0, $0xb8;
	[tilespmem:$0x1C680] =	vst v63  }
0x2ef: {  	s28 =	simm.s32 $0x1AE80  }
0x2f0: {  	[tilespmem:s28], [sflag:$0x4] =	stream.indirect_vreg.gather [hbm4b:s4+s2], $0x80, v3, vm0, $0xb8;
	[tilespmem:$0x1C680] =	vst v63  }
0x2f1: {  	v3 =	vld.msk [tilespmem:$0x298], $0xff;
	_ =	sdelay $0x4  }
0x2f2: {  	v55 =	vshll.u32 v3, $0x2  }
0x2f3: {  	v3 =	vand.u32 $0x7, v3;
	v4 =	vand.u32 $0xFFFFFFE0, v55  }
0x2f4: {  	v3 =	vor.u32 v3, v4  }
0x2f5: {  	v3 =	vperm.xlane v3, v0;
	_ =	sdelay $0x1  }
0x2f6: {  	v3 =	vadd.s32 v1, v3;
	_ =	sdelay $0x3  }
0x2f7: {  	s23 =	simm.s32 $0x1B680  }
0x2f8: {  	[tilespmem:s23], [sflag:$0x4] =	stream.indirect_vreg.gather [hbm4b:s3+s2], $0x80, v3, vm0, $0xb8;
	[tilespmem:$0x1C680] =	vst v63  }
0x2f9: {  	s30 =	simm.s32 $0x1BE80  }
0x2fa: {  	[tilespmem:s30], [sflag:$0x4] =	stream.indirect_vreg.gather [hbm4b:s4+s2], $0x80, v3, vm0, $0xb8;
	[tilespmem:$0x1C680] =	vst v63  }
0x2fb: {  	_ =	swait.ge [sflag:s14], $0x7000  }
0x2fc: {  	[sflag:s14] =	ssyncset.done $0x0  }
0x2fd: {  	s0 =	simm.s32 $0x7680;
	s22 =	rddreg [dreg:$0xc];
	[sflag:s14] =	ssyncadd.s32 $0xFFFF9000  }
0x2fe: {  	[hbm4b:s22+s2] =	stream.linear.scatter [tilespmem:s0], [sflag:$0x6], $0x7000, $0x38;
	[tilespmem:$0x1C680] =	vst v63  }
0x2ff: {  	_ =	swait.ge [sflag:s15], $0x7000  }
0x300: {  	[sflag:s15] =	ssyncset.done $0x0  }
0x301: {  	[sflag:s15] =	ssyncadd.s32 $0xFFFF9000  }
0x302: {  	v3 =	vld [tilespmem:$0x2A0];
	_ =	sdelay $0x4  }
0x303: {  	v56 =	vshll.u32 v3, $0x2  }
0x304: {  	v3 =	vand.u32 $0x7, v3;
	v4 =	vand.u32 $0xFFFFFFE0, v56  }
0x305: {  	v3 =	vor.u32 v3, v4  }
0x306: {  	v4 =	vperm.xlane v3, v0;
	_ =	sdelay $0x1  }
0x307: {  	v4 =	vadd.s32 v1, v4;
	_ =	sdelay $0x1  }
0x308: {  	v3 =	vperm.xlane v3, v2;
	_ =	sdelay $0x1  }
0x309: {  	v3 =	vadd.s32 v1, v3  }
0x30a: {  	[tilespmem:s1], [sflag:$0x1] =	stream.indirect_vreg.gather [hbm4b:s3+s2], $0x80, v4, vm0, $0xb8;
	[tilespmem:$0x1C680] =	vst v63  }
0x30b: {  	_ = 	snop  }
0x30c: {  	[tilespmem:s10], [sflag:$0x1] =	stream.indirect_vreg.gather [hbm4b:s4+s2], $0x80, v4, vm0, $0xb8;
	[tilespmem:$0x1C680] =	vst v63  }
0x30d: {  	s10 =	simm.s32 $0x1680  }
0x30e: {  	[tilespmem:s10], [sflag:$0x1] =	stream.indirect_vreg.gather [hbm4b:s3+s2], $0x80, v3, vm0, $0xb8;
	[tilespmem:$0x1C680] =	vst v63  }
0x30f: {  	s22 =	simm.s32 $0x1E80  }
0x310: {  	[tilespmem:s22], [sflag:$0x1] =	stream.indirect_vreg.gather [hbm4b:s4+s2], $0x80, v3, vm0, $0xb8;
	[tilespmem:$0x1C680] =	vst v63  }
0x311: {  	v3 =	vld [tilespmem:$0x2B0];
	_ =	sdelay $0x4  }
0x312: {  	v57 =	vshll.u32 v3, $0x2  }
0x313: {  	v3 =	vand.u32 $0x7, v3;
	v4 =	vand.u32 $0xFFFFFFE0, v57  }
0x314: {  	v3 =	vor.u32 v3, v4  }
0x315: {  	v4 =	vperm.xlane v3, v0;
	_ =	sdelay $0x1  }
0x316: {  	v4 =	vadd.s32 v1, v4;
	_ =	sdelay $0x1  }
0x317: {  	v3 =	vperm.xlane v3, v2;
	_ =	sdelay $0x1  }
0x318: {  	s10 =	simm.s32 $0x2680;
	v3 =	vadd.s32 v1, v3  }
0x319: {  	[tilespmem:s10], [sflag:$0x1] =	stream.indirect_vreg.gather [hbm4b:s3+s2], $0x80, v4, vm0, $0xb8;
	[tilespmem:$0x1C680] =	vst v63  }
0x31a: {  	s22 =	simm.s32 $0x2E80  }
0x31b: {  	[tilespmem:s22], [sflag:$0x1] =	stream.indirect_vreg.gather [hbm4b:s4+s2], $0x80, v4, vm0, $0xb8;
	[tilespmem:$0x1C680] =	vst v63  }
0x31c: {  	_ = 	snop  }
0x31d: {  	[tilespmem:s21], [sflag:$0x1] =	stream.indirect_vreg.gather [hbm4b:s3+s2], $0x80, v3, vm0, $0xb8;
	[tilespmem:$0x1C680] =	vst v63  }
0x31e: {  	s10 =	simm.s32 $0x3E80  }
0x31f: {  	[tilespmem:s10], [sflag:$0x1] =	stream.indirect_vreg.gather [hbm4b:s4+s2], $0x80, v3, vm0, $0xb8;
	[tilespmem:$0x1C680] =	vst v63  }
0x320: {  	v3 =	vld [tilespmem:$0x2C0];
	_ =	sdelay $0x4  }
0x321: {  	v58 =	vshll.u32 v3, $0x2  }
0x322: {  	v3 =	vand.u32 $0x7, v3;
	v4 =	vand.u32 $0xFFFFFFE0, v58  }
0x323: {  	v3 =	vor.u32 v3, v4  }
0x324: {  	v4 =	vperm.xlane v3, v0;
	_ =	sdelay $0x1  }
0x325: {  	v4 =	vadd.s32 v1, v4;
	_ =	sdelay $0x1  }
0x326: {  	v3 =	vperm.xlane v3, v2;
	_ =	sdelay $0x1  }
0x327: {  	s21 =	simm.s32 $0x4680;
	v3 =	vadd.s32 v1, v3  }
0x328: {  	[tilespmem:s21], [sflag:$0x1] =	stream.indirect_vreg.gather [hbm4b:s3+s2], $0x80, v4, vm0, $0xb8;
	[tilespmem:$0x1C680] =	vst v63  }
0x329: {  	s22 =	simm.s32 $0x4E80  }
0x32a: {  	[tilespmem:s22], [sflag:$0x1] =	stream.indirect_vreg.gather [hbm4b:s4+s2], $0x80, v4, vm0, $0xb8;
	[tilespmem:$0x1C680] =	vst v63  }
0x32b: {  	s10 =	simm.s32 $0x5680  }
0x32c: {  	[tilespmem:s10], [sflag:$0x1] =	stream.indirect_vreg.gather [hbm4b:s3+s2], $0x80, v3, vm0, $0xb8;
	[tilespmem:$0x1C680] =	vst v63  }
0x32d: {  	s21 =	simm.s32 $0x5E80  }
0x32e: {  	[tilespmem:s21], [sflag:$0x1] =	stream.indirect_vreg.gather [hbm4b:s4+s2], $0x80, v3, vm0, $0xb8;
	[tilespmem:$0x1C680] =	vst v63  }
0x32f: {  	v3 =	vld.msk [tilespmem:$0x2D0], $0xff;
	_ =	sdelay $0x4  }
0x330: {  	v59 =	vshll.u32 v3, $0x2  }
0x331: {  	v3 =	vand.u32 $0x7, v3;
	v4 =	vand.u32 $0xFFFFFFE0, v59  }
0x332: {  	v3 =	vor.u32 v3, v4  }
0x333: {  	v3 =	vperm.xlane v3, v0;
	_ =	sdelay $0x1  }
0x334: {  	v3 =	vadd.s32 v1, v3;
	_ =	sdelay $0x3  }
0x335: {  	s22 =	simm.s32 $0x6680  }
0x336: {  	[tilespmem:s22], [sflag:$0x1] =	stream.indirect_vreg.gather [hbm4b:s3+s2], $0x80, v3, vm0, $0xb8;
	[tilespmem:$0x1C680] =	vst v63  }
0x337: {  	s10 =	simm.s32 $0x6E80  }
0x338: {  	[tilespmem:s10], [sflag:$0x1] =	stream.indirect_vreg.gather [hbm4b:s4+s2], $0x80, v3, vm0, $0xb8;
	[tilespmem:$0x1C680] =	vst v63  }
0x339: {  	_ =	swait.ge [sflag:s16], $0x7000  }
0x33a: {  	[sflag:s16] =	ssyncset.done $0x0  }
0x33b: {  	s1 =	simm.s32 $0xE680;
	s21 =	rddreg [dreg:$0xd];
	[sflag:s16] =	ssyncadd.s32 $0xFFFF9000  }
0x33c: {  	[hbm4b:s21+s2] =	stream.linear.scatter [tilespmem:s1], [sflag:$0x7], $0x7000, $0x38;
	[tilespmem:$0x1C680] =	vst v63  }
0x33d: {  	_ =	swait.ge [sflag:s17], $0x7000  }
0x33e: {  	[sflag:s17] =	ssyncset.done $0x0  }
0x33f: {  	[sflag:s17] =	ssyncadd.s32 $0xFFFF9000  }
0x340: {  	v3 =	vld [tilespmem:$0x2D8];
	_ =	sdelay $0x4  }
0x341: {  	v60 =	vshll.u32 v3, $0x2  }
0x342: {  	v3 =	vand.u32 $0x7, v3;
	v4 =	vand.u32 $0xFFFFFFE0, v60  }
0x343: {  	v3 =	vor.u32 v3, v4  }
0x344: {  	v4 =	vperm.xlane v3, v0;
	_ =	sdelay $0x1  }
0x345: {  	v4 =	vadd.s32 v1, v4;
	_ =	sdelay $0x1  }
0x346: {  	v3 =	vperm.xlane v3, v2;
	_ =	sdelay $0x1  }
0x347: {  	v3 =	vadd.s32 v1, v3  }
0x348: {  	[tilespmem:s0], [sflag:$0x2] =	stream.indirect_vreg.gather [hbm4b:s3+s2], $0x80, v4, vm0, $0xb8;
	[tilespmem:$0x1C680] =	vst v63  }
0x349: {  	_ = 	snop  }
0x34a: {  	[tilespmem:s8], [sflag:$0x2] =	stream.indirect_vreg.gather [hbm4b:s4+s2], $0x80, v4, vm0, $0xb8;
	[tilespmem:$0x1C680] =	vst v63  }
0x34b: {  	s8 =	simm.s32 $0x8680  }
0x34c: {  	[tilespmem:s8], [sflag:$0x2] =	stream.indirect_vreg.gather [hbm4b:s3+s2], $0x80, v3, vm0, $0xb8;
	[tilespmem:$0x1C680] =	vst v63  }
0x34d: {  	s10 =	simm.s32 $0x8E80  }
0x34e: {  	[tilespmem:s10], [sflag:$0x2] =	stream.indirect_vreg.gather [hbm4b:s4+s2], $0x80, v3, vm0, $0xb8;
	[tilespmem:$0x1C680] =	vst v63  }
0x34f: {  	v3 =	vld [tilespmem:$0x2E8];
	_ =	sdelay $0x4  }
0x350: {  	v61 =	vshll.u32 v3, $0x2  }
0x351: {  	v3 =	vand.u32 $0x7, v3;
	v4 =	vand.u32 $0xFFFFFFE0, v61  }
0x352: {  	v3 =	vor.u32 v3, v4  }
0x353: {  	v4 =	vperm.xlane v3, v0;
	_ =	sdelay $0x1  }
0x354: {  	v4 =	vadd.s32 v1, v4;
	_ =	sdelay $0x1  }
0x355: {  	v3 =	vperm.xlane v3, v2;
	_ =	sdelay $0x1  }
0x356: {  	s21 =	simm.s32 $0x9680;
	v3 =	vadd.s32 v1, v3  }
0x357: {  	[tilespmem:s21], [sflag:$0x2] =	stream.indirect_vreg.gather [hbm4b:s3+s2], $0x80, v4, vm0, $0xb8;
	[tilespmem:$0x1C680] =	vst v63  }
0x358: {  	s22 =	simm.s32 $0x9E80  }
0x359: {  	[tilespmem:s22], [sflag:$0x2] =	stream.indirect_vreg.gather [hbm4b:s4+s2], $0x80, v4, vm0, $0xb8;
	[tilespmem:$0x1C680] =	vst v63  }
0x35a: {  	s8 =	simm.s32 $0xA680  }
0x35b: {  	[tilespmem:s8], [sflag:$0x2] =	stream.indirect_vreg.gather [hbm4b:s3+s2], $0x80, v3, vm0, $0xb8;
	[tilespmem:$0x1C680] =	vst v63  }
0x35c: {  	s10 =	simm.s32 $0xAE80  }
0x35d: {  	[tilespmem:s10], [sflag:$0x2] =	stream.indirect_vreg.gather [hbm4b:s4+s2], $0x80, v3, vm0, $0xb8;
	[tilespmem:$0x1C680] =	vst v63  }
0x35e: {  	v3 =	vld [tilespmem:$0x2F8];
	_ =	sdelay $0x4  }
0x35f: {  	v62 =	vshll.u32 v3, $0x2  }
0x360: {  	v3 =	vand.u32 $0x7, v3;
	v4 =	vand.u32 $0xFFFFFFE0, v62  }
0x361: {  	v3 =	vor.u32 v3, v4  }
0x362: {  	v4 =	vperm.xlane v3, v0;
	_ =	sdelay $0x1  }
0x363: {  	v4 =	vadd.s32 v1, v4;
	_ =	sdelay $0x1  }
0x364: {  	v3 =	vperm.xlane v3, v2;
	_ =	sdelay $0x1  }
0x365: {  	s21 =	simm.s32 $0xB680;
	v3 =	vadd.s32 v1, v3  }
0x366: {  	[tilespmem:s21], [sflag:$0x2] =	stream.indirect_vreg.gather [hbm4b:s3+s2], $0x80, v4, vm0, $0xb8;
	[tilespmem:$0x1C680] =	vst v63  }
0x367: {  	s22 =	simm.s32 $0xBE80  }
0x368: {  	[tilespmem:s22], [sflag:$0x2] =	stream.indirect_vreg.gather [hbm4b:s4+s2], $0x80, v4, vm0, $0xb8;
	[tilespmem:$0x1C680] =	vst v63  }
0x369: {  	s8 =	simm.s32 $0xC680  }
0x36a: {  	[tilespmem:s8], [sflag:$0x2] =	stream.indirect_vreg.gather [hbm4b:s3+s2], $0x80, v3, vm0, $0xb8;
	[tilespmem:$0x1C680] =	vst v63  }
0x36b: {  	_ = 	snop  }
0x36c: {  	[tilespmem:s9], [sflag:$0x2] =	stream.indirect_vreg.gather [hbm4b:s4+s2], $0x80, v3, vm0, $0xb8;
	[tilespmem:$0x1C680] =	vst v63  }
0x36d: {  	v3 =	vld.msk [tilespmem:$0x308], $0xff;
	_ =	sdelay $0x4  }
0x36e: {  	v63 =	vshll.u32 v3, $0x2  }
0x36f: {  	v3 =	vand.u32 $0x7, v3;
	v4 =	vand.u32 $0xFFFFFFE0, v63  }
0x370: {  	v3 =	vor.u32 v3, v4  }
0x371: {  	v3 =	vperm.xlane v3, v0;
	_ =	sdelay $0x1  }
0x372: {  	v3 =	vadd.s32 v1, v3;
	_ =	sdelay $0x3  }
0x373: {  	s9 =	simm.s32 $0xD680  }
0x374: {  	[tilespmem:s9], [sflag:$0x2] =	stream.indirect_vreg.gather [hbm4b:s3+s2], $0x80, v3, vm0, $0xb8;
	[tilespmem:$0x1C680] =	vst v63  }
0x375: {  	s10 =	simm.s32 $0xDE80  }
0x376: {  	[tilespmem:s10], [sflag:$0x2] =	stream.indirect_vreg.gather [hbm4b:s4+s2], $0x80, v3, vm0, $0xb8;
	[tilespmem:$0x1C680] =	vst v63  }
0x377: {  	_ =	swait.ge [sflag:s18], $0x7000  }
0x378: {  	[sflag:s18] =	ssyncset.done $0x0  }
0x379: {  	s0 =	simm.s32 $0x15680;
	s21 =	rddreg [dreg:$0xe];
	[sflag:s18] =	ssyncadd.s32 $0xFFFF9000  }
0x37a: {  	[hbm4b:s21+s2] =	stream.linear.scatter [tilespmem:s0], [sflag:$0x8], $0x7000, $0x38;
	[tilespmem:$0x1C680] =	vst v63  }
0x37b: {  	_ =	swait.ge [sflag:s19], $0x7000  }
0x37c: {  	[sflag:s19] =	ssyncset.done $0x0  }
0x37d: {  	[sflag:s19] =	ssyncadd.s32 $0xFFFF9000  }
0x37e: {  	v3 =	vld [tilespmem:$0x310];
	_ =	sdelay $0x4  }
0x37f: {  	v8 =	vshll.u32 v3, $0x2  }
0x380: {  	v3 =	vand.u32 $0x7, v3;
	v4 =	vand.u32 $0xFFFFFFE0, v8  }
0x381: {  	v3 =	vor.u32 v3, v4  }
0x382: {  	v4 =	vperm.xlane v3, v0;
	_ =	sdelay $0x1  }
0x383: {  	v4 =	vadd.s32 v1, v4;
	_ =	sdelay $0x1  }
0x384: {  	v3 =	vperm.xlane v3, v2;
	_ =	sdelay $0x1  }
0x385: {  	v3 =	vadd.s32 v1, v3  }
0x386: {  	[tilespmem:s1], [sflag:$0x3] =	stream.indirect_vreg.gather [hbm4b:s3+s2], $0x80, v4, vm0, $0xb8;
	[tilespmem:$0x1C680] =	vst v63  }
0x387: {  	s22 =	simm.s32 $0xEE80  }
0x388: {  	[tilespmem:s22], [sflag:$0x3] =	stream.indirect_vreg.gather [hbm4b:s4+s2], $0x80, v4, vm0, $0xb8;
	[tilespmem:$0x1C680] =	vst v63  }
0x389: {  	s8 =	simm.s32 $0xF680  }
0x38a: {  	[tilespmem:s8], [sflag:$0x3] =	stream.indirect_vreg.gather [hbm4b:s3+s2], $0x80, v3, vm0, $0xb8;
	[tilespmem:$0x1C680] =	vst v63  }
0x38b: {  	_ = 	snop  }
0x38c: {  	[tilespmem:s12], [sflag:$0x3] =	stream.indirect_vreg.gather [hbm4b:s4+s2], $0x80, v3, vm0, $0xb8;
	[tilespmem:$0x1C680] =	vst v63  }
0x38d: {  	v3 =	vld [tilespmem:$0x320];
	_ =	sdelay $0x4  }
0x38e: {  	v9 =	vshll.u32 v3, $0x2  }
0x38f: {  	v3 =	vand.u32 $0x7, v3;
	v4 =	vand.u32 $0xFFFFFFE0, v9  }
0x390: {  	v3 =	vor.u32 v3, v4  }
0x391: {  	v4 =	vperm.xlane v3, v0;
	_ =	sdelay $0x1  }
0x392: {  	v4 =	vadd.s32 v1, v4;
	_ =	sdelay $0x1  }
0x393: {  	v3 =	vperm.xlane v3, v2;
	_ =	sdelay $0x1  }
0x394: {  	s8 =	simm.s32 $0x10680;
	v3 =	vadd.s32 v1, v3  }
0x395: {  	[tilespmem:s8], [sflag:$0x3] =	stream.indirect_vreg.gather [hbm4b:s3+s2], $0x80, v4, vm0, $0xb8;
	[tilespmem:$0x1C680] =	vst v63  }
0x396: {  	s12 =	simm.s32 $0x10E80  }
0x397: {  	[tilespmem:s12], [sflag:$0x3] =	stream.indirect_vreg.gather [hbm4b:s4+s2], $0x80, v4, vm0, $0xb8;
	[tilespmem:$0x1C680] =	vst v63  }
0x398: {  	s9 =	simm.s32 $0x11680  }
0x399: {  	[tilespmem:s9], [sflag:$0x3] =	stream.indirect_vreg.gather [hbm4b:s3+s2], $0x80, v3, vm0, $0xb8;
	[tilespmem:$0x1C680] =	vst v63  }
0x39a: {  	_ = 	snop  }
0x39b: {  	[tilespmem:s5], [sflag:$0x3] =	stream.indirect_vreg.gather [hbm4b:s4+s2], $0x80, v3, vm0, $0xb8;
	[tilespmem:$0x1C680] =	vst v63  }
0x39c: {  	v3 =	vld [tilespmem:$0x330];
	_ =	sdelay $0x4  }
0x39d: {  	v10 =	vshll.u32 v3, $0x2  }
0x39e: {  	v3 =	vand.u32 $0x7, v3;
	v4 =	vand.u32 $0xFFFFFFE0, v10  }
0x39f: {  	v3 =	vor.u32 v3, v4  }
0x3a0: {  	v4 =	vperm.xlane v3, v0;
	_ =	sdelay $0x1  }
0x3a1: {  	v4 =	vadd.s32 v1, v4;
	_ =	sdelay $0x1  }
0x3a2: {  	v3 =	vperm.xlane v3, v2;
	_ =	sdelay $0x1  }
0x3a3: {  	s10 =	simm.s32 $0x12680;
	v3 =	vadd.s32 v1, v3  }
0x3a4: {  	[tilespmem:s10], [sflag:$0x3] =	stream.indirect_vreg.gather [hbm4b:s3+s2], $0x80, v4, vm0, $0xb8;
	[tilespmem:$0x1C680] =	vst v63  }
0x3a5: {  	s21 =	simm.s32 $0x12E80  }
0x3a6: {  	[tilespmem:s21], [sflag:$0x3] =	stream.indirect_vreg.gather [hbm4b:s4+s2], $0x80, v4, vm0, $0xb8;
	[tilespmem:$0x1C680] =	vst v63  }
0x3a7: {  	s21 =	simm.s32 $0x13680  }
0x3a8: {  	[tilespmem:s21], [sflag:$0x3] =	stream.indirect_vreg.gather [hbm4b:s3+s2], $0x80, v3, vm0, $0xb8;
	[tilespmem:$0x1C680] =	vst v63  }
0x3a9: {  	_ = 	snop  }
0x3aa: {  	[tilespmem:s6], [sflag:$0x3] =	stream.indirect_vreg.gather [hbm4b:s4+s2], $0x80, v3, vm0, $0xb8;
	[tilespmem:$0x1C680] =	vst v63  }
0x3ab: {  	v3 =	vld.msk [tilespmem:$0x340], $0xff;
	_ =	sdelay $0x4  }
0x3ac: {  	v11 =	vshll.u32 v3, $0x2  }
0x3ad: {  	v3 =	vand.u32 $0x7, v3;
	v4 =	vand.u32 $0xFFFFFFE0, v11  }
0x3ae: {  	v3 =	vor.u32 v3, v4  }
0x3af: {  	v3 =	vperm.xlane v3, v0;
	_ =	sdelay $0x1  }
0x3b0: {  	v3 =	vadd.s32 v1, v3;
	_ =	sdelay $0x3  }
0x3b1: {  	s22 =	simm.s32 $0x14680  }
0x3b2: {  	[tilespmem:s22], [sflag:$0x3] =	stream.indirect_vreg.gather [hbm4b:s3+s2], $0x80, v3, vm0, $0xb8;
	[tilespmem:$0x1C680] =	vst v63  }
0x3b3: {  	_ = 	snop  }
0x3b4: {  	[tilespmem:s7], [sflag:$0x3] =	stream.indirect_vreg.gather [hbm4b:s4+s2], $0x80, v3, vm0, $0xb8;
	[tilespmem:$0x1C680] =	vst v63  }
0x3b5: {  	_ =	swait.ge [sflag:s24], $0x7000  }
0x3b6: {  	[sflag:s24] =	ssyncset.done $0x0  }
0x3b7: {  	s6 =	simm.s32 $0x680;
	s5 =	rddreg [dreg:$0xf];
	[sflag:s24] =	ssyncadd.s32 $0xFFFF9000  }
0x3b8: {  	[hbm4b:s5+s2] =	stream.linear.scatter [tilespmem:s6], [sflag:$0x5], $0x7000, $0x38;
	[tilespmem:$0x1C680] =	vst v63  }
0x3b9: {  	_ =	swait.ge [sflag:s20], $0x7000  }
0x3ba: {  	[sflag:s20] =	ssyncset.done $0x0  }
0x3bb: {  	[sflag:s20] =	ssyncadd.s32 $0xFFFF9000  }
0x3bc: {  	v3 =	vld [tilespmem:$0x348];
	_ =	sdelay $0x4  }
0x3bd: {  	v12 =	vshll.u32 v3, $0x2  }
0x3be: {  	v3 =	vand.u32 $0x7, v3;
	v4 =	vand.u32 $0xFFFFFFE0, v12  }
0x3bf: {  	v3 =	vor.u32 v3, v4  }
0x3c0: {  	v4 =	vperm.xlane v3, v0;
	_ =	sdelay $0x1  }
0x3c1: {  	v4 =	vadd.s32 v1, v4;
	_ =	sdelay $0x1  }
0x3c2: {  	v3 =	vperm.xlane v3, v2;
	_ =	sdelay $0x1  }
0x3c3: {  	v3 =	vadd.s32 v1, v3  }
0x3c4: {  	[tilespmem:s0], [sflag:$0x4] =	stream.indirect_vreg.gather [hbm4b:s3+s2], $0x80, v4, vm0, $0xb8;
	[tilespmem:$0x1C680] =	vst v63  }
0x3c5: {  	_ = 	snop  }
0x3c6: {  	[tilespmem:s11], [sflag:$0x4] =	stream.indirect_vreg.gather [hbm4b:s4+s2], $0x80, v4, vm0, $0xb8;
	[tilespmem:$0x1C680] =	vst v63  }
0x3c7: {  	_ = 	snop  }
0x3c8: {  	[tilespmem:s29], [sflag:$0x4] =	stream.indirect_vreg.gather [hbm4b:s3+s2], $0x80, v3, vm0, $0xb8;
	[tilespmem:$0x1C680] =	vst v63  }
0x3c9: {  	_ = 	snop  }
0x3ca: {  	[tilespmem:s25], [sflag:$0x4] =	stream.indirect_vreg.gather [hbm4b:s4+s2], $0x80, v3, vm0, $0xb8;
	[tilespmem:$0x1C680] =	vst v63  }
0x3cb: {  	v3 =	vld [tilespmem:$0x358];
	_ =	sdelay $0x4  }
0x3cc: {  	v13 =	vshll.u32 v3, $0x2  }
0x3cd: {  	v3 =	vand.u32 $0x7, v3;
	v4 =	vand.u32 $0xFFFFFFE0, v13  }
0x3ce: {  	v3 =	vor.u32 v3, v4  }
0x3cf: {  	v4 =	vperm.xlane v3, v0;
	_ =	sdelay $0x1  }
0x3d0: {  	v4 =	vadd.s32 v1, v4;
	_ =	sdelay $0x1  }
0x3d1: {  	v3 =	vperm.xlane v3, v2;
	_ =	sdelay $0x1  }
0x3d2: {  	v3 =	vadd.s32 v1, v3  }
0x3d3: {  	[tilespmem:s31], [sflag:$0x4] =	stream.indirect_vreg.gather [hbm4b:s3+s2], $0x80, v4, vm0, $0xb8;
	[tilespmem:$0x1C680] =	vst v63  }
0x3d4: {  	s9 =	simm.s32 $0x17E80  }
0x3d5: {  	[tilespmem:s9], [sflag:$0x4] =	stream.indirect_vreg.gather [hbm4b:s4+s2], $0x80, v4, vm0, $0xb8;
	[tilespmem:$0x1C680] =	vst v63  }
0x3d6: {  	s10 =	simm.s32 $0x18680  }
0x3d7: {  	[tilespmem:s10], [sflag:$0x4] =	stream.indirect_vreg.gather [hbm4b:s3+s2], $0x80, v3, vm0, $0xb8;
	[tilespmem:$0x1C680] =	vst v63  }
0x3d8: {  	_ = 	snop  }
0x3d9: {  	[tilespmem:s26], [sflag:$0x4] =	stream.indirect_vreg.gather [hbm4b:s4+s2], $0x80, v3, vm0, $0xb8;
	[tilespmem:$0x1C680] =	vst v63  }
0x3da: {  	v3 =	vld [tilespmem:$0x368];
	_ =	sdelay $0x4  }
0x3db: {  	v14 =	vshll.u32 v3, $0x2  }
0x3dc: {  	v3 =	vand.u32 $0x7, v3;
	v4 =	vand.u32 $0xFFFFFFE0, v14  }
0x3dd: {  	v3 =	vor.u32 v3, v4  }
0x3de: {  	v4 =	vperm.xlane v3, v0;
	_ =	sdelay $0x1  }
0x3df: {  	v4 =	vadd.s32 v1, v4;
	_ =	sdelay $0x1  }
0x3e0: {  	v3 =	vperm.xlane v3, v2;
	_ =	sdelay $0x1  }
0x3e1: {  	s11 =	simm.s32 $0x19680;
	v3 =	vadd.s32 v1, v3  }
0x3e2: {  	[tilespmem:s11], [sflag:$0x4] =	stream.indirect_vreg.gather [hbm4b:s3+s2], $0x80, v4, vm0, $0xb8;
	[tilespmem:$0x1C680] =	vst v63  }
0x3e3: {  	s22 =	simm.s32 $0x19E80  }
0x3e4: {  	[tilespmem:s22], [sflag:$0x4] =	stream.indirect_vreg.gather [hbm4b:s4+s2], $0x80, v4, vm0, $0xb8;
	[tilespmem:$0x1C680] =	vst v63  }
0x3e5: {  	_ = 	snop  }
0x3e6: {  	[tilespmem:s13], [sflag:$0x4] =	stream.indirect_vreg.gather [hbm4b:s3+s2], $0x80, v3, vm0, $0xb8;
	[tilespmem:$0x1C680] =	vst v63  }
0x3e7: {  	_ = 	snop  }
0x3e8: {  	[tilespmem:s28], [sflag:$0x4] =	stream.indirect_vreg.gather [hbm4b:s4+s2], $0x80, v3, vm0, $0xb8;
	[tilespmem:$0x1C680] =	vst v63  }
0x3e9: {  	v3 =	vld.msk [tilespmem:$0x378], $0xff;
	_ =	sdelay $0x4  }
0x3ea: {  	v15 =	vshll.u32 v3, $0x2  }
0x3eb: {  	v3 =	vand.u32 $0x7, v3;
	v4 =	vand.u32 $0xFFFFFFE0, v15  }
0x3ec: {  	v3 =	vor.u32 v3, v4  }
0x3ed: {  	v3 =	vperm.xlane v3, v0;
	_ =	sdelay $0x1  }
0x3ee: {  	v3 =	vadd.s32 v1, v3;
	_ =	sdelay $0x4  }
0x3ef: {  	[tilespmem:s23], [sflag:$0x4] =	stream.indirect_vreg.gather [hbm4b:s3+s2], $0x80, v3, vm0, $0xb8;
	[tilespmem:$0x1C680] =	vst v63  }
0x3f0: {  	_ = 	snop  }
0x3f1: {  	[tilespmem:s30], [sflag:$0x4] =	stream.indirect_vreg.gather [hbm4b:s4+s2], $0x80, v3, vm0, $0xb8;
	[tilespmem:$0x1C680] =	vst v63  }
0x3f2: {  	_ =	swait.ge [sflag:s14], $0x7000  }
0x3f3: {  	[sflag:s14] =	ssyncset.done $0x0  }
0x3f4: {  	s25 =	simm.s32 $0x7680;
	s23 =	rddreg [dreg:$0x10];
	[sflag:s14] =	ssyncadd.s32 $0xFFFF9000  }
0x3f5: {  	[hbm4b:s23+s2] =	stream.linear.scatter [tilespmem:s25], [sflag:$0x6], $0x7000, $0x38;
	[tilespmem:$0x1C680] =	vst v63  }
0x3f6: {  	_ =	swait.ge [sflag:s15], $0x7000  }
0x3f7: {  	[sflag:s15] =	ssyncset.done $0x0  }
0x3f8: {  	[sflag:s15] =	ssyncadd.s32 $0xFFFF9000  }
0x3f9: {  	v3 =	vld [tilespmem:$0x380];
	_ =	sdelay $0x4  }
0x3fa: {  	v16 =	vshll.u32 v3, $0x2  }
0x3fb: {  	v3 =	vand.u32 $0x7, v3;
	v4 =	vand.u32 $0xFFFFFFE0, v16  }
0x3fc: {  	v3 =	vor.u32 v3, v4  }
0x3fd: {  	v4 =	vperm.xlane v3, v0;
	_ =	sdelay $0x1  }
0x3fe: {  	v4 =	vadd.s32 v1, v4;
	_ =	sdelay $0x1  }
0x3ff: {  	v3 =	vperm.xlane v3, v2;
	_ =	sdelay $0x1  }
0x400: {  	v3 =	vadd.s32 v1, v3  }
0x401: {  	[tilespmem:s6], [sflag:$0x1] =	stream.indirect_vreg.gather [hbm4b:s3+s2], $0x80, v4, vm0, $0xb8;
	[tilespmem:$0x1C680] =	vst v63  }
0x402: {  	s10 =	simm.s32 $0xE80  }
0x403: {  	[tilespmem:s10], [sflag:$0x1] =	stream.indirect_vreg.gather [hbm4b:s4+s2], $0x80, v4, vm0, $0xb8;
	[tilespmem:$0x1C680] =	vst v63  }
0x404: {  	s29 =	simm.s32 $0x1680  }
0x405: {  	[tilespmem:s29], [sflag:$0x1] =	stream.indirect_vreg.gather [hbm4b:s3+s2], $0x80, v3, vm0, $0xb8;
	[tilespmem:$0x1C680] =	vst v63  }
0x406: {  	s30 =	simm.s32 $0x1E80  }
0x407: {  	[tilespmem:s30], [sflag:$0x1] =	stream.indirect_vreg.gather [hbm4b:s4+s2], $0x80, v3, vm0, $0xb8;
	[tilespmem:$0x1C680] =	vst v63  }
0x408: {  	v3 =	vld [tilespmem:$0x390];
	_ =	sdelay $0x4  }
0x409: {  	v17 =	vshll.u32 v3, $0x2  }
0x40a: {  	v3 =	vand.u32 $0x7, v3;
	v4 =	vand.u32 $0xFFFFFFE0, v17  }
0x40b: {  	v3 =	vor.u32 v3, v4  }
0x40c: {  	v4 =	vperm.xlane v3, v0;
	_ =	sdelay $0x1  }
0x40d: {  	v4 =	vadd.s32 v1, v4;
	_ =	sdelay $0x1  }
0x40e: {  	v3 =	vperm.xlane v3, v2;
	_ =	sdelay $0x1  }
0x40f: {  	s26 =	simm.s32 $0x2680;
	v3 =	vadd.s32 v1, v3  }
0x410: {  	[tilespmem:s26], [sflag:$0x1] =	stream.indirect_vreg.gather [hbm4b:s3+s2], $0x80, v4, vm0, $0xb8;
	[tilespmem:$0x1C680] =	vst v63  }
0x411: {  	s28 =	simm.s32 $0x2E80  }
0x412: {  	[tilespmem:s28], [sflag:$0x1] =	stream.indirect_vreg.gather [hbm4b:s4+s2], $0x80, v4, vm0, $0xb8;
	[tilespmem:$0x1C680] =	vst v63  }
0x413: {  	s31 =	simm.s32 $0x3680  }
0x414: {  	[tilespmem:s31], [sflag:$0x1] =	stream.indirect_vreg.gather [hbm4b:s3+s2], $0x80, v3, vm0, $0xb8;
	[tilespmem:$0x1C680] =	vst v63  }
0x415: {  	s5 =	simm.s32 $0x3E80  }
0x416: {  	[tilespmem:s5], [sflag:$0x1] =	stream.indirect_vreg.gather [hbm4b:s4+s2], $0x80, v3, vm0, $0xb8;
	[tilespmem:$0x1C680] =	vst v63  }
0x417: {  	v3 =	vld [tilespmem:$0x3A0];
	_ =	sdelay $0x4  }
0x418: {  	v18 =	vshll.u32 v3, $0x2  }
0x419: {  	v3 =	vand.u32 $0x7, v3;
	v4 =	vand.u32 $0xFFFFFFE0, v18  }
0x41a: {  	v3 =	vor.u32 v3, v4  }
0x41b: {  	v4 =	vperm.xlane v3, v0;
	_ =	sdelay $0x1  }
0x41c: {  	v4 =	vadd.s32 v1, v4;
	_ =	sdelay $0x1  }
0x41d: {  	v3 =	vperm.xlane v3, v2;
	_ =	sdelay $0x1  }
0x41e: {  	s7 =	simm.s32 $0x4680;
	v3 =	vadd.s32 v1, v3  }
0x41f: {  	[tilespmem:s7], [sflag:$0x1] =	stream.indirect_vreg.gather [hbm4b:s3+s2], $0x80, v4, vm0, $0xb8;
	[tilespmem:$0x1C680] =	vst v63  }
0x420: {  	s29 =	simm.s32 $0x4E80  }
0x421: {  	[tilespmem:s29], [sflag:$0x1] =	stream.indirect_vreg.gather [hbm4b:s4+s2], $0x80, v4, vm0, $0xb8;
	[tilespmem:$0x1C680] =	vst v63  }
0x422: {  	s30 =	simm.s32 $0x5680  }
0x423: {  	[tilespmem:s30], [sflag:$0x1] =	stream.indirect_vreg.gather [hbm4b:s3+s2], $0x80, v3, vm0, $0xb8;
	[tilespmem:$0x1C680] =	vst v63  }
0x424: {  	s9 =	simm.s32 $0x5E80  }
0x425: {  	[tilespmem:s9], [sflag:$0x1] =	stream.indirect_vreg.gather [hbm4b:s4+s2], $0x80, v3, vm0, $0xb8;
	[tilespmem:$0x1C680] =	vst v63  }
0x426: {  	v3 =	vld.msk [tilespmem:$0x3B0], $0xff;
	_ =	sdelay $0x4  }
0x427: {  	v19 =	vshll.u32 v3, $0x2  }
0x428: {  	v3 =	vand.u32 $0x7, v3;
	v4 =	vand.u32 $0xFFFFFFE0, v19  }
0x429: {  	v3 =	vor.u32 v3, v4  }
0x42a: {  	v3 =	vperm.xlane v3, v0;
	_ =	sdelay $0x1  }
0x42b: {  	v3 =	vadd.s32 v1, v3;
	_ =	sdelay $0x3  }
0x42c: {  	s31 =	simm.s32 $0x6680  }
0x42d: {  	[tilespmem:s31], [sflag:$0x1] =	stream.indirect_vreg.gather [hbm4b:s3+s2], $0x80, v3, vm0, $0xb8;
	[tilespmem:$0x1C680] =	vst v63  }
0x42e: {  	s11 =	simm.s32 $0x6E80  }
0x42f: {  	[tilespmem:s11], [sflag:$0x1] =	stream.indirect_vreg.gather [hbm4b:s4+s2], $0x80, v3, vm0, $0xb8;
	[tilespmem:$0x1C680] =	vst v63  }
0x430: {  	_ =	swait.ge [sflag:s16], $0x7000  }
0x431: {  	[sflag:s16] =	ssyncset.done $0x0  }
0x432: {  	s1 =	simm.s32 $0xE680;
	s13 =	rddreg [dreg:$0x11];
	[sflag:s16] =	ssyncadd.s32 $0xFFFF9000  }
0x433: {  	[hbm4b:s13+s2] =	stream.linear.scatter [tilespmem:s1], [sflag:$0x7], $0x7000, $0x38;
	[tilespmem:$0x1C680] =	vst v63  }
0x434: {  	_ =	swait.ge [sflag:s17], $0x7000  }
0x435: {  	[sflag:s17] =	ssyncset.done $0x0  }
0x436: {  	[sflag:s17] =	ssyncadd.s32 $0xFFFF9000  }
0x437: {  	v3 =	vld [tilespmem:$0x3B8];
	_ =	sdelay $0x4  }
0x438: {  	v20 =	vshll.u32 v3, $0x2  }
0x439: {  	v3 =	vand.u32 $0x7, v3;
	v4 =	vand.u32 $0xFFFFFFE0, v20  }
0x43a: {  	v3 =	vor.u32 v3, v4  }
0x43b: {  	v4 =	vperm.xlane v3, v0;
	_ =	sdelay $0x1  }
0x43c: {  	v4 =	vadd.s32 v1, v4;
	_ =	sdelay $0x1  }
0x43d: {  	v3 =	vperm.xlane v3, v2;
	_ =	sdelay $0x1  }
0x43e: {  	v3 =	vadd.s32 v1, v3  }
0x43f: {  	[tilespmem:s25], [sflag:$0x2] =	stream.indirect_vreg.gather [hbm4b:s3+s2], $0x80, v4, vm0, $0xb8;
	[tilespmem:$0x1C680] =	vst v63  }
0x440: {  	s9 =	simm.s32 $0x7E80  }
0x441: {  	[tilespmem:s9], [sflag:$0x2] =	stream.indirect_vreg.gather [hbm4b:s4+s2], $0x80, v4, vm0, $0xb8;
	[tilespmem:$0x1C680] =	vst v63  }
0x442: {  	s23 =	simm.s32 $0x8680  }
0x443: {  	[tilespmem:s23], [sflag:$0x2] =	stream.indirect_vreg.gather [hbm4b:s3+s2], $0x80, v3, vm0, $0xb8;
	[tilespmem:$0x1C680] =	vst v63  }
0x444: {  	s25 =	simm.s32 $0x8E80  }
0x445: {  	[tilespmem:s25], [sflag:$0x2] =	stream.indirect_vreg.gather [hbm4b:s4+s2], $0x80, v3, vm0, $0xb8;
	[tilespmem:$0x1C680] =	vst v63  }
0x446: {  	v3 =	vld [tilespmem:$0x3C8];
	_ =	sdelay $0x4  }
0x447: {  	v21 =	vshll.u32 v3, $0x2  }
0x448: {  	v3 =	vand.u32 $0x7, v3;
	v4 =	vand.u32 $0xFFFFFFE0, v21  }
0x449: {  	v3 =	vor.u32 v3, v4  }
0x44a: {  	v4 =	vperm.xlane v3, v0;
	_ =	sdelay $0x1  }
0x44b: {  	v4 =	vadd.s32 v1, v4;
	_ =	sdelay $0x1  }
0x44c: {  	v3 =	vperm.xlane v3, v2;
	_ =	sdelay $0x1  }
0x44d: {  	s7 =	simm.s32 $0x9680;
	v3 =	vadd.s32 v1, v3  }
0x44e: {  	[tilespmem:s7], [sflag:$0x2] =	stream.indirect_vreg.gather [hbm4b:s3+s2], $0x80, v4, vm0, $0xb8;
	[tilespmem:$0x1C680] =	vst v63  }
0x44f: {  	s11 =	simm.s32 $0x9E80  }
0x450: {  	[tilespmem:s11], [sflag:$0x2] =	stream.indirect_vreg.gather [hbm4b:s4+s2], $0x80, v4, vm0, $0xb8;
	[tilespmem:$0x1C680] =	vst v63  }
0x451: {  	s13 =	simm.s32 $0xA680  }
0x452: {  	[tilespmem:s13], [sflag:$0x2] =	stream.indirect_vreg.gather [hbm4b:s3+s2], $0x80, v3, vm0, $0xb8;
	[tilespmem:$0x1C680] =	vst v63  }
0x453: {  	s22 =	simm.s32 $0xAE80  }
0x454: {  	[tilespmem:s22], [sflag:$0x2] =	stream.indirect_vreg.gather [hbm4b:s4+s2], $0x80, v3, vm0, $0xb8;
	[tilespmem:$0x1C680] =	vst v63  }
0x455: {  	v3 =	vld [tilespmem:$0x3D8];
	_ =	sdelay $0x4  }
0x456: {  	v22 =	vshll.u32 v3, $0x2  }
0x457: {  	v3 =	vand.u32 $0x7, v3;
	v4 =	vand.u32 $0xFFFFFFE0, v22  }
0x458: {  	v3 =	vor.u32 v3, v4  }
0x459: {  	v4 =	vperm.xlane v3, v0;
	_ =	sdelay $0x1  }
0x45a: {  	v4 =	vadd.s32 v1, v4;
	_ =	sdelay $0x1  }
0x45b: {  	v3 =	vperm.xlane v3, v2;
	_ =	sdelay $0x1  }
0x45c: {  	s23 =	simm.s32 $0xB680;
	v3 =	vadd.s32 v1, v3  }
0x45d: {  	[tilespmem:s23], [sflag:$0x2] =	stream.indirect_vreg.gather [hbm4b:s3+s2], $0x80, v4, vm0, $0xb8;
	[tilespmem:$0x1C680] =	vst v63  }
0x45e: {  	s25 =	simm.s32 $0xBE80  }
0x45f: {  	[tilespmem:s25], [sflag:$0x2] =	stream.indirect_vreg.gather [hbm4b:s4+s2], $0x80, v4, vm0, $0xb8;
	[tilespmem:$0x1C680] =	vst v63  }
0x460: {  	s7 =	simm.s32 $0xC680  }
0x461: {  	[tilespmem:s7], [sflag:$0x2] =	stream.indirect_vreg.gather [hbm4b:s3+s2], $0x80, v3, vm0, $0xb8;
	[tilespmem:$0x1C680] =	vst v63  }
0x462: {  	s11 =	simm.s32 $0xCE80  }
0x463: {  	[tilespmem:s11], [sflag:$0x2] =	stream.indirect_vreg.gather [hbm4b:s4+s2], $0x80, v3, vm0, $0xb8;
	[tilespmem:$0x1C680] =	vst v63  }
0x464: {  	v3 =	vld.msk [tilespmem:$0x3E8], $0xff;
	_ =	sdelay $0x4  }
0x465: {  	v23 =	vshll.u32 v3, $0x2  }
0x466: {  	v3 =	vand.u32 $0x7, v3;
	v4 =	vand.u32 $0xFFFFFFE0, v23  }
0x467: {  	v3 =	vor.u32 v3, v4  }
0x468: {  	v3 =	vperm.xlane v3, v0;
	_ =	sdelay $0x1  }
0x469: {  	v3 =	vadd.s32 v1, v3;
	_ =	sdelay $0x3  }
0x46a: {  	s23 =	simm.s32 $0xD680  }
0x46b: {  	[tilespmem:s23], [sflag:$0x2] =	stream.indirect_vreg.gather [hbm4b:s3+s2], $0x80, v3, vm0, $0xb8;
	[tilespmem:$0x1C680] =	vst v63  }
0x46c: {  	s25 =	simm.s32 $0xDE80  }
0x46d: {  	[tilespmem:s25], [sflag:$0x2] =	stream.indirect_vreg.gather [hbm4b:s4+s2], $0x80, v3, vm0, $0xb8;
	[tilespmem:$0x1C680] =	vst v63  }
0x46e: {  	_ =	swait.ge [sflag:s18], $0x7000  }
0x46f: {  	[sflag:s18] =	ssyncset.done $0x0  }
0x470: {  	s0 =	simm.s32 $0x15680;
	s13 =	rddreg [dreg:$0x12];
	[sflag:s18] =	ssyncadd.s32 $0xFFFF9000  }
0x471: {  	[hbm4b:s13+s2] =	stream.linear.scatter [tilespmem:s0], [sflag:$0x8], $0x7000, $0x38;
	[tilespmem:$0x1C680] =	vst v63  }
0x472: {  	_ =	swait.ge [sflag:s19], $0x7000  }
0x473: {  	[sflag:s19] =	ssyncset.done $0x0  }
0x474: {  	[sflag:s19] =	ssyncadd.s32 $0xFFFF9000  }
0x475: {  	v3 =	vld [tilespmem:$0x3F0];
	_ =	sdelay $0x4  }
0x476: {  	v24 =	vshll.u32 v3, $0x2  }
0x477: {  	v3 =	vand.u32 $0x7, v3;
	v4 =	vand.u32 $0xFFFFFFE0, v24  }
0x478: {  	v3 =	vor.u32 v3, v4  }
0x479: {  	v4 =	vperm.xlane v3, v0;
	_ =	sdelay $0x1  }
0x47a: {  	v4 =	vadd.s32 v1, v4;
	_ =	sdelay $0x1  }
0x47b: {  	v3 =	vperm.xlane v3, v2;
	_ =	sdelay $0x1  }
0x47c: {  	v3 =	vadd.s32 v1, v3  }
0x47d: {  	[tilespmem:s1], [sflag:$0x3] =	stream.indirect_vreg.gather [hbm4b:s3+s2], $0x80, v4, vm0, $0xb8;
	[tilespmem:$0x1C680] =	vst v63  }
0x47e: {  	s22 =	simm.s32 $0xEE80  }
0x47f: {  	[tilespmem:s22], [sflag:$0x3] =	stream.indirect_vreg.gather [hbm4b:s4+s2], $0x80, v4, vm0, $0xb8;
	[tilespmem:$0x1C680] =	vst v63  }
0x480: {  	s11 =	simm.s32 $0xF680  }
0x481: {  	[tilespmem:s11], [sflag:$0x3] =	stream.indirect_vreg.gather [hbm4b:s3+s2], $0x80, v3, vm0, $0xb8;
	[tilespmem:$0x1C680] =	vst v63  }
0x482: {  	s11 =	simm.s32 $0xFE80  }
0x483: {  	[tilespmem:s11], [sflag:$0x3] =	stream.indirect_vreg.gather [hbm4b:s4+s2], $0x80, v3, vm0, $0xb8;
	[tilespmem:$0x1C680] =	vst v63  }
0x484: {  	v3 =	vld [tilespmem:$0x400];
	_ =	sdelay $0x4  }
0x485: {  	v25 =	vshll.u32 v3, $0x2  }
0x486: {  	v3 =	vand.u32 $0x7, v3;
	v4 =	vand.u32 $0xFFFFFFE0, v25  }
0x487: {  	v3 =	vor.u32 v3, v4  }
0x488: {  	v4 =	vperm.xlane v3, v0;
	_ =	sdelay $0x1  }
0x489: {  	v4 =	vadd.s32 v1, v4;
	_ =	sdelay $0x1  }
0x48a: {  	v3 =	vperm.xlane v3, v2;
	_ =	sdelay $0x1  }
0x48b: {  	v3 =	vadd.s32 v1, v3  }
0x48c: {  	[tilespmem:s8], [sflag:$0x3] =	stream.indirect_vreg.gather [hbm4b:s3+s2], $0x80, v4, vm0, $0xb8;
	[tilespmem:$0x1C680] =	vst v63  }
0x48d: {  	_ = 	snop  }
0x48e: {  	[tilespmem:s12], [sflag:$0x3] =	stream.indirect_vreg.gather [hbm4b:s4+s2], $0x80, v4, vm0, $0xb8;
	[tilespmem:$0x1C680] =	vst v63  }
0x48f: {  	s12 =	simm.s32 $0x11680  }
0x490: {  	[tilespmem:s12], [sflag:$0x3] =	stream.indirect_vreg.gather [hbm4b:s3+s2], $0x80, v3, vm0, $0xb8;
	[tilespmem:$0x1C680] =	vst v63  }
0x491: {  	s12 =	simm.s32 $0x11E80  }
0x492: {  	[tilespmem:s12], [sflag:$0x3] =	stream.indirect_vreg.gather [hbm4b:s4+s2], $0x80, v3, vm0, $0xb8;
	[tilespmem:$0x1C680] =	vst v63  }
0x493: {  	v3 =	vld [tilespmem:$0x410];
	_ =	sdelay $0x4  }
0x494: {  	v26 =	vshll.u32 v3, $0x2  }
0x495: {  	v3 =	vand.u32 $0x7, v3;
	v4 =	vand.u32 $0xFFFFFFE0, v26  }
0x496: {  	v3 =	vor.u32 v3, v4  }
0x497: {  	v4 =	vperm.xlane v3, v0;
	_ =	sdelay $0x1  }
0x498: {  	v4 =	vadd.s32 v1, v4;
	_ =	sdelay $0x1  }
0x499: {  	v3 =	vperm.xlane v3, v2;
	_ =	sdelay $0x1  }
0x49a: {  	s13 =	simm.s32 $0x12680;
	v3 =	vadd.s32 v1, v3  }
0x49b: {  	[tilespmem:s13], [sflag:$0x3] =	stream.indirect_vreg.gather [hbm4b:s3+s2], $0x80, v4, vm0, $0xb8;
	[tilespmem:$0x1C680] =	vst v63  }
0x49c: {  	s22 =	simm.s32 $0x12E80  }
0x49d: {  	[tilespmem:s22], [sflag:$0x3] =	stream.indirect_vreg.gather [hbm4b:s4+s2], $0x80, v4, vm0, $0xb8;
	[tilespmem:$0x1C680] =	vst v63  }
0x49e: {  	_ = 	snop  }
0x49f: {  	[tilespmem:s21], [sflag:$0x3] =	stream.indirect_vreg.gather [hbm4b:s3+s2], $0x80, v3, vm0, $0xb8;
	[tilespmem:$0x1C680] =	vst v63  }
0x4a0: {  	s21 =	simm.s32 $0x13E80  }
0x4a1: {  	[tilespmem:s21], [sflag:$0x3] =	stream.indirect_vreg.gather [hbm4b:s4+s2], $0x80, v3, vm0, $0xb8;
	[tilespmem:$0x1C680] =	vst v63  }
0x4a2: {  	v3 =	vld.msk [tilespmem:$0x420], $0xff;
	_ =	sdelay $0x4  }
0x4a3: {  	v27 =	vshll.u32 v3, $0x2  }
0x4a4: {  	v3 =	vand.u32 $0x7, v3;
	v4 =	vand.u32 $0xFFFFFFE0, v27  }
0x4a5: {  	v3 =	vor.u32 v3, v4  }
0x4a6: {  	v3 =	vperm.xlane v3, v0;
	_ =	sdelay $0x1  }
0x4a7: {  	v3 =	vadd.s32 v1, v3;
	_ =	sdelay $0x3  }
0x4a8: {  	s8 =	simm.s32 $0x14680  }
0x4a9: {  	[tilespmem:s8], [sflag:$0x3] =	stream.indirect_vreg.gather [hbm4b:s3+s2], $0x80, v3, vm0, $0xb8;
	[tilespmem:$0x1C680] =	vst v63  }
0x4aa: {  	s8 =	simm.s32 $0x14E80  }
0x4ab: {  	[tilespmem:s8], [sflag:$0x3] =	stream.indirect_vreg.gather [hbm4b:s4+s2], $0x80, v3, vm0, $0xb8;
	[tilespmem:$0x1C680] =	vst v63  }
0x4ac: {  	_ =	swait.ge [sflag:s24], $0x7000  }
0x4ad: {  	[sflag:s24] =	ssyncset.done $0x0  }
0x4ae: {  	s6 =	simm.s32 $0x680;
	s13 =	rddreg [dreg:$0x13];
	[sflag:s24] =	ssyncadd.s32 $0xFFFF9000  }
0x4af: {  	[hbm4b:s13+s2] =	stream.linear.scatter [tilespmem:s6], [sflag:$0x5], $0x7000, $0x38;
	[tilespmem:$0x1C680] =	vst v63  }
0x4b0: {  	_ =	swait.ge [sflag:s20], $0x7000  }
0x4b1: {  	[sflag:s20] =	ssyncset.done $0x0  }
0x4b2: {  	[sflag:s20] =	ssyncadd.s32 $0xFFFF9000  }
0x4b3: {  	v3 =	vld [tilespmem:$0x428];
	_ =	sdelay $0x4  }
0x4b4: {  	v28 =	vshll.u32 v3, $0x2  }
0x4b5: {  	v3 =	vand.u32 $0x7, v3;
	v4 =	vand.u32 $0xFFFFFFE0, v28  }
0x4b6: {  	v3 =	vor.u32 v3, v4  }
0x4b7: {  	v4 =	vperm.xlane v3, v0;
	_ =	sdelay $0x1  }
0x4b8: {  	v4 =	vadd.s32 v1, v4;
	_ =	sdelay $0x1  }
0x4b9: {  	v3 =	vperm.xlane v3, v2;
	_ =	sdelay $0x1  }
0x4ba: {  	v3 =	vadd.s32 v1, v3  }
0x4bb: {  	[tilespmem:s0], [sflag:$0x4] =	stream.indirect_vreg.gather [hbm4b:s3+s2], $0x80, v4, vm0, $0xb8;
	[tilespmem:$0x1C680] =	vst v63  }
0x4bc: {  	s13 =	simm.s32 $0x15E80  }
0x4bd: {  	[tilespmem:s13], [sflag:$0x4] =	stream.indirect_vreg.gather [hbm4b:s4+s2], $0x80, v4, vm0, $0xb8;
	[tilespmem:$0x1C680] =	vst v63  }
0x4be: {  	s22 =	simm.s32 $0x16680  }
0x4bf: {  	[tilespmem:s22], [sflag:$0x4] =	stream.indirect_vreg.gather [hbm4b:s3+s2], $0x80, v3, vm0, $0xb8;
	[tilespmem:$0x1C680] =	vst v63  }
0x4c0: {  	s22 =	simm.s32 $0x16E80  }
0x4c1: {  	[tilespmem:s22], [sflag:$0x4] =	stream.indirect_vreg.gather [hbm4b:s4+s2], $0x80, v3, vm0, $0xb8;
	[tilespmem:$0x1C680] =	vst v63  }
0x4c2: {  	v3 =	vld [tilespmem:$0x438];
	_ =	sdelay $0x4  }
0x4c3: {  	v29 =	vshll.u32 v3, $0x2  }
0x4c4: {  	v3 =	vand.u32 $0x7, v3;
	v4 =	vand.u32 $0xFFFFFFE0, v29  }
0x4c5: {  	v3 =	vor.u32 v3, v4  }
0x4c6: {  	v4 =	vperm.xlane v3, v0;
	_ =	sdelay $0x1  }
0x4c7: {  	v4 =	vadd.s32 v1, v4;
	_ =	sdelay $0x1  }
0x4c8: {  	v3 =	vperm.xlane v3, v2;
	_ =	sdelay $0x1  }
0x4c9: {  	s22 =	simm.s32 $0x17680;
	v3 =	vadd.s32 v1, v3  }
0x4ca: {  	[tilespmem:s22], [sflag:$0x4] =	stream.indirect_vreg.gather [hbm4b:s3+s2], $0x80, v4, vm0, $0xb8;
	[tilespmem:$0x1C680] =	vst v63  }
0x4cb: {  	s22 =	simm.s32 $0x17E80  }
0x4cc: {  	[tilespmem:s22], [sflag:$0x4] =	stream.indirect_vreg.gather [hbm4b:s4+s2], $0x80, v4, vm0, $0xb8;
	[tilespmem:$0x1C680] =	vst v63  }
0x4cd: {  	s22 =	simm.s32 $0x18680  }
0x4ce: {  	[tilespmem:s22], [sflag:$0x4] =	stream.indirect_vreg.gather [hbm4b:s3+s2], $0x80, v3, vm0, $0xb8;
	[tilespmem:$0x1C680] =	vst v63  }
0x4cf: {  	s22 =	simm.s32 $0x18E80  }
0x4d0: {  	[tilespmem:s22], [sflag:$0x4] =	stream.indirect_vreg.gather [hbm4b:s4+s2], $0x80, v3, vm0, $0xb8;
	[tilespmem:$0x1C680] =	vst v63  }
0x4d1: {  	v3 =	vld [tilespmem:$0x448];
	_ =	sdelay $0x4  }
0x4d2: {  	v30 =	vshll.u32 v3, $0x2  }
0x4d3: {  	v3 =	vand.u32 $0x7, v3;
	v4 =	vand.u32 $0xFFFFFFE0, v30  }
0x4d4: {  	v3 =	vor.u32 v3, v4  }
0x4d5: {  	v4 =	vperm.xlane v3, v0;
	_ =	sdelay $0x1  }
0x4d6: {  	v4 =	vadd.s32 v1, v4;
	_ =	sdelay $0x1  }
0x4d7: {  	v3 =	vperm.xlane v3, v2;
	_ =	sdelay $0x1  }
0x4d8: {  	s22 =	simm.s32 $0x19680;
	v3 =	vadd.s32 v1, v3  }
0x4d9: {  	[tilespmem:s22], [sflag:$0x4] =	stream.indirect_vreg.gather [hbm4b:s3+s2], $0x80, v4, vm0, $0xb8;
	[tilespmem:$0x1C680] =	vst v63  }
0x4da: {  	s22 =	simm.s32 $0x19E80  }
0x4db: {  	[tilespmem:s22], [sflag:$0x4] =	stream.indirect_vreg.gather [hbm4b:s4+s2], $0x80, v4, vm0, $0xb8;
	[tilespmem:$0x1C680] =	vst v63  }
0x4dc: {  	s22 =	simm.s32 $0x1A680  }
0x4dd: {  	[tilespmem:s22], [sflag:$0x4] =	stream.indirect_vreg.gather [hbm4b:s3+s2], $0x80, v3, vm0, $0xb8;
	[tilespmem:$0x1C680] =	vst v63  }
0x4de: {  	s22 =	simm.s32 $0x1AE80  }
0x4df: {  	[tilespmem:s22], [sflag:$0x4] =	stream.indirect_vreg.gather [hbm4b:s4+s2], $0x80, v3, vm0, $0xb8;
	[tilespmem:$0x1C680] =	vst v63  }
0x4e0: {  	v3 =	vld.msk [tilespmem:$0x458], $0xff;
	_ =	sdelay $0x4  }
0x4e1: {  	v31 =	vshll.u32 v3, $0x2  }
0x4e2: {  	v3 =	vand.u32 $0x7, v3;
	v4 =	vand.u32 $0xFFFFFFE0, v31  }
0x4e3: {  	v3 =	vor.u32 v3, v4  }
0x4e4: {  	v3 =	vperm.xlane v3, v0;
	_ =	sdelay $0x1  }
0x4e5: {  	v3 =	vadd.s32 v1, v3;
	_ =	sdelay $0x3  }
0x4e6: {  	s22 =	simm.s32 $0x1B680  }
0x4e7: {  	[tilespmem:s22], [sflag:$0x4] =	stream.indirect_vreg.gather [hbm4b:s3+s2], $0x80, v3, vm0, $0xb8;
	[tilespmem:$0x1C680] =	vst v63  }
0x4e8: {  	s22 =	simm.s32 $0x1BE80  }
0x4e9: {  	[tilespmem:s22], [sflag:$0x4] =	stream.indirect_vreg.gather [hbm4b:s4+s2], $0x80, v3, vm0, $0xb8;
	[tilespmem:$0x1C680] =	vst v63  }
0x4ea: {  	_ =	swait.ge [sflag:s14], $0x7000  }
0x4eb: {  	[sflag:s14] =	ssyncset.done $0x0  }
0x4ec: {  	s5 =	simm.s32 $0x7680;
	s0 =	rddreg [dreg:$0x14];
	[sflag:s14] =	ssyncadd.s32 $0xFFFF9000  }
0x4ed: {  	[hbm4b:s0+s2] =	stream.linear.scatter [tilespmem:s5], [sflag:$0x6], $0x7000, $0x38;
	[tilespmem:$0x1C680] =	vst v63  }
0x4ee: {  	_ =	swait.ge [sflag:s15], $0x7000  }
0x4ef: {  	[sflag:s15] =	ssyncset.done $0x0  }
0x4f0: {  	[sflag:s15] =	ssyncadd.s32 $0xFFFF9000  }
0x4f1: {  	v3 =	vld [tilespmem:$0x460];
	_ =	sdelay $0x4  }
0x4f2: {  	v32 =	vshll.u32 v3, $0x2  }
0x4f3: {  	v3 =	vand.u32 $0x7, v3;
	v4 =	vand.u32 $0xFFFFFFE0, v32  }
0x4f4: {  	v3 =	vor.u32 v3, v4  }
0x4f5: {  	v4 =	vperm.xlane v3, v0;
	_ =	sdelay $0x1  }
0x4f6: {  	v4 =	vadd.s32 v1, v4;
	_ =	sdelay $0x1  }
0x4f7: {  	v3 =	vperm.xlane v3, v2;
	_ =	sdelay $0x1  }
0x4f8: {  	v3 =	vadd.s32 v1, v3  }
0x4f9: {  	[tilespmem:s6], [sflag:$0x1] =	stream.indirect_vreg.gather [hbm4b:s3+s2], $0x80, v4, vm0, $0xb8;
	[tilespmem:$0x1C680] =	vst v63  }
0x4fa: {  	_ = 	snop  }
0x4fb: {  	[tilespmem:s10], [sflag:$0x1] =	stream.indirect_vreg.gather [hbm4b:s4+s2], $0x80, v4, vm0, $0xb8;
	[tilespmem:$0x1C680] =	vst v63  }
0x4fc: {  	s22 =	simm.s32 $0x1680  }
0x4fd: {  	[tilespmem:s22], [sflag:$0x1] =	stream.indirect_vreg.gather [hbm4b:s3+s2], $0x80, v3, vm0, $0xb8;
	[tilespmem:$0x1C680] =	vst v63  }
0x4fe: {  	s6 =	simm.s32 $0x1E80  }
0x4ff: {  	[tilespmem:s6], [sflag:$0x1] =	stream.indirect_vreg.gather [hbm4b:s4+s2], $0x80, v3, vm0, $0xb8;
	[tilespmem:$0x1C680] =	vst v63  }
0x500: {  	v3 =	vld [tilespmem:$0x470];
	_ =	sdelay $0x4  }
0x501: {  	v33 =	vshll.u32 v3, $0x2  }
0x502: {  	v3 =	vand.u32 $0x7, v3;
	v4 =	vand.u32 $0xFFFFFFE0, v33  }
0x503: {  	v3 =	vor.u32 v3, v4  }
0x504: {  	v4 =	vperm.xlane v3, v0;
	_ =	sdelay $0x1  }
0x505: {  	v4 =	vadd.s32 v1, v4;
	_ =	sdelay $0x1  }
0x506: {  	v3 =	vperm.xlane v3, v2;
	_ =	sdelay $0x1  }
0x507: {  	v3 =	vadd.s32 v1, v3  }
0x508: {  	[tilespmem:s26], [sflag:$0x1] =	stream.indirect_vreg.gather [hbm4b:s3+s2], $0x80, v4, vm0, $0xb8;
	[tilespmem:$0x1C680] =	vst v63  }
0x509: {  	_ = 	snop  }
0x50a: {  	[tilespmem:s28], [sflag:$0x1] =	stream.indirect_vreg.gather [hbm4b:s4+s2], $0x80, v4, vm0, $0xb8;
	[tilespmem:$0x1C680] =	vst v63  }
0x50b: {  	s10 =	simm.s32 $0x3680  }
0x50c: {  	[tilespmem:s10], [sflag:$0x1] =	stream.indirect_vreg.gather [hbm4b:s3+s2], $0x80, v3, vm0, $0xb8;
	[tilespmem:$0x1C680] =	vst v63  }
0x50d: {  	s22 =	simm.s32 $0x3E80  }
0x50e: {  	[tilespmem:s22], [sflag:$0x1] =	stream.indirect_vreg.gather [hbm4b:s4+s2], $0x80, v3, vm0, $0xb8;
	[tilespmem:$0x1C680] =	vst v63  }
0x50f: {  	v3 =	vld [tilespmem:$0x480];
	_ =	sdelay $0x4  }
0x510: {  	v34 =	vshll.u32 v3, $0x2  }
0x511: {  	v3 =	vand.u32 $0x7, v3;
	v4 =	vand.u32 $0xFFFFFFE0, v34  }
0x512: {  	v3 =	vor.u32 v3, v4  }
0x513: {  	v4 =	vperm.xlane v3, v0;
	_ =	sdelay $0x1  }
0x514: {  	v4 =	vadd.s32 v1, v4;
	_ =	sdelay $0x1  }
0x515: {  	v3 =	vperm.xlane v3, v2;
	_ =	sdelay $0x1  }
0x516: {  	s6 =	simm.s32 $0x4680;
	v3 =	vadd.s32 v1, v3  }
0x517: {  	[tilespmem:s6], [sflag:$0x1] =	stream.indirect_vreg.gather [hbm4b:s3+s2], $0x80, v4, vm0, $0xb8;
	[tilespmem:$0x1C680] =	vst v63  }
0x518: {  	_ = 	snop  }
0x519: {  	[tilespmem:s29], [sflag:$0x1] =	stream.indirect_vreg.gather [hbm4b:s4+s2], $0x80, v4, vm0, $0xb8;
	[tilespmem:$0x1C680] =	vst v63  }
0x51a: {  	_ = 	snop  }
0x51b: {  	[tilespmem:s30], [sflag:$0x1] =	stream.indirect_vreg.gather [hbm4b:s3+s2], $0x80, v3, vm0, $0xb8;
	[tilespmem:$0x1C680] =	vst v63  }
0x51c: {  	s10 =	simm.s32 $0x5E80  }
0x51d: {  	[tilespmem:s10], [sflag:$0x1] =	stream.indirect_vreg.gather [hbm4b:s4+s2], $0x80, v3, vm0, $0xb8;
	[tilespmem:$0x1C680] =	vst v63  }
0x51e: {  	v3 =	vld.msk [tilespmem:$0x490], $0xff;
	_ =	sdelay $0x4  }
0x51f: {  	v35 =	vshll.u32 v3, $0x2  }
0x520: {  	v3 =	vand.u32 $0x7, v3;
	v4 =	vand.u32 $0xFFFFFFE0, v35  }
0x521: {  	v3 =	vor.u32 v3, v4  }
0x522: {  	v3 =	vperm.xlane v3, v0;
	_ =	sdelay $0x1  }
0x523: {  	v3 =	vadd.s32 v1, v3;
	_ =	sdelay $0x4  }
0x524: {  	[tilespmem:s31], [sflag:$0x1] =	stream.indirect_vreg.gather [hbm4b:s3+s2], $0x80, v3, vm0, $0xb8;
	[tilespmem:$0x1C680] =	vst v63  }
0x525: {  	s22 =	simm.s32 $0x6E80  }
0x526: {  	[tilespmem:s22], [sflag:$0x1] =	stream.indirect_vreg.gather [hbm4b:s4+s2], $0x80, v3, vm0, $0xb8;
	[tilespmem:$0x1C680] =	vst v63  }
0x527: {  	_ =	swait.ge [sflag:s16], $0x7000  }
0x528: {  	[sflag:s16] =	ssyncset.done $0x0  }
0x529: {  	s7 =	simm.s32 $0xE680;
	s0 =	rddreg [dreg:$0x15];
	[sflag:s16] =	ssyncadd.s32 $0xFFFF9000  }
0x52a: {  	[hbm4b:s0+s2] =	stream.linear.scatter [tilespmem:s7], [sflag:$0x7], $0x7000, $0x38;
	[tilespmem:$0x1C680] =	vst v63  }
0x52b: {  	_ =	swait.ge [sflag:s17], $0x7000  }
0x52c: {  	[sflag:s17] =	ssyncset.done $0x0  }
0x52d: {  	[sflag:s17] =	ssyncadd.s32 $0xFFFF9000  }
0x52e: {  	v3 =	vld [tilespmem:$0x498];
	_ =	sdelay $0x4  }
0x52f: {  	v36 =	vshll.u32 v3, $0x2  }
0x530: {  	v3 =	vand.u32 $0x7, v3;
	v4 =	vand.u32 $0xFFFFFFE0, v36  }
0x531: {  	v3 =	vor.u32 v3, v4  }
0x532: {  	v4 =	vperm.xlane v3, v0;
	_ =	sdelay $0x1  }
0x533: {  	v4 =	vadd.s32 v1, v4;
	_ =	sdelay $0x1  }
0x534: {  	v3 =	vperm.xlane v3, v2;
	_ =	sdelay $0x1  }
0x535: {  	v3 =	vadd.s32 v1, v3  }
0x536: {  	[tilespmem:s5], [sflag:$0x2] =	stream.indirect_vreg.gather [hbm4b:s3+s2], $0x80, v4, vm0, $0xb8;
	[tilespmem:$0x1C680] =	vst v63  }
0x537: {  	_ = 	snop  }
0x538: {  	[tilespmem:s9], [sflag:$0x2] =	stream.indirect_vreg.gather [hbm4b:s4+s2], $0x80, v4, vm0, $0xb8;
	[tilespmem:$0x1C680] =	vst v63  }
0x539: {  	s5 =	simm.s32 $0x8680  }
0x53a: {  	[tilespmem:s5], [sflag:$0x2] =	stream.indirect_vreg.gather [hbm4b:s3+s2], $0x80, v3, vm0, $0xb8;
	[tilespmem:$0x1C680] =	vst v63  }
0x53b: {  	s6 =	simm.s32 $0x8E80  }
0x53c: {  	[tilespmem:s6], [sflag:$0x2] =	stream.indirect_vreg.gather [hbm4b:s4+s2], $0x80, v3, vm0, $0xb8;
	[tilespmem:$0x1C680] =	vst v63  }
0x53d: {  	v3 =	vld [tilespmem:$0x4A8];
	_ =	sdelay $0x4  }
0x53e: {  	v37 =	vshll.u32 v3, $0x2  }
0x53f: {  	v3 =	vand.u32 $0x7, v3;
	v4 =	vand.u32 $0xFFFFFFE0, v37  }
0x540: {  	v3 =	vor.u32 v3, v4  }
0x541: {  	v4 =	vperm.xlane v3, v0;
	_ =	sdelay $0x1  }
0x542: {  	v4 =	vadd.s32 v1, v4;
	_ =	sdelay $0x1  }
0x543: {  	v3 =	vperm.xlane v3, v2;
	_ =	sdelay $0x1  }
0x544: {  	s9 =	simm.s32 $0x9680;
	v3 =	vadd.s32 v1, v3  }
0x545: {  	[tilespmem:s9], [sflag:$0x2] =	stream.indirect_vreg.gather [hbm4b:s3+s2], $0x80, v4, vm0, $0xb8;
	[tilespmem:$0x1C680] =	vst v63  }
0x546: {  	s10 =	simm.s32 $0x9E80  }
0x547: {  	[tilespmem:s10], [sflag:$0x2] =	stream.indirect_vreg.gather [hbm4b:s4+s2], $0x80, v4, vm0, $0xb8;
	[tilespmem:$0x1C680] =	vst v63  }
0x548: {  	s22 =	simm.s32 $0xA680  }
0x549: {  	[tilespmem:s22], [sflag:$0x2] =	stream.indirect_vreg.gather [hbm4b:s3+s2], $0x80, v3, vm0, $0xb8;
	[tilespmem:$0x1C680] =	vst v63  }
0x54a: {  	s5 =	simm.s32 $0xAE80  }
0x54b: {  	[tilespmem:s5], [sflag:$0x2] =	stream.indirect_vreg.gather [hbm4b:s4+s2], $0x80, v3, vm0, $0xb8;
	[tilespmem:$0x1C680] =	vst v63  }
0x54c: {  	v3 =	vld [tilespmem:$0x4B8];
	_ =	sdelay $0x4  }
0x54d: {  	v38 =	vshll.u32 v3, $0x2  }
0x54e: {  	v3 =	vand.u32 $0x7, v3;
	v4 =	vand.u32 $0xFFFFFFE0, v38  }
0x54f: {  	v3 =	vor.u32 v3, v4  }
0x550: {  	v4 =	vperm.xlane v3, v0;
	_ =	sdelay $0x1  }
0x551: {  	v4 =	vadd.s32 v1, v4;
	_ =	sdelay $0x1  }
0x552: {  	v3 =	vperm.xlane v3, v2;
	_ =	sdelay $0x1  }
0x553: {  	s6 =	simm.s32 $0xB680;
	v3 =	vadd.s32 v1, v3  }
0x554: {  	[tilespmem:s6], [sflag:$0x2] =	stream.indirect_vreg.gather [hbm4b:s3+s2], $0x80, v4, vm0, $0xb8;
	[tilespmem:$0x1C680] =	vst v63  }
0x555: {  	s9 =	simm.s32 $0xBE80  }
0x556: {  	[tilespmem:s9], [sflag:$0x2] =	stream.indirect_vreg.gather [hbm4b:s4+s2], $0x80, v4, vm0, $0xb8;
	[tilespmem:$0x1C680] =	vst v63  }
0x557: {  	s10 =	simm.s32 $0xC680  }
0x558: {  	[tilespmem:s10], [sflag:$0x2] =	stream.indirect_vreg.gather [hbm4b:s3+s2], $0x80, v3, vm0, $0xb8;
	[tilespmem:$0x1C680] =	vst v63  }
0x559: {  	s22 =	simm.s32 $0xCE80  }
0x55a: {  	[tilespmem:s22], [sflag:$0x2] =	stream.indirect_vreg.gather [hbm4b:s4+s2], $0x80, v3, vm0, $0xb8;
	[tilespmem:$0x1C680] =	vst v63  }
0x55b: {  	v3 =	vld.msk [tilespmem:$0x4C8], $0xff;
	_ =	sdelay $0x4  }
0x55c: {  	v39 =	vshll.u32 v3, $0x2  }
0x55d: {  	v3 =	vand.u32 $0x7, v3;
	v4 =	vand.u32 $0xFFFFFFE0, v39  }
0x55e: {  	v3 =	vor.u32 v3, v4  }
0x55f: {  	v3 =	vperm.xlane v3, v0;
	_ =	sdelay $0x1  }
0x560: {  	v3 =	vadd.s32 v1, v3;
	_ =	sdelay $0x4  }
0x561: {  	[tilespmem:s23], [sflag:$0x2] =	stream.indirect_vreg.gather [hbm4b:s3+s2], $0x80, v3, vm0, $0xb8;
	[tilespmem:$0x1C680] =	vst v63  }
0x562: {  	_ = 	snop  }
0x563: {  	[tilespmem:s25], [sflag:$0x2] =	stream.indirect_vreg.gather [hbm4b:s4+s2], $0x80, v3, vm0, $0xb8;
	[tilespmem:$0x1C680] =	vst v63  }
0x564: {  	_ =	swait.ge [sflag:s18], $0x7000  }
0x565: {  	[sflag:s18] =	ssyncset.done $0x0  }
0x566: {  	s1 =	simm.s32 $0x15680;
	s5 =	rddreg [dreg:$0x16];
	[sflag:s18] =	ssyncadd.s32 $0xFFFF9000  }
0x567: {  	[hbm4b:s5+s2] =	stream.linear.scatter [tilespmem:s1], [sflag:$0x8], $0x7000, $0x38;
	[tilespmem:$0x1C680] =	vst v63  }
0x568: {  	_ =	swait.ge [sflag:s19], $0x7000  }
0x569: {  	[sflag:s19] =	ssyncset.done $0x0  }
0x56a: {  	[sflag:s19] =	ssyncadd.s32 $0xFFFF9000  }
0x56b: {  	v3 =	vld [tilespmem:$0x4D0];
	_ =	sdelay $0x4  }
0x56c: {  	v40 =	vshll.u32 v3, $0x2  }
0x56d: {  	v3 =	vand.u32 $0x7, v3;
	v4 =	vand.u32 $0xFFFFFFE0, v40  }
0x56e: {  	v3 =	vor.u32 v3, v4  }
0x56f: {  	v4 =	vperm.xlane v3, v0;
	_ =	sdelay $0x1  }
0x570: {  	v4 =	vadd.s32 v1, v4;
	_ =	sdelay $0x1  }
0x571: {  	v3 =	vperm.xlane v3, v2;
	_ =	sdelay $0x1  }
0x572: {  	v3 =	vadd.s32 v1, v3  }
0x573: {  	[tilespmem:s7], [sflag:$0x3] =	stream.indirect_vreg.gather [hbm4b:s3+s2], $0x80, v4, vm0, $0xb8;
	[tilespmem:$0x1C680] =	vst v63  }
0x574: {  	s6 =	simm.s32 $0xEE80  }
0x575: {  	[tilespmem:s6], [sflag:$0x3] =	stream.indirect_vreg.gather [hbm4b:s4+s2], $0x80, v4, vm0, $0xb8;
	[tilespmem:$0x1C680] =	vst v63  }
0x576: {  	s7 =	simm.s32 $0xF680  }
0x577: {  	[tilespmem:s7], [sflag:$0x3] =	stream.indirect_vreg.gather [hbm4b:s3+s2], $0x80, v3, vm0, $0xb8;
	[tilespmem:$0x1C680] =	vst v63  }
0x578: {  	_ = 	snop  }
0x579: {  	[tilespmem:s11], [sflag:$0x3] =	stream.indirect_vreg.gather [hbm4b:s4+s2], $0x80, v3, vm0, $0xb8;
	[tilespmem:$0x1C680] =	vst v63  }
0x57a: {  	v3 =	vld [tilespmem:$0x4E0];
	_ =	sdelay $0x4  }
0x57b: {  	v41 =	vshll.u32 v3, $0x2  }
0x57c: {  	v3 =	vand.u32 $0x7, v3;
	v4 =	vand.u32 $0xFFFFFFE0, v41  }
0x57d: {  	v3 =	vor.u32 v3, v4  }
0x57e: {  	v4 =	vperm.xlane v3, v0;
	_ =	sdelay $0x1  }
0x57f: {  	v4 =	vadd.s32 v1, v4;
	_ =	sdelay $0x1  }
0x580: {  	v3 =	vperm.xlane v3, v2;
	_ =	sdelay $0x1  }
0x581: {  	s9 =	simm.s32 $0x10680;
	v3 =	vadd.s32 v1, v3  }
0x582: {  	[tilespmem:s9], [sflag:$0x3] =	stream.indirect_vreg.gather [hbm4b:s3+s2], $0x80, v4, vm0, $0xb8;
	[tilespmem:$0x1C680] =	vst v63  }
0x583: {  	s10 =	simm.s32 $0x10E80  }
0x584: {  	[tilespmem:s10], [sflag:$0x3] =	stream.indirect_vreg.gather [hbm4b:s4+s2], $0x80, v4, vm0, $0xb8;
	[tilespmem:$0x1C680] =	vst v63  }
0x585: {  	s11 =	simm.s32 $0x11680  }
0x586: {  	[tilespmem:s11], [sflag:$0x3] =	stream.indirect_vreg.gather [hbm4b:s3+s2], $0x80, v3, vm0, $0xb8;
	[tilespmem:$0x1C680] =	vst v63  }
0x587: {  	_ = 	snop  }
0x588: {  	[tilespmem:s12], [sflag:$0x3] =	stream.indirect_vreg.gather [hbm4b:s4+s2], $0x80, v3, vm0, $0xb8;
	[tilespmem:$0x1C680] =	vst v63  }
0x589: {  	v3 =	vld [tilespmem:$0x4F0];
	_ =	sdelay $0x4  }
0x58a: {  	v42 =	vshll.u32 v3, $0x2  }
0x58b: {  	v3 =	vand.u32 $0x7, v3;
	v4 =	vand.u32 $0xFFFFFFE0, v42  }
0x58c: {  	v3 =	vor.u32 v3, v4  }
0x58d: {  	v4 =	vperm.xlane v3, v0;
	_ =	sdelay $0x1  }
0x58e: {  	v4 =	vadd.s32 v1, v4;
	_ =	sdelay $0x1  }
0x58f: {  	v3 =	vperm.xlane v3, v2;
	_ =	sdelay $0x1  }
0x590: {  	s12 =	simm.s32 $0x12680;
	v3 =	vadd.s32 v1, v3  }
0x591: {  	[tilespmem:s12], [sflag:$0x3] =	stream.indirect_vreg.gather [hbm4b:s3+s2], $0x80, v4, vm0, $0xb8;
	[tilespmem:$0x1C680] =	vst v63  }
0x592: {  	s22 =	simm.s32 $0x12E80  }
0x593: {  	[tilespmem:s22], [sflag:$0x3] =	stream.indirect_vreg.gather [hbm4b:s4+s2], $0x80, v4, vm0, $0xb8;
	[tilespmem:$0x1C680] =	vst v63  }
0x594: {  	s25 =	simm.s32 $0x13680  }
0x595: {  	[tilespmem:s25], [sflag:$0x3] =	stream.indirect_vreg.gather [hbm4b:s3+s2], $0x80, v3, vm0, $0xb8;
	[tilespmem:$0x1C680] =	vst v63  }
0x596: {  	_ = 	snop  }
0x597: {  	[tilespmem:s21], [sflag:$0x3] =	stream.indirect_vreg.gather [hbm4b:s4+s2], $0x80, v3, vm0, $0xb8;
	[tilespmem:$0x1C680] =	vst v63  }
0x598: {  	v3 =	vld.msk [tilespmem:$0x500], $0xff;
	_ =	sdelay $0x4  }
0x599: {  	v43 =	vshll.u32 v3, $0x2  }
0x59a: {  	v3 =	vand.u32 $0x7, v3;
	v4 =	vand.u32 $0xFFFFFFE0, v43  }
0x59b: {  	v3 =	vor.u32 v3, v4  }
0x59c: {  	v3 =	vperm.xlane v3, v0;
	_ =	sdelay $0x1  }
0x59d: {  	v3 =	vadd.s32 v1, v3;
	_ =	sdelay $0x3  }
0x59e: {  	s5 =	simm.s32 $0x14680  }
0x59f: {  	[tilespmem:s5], [sflag:$0x3] =	stream.indirect_vreg.gather [hbm4b:s3+s2], $0x80, v3, vm0, $0xb8;
	[tilespmem:$0x1C680] =	vst v63  }
0x5a0: {  	_ = 	snop  }
0x5a1: {  	[tilespmem:s8], [sflag:$0x3] =	stream.indirect_vreg.gather [hbm4b:s4+s2], $0x80, v3, vm0, $0xb8;
	[tilespmem:$0x1C680] =	vst v63  }
0x5a2: {  	_ =	swait.ge [sflag:s24], $0x7000  }
0x5a3: {  	[sflag:s24] =	ssyncset.done $0x0  }
0x5a4: {  	s0 =	simm.s32 $0x680;
	s6 =	rddreg [dreg:$0x17];
	[sflag:s24] =	ssyncadd.s32 $0xFFFF9000  }
0x5a5: {  	[hbm4b:s6+s2] =	stream.linear.scatter [tilespmem:s0], [sflag:$0x5], $0x7000, $0x38;
	[tilespmem:$0x1C680] =	vst v63  }
0x5a6: {  	_ =	swait.ge [sflag:s20], $0x7000  }
0x5a7: {  	[sflag:s20] =	ssyncset.done $0x0  }
0x5a8: {  	[sflag:s20] =	ssyncadd.s32 $0xFFFF9000  }
0x5a9: {  	v3 =	vld [tilespmem:$0x508];
	_ =	sdelay $0x4  }
0x5aa: {  	v44 =	vshll.u32 v3, $0x2  }
0x5ab: {  	v3 =	vand.u32 $0x7, v3;
	v4 =	vand.u32 $0xFFFFFFE0, v44  }
0x5ac: {  	v3 =	vor.u32 v3, v4  }
0x5ad: {  	v4 =	vperm.xlane v3, v0;
	_ =	sdelay $0x1  }
0x5ae: {  	v4 =	vadd.s32 v1, v4;
	_ =	sdelay $0x1  }
0x5af: {  	v3 =	vperm.xlane v3, v2;
	_ =	sdelay $0x1  }
0x5b0: {  	v3 =	vadd.s32 v1, v3  }
0x5b1: {  	[tilespmem:s1], [sflag:$0x4] =	stream.indirect_vreg.gather [hbm4b:s3+s2], $0x80, v4, vm0, $0xb8;
	[tilespmem:$0x1C680] =	vst v63  }
0x5b2: {  	_ = 	snop  }
0x5b3: {  	[tilespmem:s13], [sflag:$0x4] =	stream.indirect_vreg.gather [hbm4b:s4+s2], $0x80, v4, vm0, $0xb8;
	[tilespmem:$0x1C680] =	vst v63  }
0x5b4: {  	s8 =	simm.s32 $0x16680  }
0x5b5: {  	[tilespmem:s8], [sflag:$0x4] =	stream.indirect_vreg.gather [hbm4b:s3+s2], $0x80, v3, vm0, $0xb8;
	[tilespmem:$0x1C680] =	vst v63  }
0x5b6: {  	s9 =	simm.s32 $0x16E80  }
0x5b7: {  	[tilespmem:s9], [sflag:$0x4] =	stream.indirect_vreg.gather [hbm4b:s4+s2], $0x80, v3, vm0, $0xb8;
	[tilespmem:$0x1C680] =	vst v63  }
0x5b8: {  	v3 =	vld [tilespmem:$0x518];
	_ =	sdelay $0x4  }
0x5b9: {  	v45 =	vshll.u32 v3, $0x2  }
0x5ba: {  	v3 =	vand.u32 $0x7, v3;
	v4 =	vand.u32 $0xFFFFFFE0, v45  }
0x5bb: {  	v3 =	vor.u32 v3, v4  }
0x5bc: {  	v4 =	vperm.xlane v3, v0;
	_ =	sdelay $0x1  }
0x5bd: {  	v4 =	vadd.s32 v1, v4;
	_ =	sdelay $0x1  }
0x5be: {  	v3 =	vperm.xlane v3, v2;
	_ =	sdelay $0x1  }
0x5bf: {  	s10 =	simm.s32 $0x17680;
	v3 =	vadd.s32 v1, v3  }
0x5c0: {  	[tilespmem:s10], [sflag:$0x4] =	stream.indirect_vreg.gather [hbm4b:s3+s2], $0x80, v4, vm0, $0xb8;
	[tilespmem:$0x1C680] =	vst v63  }
0x5c1: {  	s11 =	simm.s32 $0x17E80  }
0x5c2: {  	[tilespmem:s11], [sflag:$0x4] =	stream.indirect_vreg.gather [hbm4b:s4+s2], $0x80, v4, vm0, $0xb8;
	[tilespmem:$0x1C680] =	vst v63  }
0x5c3: {  	s12 =	simm.s32 $0x18680  }
0x5c4: {  	[tilespmem:s12], [sflag:$0x4] =	stream.indirect_vreg.gather [hbm4b:s3+s2], $0x80, v3, vm0, $0xb8;
	[tilespmem:$0x1C680] =	vst v63  }
0x5c5: {  	s13 =	simm.s32 $0x18E80  }
0x5c6: {  	[tilespmem:s13], [sflag:$0x4] =	stream.indirect_vreg.gather [hbm4b:s4+s2], $0x80, v3, vm0, $0xb8;
	[tilespmem:$0x1C680] =	vst v63  }
0x5c7: {  	v3 =	vld [tilespmem:$0x528];
	_ =	sdelay $0x4  }
0x5c8: {  	v46 =	vshll.u32 v3, $0x2  }
0x5c9: {  	v3 =	vand.u32 $0x7, v3;
	v4 =	vand.u32 $0xFFFFFFE0, v46  }
0x5ca: {  	v3 =	vor.u32 v3, v4  }
0x5cb: {  	v4 =	vperm.xlane v3, v0;
	_ =	sdelay $0x1  }
0x5cc: {  	v4 =	vadd.s32 v1, v4;
	_ =	sdelay $0x1  }
0x5cd: {  	v3 =	vperm.xlane v3, v2;
	_ =	sdelay $0x1  }
0x5ce: {  	s21 =	simm.s32 $0x19680;
	v3 =	vadd.s32 v1, v3  }
0x5cf: {  	[tilespmem:s21], [sflag:$0x4] =	stream.indirect_vreg.gather [hbm4b:s3+s2], $0x80, v4, vm0, $0xb8;
	[tilespmem:$0x1C680] =	vst v63  }
0x5d0: {  	s22 =	simm.s32 $0x19E80  }
0x5d1: {  	[tilespmem:s22], [sflag:$0x4] =	stream.indirect_vreg.gather [hbm4b:s4+s2], $0x80, v4, vm0, $0xb8;
	[tilespmem:$0x1C680] =	vst v63  }
0x5d2: {  	s25 =	simm.s32 $0x1A680  }
0x5d3: {  	[tilespmem:s25], [sflag:$0x4] =	stream.indirect_vreg.gather [hbm4b:s3+s2], $0x80, v3, vm0, $0xb8;
	[tilespmem:$0x1C680] =	vst v63  }
0x5d4: {  	s1 =	simm.s32 $0x1AE80  }
0x5d5: {  	[tilespmem:s1], [sflag:$0x4] =	stream.indirect_vreg.gather [hbm4b:s4+s2], $0x80, v3, vm0, $0xb8;
	[tilespmem:$0x1C680] =	vst v63  }
0x5d6: {  	v3 =	vld.msk [tilespmem:$0x538], $0xff;
	_ =	sdelay $0x4  }
0x5d7: {  	v47 =	vshll.u32 v3, $0x2  }
0x5d8: {  	v3 =	vand.u32 $0x7, v3;
	v4 =	vand.u32 $0xFFFFFFE0, v47  }
0x5d9: {  	v3 =	vor.u32 v3, v4  }
0x5da: {  	v3 =	vperm.xlane v3, v0;
	_ =	sdelay $0x1  }
0x5db: {  	v3 =	vadd.s32 v1, v3;
	_ =	sdelay $0x3  }
0x5dc: {  	s11 =	simm.s32 $0x1B680  }
0x5dd: {  	[tilespmem:s11], [sflag:$0x4] =	stream.indirect_vreg.gather [hbm4b:s3+s2], $0x80, v3, vm0, $0xb8;
	[tilespmem:$0x1C680] =	vst v63  }
0x5de: {  	s13 =	simm.s32 $0x1BE80  }
0x5df: {  	[tilespmem:s13], [sflag:$0x4] =	stream.indirect_vreg.gather [hbm4b:s4+s2], $0x80, v3, vm0, $0xb8;
	[tilespmem:$0x1C680] =	vst v63  }
0x5e0: {  	_ =	swait.ge [sflag:s14], $0x7000  }
0x5e1: {  	[sflag:s14] =	ssyncset.done $0x0  }
0x5e2: {  	s11 =	simm.s32 $0x7680;
	s1 =	rddreg [dreg:$0x18];
	[sflag:s14] =	ssyncadd.s32 $0xFFFF9000  }
0x5e3: {  	[hbm4b:s1+s2] =	stream.linear.scatter [tilespmem:s11], [sflag:$0x6], $0x7000, $0x38;
	[tilespmem:$0x1C680] =	vst v63  }
0x5e4: {  	_ =	swait.ge [sflag:s15], $0x7000  }
0x5e5: {  	[sflag:s15] =	ssyncset.done $0x0  }
0x5e6: {  	[sflag:s15] =	ssyncadd.s32 $0xFFFF9000  }
0x5e7: {  	v3 =	vld [tilespmem:$0x540];
	_ =	sdelay $0x4  }
0x5e8: {  	v48 =	vshll.u32 v3, $0x2  }
0x5e9: {  	v3 =	vand.u32 $0x7, v3;
	v4 =	vand.u32 $0xFFFFFFE0, v48  }
0x5ea: {  	v3 =	vor.u32 v3, v4  }
0x5eb: {  	v4 =	vperm.xlane v3, v0;
	_ =	sdelay $0x1  }
0x5ec: {  	v4 =	vadd.s32 v1, v4;
	_ =	sdelay $0x1  }
0x5ed: {  	v3 =	vperm.xlane v3, v2;
	_ =	sdelay $0x1  }
0x5ee: {  	v3 =	vadd.s32 v1, v3  }
0x5ef: {  	[tilespmem:s0], [sflag:$0x1] =	stream.indirect_vreg.gather [hbm4b:s3+s2], $0x80, v4, vm0, $0xb8;
	[tilespmem:$0x1C680] =	vst v63  }
0x5f0: {  	s13 =	simm.s32 $0xE80  }
0x5f1: {  	[tilespmem:s13], [sflag:$0x1] =	stream.indirect_vreg.gather [hbm4b:s4+s2], $0x80, v4, vm0, $0xb8;
	[tilespmem:$0x1C680] =	vst v63  }
0x5f2: {  	s22 =	simm.s32 $0x1680  }
0x5f3: {  	[tilespmem:s22], [sflag:$0x1] =	stream.indirect_vreg.gather [hbm4b:s3+s2], $0x80, v3, vm0, $0xb8;
	[tilespmem:$0x1C680] =	vst v63  }
0x5f4: {  	s13 =	simm.s32 $0x1E80  }
0x5f5: {  	[tilespmem:s13], [sflag:$0x1] =	stream.indirect_vreg.gather [hbm4b:s4+s2], $0x80, v3, vm0, $0xb8;
	[tilespmem:$0x1C680] =	vst v63  }
0x5f6: {  	v3 =	vld [tilespmem:$0x550];
	_ =	sdelay $0x4  }
0x5f7: {  	v49 =	vshll.u32 v3, $0x2  }
0x5f8: {  	v3 =	vand.u32 $0x7, v3;
	v4 =	vand.u32 $0xFFFFFFE0, v49  }
0x5f9: {  	v3 =	vor.u32 v3, v4  }
0x5fa: {  	v4 =	vperm.xlane v3, v0;
	_ =	sdelay $0x1  }
0x5fb: {  	v4 =	vadd.s32 v1, v4;
	_ =	sdelay $0x1  }
0x5fc: {  	v3 =	vperm.xlane v3, v2;
	_ =	sdelay $0x1  }
0x5fd: {  	s26 =	simm.s32 $0x2680;
	v3 =	vadd.s32 v1, v3  }
0x5fe: {  	[tilespmem:s26], [sflag:$0x1] =	stream.indirect_vreg.gather [hbm4b:s3+s2], $0x80, v4, vm0, $0xb8;
	[tilespmem:$0x1C680] =	vst v63  }
0x5ff: {  	s28 =	simm.s32 $0x2E80  }
0x600: {  	[tilespmem:s28], [sflag:$0x1] =	stream.indirect_vreg.gather [hbm4b:s4+s2], $0x80, v4, vm0, $0xb8;
	[tilespmem:$0x1C680] =	vst v63  }
0x601: {  	s22 =	simm.s32 $0x3680  }
0x602: {  	[tilespmem:s22], [sflag:$0x1] =	stream.indirect_vreg.gather [hbm4b:s3+s2], $0x80, v3, vm0, $0xb8;
	[tilespmem:$0x1C680] =	vst v63  }
0x603: {  	s26 =	simm.s32 $0x3E80  }
0x604: {  	[tilespmem:s26], [sflag:$0x1] =	stream.indirect_vreg.gather [hbm4b:s4+s2], $0x80, v3, vm0, $0xb8;
	[tilespmem:$0x1C680] =	vst v63  }
0x605: {  	v3 =	vld [tilespmem:$0x560];
	_ =	sdelay $0x4  }
0x606: {  	v50 =	vshll.u32 v3, $0x2  }
0x607: {  	v3 =	vand.u32 $0x7, v3;
	v4 =	vand.u32 $0xFFFFFFE0, v50  }
0x608: {  	v3 =	vor.u32 v3, v4  }
0x609: {  	v4 =	vperm.xlane v3, v0;
	_ =	sdelay $0x1  }
0x60a: {  	v4 =	vadd.s32 v1, v4;
	_ =	sdelay $0x1  }
0x60b: {  	v3 =	vperm.xlane v3, v2;
	_ =	sdelay $0x1  }
0x60c: {  	s28 =	simm.s32 $0x4680;
	v3 =	vadd.s32 v1, v3  }
0x60d: {  	[tilespmem:s28], [sflag:$0x1] =	stream.indirect_vreg.gather [hbm4b:s3+s2], $0x80, v4, vm0, $0xb8;
	[tilespmem:$0x1C680] =	vst v63  }
0x60e: {  	s29 =	simm.s32 $0x4E80  }
0x60f: {  	[tilespmem:s29], [sflag:$0x1] =	stream.indirect_vreg.gather [hbm4b:s4+s2], $0x80, v4, vm0, $0xb8;
	[tilespmem:$0x1C680] =	vst v63  }
0x610: {  	s30 =	simm.s32 $0x5680  }
0x611: {  	[tilespmem:s30], [sflag:$0x1] =	stream.indirect_vreg.gather [hbm4b:s3+s2], $0x80, v3, vm0, $0xb8;
	[tilespmem:$0x1C680] =	vst v63  }
0x612: {  	s30 =	simm.s32 $0x5E80  }
0x613: {  	[tilespmem:s30], [sflag:$0x1] =	stream.indirect_vreg.gather [hbm4b:s4+s2], $0x80, v3, vm0, $0xb8;
	[tilespmem:$0x1C680] =	vst v63  }
0x614: {  	v3 =	vld.msk [tilespmem:$0x570], $0xff;
	_ =	sdelay $0x4  }
0x615: {  	v51 =	vshll.u32 v3, $0x2  }
0x616: {  	v3 =	vand.u32 $0x7, v3;
	v4 =	vand.u32 $0xFFFFFFE0, v51  }
0x617: {  	v3 =	vor.u32 v3, v4  }
0x618: {  	v3 =	vperm.xlane v3, v0;
	_ =	sdelay $0x1  }
0x619: {  	v3 =	vadd.s32 v1, v3;
	_ =	sdelay $0x3  }
0x61a: {  	s31 =	simm.s32 $0x6680  }
0x61b: {  	[tilespmem:s31], [sflag:$0x1] =	stream.indirect_vreg.gather [hbm4b:s3+s2], $0x80, v3, vm0, $0xb8;
	[tilespmem:$0x1C680] =	vst v63  }
0x61c: {  	s31 =	simm.s32 $0x6E80  }
0x61d: {  	[tilespmem:s31], [sflag:$0x1] =	stream.indirect_vreg.gather [hbm4b:s4+s2], $0x80, v3, vm0, $0xb8;
	[tilespmem:$0x1C680] =	vst v63  }
0x61e: {  	_ =	swait.ge [sflag:s16], $0x7000  }
0x61f: {  	[sflag:s16] =	ssyncset.done $0x0  }
0x620: {  	s0 =	simm.s32 $0xE680;
	s13 =	rddreg [dreg:$0x19];
	[sflag:s16] =	ssyncadd.s32 $0xFFFF9000  }
0x621: {  	[hbm4b:s13+s2] =	stream.linear.scatter [tilespmem:s0], [sflag:$0x7], $0x7000, $0x38;
	[tilespmem:$0x1C680] =	vst v63  }
0x622: {  	_ =	swait.ge [sflag:s17], $0x7000  }
0x623: {  	[sflag:s17] =	ssyncset.done $0x0  }
0x624: {  	[sflag:s17] =	ssyncadd.s32 $0xFFFF9000  }
0x625: {  	v3 =	vld [tilespmem:$0x578];
	_ =	sdelay $0x4  }
0x626: {  	v52 =	vshll.u32 v3, $0x2  }
0x627: {  	v3 =	vand.u32 $0x7, v3;
	v4 =	vand.u32 $0xFFFFFFE0, v52  }
0x628: {  	v3 =	vor.u32 v3, v4  }
0x629: {  	v4 =	vperm.xlane v3, v0;
	_ =	sdelay $0x1  }
0x62a: {  	v4 =	vadd.s32 v1, v4;
	_ =	sdelay $0x1  }
0x62b: {  	v3 =	vperm.xlane v3, v2;
	_ =	sdelay $0x1  }
0x62c: {  	v3 =	vadd.s32 v1, v3  }
0x62d: {  	[tilespmem:s11], [sflag:$0x2] =	stream.indirect_vreg.gather [hbm4b:s3+s2], $0x80, v4, vm0, $0xb8;
	[tilespmem:$0x1C680] =	vst v63  }
0x62e: {  	s26 =	simm.s32 $0x7E80  }
0x62f: {  	[tilespmem:s26], [sflag:$0x2] =	stream.indirect_vreg.gather [hbm4b:s4+s2], $0x80, v4, vm0, $0xb8;
	[tilespmem:$0x1C680] =	vst v63  }
0x630: {  	s28 =	simm.s32 $0x8680  }
0x631: {  	[tilespmem:s28], [sflag:$0x2] =	stream.indirect_vreg.gather [hbm4b:s3+s2], $0x80, v3, vm0, $0xb8;
	[tilespmem:$0x1C680] =	vst v63  }
0x632: {  	s29 =	simm.s32 $0x8E80  }
0x633: {  	[tilespmem:s29], [sflag:$0x2] =	stream.indirect_vreg.gather [hbm4b:s4+s2], $0x80, v3, vm0, $0xb8;
	[tilespmem:$0x1C680] =	vst v63  }
0x634: {  	v3 =	vld [tilespmem:$0x588];
	_ =	sdelay $0x4  }
0x635: {  	v53 =	vshll.u32 v3, $0x2  }
0x636: {  	v3 =	vand.u32 $0x7, v3;
	v4 =	vand.u32 $0xFFFFFFE0, v53  }
0x637: {  	v3 =	vor.u32 v3, v4  }
0x638: {  	v4 =	vperm.xlane v3, v0;
	_ =	sdelay $0x1  }
0x639: {  	v4 =	vadd.s32 v1, v4;
	_ =	sdelay $0x1  }
0x63a: {  	v3 =	vperm.xlane v3, v2;
	_ =	sdelay $0x1  }
0x63b: {  	s30 =	simm.s32 $0x9680;
	v3 =	vadd.s32 v1, v3  }
0x63c: {  	[tilespmem:s30], [sflag:$0x2] =	stream.indirect_vreg.gather [hbm4b:s3+s2], $0x80, v4, vm0, $0xb8;
	[tilespmem:$0x1C680] =	vst v63  }
0x63d: {  	s31 =	simm.s32 $0x9E80  }
0x63e: {  	[tilespmem:s31], [sflag:$0x2] =	stream.indirect_vreg.gather [hbm4b:s4+s2], $0x80, v4, vm0, $0xb8;
	[tilespmem:$0x1C680] =	vst v63  }
0x63f: {  	s22 =	simm.s32 $0xA680  }
0x640: {  	[tilespmem:s22], [sflag:$0x2] =	stream.indirect_vreg.gather [hbm4b:s3+s2], $0x80, v3, vm0, $0xb8;
	[tilespmem:$0x1C680] =	vst v63  }
0x641: {  	s26 =	simm.s32 $0xAE80  }
0x642: {  	[tilespmem:s26], [sflag:$0x2] =	stream.indirect_vreg.gather [hbm4b:s4+s2], $0x80, v3, vm0, $0xb8;
	[tilespmem:$0x1C680] =	vst v63  }
0x643: {  	v3 =	vld [tilespmem:$0x598];
	_ =	sdelay $0x4  }
0x644: {  	v54 =	vshll.u32 v3, $0x2  }
0x645: {  	v3 =	vand.u32 $0x7, v3;
	v4 =	vand.u32 $0xFFFFFFE0, v54  }
0x646: {  	v3 =	vor.u32 v3, v4  }
0x647: {  	v4 =	vperm.xlane v3, v0;
	_ =	sdelay $0x1  }
0x648: {  	v4 =	vadd.s32 v1, v4;
	_ =	sdelay $0x1  }
0x649: {  	v3 =	vperm.xlane v3, v2;
	_ =	sdelay $0x1  }
0x64a: {  	s28 =	simm.s32 $0xB680;
	v3 =	vadd.s32 v1, v3  }
0x64b: {  	[tilespmem:s28], [sflag:$0x2] =	stream.indirect_vreg.gather [hbm4b:s3+s2], $0x80, v4, vm0, $0xb8;
	[tilespmem:$0x1C680] =	vst v63  }
0x64c: {  	s29 =	simm.s32 $0xBE80  }
0x64d: {  	[tilespmem:s29], [sflag:$0x2] =	stream.indirect_vreg.gather [hbm4b:s4+s2], $0x80, v4, vm0, $0xb8;
	[tilespmem:$0x1C680] =	vst v63  }
0x64e: {  	s30 =	simm.s32 $0xC680  }
0x64f: {  	[tilespmem:s30], [sflag:$0x2] =	stream.indirect_vreg.gather [hbm4b:s3+s2], $0x80, v3, vm0, $0xb8;
	[tilespmem:$0x1C680] =	vst v63  }
0x650: {  	s31 =	simm.s32 $0xCE80  }
0x651: {  	[tilespmem:s31], [sflag:$0x2] =	stream.indirect_vreg.gather [hbm4b:s4+s2], $0x80, v3, vm0, $0xb8;
	[tilespmem:$0x1C680] =	vst v63  }
0x652: {  	v3 =	vld.msk [tilespmem:$0x5A8], $0xff;
	_ =	sdelay $0x4  }
0x653: {  	v55 =	vshll.u32 v3, $0x2  }
0x654: {  	v3 =	vand.u32 $0x7, v3;
	v4 =	vand.u32 $0xFFFFFFE0, v55  }
0x655: {  	v3 =	vor.u32 v3, v4  }
0x656: {  	v3 =	vperm.xlane v3, v0;
	_ =	sdelay $0x1  }
0x657: {  	v3 =	vadd.s32 v1, v3;
	_ =	sdelay $0x3  }
0x658: {  	s22 =	simm.s32 $0xD680  }
0x659: {  	[tilespmem:s22], [sflag:$0x2] =	stream.indirect_vreg.gather [hbm4b:s3+s2], $0x80, v3, vm0, $0xb8;
	[tilespmem:$0x1C680] =	vst v63  }
0x65a: {  	s23 =	simm.s32 $0xDE80  }
0x65b: {  	[tilespmem:s23], [sflag:$0x2] =	stream.indirect_vreg.gather [hbm4b:s4+s2], $0x80, v3, vm0, $0xb8;
	[tilespmem:$0x1C680] =	vst v63  }
0x65c: {  	_ =	swait.ge [sflag:s18], $0x7000  }
0x65d: {  	[sflag:s18] =	ssyncset.done $0x0  }
0x65e: {  	s23 =	simm.s32 $0x15680;
	s26 =	rddreg [dreg:$0x1a];
	[sflag:s18] =	ssyncadd.s32 $0xFFFF9000  }
0x65f: {  	[hbm4b:s26+s2] =	stream.linear.scatter [tilespmem:s23], [sflag:$0x8], $0x7000, $0x38;
	[tilespmem:$0x1C680] =	vst v63  }
0x660: {  	_ =	swait.ge [sflag:s19], $0x7000  }
0x661: {  	[sflag:s19] =	ssyncset.done $0x0  }
0x662: {  	[sflag:s19] =	ssyncadd.s32 $0xFFFF9000  }
0x663: {  	v3 =	vld [tilespmem:$0x5B0];
	_ =	sdelay $0x4  }
0x664: {  	v56 =	vshll.u32 v3, $0x2  }
0x665: {  	v3 =	vand.u32 $0x7, v3;
	v4 =	vand.u32 $0xFFFFFFE0, v56  }
0x666: {  	v3 =	vor.u32 v3, v4  }
0x667: {  	v4 =	vperm.xlane v3, v0;
	_ =	sdelay $0x1  }
0x668: {  	v4 =	vadd.s32 v1, v4;
	_ =	sdelay $0x1  }
0x669: {  	v3 =	vperm.xlane v3, v2;
	_ =	sdelay $0x1  }
0x66a: {  	v3 =	vadd.s32 v1, v3  }
0x66b: {  	[tilespmem:s0], [sflag:$0x3] =	stream.indirect_vreg.gather [hbm4b:s3+s2], $0x80, v4, vm0, $0xb8;
	[tilespmem:$0x1C680] =	vst v63  }
0x66c: {  	s28 =	simm.s32 $0xEE80  }
0x66d: {  	[tilespmem:s28], [sflag:$0x3] =	stream.indirect_vreg.gather [hbm4b:s4+s2], $0x80, v4, vm0, $0xb8;
	[tilespmem:$0x1C680] =	vst v63  }
0x66e: {  	s29 =	simm.s32 $0xF680  }
0x66f: {  	[tilespmem:s29], [sflag:$0x3] =	stream.indirect_vreg.gather [hbm4b:s3+s2], $0x80, v3, vm0, $0xb8;
	[tilespmem:$0x1C680] =	vst v63  }
0x670: {  	s30 =	simm.s32 $0xFE80  }
0x671: {  	[tilespmem:s30], [sflag:$0x3] =	stream.indirect_vreg.gather [hbm4b:s4+s2], $0x80, v3, vm0, $0xb8;
	[tilespmem:$0x1C680] =	vst v63  }
0x672: {  	v3 =	vld [tilespmem:$0x5C0];
	_ =	sdelay $0x4  }
0x673: {  	v57 =	vshll.u32 v3, $0x2  }
0x674: {  	v3 =	vand.u32 $0x7, v3;
	v4 =	vand.u32 $0xFFFFFFE0, v57  }
0x675: {  	v3 =	vor.u32 v3, v4  }
0x676: {  	v4 =	vperm.xlane v3, v0;
	_ =	sdelay $0x1  }
0x677: {  	v4 =	vadd.s32 v1, v4;
	_ =	sdelay $0x1  }
0x678: {  	v3 =	vperm.xlane v3, v2;
	_ =	sdelay $0x1  }
0x679: {  	s31 =	simm.s32 $0x10680;
	v3 =	vadd.s32 v1, v3  }
0x67a: {  	[tilespmem:s31], [sflag:$0x3] =	stream.indirect_vreg.gather [hbm4b:s3+s2], $0x80, v4, vm0, $0xb8;
	[tilespmem:$0x1C680] =	vst v63  }
0x67b: {  	s26 =	simm.s32 $0x10E80  }
0x67c: {  	[tilespmem:s26], [sflag:$0x3] =	stream.indirect_vreg.gather [hbm4b:s4+s2], $0x80, v4, vm0, $0xb8;
	[tilespmem:$0x1C680] =	vst v63  }
0x67d: {  	s28 =	simm.s32 $0x11680  }
0x67e: {  	[tilespmem:s28], [sflag:$0x3] =	stream.indirect_vreg.gather [hbm4b:s3+s2], $0x80, v3, vm0, $0xb8;
	[tilespmem:$0x1C680] =	vst v63  }
0x67f: {  	s29 =	simm.s32 $0x11E80  }
0x680: {  	[tilespmem:s29], [sflag:$0x3] =	stream.indirect_vreg.gather [hbm4b:s4+s2], $0x80, v3, vm0, $0xb8;
	[tilespmem:$0x1C680] =	vst v63  }
0x681: {  	v3 =	vld [tilespmem:$0x5D0];
	_ =	sdelay $0x4  }
0x682: {  	v58 =	vshll.u32 v3, $0x2  }
0x683: {  	v3 =	vand.u32 $0x7, v3;
	v4 =	vand.u32 $0xFFFFFFE0, v58  }
0x684: {  	v3 =	vor.u32 v3, v4  }
0x685: {  	v4 =	vperm.xlane v3, v0;
	_ =	sdelay $0x1  }
0x686: {  	v4 =	vadd.s32 v1, v4;
	_ =	sdelay $0x1  }
0x687: {  	v3 =	vperm.xlane v3, v2;
	_ =	sdelay $0x1  }
0x688: {  	s30 =	simm.s32 $0x12680;
	v3 =	vadd.s32 v1, v3  }
0x689: {  	[tilespmem:s30], [sflag:$0x3] =	stream.indirect_vreg.gather [hbm4b:s3+s2], $0x80, v4, vm0, $0xb8;
	[tilespmem:$0x1C680] =	vst v63  }
0x68a: {  	s31 =	simm.s32 $0x12E80  }
0x68b: {  	[tilespmem:s31], [sflag:$0x3] =	stream.indirect_vreg.gather [hbm4b:s4+s2], $0x80, v4, vm0, $0xb8;
	[tilespmem:$0x1C680] =	vst v63  }
0x68c: {  	s26 =	simm.s32 $0x13680  }
0x68d: {  	[tilespmem:s26], [sflag:$0x3] =	stream.indirect_vreg.gather [hbm4b:s3+s2], $0x80, v3, vm0, $0xb8;
	[tilespmem:$0x1C680] =	vst v63  }
0x68e: {  	s7 =	simm.s32 $0x13E80  }
0x68f: {  	[tilespmem:s7], [sflag:$0x3] =	stream.indirect_vreg.gather [hbm4b:s4+s2], $0x80, v3, vm0, $0xb8;
	[tilespmem:$0x1C680] =	vst v63  }
0x690: {  	v3 =	vld.msk [tilespmem:$0x5E0], $0xff;
	_ =	sdelay $0x4  }
0x691: {  	v59 =	vshll.u32 v3, $0x2  }
0x692: {  	v3 =	vand.u32 $0x7, v3;
	v4 =	vand.u32 $0xFFFFFFE0, v59  }
0x693: {  	v3 =	vor.u32 v3, v4  }
0x694: {  	v3 =	vperm.xlane v3, v0;
	_ =	sdelay $0x1  }
0x695: {  	v3 =	vadd.s32 v1, v3;
	_ =	sdelay $0x3  }
0x696: {  	s28 =	simm.s32 $0x14680  }
0x697: {  	[tilespmem:s28], [sflag:$0x3] =	stream.indirect_vreg.gather [hbm4b:s3+s2], $0x80, v3, vm0, $0xb8;
	[tilespmem:$0x1C680] =	vst v63  }
0x698: {  	s29 =	simm.s32 $0x14E80  }
0x699: {  	[tilespmem:s29], [sflag:$0x3] =	stream.indirect_vreg.gather [hbm4b:s4+s2], $0x80, v3, vm0, $0xb8;
	[tilespmem:$0x1C680] =	vst v63  }
0x69a: {  	s0 =	rddreg [dreg:$0x1f];
	_ =	swait.ge [sflag:s24], $0x7000  }
0x69b: {  	[sflag:s24] =	ssyncset.done $0x0  }
0x69c: {  	s1 =	simm.s32 $0x680;
	s30 =	rddreg [dreg:$0x1b];
	[sflag:s24] =	ssyncadd.s32 $0xFFFF9000  }
0x69d: {  	[hbm4b:s30+s2] =	stream.linear.scatter [tilespmem:s1], [sflag:$0x5], $0x7000, $0x38;
	[tilespmem:$0x1C680] =	vst v63  }
0x69e: {  	_ =	swait.ge [sflag:s20], $0x7000  }
0x69f: {  	[sflag:s20] =	ssyncset.done $0x0  }
0x6a0: {  	[sflag:s20] =	ssyncadd.s32 $0xFFFF9000  }
0x6a1: {  	v3 =	vld [tilespmem:$0x5E8];
	_ =	sdelay $0x4  }
0x6a2: {  	v60 =	vshll.u32 v3, $0x2  }
0x6a3: {  	v3 =	vand.u32 $0x7, v3;
	v4 =	vand.u32 $0xFFFFFFE0, v60  }
0x6a4: {  	v3 =	vor.u32 v3, v4  }
0x6a5: {  	v4 =	vperm.xlane v3, v0;
	_ =	sdelay $0x1  }
0x6a6: {  	v4 =	vadd.s32 v1, v4;
	_ =	sdelay $0x1  }
0x6a7: {  	v3 =	vperm.xlane v3, v2;
	_ =	sdelay $0x1  }
0x6a8: {  	v3 =	vadd.s32 v1, v3  }
0x6a9: {  	[tilespmem:s23], [sflag:$0x4] =	stream.indirect_vreg.gather [hbm4b:s3+s2], $0x80, v4, vm0, $0xb8;
	[tilespmem:$0x1C680] =	vst v63  }
0x6aa: {  	s31 =	simm.s32 $0x15E80  }
0x6ab: {  	[tilespmem:s31], [sflag:$0x4] =	stream.indirect_vreg.gather [hbm4b:s4+s2], $0x80, v4, vm0, $0xb8;
	[tilespmem:$0x1C680] =	vst v63  }
0x6ac: {  	s5 =	simm.s32 $0x16680  }
0x6ad: {  	[tilespmem:s5], [sflag:$0x4] =	stream.indirect_vreg.gather [hbm4b:s3+s2], $0x80, v3, vm0, $0xb8;
	[tilespmem:$0x1C680] =	vst v63  }
0x6ae: {  	s22 =	simm.s32 $0x16E80  }
0x6af: {  	[tilespmem:s22], [sflag:$0x4] =	stream.indirect_vreg.gather [hbm4b:s4+s2], $0x80, v3, vm0, $0xb8;
	[tilespmem:$0x1C680] =	vst v63  }
0x6b0: {  	v3 =	vld [tilespmem:$0x5F8];
	_ =	sdelay $0x4  }
0x6b1: {  	v61 =	vshll.u32 v3, $0x2  }
0x6b2: {  	v3 =	vand.u32 $0x7, v3;
	v4 =	vand.u32 $0xFFFFFFE0, v61  }
0x6b3: {  	v3 =	vor.u32 v3, v4  }
0x6b4: {  	v4 =	vperm.xlane v3, v0;
	_ =	sdelay $0x1  }
0x6b5: {  	v4 =	vadd.s32 v1, v4;
	_ =	sdelay $0x1  }
0x6b6: {  	v3 =	vperm.xlane v3, v2;
	_ =	sdelay $0x1  }
0x6b7: {  	s6 =	simm.s32 $0x17680;
	v3 =	vadd.s32 v1, v3  }
0x6b8: {  	[tilespmem:s6], [sflag:$0x4] =	stream.indirect_vreg.gather [hbm4b:s3+s2], $0x80, v4, vm0, $0xb8;
	[tilespmem:$0x1C680] =	vst v63  }
0x6b9: {  	s8 =	simm.s32 $0x17E80  }
0x6ba: {  	[tilespmem:s8], [sflag:$0x4] =	stream.indirect_vreg.gather [hbm4b:s4+s2], $0x80, v4, vm0, $0xb8;
	[tilespmem:$0x1C680] =	vst v63  }
0x6bb: {  	s9 =	simm.s32 $0x18680  }
0x6bc: {  	[tilespmem:s9], [sflag:$0x4] =	stream.indirect_vreg.gather [hbm4b:s3+s2], $0x80, v3, vm0, $0xb8;
	[tilespmem:$0x1C680] =	vst v63  }
0x6bd: {  	s23 =	simm.s32 $0x18E80  }
0x6be: {  	[tilespmem:s23], [sflag:$0x4] =	stream.indirect_vreg.gather [hbm4b:s4+s2], $0x80, v3, vm0, $0xb8;
	[tilespmem:$0x1C680] =	vst v63  }
0x6bf: {  	v3 =	vld [tilespmem:$0x608];
	_ =	sdelay $0x4  }
0x6c0: {  	v62 =	vshll.u32 v3, $0x2  }
0x6c1: {  	v3 =	vand.u32 $0x7, v3;
	v4 =	vand.u32 $0xFFFFFFE0, v62  }
0x6c2: {  	v3 =	vor.u32 v3, v4  }
0x6c3: {  	v4 =	vperm.xlane v3, v0;
	_ =	sdelay $0x1  }
0x6c4: {  	v4 =	vadd.s32 v1, v4;
	_ =	sdelay $0x1  }
0x6c5: {  	v3 =	vperm.xlane v3, v2;
	_ =	sdelay $0x1  }
0x6c6: {  	s10 =	simm.s32 $0x19680;
	v3 =	vadd.s32 v1, v3  }
0x6c7: {  	[tilespmem:s10], [sflag:$0x4] =	stream.indirect_vreg.gather [hbm4b:s3+s2], $0x80, v4, vm0, $0xb8;
	[tilespmem:$0x1C680] =	vst v63  }
0x6c8: {  	s12 =	simm.s32 $0x19E80  }
0x6c9: {  	[tilespmem:s12], [sflag:$0x4] =	stream.indirect_vreg.gather [hbm4b:s4+s2], $0x80, v4, vm0, $0xb8;
	[tilespmem:$0x1C680] =	vst v63  }
0x6ca: {  	s21 =	simm.s32 $0x1A680  }
0x6cb: {  	[tilespmem:s21], [sflag:$0x4] =	stream.indirect_vreg.gather [hbm4b:s3+s2], $0x80, v3, vm0, $0xb8;
	[tilespmem:$0x1C680] =	vst v63  }
0x6cc: {  	s26 =	simm.s32 $0x1AE80  }
0x6cd: {  	[tilespmem:s26], [sflag:$0x4] =	stream.indirect_vreg.gather [hbm4b:s4+s2], $0x80, v3, vm0, $0xb8;
	[tilespmem:$0x1C680] =	vst v63  }
0x6ce: {  	v3 =	vld.msk [tilespmem:$0x618], $0xff;
	_ =	sdelay $0x4  }
0x6cf: {  	v63 =	vshll.u32 v3, $0x2  }
0x6d0: {  	v3 =	vand.u32 $0x7, v3;
	v4 =	vand.u32 $0xFFFFFFE0, v63  }
0x6d1: {  	v3 =	vor.u32 v3, v4  }
0x6d2: {  	v3 =	vperm.xlane v3, v0;
	_ =	sdelay $0x1  }
0x6d3: {  	v3 =	vadd.s32 v1, v3;
	_ =	sdelay $0x3  }
0x6d4: {  	s25 =	simm.s32 $0x1B680  }
0x6d5: {  	[tilespmem:s25], [sflag:$0x4] =	stream.indirect_vreg.gather [hbm4b:s3+s2], $0x80, v3, vm0, $0xb8;
	[tilespmem:$0x1C680] =	vst v63  }
0x6d6: {  	s28 =	simm.s32 $0x1BE80  }
0x6d7: {  	[tilespmem:s28], [sflag:$0x4] =	stream.indirect_vreg.gather [hbm4b:s4+s2], $0x80, v3, vm0, $0xb8;
	[tilespmem:$0x1C680] =	vst v63  }
0x6d8: {  	_ =	swait.ge [sflag:s14], $0x7000  }
0x6d9: {  	[sflag:s14] =	ssyncset.done $0x0  }
0x6da: {  	s11 =	simm.s32 $0x7680;
	s29 =	rddreg [dreg:$0x1c];
	[sflag:s14] =	ssyncadd.s32 $0xFFFF9000  }
0x6db: {  	[hbm4b:s29+s2] =	stream.linear.scatter [tilespmem:s11], [sflag:$0x6], $0x7000, $0x38;
	[tilespmem:$0x1C680] =	vst v63  }
0x6dc: {  	_ =	swait.ge [sflag:s16], $0x7000  }
0x6dd: {  	[sflag:s16] =	ssyncset.done $0x0  }
0x6de: {  	s13 =	simm.s32 $0xE680;
	s30 =	rddreg [dreg:$0x1d];
	[sflag:s16] =	ssyncadd.s32 $0xFFFF9000  }
0x6df: {  	[hbm4b:s30+s2] =	stream.linear.scatter [tilespmem:s13], [sflag:$0x7], $0x7000, $0x38;
	[tilespmem:$0x1C680] =	vst v63  }
0x6e0: {  	_ =	swait.ge [sflag:s18], $0x7000  }
0x6e1: {  	[sflag:s18] =	ssyncset.done $0x0  }
0x6e2: {  	s1 =	simm.s32 $0x15680;
	s31 =	rddreg [dreg:$0x1e];
	[sflag:s18] =	ssyncadd.s32 $0xFFFF9000  }
0x6e3: {  	[hbm4b:s31+s2] =	stream.linear.scatter [tilespmem:s1], [sflag:$0x8], $0x7000, $0x38;
	[tilespmem:$0x1C680] =	vst v63  }
0x6e4: {  	_ =	swait.ge [sflag:s15], $0x7000  }
0x6e5: {  	[sflag:s15] =	ssyncset.done $0x0  }
0x6e6: {  	[sflag:s15] =	ssyncadd.s32 $0xFFFF9000  }
0x6e7: {  	_ =	swait.ge [sflag:s17], $0x7000  }
0x6e8: {  	[sflag:s17] =	ssyncset.done $0x0  }
0x6e9: {  	[sflag:s17] =	ssyncadd.s32 $0xFFFF9000  }
0x6ea: {  	p0 =	sne.s32 s0, $0x1;
	_ =	swait.ge [sflag:s19], $0x7000  }
.Ltmp0:
0x6eb: {  	[sflag:s19] =	ssyncset.done $0x0;
	(pc) =	sbr.rel @p0 .LBB2_1-.Ltmp0, $4  }
0x6ec: {  	[sflag:s19] =	ssyncadd.s32 $0xFFFF9000  }
0x6ed: {  	_ =	swait.ge [sflag:s20], $0x7000  }
0x6ee: {  	[sflag:s20] =	ssyncset.done $0x0  }
0x6ef: {  	s0 =	sadd.s32 $0xFFFFFFFF, s0;
	[sflag:s20] =	ssyncadd.s32 $0xFFFF9000  }
0x6f0: {  	_ =	sfence.sel $0x180000  }
0x6f1: {  	[bflag:$0x0] =	sbarrier.arrive $0xFFFF  }
0x6f2: {  	_ =	strace $0x9000004D  }
0x6f3: {  	s0 =	stileid.u32;
	[bflag:$0x2] =	sbarrier.arrive $0xFFFF  }
0x6f4: {  	p0 =	sne.s32 s0, $0x0;
	s0 =	rddreg [dreg:$0x1]  }
0x6f5: {  	s0 =	sadd.s32 @!p0 $0x100000, s0  }
0x6f6: {  	[sflag:s0] =	ssyncadd.tile.s32 @!p0 $0x1;
	_ =	shalt  }
.Lfunc_end2:
_tile_overlayer_lowered:
.L_overlay_start_2:
0x6f7: {  	(tag) =	ssettag $0x2  }
0x6f8: {  	s0 =	rddreg [dreg:$0x0];
	s2 =	stileid.u32  }
0x6f9: {  	s1 =	rddreg [dreg:$0x1];
	p0 =	sne.s32 s2, $0x0  }
0x6fa: {  	s3 =	rddreg [dreg:$0x2];
	[bflag:$0x3] =	sbarrier.arrive $0xFFFF;
	s2 =	simm.s32 @!p0 $0x1C09  }
0x6fb: {  	[timem:s3], [sflag:s2] =	dma.local @!p0 [hbm:s0], s1  }
0x6fc: {  	s0 =	simm.s32 @!p0 $0x9  }
0x6fd: {  	_ =	swait.ge @!p0 [sflag:s0], s1  }
0x6fe: {  	s1 =	ssub.s32 @!p0 $0x0, s1;
	[sflag:s0] =	ssyncset.done @!p0 $0x0  }
0x6ff: {  	[sflag:s0] =	ssyncadd.s32 @!p0 s1  }
0x700: {  	[bflag:$0x3] =	sbarrier.arrive $0xFFFF  }
0x701: {  	_ =	shalt  }

// kernel: kernel.7.cloned.1.call-start
scs
__scs_entry_jumppad:
0x0: {  	(pc) =	sbr.rel $0x88, $3  }
0x1: {  	(tag) =	ssettag $0x0;
	lr =	simm.s32 $0x1  }
0x2: {  	[smem:$0x3F95] =	sst lr;
	_ =	strace $0xD0000000  }
0x3: {  	_ = 	snop  }
0x4: {  	_ = 	snop  }
0x5: {  	_ = 	snop  }
0x6: {  	_ = 	snop  }
0x7: {  	_ = 	snop  }
__scs_overlays_trampoline_lowered:
0x8: {  	[smem:$0x3FA4] =	sst s0  }
0x9: {  	[smem:$0x3FA5] =	sst s1  }
0xa: {  	[smem:$0x3FA6] =	sst s2  }
0xb: {  	[smem:$0x3FA7] =	sst s3  }
0xc: {  	[smem:$0x3FA8] =	sst s4  }
0xd: {  	[smem:$0x3FA9] =	sst s5  }
0xe: {  	[smem:$0x3FAA] =	sst s6  }
0xf: {  	[smem:$0x3FAB] =	sst s7  }
0x10: {  	[smem:$0x3FAC] =	sst s8  }
0x11: {  	[smem:$0x3FAD] =	sst s9;
	s0 =	simm.s32 @!p0 $0x0  }
0x12: {  	s1 =	sld [smem:$0x3F93];
	s0 =	simm.s32 @p0 $0x1  }
0x13: {  	[smem:$0x3FAE] =	sst s0;
	s0 =	simm.s32 @!p1 $0x0  }
0x14: {  	s2 =	sld [smem:$0x3F92];
	s0 =	simm.s32 @p1 $0x1  }
0x15: {  	[smem:$0x3FAF] =	sst s0;
	s0 =	simm.s32 @!p2 $0x0  }
0x16: {  	s3 =	sld [smem:$0x3FDB];
	s0 =	simm.s32 @p2 $0x1  }
0x17: {  	s4 =	simm.s32 $0x1BF5;
	[smem:$0x3FB1] =	sst s0  }
0x18: {  	s0 =	sld [smem:$0x3F94];
	_ =	swait.ge [sflag:s4], $0x0  }
0x19: {  	s7 =	sld [smem:$0x3F95]  }
0x1a: {  	s8 =	sadd.s32 $0xFFFFE003, lr  }
0x1b: {  	s9 =	sadd.s32 $0xFFFFFEF7, lr;
	s5 =	simm.s32 $0xFFFFFFFF;
	p2 =	slt.u32 s8, $0xFFFFF086  }
0x1c: {  	p1 =	slt.u32 s9, $0xF7A;
	s5 =	simm.s32 @!p2 $0x0  }
0x1d: {  	s5 =	simm.s32 @p1 $0x1;
	p0 =	seq.s32 s7, s2  }
0x1e: {  	s7 =	smul.u32 @!p0 $0xF7A, s2;
	p2 =	seq.s32 @!p0 s5, $0x0  }
0x1f: {  	s9 =	smul.u32 $0xF7A, s1;
	s8 =	simm.s32 @!p0 $0x1BF5;
	p2 =	por !p2, p0  }
0x20: {  	[sflag:s8] =	ssyncset.s32 @!p0 $0xFFFFF086;
	s6 =	sadd.s32 @!p0 s3, s7;
	s7 =	simm.s32 @!p0 $0x108  }
0x21: {  	s3 =	sadd.s32 s3, s9;
	s6 =	sadd.s32 @!p0 $0x88, s6;
	s7 =	simm.s32 @p2 $0x1082  }
0x22: {  	[simem:s7], [sflag:s8] =	dma.local @!p0 [hbm:s6], $0xF7A  }
0x23: {  	s9 =	sor.u32 $0xD0000000, s2;
	s6 =	simm.s32 $0x108;
	_ =	swait.ge @!p0 [sflag:s8], $0x0  }
0x24: {  	s3 =	sadd.s32 $0x88, s3;
	s6 =	simm.s32 @!p1 $0x1082;
	[sflag:s4] =	ssyncset.s32 $0xFFFFF086  }
0x25: {  	[simem:s6], [sflag:s4] =	dma.local [hbm:s3], $0xF7A  }
0x26: {  	[smem:$0x3F95] =	sst s1;
	(tag) =	ssettag s2;
	_ =	strace s9  }
0x27: {  	s1 =	sld [smem:$0x3FA5]  }
0x28: {  	s2 =	sld [smem:$0x3FA6]  }
0x29: {  	s4 =	sld [smem:$0x3FA8]  }
0x2a: {  	p0 =	seq.s32 s5, $0x0;
	s5 =	sld [smem:$0x3FA9]  }
0x2b: {  	s6 =	sld [smem:$0x3FAA]  }
0x2c: {  	s7 =	sld [smem:$0x3FAB]  }
0x2d: {  	s3 =	simm.s32 $0x108;
	s8 =	sld [smem:$0x3FAC]  }
0x2e: {  	s3 =	simm.s32 @!p0 $0x1082;
	s9 =	sld [smem:$0x3FAD]  }
0x2f: {  	lr =	sadd.s32 s0, s3;
	s0 =	sld [smem:$0x3FA4]  }
0x30: {  	s3 =	sld [smem:$0x3FA7]  }
0x31: {  	[smem:$0x3FB0] =	sst s10  }
0x32: {  	s10 =	sld [smem:$0x3FAE];
	_ =	sdelay $0x3  }
0x33: {  	p0 =	seq.s32 s10, $0x1;
	s10 =	sld [smem:$0x3FB0];
	_ =	sdelay $0x3  }
0x34: {  	[smem:$0x3FB0] =	sst s10  }
0x35: {  	s10 =	sld [smem:$0x3FAF];
	_ =	sdelay $0x3  }
0x36: {  	p1 =	seq.s32 s10, $0x1;
	s10 =	sld [smem:$0x3FB0];
	_ =	sdelay $0x3  }
0x37: {  	[smem:$0x3FB0] =	sst s10  }
0x38: {  	s10 =	sld [smem:$0x3FB1]  }
0x39: {  	_ = 	snop;
	(pc) =	sbr.ind lr, $3  }
0x3a: {  	_ = 	snop  }
0x3b: {  	_ = 	snop  }
0x3c: {  	p2 =	seq.s32 s10, $0x1;
	s10 =	sld [smem:$0x3FB0]  }
0x3d: {  	_ =	shalt  }
0x3e: {  	_ =	shalt  }
0x3f: {  	_ =	shalt  }
0x40: {  	_ =	shalt  }
0x41: {  	_ =	shalt  }
0x42: {  	_ =	shalt  }
0x43: {  	_ =	shalt  }
0x44: {  	_ =	shalt  }
0x45: {  	_ =	shalt  }
0x46: {  	_ =	shalt  }
0x47: {  	_ =	shalt  }
0x48: {  	_ =	shalt  }
0x49: {  	_ =	shalt  }
0x4a: {  	_ =	shalt  }
0x4b: {  	_ =	shalt  }
0x4c: {  	_ =	shalt  }
0x4d: {  	_ =	shalt  }
0x4e: {  	_ =	shalt  }
0x4f: {  	_ =	shalt  }
0x50: {  	_ =	shalt  }
0x51: {  	_ =	shalt  }
0x52: {  	_ =	shalt  }
0x53: {  	_ =	shalt  }
0x54: {  	_ =	shalt  }
0x55: {  	_ =	shalt  }
0x56: {  	_ =	shalt  }
0x57: {  	_ =	shalt  }
0x58: {  	_ =	shalt  }
0x59: {  	_ =	shalt  }
0x5a: {  	_ =	shalt  }
0x5b: {  	_ =	shalt  }
0x5c: {  	_ =	shalt  }
0x5d: {  	_ =	shalt  }
0x5e: {  	_ =	shalt  }
0x5f: {  	_ =	shalt  }
0x60: {  	_ =	shalt  }
0x61: {  	_ =	shalt  }
0x62: {  	_ =	shalt  }
0x63: {  	_ =	shalt  }
0x64: {  	_ =	shalt  }
0x65: {  	_ =	shalt  }
0x66: {  	_ =	shalt  }
0x67: {  	_ =	shalt  }
0x68: {  	_ =	shalt  }
0x69: {  	_ =	shalt  }
0x6a: {  	_ =	shalt  }
0x6b: {  	_ =	shalt  }
0x6c: {  	_ =	shalt  }
0x6d: {  	_ =	shalt  }
0x6e: {  	_ =	shalt  }
0x6f: {  	_ =	shalt  }
0x70: {  	_ =	shalt  }
0x71: {  	_ =	shalt  }
0x72: {  	_ =	shalt  }
0x73: {  	_ =	shalt  }
0x74: {  	_ =	shalt  }
0x75: {  	_ =	shalt  }
0x76: {  	_ =	shalt  }
0x77: {  	_ =	shalt  }
0x78: {  	_ =	shalt  }
0x79: {  	_ =	shalt  }
0x7a: {  	_ =	shalt  }
0x7b: {  	_ =	shalt  }
0x7c: {  	_ =	shalt  }
0x7d: {  	_ =	shalt  }
0x7e: {  	_ =	shalt  }
0x7f: {  	_ =	shalt  }
0x80: {  	_ =	shalt  }
0x81: {  	_ =	shalt  }
0x82: {  	_ =	shalt  }
0x83: {  	_ =	shalt  }
0x84: {  	_ =	shalt  }
0x85: {  	_ =	shalt  }
0x86: {  	_ =	shalt  }
0x87: {  	_ =	shalt  }
.Lfunc_end0:
.L_simem_size_0:
called_computation_lowered:
.L_overlay_start_0:
0x88: {  	s2 =	sld [smem:$0x3FD9]  }
0x89: {  	s3 =	sld [smem:$0x3FFE];
	_ =	sdelay $0x1  }
0x8a: {  	s1 =	srdreg.scid  }
0x8b: {  	s0 =	sand.u32 $0x1, s1  }
0x8c: {  	s17 =	sshll.u32 s0, $0xA;
	s2 =	sadd.s32 s3, s2  }
0x8d: {  	s2 =	sadd.s32 s2, s17  }
0x8e: {  	[smem:$0x3FBC] =	sst s2  }
0x8f: {  	_ = 	snop  }
0x90: {  	s2 =	sld [smem:$0x3FC7];
	(tm) =	ssettm $0x1  }
0x91: {  	s18 =	sld [smem:$0x3FFB];
	_ =	sdelay $0x3  }
0x92: {  	_ =	strace s18  }
0x93: {  	s3 =	sld [smem:$0x3FFC];
	_ =	sdelay $0x3  }
0x94: {  	_ =	strace s3  }
0x95: {  	s3 =	sld [smem:$0x3FFD];
	_ =	sdelay $0x3  }
0x96: {  	_ =	strace s3  }
0x97: {  	_ =	strace $0x8FFFFFFF  }
0x98: {  	s19 =	sld [smem:$0x3FDB];
	_ =	sdelay $0x1  }
0x99: {  	s4 =	simm.s32 $_scs_section_size  }
0x9a: {  	s5 =	simm.s32 $_size__tile_overlayer_lowered;
	s6 =	simm.s32 $_tile_overlayer_lowered  }
0x9b: {  	s22 =	simm.s32 $0x1BFF;
	s21 =	sshll.u32 s6, $0x1;
	s3 =	sadd.s32 s4, s19  }
0x9c: {  	s7 =	simm.s32 $0x0;
	s20 =	sshll.u32 s5, $0x1;
	s5 =	sadd.s32 s21, s3  }
0x9d: {  	[timem:s7], [sflag:s22] =	dma.local [hbm:s5], s20  }
0x9e: {  	_ =	swait.ge [sflag:s22], s20  }
0x9f: {  	s4 =	ssub.s32 $0x0, s20;
	[sflag:s22] =	ssyncset.done $0x0  }
0xa0: {  	[sflag:s22] =	ssyncadd.s32 s4;
	_ =	sdelay $0x1  }
0xa1: {  	s23 =	simm.s32 $0x1B8B  }
0xa2: {  	_ =	swait.ge [sflag:s23], $0x1  }
0xa3: {  	[sflag:s23] =	ssyncset.done $0x0  }
0xa4: {  	s25 =	simm.s32 $0x1B8E;
	s24 =	sld [smem:$0x3FFE];
	[sflag:s23] =	ssyncadd.s32 $0xFFFFFFFF  }
0xa5: {  	s26 =	simm.s32 $execute0_lowered;
	[smem:$0x3FD2] =	sst s25  }
0xa6: {  	s5 =	sshll.u32 s26, $0x1;
	_ =	strace $0x80000046;
	[dreg:$0x1] =	wrdreg $0xFFFFFFFF  }
0xa7: {  	s28 =	simm.s32 $_size_execute0_lowered;
	s3 =	sadd.s32 s3, s5;
	[dreg:$0x0] =	wrdreg $0x0  }
0xa8: {  	s5 =	sshll.u32 s28, $0x1;
	[dreg:$0x2] =	wrdreg s3  }
0xa9: {  	[dreg:$0x3] =	wrdreg s5  }
0xaa: {  	[dreg:$0x4] =	wrdreg $0xC0  }
0xab: {  	_ =	task [dreg:s7], $0x5FFFF  }
0xac: {  	[dreg:$0x1] =	wrdreg $0xFFFFFFFF  }
0xad: {  	[dreg:$0x0] =	wrdreg $0x60  }
0xae: {  	[dreg:$0x2] =	wrdreg s24  }
0xaf: {  	[dreg:$0x3] =	wrdreg s2  }
0xb0: {  	[dreg:$0x4] =	wrdreg $0xA  }
0xb1: {  	_ =	task.clear_ibuf [dreg:s7], $0x5FFFF;
	_ =	strace $0x90000046  }
0xb2: {  	s29 =	simm.s32 $0xA;
	_ =	strace $0x80000048  }
0xb3: {  	_ =	swait.ge [sflag:s29], $0x1  }
0xb4: {  	[sflag:s29] =	ssyncadd.s32 $0xFFFFFFFF  }
0xb5: {  	_ =	strace $0x90000048  }
0xb6: {  	_ =	sfence  }
0xb7: {  	s30 =	sld [smem:$0x0];
	_ =	sdelay $0x2  }
0xb8: {  	s31 =	sshll.u32 s1, $0xD;
	s1 =	sshrl.u32 s1, $0x2  }
0xb9: {  	s3 =	sand.u32 $0x4000, s31;
	s1 =	sadd.s32 s1, s30  }
0xba: {  	s0 =	sor.u32 s3, s0;
	s1 =	sshll.u32 s1, $0x11  }
0xbb: {  	s0 =	sor.u32 s1, s0  }
0xbc: {  	s0 =	sadd.s32 $0x8F2B, s0  }
0xbd: {  	[sflag:s0] =	ssyncadd.remote.s32 $0x1  }
0xbe: {  	_ =	sfence.sel $0xFFFF  }
0xbf: {  	[dreg:$0x0] =	wrdreg $0xFFFFFFFF;
	(pc) =	sbr.abs _section_cstart, $3  }
0xc0: {  	[dreg:$0x1] =	wrdreg $0xFFFFFFFF  }
0xc1: {  	_ =	task.clear_ibuf [dreg:s7], $0x2FFFF;
	_ =	strace $0x9FFFFFFF  }
0xc2: {  	(tm) =	ssettm $0x7FFFFFFF  }
0xc3: {  	_ =	shalt  }
tec
execute0_lowered:
.L_overlay_start_1:
0x0: {  	(tag) =	ssettag $0x1  }
0x1: {  	s1 =	srdreg.scid;
	s8 =	rddreg [dreg:$0x0]  }
0x2: {  	s0 =	stileid.u32;
	s4 =	rddreg [dreg:$0x1];
	s2 =	simm.s32 $0x0  }
0x3: {  	s11 =	simm.s32 $0xC380;
	s12 =	simm.s32 $0x1;
	s13 =	simm.s32 $0x11980  }
0x4: {  	s14 =	simm.s32 $0x0;
	s3 =	sand.u32 $0x1, s1;
	s31 =	sshll.u32 s0, $0x1  }
0x5: {  	s1 =	rddreg [dreg:$0x2];
	s5 =	sor.u32 s3, s31;
	s6 =	ssub.s32 $0x2, s3  }
0x6: {  	[smem:$0x7FF] =	sst s2;
	s5 =	smul.u32 $0x55C0, s5;
	s7 =	sshrl.u32 s6, $0x1  }
0x7: {  	_ =	strace $0x80000047;
	s3 =	sadd.s32 $0x2200, s8;
	s10 =	ssub.s32 s6, s7  }
0x8: {  	s6 =	sadd.s32 $0x3A6A, s8;
	s5 =	sshrl.u32 s5, $0x3;
	s10 =	smax.u32 s10, $0x1  }
0x9: {  	s9 =	sadd.s32 s5, s8;
	s4 =	sadd.s32 s4, s5;
	s8 =	sadd.s32 $0x52D4, s8  }
0xa: {  	s5 =	sadd.s32 $0x6C00, s9;
	s7 =	sadd.s32 $0x1C300, s9;
	s9 =	sadd.s32 $0x31A00, s9  }
.LBB2_1:
0xb: {  	[tilespmem:s11], [sflag:$0x1] =	stream.linear.gather [hbm4b:s4+s2], $0x55C0, $0x38;
	[tilespmem:$0x16F80] =	vst v63  }
0xc: {  	_ =	swait.ge [sflag:s12], $0x55C0  }
0xd: {  	[sflag:s12] =	ssyncset.done $0x0  }
0xe: {  	[sflag:s12] =	ssyncadd.s32 $0xFFFFAA40  }
0xf: {  	[tilespmem:s2], [sflag:$0x1] =	stream.linear.gather [hbm4b:s3+s2], $0xC350, $0x38;
	[tilespmem:$0x16F80] =	vst v63  }
0x10: {  	_ =	swait.ge [sflag:s12], $0xC350  }
0x11: {  	[sflag:s12] =	ssyncset.done $0x0  }
0x12: {  	s15 =	simm.s32 $0xC3C0;
	[sflag:s12] =	ssyncadd.s32 $0xFFFF3CB0  }
0x13: {  	v0 =	vld [tilespmem:s15+$0x30]  }
0x14: {  	v1 =	vld [tilespmem:s15+$0xFFFFFFD0]  }
0x15: {  	v2 =	vld [tilespmem:s15+$0xFFFFFFE0]  }
0x16: {  	v3 =	vld [tilespmem:s15+$0xFFFFFFF0]  }
0x17: {  	v5 =	vld [tilespmem:s15+$0x0]  }
0x18: {  	v6 =	vld [tilespmem:s15+$0x10]  }
0x19: {  	v7 =	vld [tilespmem:s15+$0x20]  }
0x1a: {  	v8 =	vld [tilespmem:s15+$0xFFFFFFC0]  }
0x1b: {  	v9 =	vld.idx.msk [tilespmem:v0+s2+$0x0], $0xffff  }
0x1c: {  	v10 =	vld.idx.msk [tilespmem:v1+s2+$0x0], $0xffff  }
0x1d: {  	v4 =	vld.idx.msk [tilespmem:v2+s2+$0x0], $0xffff  }
0x1e: {  	v2 =	vld.idx.msk [tilespmem:v3+s2+$0x0], $0xffff  }
0x1f: {  	v0 =	vld.idx.msk [tilespmem:v5+s2+$0x0], $0xffff  }
0x20: {  	s18 =	simm.s32 $0x119C0;
	v1 =	vld.idx.msk [tilespmem:v6+s2+$0x0], $0xffff  }
0x21: {  	s19 =	simm.s32 $0x0;
	s16 =	simm.s32 $0x16F00;
	v3 =	vld.idx.msk [tilespmem:v7+s2+$0x0], $0xffff;
	[tilespmem:s18+$0x30] =	vst v9  }
0x22: {  	s17 =	simm.s32 $0x11900;
	s20 =	simm.s32 $0xC440;
	s15 =	simm.s32 $0x5570;
	v5 =	vld.idx.msk [tilespmem:v8+s2+$0x0], $0xffff;
	[tilespmem:s18+$0xFFFFFFD0] =	vst v10  }
.LBB2_2:
0x23: {  	v6 =	vld [tilespmem:s20+$0x30];
	s19 =	sadd.s32 $0x80, s19;
	[tilespmem:s18+$0xFFFFFFE0] =	vst v4  }
0x24: {  	v4 =	vld [tilespmem:s20+$0xFFFFFFD0];
	p0 =	slt.u32 s19, $0x5500;
	[tilespmem:s18+$0xFFFFFFF0] =	vst v2  }
0x25: {  	v2 =	vld [tilespmem:s20+$0xFFFFFFE0];
	[tilespmem:s18+$0x0] =	vst v0  }
0x26: {  	v0 =	vld [tilespmem:s20+$0xFFFFFFF0];
	[tilespmem:s18+$0x10] =	vst v1  }
0x27: {  	v1 =	vld [tilespmem:s20+$0x0];
	[tilespmem:s18+$0x20] =	vst v3  }
0x28: {  	v3 =	vld [tilespmem:s20+$0x10];
	[tilespmem:s18+$0xFFFFFFC0] =	vst v5  }
0x29: {  	v5 =	vld [tilespmem:s20+$0x20]  }
0x2a: {  	v7 =	vld [tilespmem:s20+$0xFFFFFFC0]  }
0x2b: {  	v6 =	vld.idx.msk [tilespmem:v6+s2+$0x0], $0xffff  }
0x2c: {  	v8 =	vld.idx.msk [tilespmem:v4+s2+$0x0], $0xffff  }
0x2d: {  	v4 =	vld.idx.msk [tilespmem:v2+s2+$0x0], $0xffff  }
.Ltmp0:
0x2e: {  	v2 =	vld.idx.msk [tilespmem:v0+s2+$0x0], $0xffff;
	(pc) =	sbr.rel @p0 .LBB2_2-.Ltmp0, $4  }
0x2f: {  	v0 =	vld.idx.msk [tilespmem:v1+s2+$0x0], $0xffff  }
0x30: {  	s18 =	sadd.s32 $0x80, s18;
	v1 =	vld.idx.msk [tilespmem:v3+s2+$0x0], $0xffff  }
0x31: {  	v3 =	vld.idx.msk [tilespmem:v5+s2+$0x0], $0xffff;
	[tilespmem:s18+$0x30] =	vst v6  }
0x32: {  	s20 =	sadd.s32 $0x80, s20;
	v5 =	vld.idx.msk [tilespmem:v7+s2+$0x0], $0xffff;
	[tilespmem:s18+$0xFFFFFFD0] =	vst v8  }
0x33: {  	[tilespmem:s18+$0xFFFFFFE0] =	vst v4  }
0x34: {  	[tilespmem:s18+$0xFFFFFFF0] =	vst v2  }
0x35: {  	[tilespmem:s18+$0x0] =	vst v0  }
0x36: {  	[tilespmem:s18+$0x10] =	vst v1  }
0x37: {  	[tilespmem:s18+$0x20] =	vst v3  }
0x38: {  	[tilespmem:s18+$0xFFFFFFC0] =	vst v5  }
.LBB2_4:
0x39: {  	v0 =	vld [tilespmem:s17+$0x0];
	_ =	sdelay $0x6  }
0x3a: {  	s15 =	sadd.s32 $0x10, s15  }
0x3b: {  	p0 =	slt.u32 s15, $0x55B0;
	v0 =	vld.idx.msk [tilespmem:v0+s2+$0x0], $0xffff  }
.Ltmp1:
0x3c: {  	_ = 	snop;
	(pc) =	sbr.rel @p0 .LBB2_4-.Ltmp1, $2  }
0x3d: {  	_ =	sdelay $0x2  }
0x3e: {  	s17 =	sadd.s32 $0x10, s17;
	[tilespmem:s16+$0x0] =	vst v0;
	s16 =	sadd.s32 $0x10, s16  }
0x3f: {  	[hbm4b:s5+s2] =	stream.linear.scatter [tilespmem:s13], [sflag:$0x1], $0x55C0, $0x38;
	[tilespmem:$0x16F80] =	vst v63  }
0x40: {  	_ =	swait.ge [sflag:s12], $0x55C0  }
0x41: {  	[sflag:s12] =	ssyncset.done $0x0  }
0x42: {  	[sflag:s12] =	ssyncadd.s32 $0xFFFFAA40  }
0x43: {  	[tilespmem:s2], [sflag:$0x1] =	stream.linear.gather [hbm4b:s6+s2], $0xC350, $0x38;
	[tilespmem:$0x16F80] =	vst v63  }
0x44: {  	_ =	swait.ge [sflag:s12], $0xC350  }
0x45: {  	[sflag:s12] =	ssyncset.done $0x0  }
0x46: {  	s15 =	simm.s32 $0xC3C0;
	[sflag:s12] =	ssyncadd.s32 $0xFFFF3CB0  }
0x47: {  	v0 =	vld [tilespmem:s15+$0x30]  }
0x48: {  	v1 =	vld [tilespmem:s15+$0xFFFFFFD0]  }
0x49: {  	v2 =	vld [tilespmem:s15+$0xFFFFFFE0]  }
0x4a: {  	v3 =	vld [tilespmem:s15+$0xFFFFFFF0]  }
0x4b: {  	v5 =	vld [tilespmem:s15+$0x0]  }
0x4c: {  	v6 =	vld [tilespmem:s15+$0x10]  }
0x4d: {  	v7 =	vld [tilespmem:s15+$0x20]  }
0x4e: {  	v8 =	vld [tilespmem:s15+$0xFFFFFFC0]  }
0x4f: {  	v9 =	vld.idx.msk [tilespmem:v0+s2+$0x0], $0xffff  }
0x50: {  	v10 =	vld.idx.msk [tilespmem:v1+s2+$0x0], $0xffff  }
0x51: {  	v4 =	vld.idx.msk [tilespmem:v2+s2+$0x0], $0xffff  }
0x52: {  	v3 =	vld.idx.msk [tilespmem:v3+s2+$0x0], $0xffff  }
0x53: {  	v0 =	vld.idx.msk [tilespmem:v5+s2+$0x0], $0xffff  }
0x54: {  	s15 =	simm.s32 $0x119C0;
	v1 =	vld.idx.msk [tilespmem:v6+s2+$0x0], $0xffff  }
0x55: {  	v2 =	vld.idx.msk [tilespmem:v7+s2+$0x0], $0xffff;
	[tilespmem:s15+$0x30] =	vst v9  }
0x56: {  	s16 =	simm.s32 $0x0;
	s17 =	simm.s32 $0xC440;
	v5 =	vld.idx.msk [tilespmem:v8+s2+$0x0], $0xffff;
	[tilespmem:s15+$0xFFFFFFD0] =	vst v10  }
.LBB2_6:
0x57: {  	v6 =	vld [tilespmem:s17+$0x30];
	s16 =	sadd.s32 $0x80, s16;
	[tilespmem:s15+$0xFFFFFFE0] =	vst v4  }
0x58: {  	v4 =	vld [tilespmem:s17+$0xFFFFFFD0];
	p0 =	slt.u32 s16, $0x5500;
	[tilespmem:s15+$0xFFFFFFF0] =	vst v3  }
0x59: {  	v3 =	vld [tilespmem:s17+$0xFFFFFFE0];
	[tilespmem:s15+$0x0] =	vst v0  }
0x5a: {  	v0 =	vld [tilespmem:s17+$0xFFFFFFF0];
	[tilespmem:s15+$0x10] =	vst v1  }
0x5b: {  	v1 =	vld [tilespmem:s17+$0x0];
	[tilespmem:s15+$0x20] =	vst v2  }
0x5c: {  	v2 =	vld [tilespmem:s17+$0x10];
	[tilespmem:s15+$0xFFFFFFC0] =	vst v5  }
0x5d: {  	v5 =	vld [tilespmem:s17+$0x20]  }
0x5e: {  	v7 =	vld [tilespmem:s17+$0xFFFFFFC0]  }
0x5f: {  	v6 =	vld.idx.msk [tilespmem:v6+s2+$0x0], $0xffff  }
0x60: {  	v8 =	vld.idx.msk [tilespmem:v4+s2+$0x0], $0xffff  }
0x61: {  	v4 =	vld.idx.msk [tilespmem:v3+s2+$0x0], $0xffff  }
.Ltmp2:
0x62: {  	v3 =	vld.idx.msk [tilespmem:v0+s2+$0x0], $0xffff;
	(pc) =	sbr.rel @p0 .LBB2_6-.Ltmp2, $4  }
0x63: {  	v0 =	vld.idx.msk [tilespmem:v1+s2+$0x0], $0xffff  }
0x64: {  	s15 =	sadd.s32 $0x80, s15;
	v1 =	vld.idx.msk [tilespmem:v2+s2+$0x0], $0xffff  }
0x65: {  	s18 =	simm.s32 $0x5570;
	s19 =	simm.s32 $0x16F00;
	s20 =	simm.s32 $0x11900;
	v2 =	vld.idx.msk [tilespmem:v5+s2+$0x0], $0xffff;
	[tilespmem:s15+$0x30] =	vst v6  }
0x66: {  	s17 =	sadd.s32 $0x80, s17;
	v5 =	vld.idx.msk [tilespmem:v7+s2+$0x0], $0xffff;
	[tilespmem:s15+$0xFFFFFFD0] =	vst v8  }
0x67: {  	[tilespmem:s15+$0xFFFFFFE0] =	vst v4  }
0x68: {  	[tilespmem:s15+$0xFFFFFFF0] =	vst v3  }
0x69: {  	[tilespmem:s15+$0x0] =	vst v0  }
0x6a: {  	[tilespmem:s15+$0x10] =	vst v1  }
0x6b: {  	[tilespmem:s15+$0x20] =	vst v2  }
0x6c: {  	[tilespmem:s15+$0xFFFFFFC0] =	vst v5  }
.LBB2_8:
0x6d: {  	v0 =	vld [tilespmem:s20+$0x0];
	_ =	sdelay $0x6  }
0x6e: {  	s18 =	sadd.s32 $0x10, s18  }
0x6f: {  	p0 =	slt.u32 s18, $0x55B0;
	v0 =	vld.idx.msk [tilespmem:v0+s2+$0x0], $0xffff  }
.Ltmp3:
0x70: {  	_ = 	snop;
	(pc) =	sbr.rel @p0 .LBB2_8-.Ltmp3, $2  }
0x71: {  	_ =	sdelay $0x2  }
0x72: {  	s20 =	sadd.s32 $0x10, s20;
	[tilespmem:s19+$0x0] =	vst v0;
	s19 =	sadd.s32 $0x10, s19  }
0x73: {  	[hbm4b:s7+s2] =	stream.linear.scatter [tilespmem:s13], [sflag:$0x1], $0x55C0, $0x38;
	[tilespmem:$0x16F80] =	vst v63  }
0x74: {  	_ =	swait.ge [sflag:s12], $0x55C0  }
0x75: {  	[sflag:s12] =	ssyncset.done $0x0  }
0x76: {  	[sflag:s12] =	ssyncadd.s32 $0xFFFFAA40  }
0x77: {  	[tilespmem:s2], [sflag:$0x1] =	stream.linear.gather [hbm4b:s8+s2], $0xC350, $0x38;
	[tilespmem:$0x16F80] =	vst v63  }
0x78: {  	_ =	swait.ge [sflag:s12], $0xC350  }
0x79: {  	[sflag:s12] =	ssyncset.done $0x0  }
0x7a: {  	s15 =	simm.s32 $0xC3C0;
	[sflag:s12] =	ssyncadd.s32 $0xFFFF3CB0  }
0x7b: {  	v0 =	vld [tilespmem:s15+$0x30]  }
0x7c: {  	v1 =	vld [tilespmem:s15+$0xFFFFFFD0]  }
0x7d: {  	v2 =	vld [tilespmem:s15+$0xFFFFFFE0]  }
0x7e: {  	v3 =	vld [tilespmem:s15+$0xFFFFFFF0]  }
0x7f: {  	v5 =	vld [tilespmem:s15+$0x0]  }
0x80: {  	v6 =	vld [tilespmem:s15+$0x10]  }
0x81: {  	v7 =	vld [tilespmem:s15+$0x20]  }
0x82: {  	v8 =	vld [tilespmem:s15+$0xFFFFFFC0]  }
0x83: {  	v9 =	vld.idx.msk [tilespmem:v0+s2+$0x0], $0xffff  }
0x84: {  	v10 =	vld.idx.msk [tilespmem:v1+s2+$0x0], $0xffff  }
0x85: {  	v4 =	vld.idx.msk [tilespmem:v2+s2+$0x0], $0xffff  }
0x86: {  	v3 =	vld.idx.msk [tilespmem:v3+s2+$0x0], $0xffff  }
0x87: {  	v0 =	vld.idx.msk [tilespmem:v5+s2+$0x0], $0xffff  }
0x88: {  	s15 =	simm.s32 $0x119C0;
	v1 =	vld.idx.msk [tilespmem:v6+s2+$0x0], $0xffff  }
0x89: {  	v2 =	vld.idx.msk [tilespmem:v7+s2+$0x0], $0xffff;
	[tilespmem:s15+$0x30] =	vst v9  }
0x8a: {  	s16 =	simm.s32 $0x0;
	s17 =	simm.s32 $0xC440;
	v5 =	vld.idx.msk [tilespmem:v8+s2+$0x0], $0xffff;
	[tilespmem:s15+$0xFFFFFFD0] =	vst v10  }
.LBB2_10:
0x8b: {  	v6 =	vld [tilespmem:s17+$0x30];
	s16 =	sadd.s32 $0x80, s16;
	[tilespmem:s15+$0xFFFFFFE0] =	vst v4  }
0x8c: {  	v4 =	vld [tilespmem:s17+$0xFFFFFFD0];
	p0 =	slt.u32 s16, $0x5500;
	[tilespmem:s15+$0xFFFFFFF0] =	vst v3  }
0x8d: {  	v3 =	vld [tilespmem:s17+$0xFFFFFFE0];
	[tilespmem:s15+$0x0] =	vst v0  }
0x8e: {  	v0 =	vld [tilespmem:s17+$0xFFFFFFF0];
	[tilespmem:s15+$0x10] =	vst v1  }
0x8f: {  	v1 =	vld [tilespmem:s17+$0x0];
	[tilespmem:s15+$0x20] =	vst v2  }
0x90: {  	v2 =	vld [tilespmem:s17+$0x10];
	[tilespmem:s15+$0xFFFFFFC0] =	vst v5  }
0x91: {  	v5 =	vld [tilespmem:s17+$0x20]  }
0x92: {  	v7 =	vld [tilespmem:s17+$0xFFFFFFC0]  }
0x93: {  	v6 =	vld.idx.msk [tilespmem:v6+s2+$0x0], $0xffff  }
0x94: {  	v8 =	vld.idx.msk [tilespmem:v4+s2+$0x0], $0xffff  }
0x95: {  	v4 =	vld.idx.msk [tilespmem:v3+s2+$0x0], $0xffff  }
.Ltmp4:
0x96: {  	v3 =	vld.idx.msk [tilespmem:v0+s2+$0x0], $0xffff;
	(pc) =	sbr.rel @p0 .LBB2_10-.Ltmp4, $4  }
0x97: {  	v0 =	vld.idx.msk [tilespmem:v1+s2+$0x0], $0xffff  }
0x98: {  	s15 =	sadd.s32 $0x80, s15;
	v1 =	vld.idx.msk [tilespmem:v2+s2+$0x0], $0xffff  }
0x99: {  	s18 =	simm.s32 $0x5570;
	s19 =	simm.s32 $0x16F00;
	s20 =	simm.s32 $0x11900;
	v2 =	vld.idx.msk [tilespmem:v5+s2+$0x0], $0xffff;
	[tilespmem:s15+$0x30] =	vst v6  }
0x9a: {  	s17 =	sadd.s32 $0x80, s17;
	v5 =	vld.idx.msk [tilespmem:v7+s2+$0x0], $0xffff;
	[tilespmem:s15+$0xFFFFFFD0] =	vst v8  }
0x9b: {  	[tilespmem:s15+$0xFFFFFFE0] =	vst v4  }
0x9c: {  	[tilespmem:s15+$0xFFFFFFF0] =	vst v3  }
0x9d: {  	[tilespmem:s15+$0x0] =	vst v0  }
0x9e: {  	[tilespmem:s15+$0x10] =	vst v1  }
0x9f: {  	[tilespmem:s15+$0x20] =	vst v2  }
0xa0: {  	[tilespmem:s15+$0xFFFFFFC0] =	vst v5  }
.LBB2_12:
0xa1: {  	v0 =	vld [tilespmem:s20+$0x0];
	_ =	sdelay $0x6  }
0xa2: {  	s18 =	sadd.s32 $0x10, s18  }
0xa3: {  	p0 =	slt.u32 s18, $0x55B0;
	v0 =	vld.idx.msk [tilespmem:v0+s2+$0x0], $0xffff  }
.Ltmp5:
0xa4: {  	_ = 	snop;
	(pc) =	sbr.rel @p0 .LBB2_12-.Ltmp5, $2  }
0xa5: {  	_ =	sdelay $0x2  }
0xa6: {  	s20 =	sadd.s32 $0x10, s20;
	[tilespmem:s19+$0x0] =	vst v0;
	s19 =	sadd.s32 $0x10, s19  }
0xa7: {  	s14 =	sadd.s32 $0x1, s14  }
0xa8: {  	p0 =	sne.s32 s14, s10  }
.Ltmp6:
0xa9: {  	_ = 	snop;
	(pc) =	sbr.rel @p0 .LBB2_1-.Ltmp6, $4  }
0xaa: {  	[hbm4b:s9+s2] =	stream.linear.scatter [tilespmem:s13], [sflag:$0x1], $0x55C0, $0x38;
	[tilespmem:$0x16F80] =	vst v63  }
0xab: {  	_ =	swait.ge [sflag:s12], $0x55C0  }
0xac: {  	[sflag:s12] =	ssyncset.done $0x0  }
0xad: {  	[sflag:s12] =	ssyncadd.s32 $0xFFFFAA40  }
0xae: {  	_ =	sfence.sel $0x180000  }
0xaf: {  	[bflag:$0x0] =	sbarrier.arrive $0xFFFF  }
0xb0: {  	p0 =	sne.s32 s0, $0x0;
	_ =	strace $0x90000047  }
0xb1: {  	s0 =	sadd.s32 @!p0 $0x100000, s1;
	[bflag:$0x2] =	sbarrier.arrive $0xFFFF  }
0xb2: {  	[sflag:s0] =	ssyncadd.tile.s32 @!p0 $0x1;
	_ =	shalt  }
.Lfunc_end2:
_tile_overlayer_lowered:
.L_overlay_start_2:
0xb3: {  	(tag) =	ssettag $0x2  }
0xb4: {  	s0 =	rddreg [dreg:$0x0];
	s2 =	stileid.u32  }
0xb5: {  	s1 =	rddreg [dreg:$0x1];
	p0 =	sne.s32 s2, $0x0  }
0xb6: {  	s3 =	rddreg [dreg:$0x2];
	[bflag:$0x3] =	sbarrier.arrive $0xFFFF;
	s2 =	simm.s32 @!p0 $0x1C01  }
0xb7: {  	[timem:s3], [sflag:s2] =	dma.local @!p0 [hbm:s0], s1  }
0xb8: {  	s0 =	simm.s32 @!p0 $0x1  }
0xb9: {  	_ =	swait.ge @!p0 [sflag:s0], s1  }
0xba: {  	s1 =	ssub.s32 @!p0 $0x0, s1;
	[sflag:s0] =	ssyncset.done @!p0 $0x0  }
0xbb: {  	[sflag:s0] =	ssyncadd.s32 @!p0 s1  }
0xbc: {  	[bflag:$0x3] =	sbarrier.arrive $0xFFFF  }
0xbd: {  	_ =	shalt  }

</sc_bundles>
